<compile_context>
chip_gen: v7x
topology: tpu7x:2x2x1
jax: 0.10.2.dev20260603
libtpu: 0.0.44.dev20260713+nightly
codegen_flags: <defaults>
</compile_context>

<pallas_src>
import functools

import jax
import jax.numpy as jnp
from jax import lax
from jax.experimental import pallas as pl
from jax.experimental.pallas import tpu as pltpu
from jax.experimental.pallas import tpu_sc as plsc

N = 100000
V = [30000, 10000, 4000, 1500]
_BLK = 512
_NW = 32
_CH = 128


def _sc_mesh():
    return plsc.VectorSubcoreMesh(core_axis_name="c", subcore_axis_name="s")


def _pad_rows(a, n_pad):
    pad = n_pad - a.shape[0]
    if pad == 0:
        return a
    return jnp.pad(a, ((0, pad),) + ((0, 0),) * (a.ndim - 1))


def _sc_gather(table, idx, n_out):
    Vt, C = table.shape
    B = ((n_out + _NW * _CH - 1) // (_NW * _CH)) * (_NW * _CH)
    idx = _pad_rows(idx, B)
    b_per_w = B // _NW
    nck = b_per_w // _CH

    @functools.partial(
        pl.kernel, mesh=_sc_mesh(),
        out_type=jax.ShapeDtypeStruct((n_out, C), jnp.float32),
        compiler_params=pltpu.CompilerParams(use_tc_tiling_on_sc=False),
        scratch_types=[
            pltpu.VMEM((b_per_w,), jnp.int32),
            pltpu.VMEM((b_per_w, C), jnp.float32),
            pltpu.SemaphoreType.DMA,
        ],
    )
    def k(table_hbm, idx_hbm, out_hbm, idx_v, rows_v, sem):
        wid = lax.axis_index("s") * 2 + lax.axis_index("c")
        base = wid * b_per_w
        pltpu.sync_copy(idx_hbm.at[pl.ds(base, b_per_w)], idx_v)
        cps = [
            pltpu.async_copy(table_hbm.at[idx_v.at[pl.ds(c * _CH, _CH)]],
                             rows_v.at[pl.ds(c * _CH, _CH)], sem)
            for c in range(nck)
        ]
        for cp in cps:
            cp.wait()
        for w in range(_NW):
            lo = w * b_per_w
            valid = min(b_per_w, max(0, n_out - lo))
            if valid == b_per_w:
                continue
            if valid > 0:
                @pl.when(wid == w)
                def _():
                    pltpu.sync_copy(rows_v.at[pl.ds(0, valid)],
                                    out_hbm.at[pl.ds(lo, valid)])
        full_tiles = n_out // b_per_w

        @pl.when(wid < full_tiles)
        def _():
            pltpu.sync_copy(rows_v, out_hbm.at[pl.ds(base, b_per_w)])

    return k(table, idx)


def _sc_scatter_add(x, ids, vc, vc_pad):
    B, C = x.shape
    b_per_w = B // _NW
    nck = b_per_w // _CH
    ids2 = ids.reshape(B // _CH, _CH)
    vrows = vc_pad // 16

    @functools.partial(
        pl.kernel, mesh=_sc_mesh(),
        out_type=jax.ShapeDtypeStruct((2 * vc_pad, C), jnp.float32),
        compiler_params=pltpu.CompilerParams(use_tc_tiling_on_sc=False),
        scratch_types=[
            pltpu.VMEM((nck, _CH), jnp.int32),
            pltpu.VMEM((b_per_w, C), jnp.float32),
            pltpu.VMEM_SHARED((vc_pad, C), jnp.float32),
            pltpu.SemaphoreType.DMA,
        ],
    )
    def k(x_hbm, ids_hbm, zero_hbm, out_hbm, idx_v, xv, shared, sem):
        cid = lax.axis_index("c")
        sid = lax.axis_index("s")
        wid = sid * 2 + cid
        pltpu.sync_copy(zero_hbm.at[pl.ds(sid * vrows, vrows)],
                        shared.at[pl.ds(sid * vrows, vrows)])
        plsc.subcore_barrier()
        pltpu.sync_copy(ids_hbm.at[pl.ds(wid * nck, nck)], idx_v)
        pltpu.sync_copy(x_hbm.at[pl.ds(wid * b_per_w, b_per_w)], xv)
        for c in range(nck):
            pltpu.sync_copy(xv.at[pl.ds(c * _CH, _CH)],
                            shared.at[idx_v.at[c]], add=True)
        plsc.subcore_barrier()
        pltpu.sync_copy(
            shared.at[pl.ds(sid * vrows, vrows)],
            out_hbm.at[pl.ds(cid * vc_pad + sid * vrows, vrows)])

    zeros = jnp.zeros((vc_pad, C), jnp.float32)
    return k(x, ids2, zeros)


def _gn_relu(x):
    mu = jnp.mean(x, axis=-1, keepdims=True)
    var = jnp.mean((x - mu) ** 2, axis=-1, keepdims=True)
    return jnp.maximum((x - mu) * jax.lax.rsqrt(var + 1e-5), 0.0)


def _resnet(x, w1, w2):
    h = jnp.dot(_gn_relu(x), w1, preferred_element_type=jnp.float32)
    h = jnp.dot(_gn_relu(h), w2, preferred_element_type=jnp.float32)
    return x + h


def _row_call(body, n_rows, row_ins, full_ins, out_chans, block=_BLK,
              out_rows=None):
    grid = (pl.cdiv(n_rows, block),)
    arrays, in_specs = [], []
    for a in row_ins:
        if isinstance(a, tuple) and a[0] == 'T':
            arr = a[1]
            arrays.append(arr)
            in_specs.append(pl.BlockSpec((arr.shape[0], block // 128, 128),
                                         lambda i: (0, i, 0)))
            continue
        arr, off = a if isinstance(a, tuple) else (a, 0)
        arrays.append(arr)
        in_specs.append(pl.BlockSpec((block, arr.shape[1]),
                                     lambda i, off=off: (i + off, 0)))
    in_specs += [pl.BlockSpec(w.shape, lambda i: (0,) * w.ndim)
                 for w in full_ins]
    nr = n_rows if out_rows is None else out_rows
    out_specs = [pl.BlockSpec((block, c), lambda i: (i, 0)) for c in out_chans]
    out_shape = [jax.ShapeDtypeStruct((nr, c), jnp.float32) for c in out_chans]
    outs = pl.pallas_call(
        body,
        grid=grid,
        in_specs=in_specs,
        out_specs=out_specs,
        out_shape=out_shape,
    )(*arrays, *full_ins)
    return outs


def _mlp_t_body(pos_ref, val_ref, w1_ref, w2_ref, w3_ref, out_ref):
    w1 = w1_ref[...]
    h = jnp.dot(pos_ref[...], w1[:3], preferred_element_type=jnp.float32)
    h += jnp.dot(val_ref[...], w1[3:], preferred_element_type=jnp.float32)
    h = jnp.maximum(h, 0.0)
    h = jnp.maximum(jnp.dot(h, w2_ref[...], preferred_element_type=jnp.float32), 0.0)
    h = jnp.maximum(jnp.dot(h, w3_ref[...], preferred_element_type=jnp.float32), 0.0)
    out_ref[...] = h.T.reshape(64, -1, 128)


def _mlp_transposed(positions, values, p, n_cols, block=1024):
    grid = (pl.cdiv(N, block),)
    nb = block // 128
    ws = [p['pn_w1'], p['pn_w2'], p['pn_w3']]
    return pl.pallas_call(
        _mlp_t_body,
        grid=grid,
        in_specs=[pl.BlockSpec((block, 3), lambda i: (i, 0)),
                  pl.BlockSpec((block, 128), lambda i: (i, 0))]
                 + [pl.BlockSpec(w.shape, lambda i: (0, 0)) for w in ws],
        out_specs=pl.BlockSpec((64, nb, 128), lambda i: (0, i, 0)),
        out_shape=jax.ShapeDtypeStruct((64, n_cols // 128, 128), jnp.float32),
    )(positions, values, *ws)


def _sc_segment_max(hT, splat, v_pad):
    _, nbt, _ = hT.shape
    vb = v_pad // 128
    nb = 50
    chp = nb * 128
    ncks = (nbt * 128) // chp

    @functools.partial(
        pl.kernel, mesh=_sc_mesh(),
        out_type=jax.ShapeDtypeStruct((64, vb, 128), jnp.float32),
        compiler_params=pltpu.CompilerParams(use_tc_tiling_on_sc=False,
                                             needs_layout_passes=False),
        scratch_types=[
            pltpu.VMEM((2, vb, 128), jnp.float32),
            pltpu.VMEM((v_pad,), jnp.int32),
            pltpu.VMEM((chp,), jnp.int32),
            pltpu.VMEM((2, nb, 128), jnp.float32),
            pltpu.SemaphoreType.DMA,
        ],
    )
    def k(ht_hbm, splat_hbm, zero_hbm, out_hbm, tab, scr, idx_v, hv, sem):
        wid = lax.axis_index("s") * 2 + lax.axis_index("c")
        pltpu.sync_copy(zero_hbm, tab)
        lane = lax.iota(jnp.int32, 16)
        ch0 = jnp.zeros((16,), jnp.int32)
        ch1 = jnp.ones((16,), jnp.int32)

        def chunk_body(ck, carry):
            pltpu.sync_copy(splat_hbm.at[pl.ds(ck * chp, chp)], idx_v)
            pltpu.sync_copy(
                ht_hbm.at[pl.ds(2 * wid, 2), pl.ds(ck * nb, nb)], hv)

            def grp(b, c2):
                for kk in range(8):
                    keys = idx_v[pl.ds(b * 128 + kk * 16, 16)]
                    kb = lax.shift_right_logical(keys, 7)
                    kl = lax.bitwise_and(keys, 127)
                    v0 = hv[0, b, pl.ds(kk * 16, 16)]
                    v1 = hv[1, b, pl.ds(kk * 16, 16)]

                    def wbody(carry, keys=keys, kb=kb, kl=kl, v0=v0, v1=v1):
                        _, act = carry
                        actb = act != 0
                        plsc.store_scatter(scr, [keys], lane, mask=actb)
                        got = plsc.load_gather(scr, [keys])
                        win = actb & (got == lane)
                        c0 = plsc.load_gather(tab, [ch0, kb, kl])
                        plsc.store_scatter(tab, [ch0, kb, kl],
                                           jnp.maximum(c0, v0), mask=win)
                        c1 = plsc.load_gather(tab, [ch1, kb, kl])
                        plsc.store_scatter(tab, [ch1, kb, kl],
                                           jnp.maximum(c1, v1), mask=win)
                        rem = (actb & ~win).astype(jnp.int32)
                        return (jnp.max(rem), rem)

                    lax.while_loop(lambda c: c[0] > 0, wbody,
                                   (jnp.int32(1), jnp.ones((16,), jnp.int32)))
                return c2

            lax.fori_loop(0, nb, grp, 0)
            return carry

        lax.fori_loop(0, ncks, chunk_body, 0)
        pltpu.sync_copy(tab, out_hbm.at[pl.ds(2 * wid, 2)])

    zeros = jnp.zeros((2, vb, 128), jnp.float32)
    return k(hT, splat, zeros)


def _make_down_body(n_x, t_first=False):
    def body(*refs):
        if t_first:
            b = refs[0][...]
            x = b.reshape(b.shape[0], -1).T
        else:
            x = refs[0][...]
        for r in refs[1:n_x]:
            x = x + r[...]
        win, a1, a2, b1, b2, skip_ref, g_ref = refs[n_x:]
        lv = jnp.dot(x, win[...], preferred_element_type=jnp.float32)
        lv = _resnet(lv, a1[...], a2[...])
        lv = _resnet(lv, b1[...], b2[...])
        skip_ref[...] = lv
        g_ref[...] = _gn_relu(lv)
    return body


def _make_bot_body(n_x):
    def body(*refs):
        x = refs[0][...]
        for r in refs[1:n_x]:
            x = x + r[...]
        win, a1, a2, b1, b2, fin, out_ref = refs[n_x:]
        lv = jnp.dot(x, win[...], preferred_element_type=jnp.float32)
        lv = _resnet(lv, a1[...], a2[...])
        lv = _resnet(lv, b1[...], b2[...])
        out_ref[...] = jnp.dot(_gn_relu(lv), fin[...],
                               preferred_element_type=jnp.float32)
    return body


def _up_body(fine_ref, skip_ref, w1_ref, w2_ref, fin_ref, out_ref):
    lv = jnp.concatenate([fine_ref[...], skip_ref[...]], axis=-1)
    lv = _resnet(lv, w1_ref[...], w2_ref[...])
    out_ref[...] = jnp.dot(_gn_relu(lv), fin_ref[...],
                           preferred_element_type=jnp.float32)


def _up2_body(fine_ref, skip_ref, w1_ref, w2_ref, cls_ref, out_ref):
    lv = jnp.concatenate([fine_ref[...], skip_ref[...]], axis=-1)
    lv = _resnet(lv, w1_ref[...], w2_ref[...])
    sv = jnp.dot(lv, cls_ref[...], preferred_element_type=jnp.float32)
    m = jnp.max(sv, axis=-1, keepdims=True)
    lse = jnp.log(jnp.sum(jnp.exp(sv - m), axis=-1, keepdims=True)) + m
    out_ref[...] = jnp.pad(sv - lse, ((0, 0), (0, 12)))


def kernel(positions, values, params, splat_idx, coarse_ids0, coarse_ids1,
           coarse_ids2):
    p = params
    cids = [coarse_ids0, coarse_ids1, coarse_ids2]

    n_cols = 102400
    hT = _mlp_transposed(positions, values, p, n_cols)

    v0_pad = 30080
    splat_pad = jnp.concatenate(
        [splat_idx, jnp.full((n_cols - N,), V[0], jnp.int32)])
    smT = _sc_segment_max(hT, splat_pad, v0_pad)

    vc_pad = [10240, 4096, 1536]
    skips = []
    xs = [('T', smT)]
    win = p['pn_out']
    for i in range(3):
        C = win.shape[1]
        bpad = ((V[i] + _NW * _CH - 1) // (_NW * _CH)) * (_NW * _CH)
        skip, g = _row_call(
            _make_down_body(len(xs), t_first=(i == 0)), V[i], xs,
            [win, p['d%d_0_w1' % i], p['d%d_0_w2' % i],
             p['d%d_1_w1' % i], p['d%d_1_w2' % i]],
            [C, C], out_rows=bpad, block=(1024 if i == 0 else _BLK))
        skips.append(skip)
        ids = jnp.concatenate(
            [cids[i], jnp.full((bpad - V[i],), V[i + 1], jnp.int32)])
        part = _sc_scatter_add(g, ids, V[i + 1], vc_pad[i])
        xs = [(part, 0), (part, vc_pad[i] // _BLK)]
        win = p['co%d' % i]

    (f0,) = _row_call(
        _make_bot_body(len(xs)), V[3], xs,
        [win, p['bt0_w1'], p['bt0_w2'], p['bt1_w1'], p['bt1_w2'], p['fin0']],
        [p['fin0'].shape[1]])

    g0 = _sc_gather(f0, cids[2], V[2])
    (u0,) = _row_call(_up_body, V[2], [g0, skips[2]],
                      [p['up0_w1'], p['up0_w2'], p['fin1']],
                      [p['fin1'].shape[1]])
    g1 = _sc_gather(u0, cids[1], V[1])
    (u1,) = _row_call(_up_body, V[1], [g1, skips[1]],
                      [p['up1_w1'], p['up1_w2'], p['fin2']],
                      [p['fin2'].shape[1]])
    g2 = _sc_gather(u1, cids[0], V[0])
    (logp,) = _row_call(_up2_body, V[0], [g2, skips[0]],
                        [p['up2_w1'], p['up2_w2'], p['slice_w']], [32])

    out = _sc_gather(logp, splat_idx, N)
    return out[None, :, :20]

# --- scband reference (transcript-rebuilt; emitter-appended) ---
"""Pipeline reference for scband-lnn-skippy-efficient-85993835200899 (READ-ONLY COPY).

The authoritative reference and input builder live on the scoring server;
editing this copy changes nothing except your own understanding.
"""

import jax, jax.numpy as jnp
import numpy as np

N = 100000
D_IN = 128
V = [30000, 10000, 4000, 1500]
C0 = 64
NR_CLASSES = 20


def setup_inputs(seed: int = 0):
    key = jax.random.key(seed)
    cnt = [0]

    def nk():
        cnt[0] += 1
        return jax.random.fold_in(key, cnt[0])

    def w(i, o):
        return (jax.random.normal(nk(), (i, o), jnp.float32) / np.sqrt(i)).astype(jnp.float32)

    positions = jax.random.normal(nk(), (N, 3), jnp.float32)
    values = jax.random.normal(nk(), (N, D_IN), jnp.float32)
    splat_idx = jax.random.randint(nk(), (N,), 0, V[0])
    coarse_ids0 = jax.random.randint(nk(), (V[0],), 0, V[1])
    coarse_ids1 = jax.random.randint(nk(), (V[1],), 0, V[2])
    coarse_ids2 = jax.random.randint(nk(), (V[2],), 0, V[3])
    params = {}
    params['pn_w1'] = w(3 + D_IN, 16)
    params['pn_w2'] = w(16, 32)
    params['pn_w3'] = w(32, 64)
    params['pn_out'] = w(64, C0)
    chans = [C0, 2 * C0, 4 * C0]
    for i, C in enumerate(chans):
        for j in range(2):
            params['d%d_%d_w1' % (i, j)] = w(C, C)
            params['d%d_%d_w2' % (i, j)] = w(C, C)
        params['co%d' % i] = w(C, 2 * C)
    CB = 8 * C0
    for j in range(2):
        params['bt%d_w1' % j] = w(CB, CB)
        params['bt%d_w2' % j] = w(CB, CB)
    skipC = [4 * C0, 2 * C0, C0]
    cur = CB
    for i in range(3):
        params['fin%d' % i] = w(cur, skipC[i])
        cur = 2 * skipC[i]
        params['up%d_w1' % i] = w(cur, cur)
        params['up%d_w2' % i] = w(cur, cur)
    params['slice_w'] = w(cur, NR_CLASSES)
    return {'positions': positions, 'values': values, 'params': params,
            'splat_idx': splat_idx, 'coarse_ids0': coarse_ids0,
            'coarse_ids1': coarse_ids1, 'coarse_ids2': coarse_ids2}


def _gn_relu(x):
    mu = jnp.mean(x, axis=-1, keepdims=True)
    var = jnp.var(x, axis=-1, keepdims=True)
    return jax.nn.relu((x - mu) * jax.lax.rsqrt(var + 1e-5))


def _resnet(x, w1, w2):
    h = _gn_relu(x) @ w1
    h = _gn_relu(h) @ w2
    return x + h


def reference(positions, values, params, splat_idx, coarse_ids0, coarse_ids1, coarse_ids2):
    p = params
    cids = [coarse_ids0, coarse_ids1, coarse_ids2]
    # distribute: concat point positions + values, per-point MLP [16,32,64]
    feats = jnp.concatenate([positions, values], axis=-1)
    h = jax.nn.relu(feats @ p['pn_w1'])
    h = jax.nn.relu(h @ p['pn_w2'])
    h = jax.nn.relu(h @ p['pn_w3'])
    # pointnet: max-reduce point features onto lattice vertices (scatter-max)
    lv = jax.ops.segment_max(h, splat_idx, num_segments=V[0])
    lv = jnp.where(jnp.isfinite(lv), lv, 0.0)
    lv = lv @ p['pn_out']
    # down path: resnet blocks + GnReluCoarsen (segment_sum to coarse lattice)
    skips = []
    for i in range(3):
        for j in range(2):
            lv = _resnet(lv, p['d%d_%d_w1' % (i, j)], p['d%d_%d_w2' % (i, j)])
        skips.append(lv)
        lv = jax.ops.segment_sum(_gn_relu(lv), cids[i], num_segments=V[i + 1]) @ p['co%d' % i]
    # bottleneck blocks
    for j in range(2):
        lv = _resnet(lv, p['bt%d_w1' % j], p['bt%d_w2' % j])
    # up path: GnFinefy (gather to fine lattice) + concat skip + resnet block
    for i in range(3):
        skip = skips.pop()
        fine = _gn_relu(lv)[cids[2 - i]] @ p['fin%d' % i]
        lv = jnp.concatenate([fine, skip], axis=-1)
        lv = _resnet(lv, p['up%d_w1' % i], p['up%d_w2' % i])
    # slice: gather vertex features back onto points, classify, logsoftmax(dim=2)
    sv = lv[splat_idx] @ p['slice_w']
    return jax.nn.log_softmax(sv[None, :, :], axis=2)

if __name__ == "__main__":
    import jax
    _d = setup_inputs()
    print(jax.jit(kernel)(*tuple(_d.values())))

</pallas_src>

<mosaic_0001>
#map = affine_map<(d0, d1) -> (0, 0)>
module attributes {stable_mosaic.version = 14 : i64} {
  func.func @k(%arg0: i32, %arg1: i32, %arg2: memref<32768x64xf32, #tpu.memory_space<hbm>>, %arg3: memref<256x128xi32, #tpu.memory_space<hbm>>, %arg4: memref<10240x64xf32, #tpu.memory_space<hbm>>, %arg5: memref<20480x64xf32, #tpu.memory_space<hbm>>, %arg6: memref<8x128xi32, #tpu.memory_space<vmem>>, %arg7: memref<1024x64xf32, #tpu.memory_space<vmem>>, %arg8: memref<10240x64xf32, #tpu.memory_space<vmem_shared>>, %arg9: memref<!tpu.dma_semaphore, #tpu.memory_space<semaphore_mem>>) attributes {dimension_semantics = [#tpu.dimension_semantics<core_parallel>, #tpu.dimension_semantics<subcore_parallel>], iteration_bounds = array<i64: 2, 16>, scalar_prefetch = 0 : i64, scratch_operands = 4 : i64, tpu.core_type = #tpu.core_type<sc_vector_subcore>, window_params = [{transform_indices = #map}, {transform_indices = #map}, {transform_indices = #map}, {transform_indices = #map}]} {
    %mul3A = arith.constant 2 : i32
    %mul3A_0 = arith.muli %arg1, %mul3A : i32
    %add3A = arith.addi %mul3A_0, %arg0 : i32
    %mul3A_1 = arith.constant 640 : i32
    %mul3A_2 = arith.muli %arg1, %mul3A_1 : i32
    %mul3A_3 = arith.constant 640 : i32
    %mul3A_4 = arith.muli %arg1, %mul3A_3 : i32
    "tpu.region"() ({
      %run_scoped3A_24 = tpu.sem_alloc : memref<!tpu.dma_semaphore, #tpu.memory_space<semaphore_mem>>
      %dma_start3A = arith.constant 0 : i32
      %dma_start3A_25 = tpu.memref_slice %arg8[%mul3A_4, %dma_start3A] : memref<10240x64xf32, #tpu.memory_space<vmem_shared>> -> memref<640x64xf32, #tpu.memory_space<vmem_shared>>
      %dma_start3A_26 = arith.constant 0 : i32
      %dma_start3A_27 = tpu.memref_slice %arg4[%mul3A_2, %dma_start3A_26] : memref<10240x64xf32, #tpu.memory_space<hbm>> -> memref<640x64xf32, #tpu.memory_space<hbm>>
      tpu.enqueue_dma source(%dma_start3A_27 : memref<640x64xf32, #tpu.memory_space<hbm>>) target(%dma_start3A_25 : memref<640x64xf32, #tpu.memory_space<vmem_shared>>) target_semaphore(%run_scoped3A_24 : memref<!tpu.dma_semaphore, #tpu.memory_space<semaphore_mem>>)
      %dma_wait3A = arith.constant 0 : i32
      %dma_wait3A_28 = tpu.memref_slice %arg8[%mul3A_4, %dma_wait3A] : memref<10240x64xf32, #tpu.memory_space<vmem_shared>> -> memref<640x64xf32, #tpu.memory_space<vmem_shared>>
      %dma_wait3A_29 = arith.constant 0 : i32
      %dma_wait3A_30 = tpu.memref_slice %arg4[%mul3A_2, %dma_wait3A_29] : memref<10240x64xf32, #tpu.memory_space<hbm>> -> memref<640x64xf32, #tpu.memory_space<hbm>>
      tpu.wait_dma2 semaphore(%run_scoped3A_24 : memref<!tpu.dma_semaphore, #tpu.memory_space<semaphore_mem>>) src(%dma_wait3A_30 : memref<640x64xf32, #tpu.memory_space<hbm>>) dst(%dma_wait3A_28 : memref<640x64xf32, #tpu.memory_space<vmem_shared>>)
      tpu.yield
    }) : () -> ()
    %barrier3A = arith.constant 0 : index
    tpu.barrier barrier_id(%barrier3A)
    %mul3A_5 = arith.constant 8 : i32
    %mul3A_6 = arith.muli %add3A, %mul3A_5 : i32
    "tpu.region"() ({
      %run_scoped3A_24 = tpu.sem_alloc : memref<!tpu.dma_semaphore, #tpu.memory_space<semaphore_mem>>
      %dma_start3A = arith.constant 0 : i32
      %dma_start3A_25 = tpu.memref_slice %arg3[%mul3A_6, %dma_start3A] : memref<256x128xi32, #tpu.memory_space<hbm>> -> memref<8x128xi32, #tpu.memory_space<hbm>>
      %dma_start3A_26 = arith.constant 0 : i32
      %dma_start3A_27 = tpu.memref_slice %arg3[%mul3A_6, %dma_start3A_26] : memref<256x128xi32, #tpu.memory_space<hbm>> -> memref<8x128xi32, #tpu.memory_space<hbm>>
      tpu.enqueue_dma source(%dma_start3A_27 : memref<8x128xi32, #tpu.memory_space<hbm>>) target(%arg6 : memref<8x128xi32, #tpu.memory_space<vmem>>) target_semaphore(%run_scoped3A_24 : memref<!tpu.dma_semaphore, #tpu.memory_space<semaphore_mem>>)
      %dma_wait3A = arith.constant 0 : i32
      %dma_wait3A_28 = tpu.memref_slice %arg3[%mul3A_6, %dma_wait3A] : memref<256x128xi32, #tpu.memory_space<hbm>> -> memref<8x128xi32, #tpu.memory_space<hbm>>
      %dma_wait3A_29 = arith.constant 0 : i32
      %dma_wait3A_30 = tpu.memref_slice %arg3[%mul3A_6, %dma_wait3A_29] : memref<256x128xi32, #tpu.memory_space<hbm>> -> memref<8x128xi32, #tpu.memory_space<hbm>>
      tpu.wait_dma2 semaphore(%run_scoped3A_24 : memref<!tpu.dma_semaphore, #tpu.memory_space<semaphore_mem>>) src(%dma_wait3A_30 : memref<8x128xi32, #tpu.memory_space<hbm>>) dst(%arg6 : memref<8x128xi32, #tpu.memory_space<vmem>>)
      tpu.yield
    }) : () -> ()
    %mul3A_7 = arith.constant 1024 : i32
    %mul3A_8 = arith.muli %add3A, %mul3A_7 : i32
    "tpu.region"() ({
      %run_scoped3A_24 = tpu.sem_alloc : memref<!tpu.dma_semaphore, #tpu.memory_space<semaphore_mem>>
      %dma_start3A = arith.constant 0 : i32
      %dma_start3A_25 = tpu.memref_slice %arg2[%mul3A_8, %dma_start3A] : memref<32768x64xf32, #tpu.memory_space<hbm>> -> memref<1024x64xf32, #tpu.memory_space<hbm>>
      %dma_start3A_26 = arith.constant 0 : i32
      %dma_start3A_27 = tpu.memref_slice %arg2[%mul3A_8, %dma_start3A_26] : memref<32768x64xf32, #tpu.memory_space<hbm>> -> memref<1024x64xf32, #tpu.memory_space<hbm>>
      tpu.enqueue_dma source(%dma_start3A_27 : memref<1024x64xf32, #tpu.memory_space<hbm>>) target(%arg7 : memref<1024x64xf32, #tpu.memory_space<vmem>>) target_semaphore(%run_scoped3A_24 : memref<!tpu.dma_semaphore, #tpu.memory_space<semaphore_mem>>)
      %dma_wait3A = arith.constant 0 : i32
      %dma_wait3A_28 = tpu.memref_slice %arg2[%mul3A_8, %dma_wait3A] : memref<32768x64xf32, #tpu.memory_space<hbm>> -> memref<1024x64xf32, #tpu.memory_space<hbm>>
      %dma_wait3A_29 = arith.constant 0 : i32
      %dma_wait3A_30 = tpu.memref_slice %arg2[%mul3A_8, %dma_wait3A_29] : memref<32768x64xf32, #tpu.memory_space<hbm>> -> memref<1024x64xf32, #tpu.memory_space<hbm>>
      tpu.wait_dma2 semaphore(%run_scoped3A_24 : memref<!tpu.dma_semaphore, #tpu.memory_space<semaphore_mem>>) src(%dma_wait3A_30 : memref<1024x64xf32, #tpu.memory_space<hbm>>) dst(%arg7 : memref<1024x64xf32, #tpu.memory_space<vmem>>)
      tpu.yield
    }) : () -> ()
    %run_scoped3A = arith.constant 0 : i32
    "tpu.region"() ({
      %run_scoped3A_24 = tpu.sem_alloc : memref<!tpu.dma_semaphore, #tpu.memory_space<semaphore_mem>>
      %dma_start3A = arith.constant 0 : i32
      %dma_start3A_25 = arith.constant 0 : i32
      %dma_start3A_26 = tpu.memref_slice %arg7[%dma_start3A, %dma_start3A_25] : memref<1024x64xf32, #tpu.memory_space<vmem>> -> memref<128x64xf32, #tpu.memory_space<vmem>>
      %dma_start3A_27 = arith.constant 0 : i32
      %dma_start3A_28 = tpu.memref_slice %arg6[%run_scoped3A, %dma_start3A_27] : memref<8x128xi32, #tpu.memory_space<vmem>> -> memref<1x128xi32, #tpu.memory_space<vmem>>
      %dma_start3A_29 = tpu.memref_squeeze %dma_start3A_28 : memref<1x128xi32, #tpu.memory_space<vmem>> -> memref<128xi32, #tpu.memory_space<vmem>>
      %dma_start3A_30 = arith.constant 0 : i32
      %dma_start3A_31 = arith.constant 0 : i32
      %dma_start3A_32 = tpu.memref_slice %arg8[%dma_start3A_30, %dma_start3A_31] : memref<10240x64xf32, #tpu.memory_space<vmem_shared>> -> memref<10240x64xf32, #tpu.memory_space<vmem_shared>>
      tpu.enqueue_indirect_dma source(%dma_start3A_26 : memref<128x64xf32, #tpu.memory_space<vmem>>) target(%dma_start3A_32 : memref<10240x64xf32, #tpu.memory_space<vmem_shared>>) offsets(%dma_start3A_29 : memref<128xi32, #tpu.memory_space<vmem>>) semaphore(%run_scoped3A_24 : memref<!tpu.dma_semaphore, #tpu.memory_space<semaphore_mem>>) {add = true}
      %dma_wait3A = arith.constant 0 : i32
      %dma_wait3A_33 = arith.constant 0 : i32
      %dma_wait3A_34 = tpu.memref_slice %arg7[%dma_wait3A, %dma_wait3A_33] : memref<1024x64xf32, #tpu.memory_space<vmem>> -> memref<128x64xf32, #tpu.memory_space<vmem>>
      %dma_wait3A_35 = arith.constant 0 : i32
      %dma_wait3A_36 = tpu.memref_slice %arg6[%run_scoped3A, %dma_wait3A_35] : memref<8x128xi32, #tpu.memory_space<vmem>> -> memref<1x128xi32, #tpu.memory_space<vmem>>
      %dma_wait3A_37 = tpu.memref_squeeze %dma_wait3A_36 : memref<1x128xi32, #tpu.memory_space<vmem>> -> memref<128xi32, #tpu.memory_space<vmem>>
      %dma_wait3A_38 = arith.constant 0 : i32
      %dma_wait3A_39 = arith.constant 0 : i32
      %dma_wait3A_40 = tpu.memref_slice %arg8[%dma_wait3A_38, %dma_wait3A_39] : memref<10240x64xf32, #tpu.memory_space<vmem_shared>> -> memref<10240x64xf32, #tpu.memory_space<vmem_shared>>
      tpu.wait_indirect_dma semaphore(%run_scoped3A_24 : memref<!tpu.dma_semaphore, #tpu.memory_space<semaphore_mem>>) src(%dma_wait3A_34 : memref<128x64xf32, #tpu.memory_space<vmem>>) dst(%dma_wait3A_40 : memref<10240x64xf32, #tpu.memory_space<vmem_shared>>)
      tpu.yield
    }) : () -> ()
    %run_scoped3A_9 = arith.constant 1 : i32
    "tpu.region"() ({
      %run_scoped3A_24 = tpu.sem_alloc : memref<!tpu.dma_semaphore, #tpu.memory_space<semaphore_mem>>
      %dma_start3A = arith.constant 128 : i32
      %dma_start3A_25 = arith.constant 0 : i32
      %dma_start3A_26 = tpu.memref_slice %arg7[%dma_start3A, %dma_start3A_25] : memref<1024x64xf32, #tpu.memory_space<vmem>> -> memref<128x64xf32, #tpu.memory_space<vmem>>
      %dma_start3A_27 = arith.constant 0 : i32
      %dma_start3A_28 = tpu.memref_slice %arg6[%run_scoped3A_9, %dma_start3A_27] : memref<8x128xi32, #tpu.memory_space<vmem>> -> memref<1x128xi32, #tpu.memory_space<vmem>>
      %dma_start3A_29 = tpu.memref_squeeze %dma_start3A_28 : memref<1x128xi32, #tpu.memory_space<vmem>> -> memref<128xi32, #tpu.memory_space<vmem>>
      %dma_start3A_30 = arith.constant 0 : i32
      %dma_start3A_31 = arith.constant 0 : i32
      %dma_start3A_32 = tpu.memref_slice %arg8[%dma_start3A_30, %dma_start3A_31] : memref<10240x64xf32, #tpu.memory_space<vmem_shared>> -> memref<10240x64xf32, #tpu.memory_space<vmem_shared>>
      tpu.enqueue_indirect_dma source(%dma_start3A_26 : memref<128x64xf32, #tpu.memory_space<vmem>>) target(%dma_start3A_32 : memref<10240x64xf32, #tpu.memory_space<vmem_shared>>) offsets(%dma_start3A_29 : memref<128xi32, #tpu.memory_space<vmem>>) semaphore(%run_scoped3A_24 : memref<!tpu.dma_semaphore, #tpu.memory_space<semaphore_mem>>) {add = true}
      %dma_wait3A = arith.constant 128 : i32
      %dma_wait3A_33 = arith.constant 0 : i32
      %dma_wait3A_34 = tpu.memref_slice %arg7[%dma_wait3A, %dma_wait3A_33] : memref<1024x64xf32, #tpu.memory_space<vmem>> -> memref<128x64xf32, #tpu.memory_space<vmem>>
      %dma_wait3A_35 = arith.constant 0 : i32
      %dma_wait3A_36 = tpu.memref_slice %arg6[%run_scoped3A_9, %dma_wait3A_35] : memref<8x128xi32, #tpu.memory_space<vmem>> -> memref<1x128xi32, #tpu.memory_space<vmem>>
      %dma_wait3A_37 = tpu.memref_squeeze %dma_wait3A_36 : memref<1x128xi32, #tpu.memory_space<vmem>> -> memref<128xi32, #tpu.memory_space<vmem>>
      %dma_wait3A_38 = arith.constant 0 : i32
      %dma_wait3A_39 = arith.constant 0 : i32
      %dma_wait3A_40 = tpu.memref_slice %arg8[%dma_wait3A_38, %dma_wait3A_39] : memref<10240x64xf32, #tpu.memory_space<vmem_shared>> -> memref<10240x64xf32, #tpu.memory_space<vmem_shared>>
      tpu.wait_indirect_dma semaphore(%run_scoped3A_24 : memref<!tpu.dma_semaphore, #tpu.memory_space<semaphore_mem>>) src(%dma_wait3A_34 : memref<128x64xf32, #tpu.memory_space<vmem>>) dst(%dma_wait3A_40 : memref<10240x64xf32, #tpu.memory_space<vmem_shared>>)
      tpu.yield
    }) : () -> ()
    %run_scoped3A_10 = arith.constant 2 : i32
    "tpu.region"() ({
      %run_scoped3A_24 = tpu.sem_alloc : memref<!tpu.dma_semaphore, #tpu.memory_space<semaphore_mem>>
      %dma_start3A = arith.constant 256 : i32
      %dma_start3A_25 = arith.constant 0 : i32
      %dma_start3A_26 = tpu.memref_slice %arg7[%dma_start3A, %dma_start3A_25] : memref<1024x64xf32, #tpu.memory_space<vmem>> -> memref<128x64xf32, #tpu.memory_space<vmem>>
      %dma_start3A_27 = arith.constant 0 : i32
      %dma_start3A_28 = tpu.memref_slice %arg6[%run_scoped3A_10, %dma_start3A_27] : memref<8x128xi32, #tpu.memory_space<vmem>> -> memref<1x128xi32, #tpu.memory_space<vmem>>
      %dma_start3A_29 = tpu.memref_squeeze %dma_start3A_28 : memref<1x128xi32, #tpu.memory_space<vmem>> -> memref<128xi32, #tpu.memory_space<vmem>>
      %dma_start3A_30 = arith.constant 0 : i32
      %dma_start3A_31 = arith.constant 0 : i32
      %dma_start3A_32 = tpu.memref_slice %arg8[%dma_start3A_30, %dma_start3A_31] : memref<10240x64xf32, #tpu.memory_space<vmem_shared>> -> memref<10240x64xf32, #tpu.memory_space<vmem_shared>>
      tpu.enqueue_indirect_dma source(%dma_start3A_26 : memref<128x64xf32, #tpu.memory_space<vmem>>) target(%dma_start3A_32 : memref<10240x64xf32, #tpu.memory_space<vmem_shared>>) offsets(%dma_start3A_29 : memref<128xi32, #tpu.memory_space<vmem>>) semaphore(%run_scoped3A_24 : memref<!tpu.dma_semaphore, #tpu.memory_space<semaphore_mem>>) {add = true}
      %dma_wait3A = arith.constant 256 : i32
      %dma_wait3A_33 = arith.constant 0 : i32
      %dma_wait3A_34 = tpu.memref_slice %arg7[%dma_wait3A, %dma_wait3A_33] : memref<1024x64xf32, #tpu.memory_space<vmem>> -> memref<128x64xf32, #tpu.memory_space<vmem>>
      %dma_wait3A_35 = arith.constant 0 : i32
      %dma_wait3A_36 = tpu.memref_slice %arg6[%run_scoped3A_10, %dma_wait3A_35] : memref<8x128xi32, #tpu.memory_space<vmem>> -> memref<1x128xi32, #tpu.memory_space<vmem>>
      %dma_wait3A_37 = tpu.memref_squeeze %dma_wait3A_36 : memref<1x128xi32, #tpu.memory_space<vmem>> -> memref<128xi32, #tpu.memory_space<vmem>>
      %dma_wait3A_38 = arith.constant 0 : i32
      %dma_wait3A_39 = arith.constant 0 : i32
      %dma_wait3A_40 = tpu.memref_slice %arg8[%dma_wait3A_38, %dma_wait3A_39] : memref<10240x64xf32, #tpu.memory_space<vmem_shared>> -> memref<10240x64xf32, #tpu.memory_space<vmem_shared>>
      tpu.wait_indirect_dma semaphore(%run_scoped3A_24 : memref<!tpu.dma_semaphore, #tpu.memory_space<semaphore_mem>>) src(%dma_wait3A_34 : memref<128x64xf32, #tpu.memory_space<vmem>>) dst(%dma_wait3A_40 : memref<10240x64xf32, #tpu.memory_space<vmem_shared>>)
      tpu.yield
    }) : () -> ()
    %run_scoped3A_11 = arith.constant 3 : i32
    "tpu.region"() ({
      %run_scoped3A_24 = tpu.sem_alloc : memref<!tpu.dma_semaphore, #tpu.memory_space<semaphore_mem>>
      %dma_start3A = arith.constant 384 : i32
      %dma_start3A_25 = arith.constant 0 : i32
      %dma_start3A_26 = tpu.memref_slice %arg7[%dma_start3A, %dma_start3A_25] : memref<1024x64xf32, #tpu.memory_space<vmem>> -> memref<128x64xf32, #tpu.memory_space<vmem>>
      %dma_start3A_27 = arith.constant 0 : i32
      %dma_start3A_28 = tpu.memref_slice %arg6[%run_scoped3A_11, %dma_start3A_27] : memref<8x128xi32, #tpu.memory_space<vmem>> -> memref<1x128xi32, #tpu.memory_space<vmem>>
      %dma_start3A_29 = tpu.memref_squeeze %dma_start3A_28 : memref<1x128xi32, #tpu.memory_space<vmem>> -> memref<128xi32, #tpu.memory_space<vmem>>
      %dma_start3A_30 = arith.constant 0 : i32
      %dma_start3A_31 = arith.constant 0 : i32
      %dma_start3A_32 = tpu.memref_slice %arg8[%dma_start3A_30, %dma_start3A_31] : memref<10240x64xf32, #tpu.memory_space<vmem_shared>> -> memref<10240x64xf32, #tpu.memory_space<vmem_shared>>
      tpu.enqueue_indirect_dma source(%dma_start3A_26 : memref<128x64xf32, #tpu.memory_space<vmem>>) target(%dma_start3A_32 : memref<10240x64xf32, #tpu.memory_space<vmem_shared>>) offsets(%dma_start3A_29 : memref<128xi32, #tpu.memory_space<vmem>>) semaphore(%run_scoped3A_24 : memref<!tpu.dma_semaphore, #tpu.memory_space<semaphore_mem>>) {add = true}
      %dma_wait3A = arith.constant 384 : i32
      %dma_wait3A_33 = arith.constant 0 : i32
      %dma_wait3A_34 = tpu.memref_slice %arg7[%dma_wait3A, %dma_wait3A_33] : memref<1024x64xf32, #tpu.memory_space<vmem>> -> memref<128x64xf32, #tpu.memory_space<vmem>>
      %dma_wait3A_35 = arith.constant 0 : i32
      %dma_wait3A_36 = tpu.memref_slice %arg6[%run_scoped3A_11, %dma_wait3A_35] : memref<8x128xi32, #tpu.memory_space<vmem>> -> memref<1x128xi32, #tpu.memory_space<vmem>>
      %dma_wait3A_37 = tpu.memref_squeeze %dma_wait3A_36 : memref<1x128xi32, #tpu.memory_space<vmem>> -> memref<128xi32, #tpu.memory_space<vmem>>
      %dma_wait3A_38 = arith.constant 0 : i32
      %dma_wait3A_39 = arith.constant 0 : i32
      %dma_wait3A_40 = tpu.memref_slice %arg8[%dma_wait3A_38, %dma_wait3A_39] : memref<10240x64xf32, #tpu.memory_space<vmem_shared>> -> memref<10240x64xf32, #tpu.memory_space<vmem_shared>>
      tpu.wait_indirect_dma semaphore(%run_scoped3A_24 : memref<!tpu.dma_semaphore, #tpu.memory_space<semaphore_mem>>) src(%dma_wait3A_34 : memref<128x64xf32, #tpu.memory_space<vmem>>) dst(%dma_wait3A_40 : memref<10240x64xf32, #tpu.memory_space<vmem_shared>>)
      tpu.yield
    }) : () -> ()
    %run_scoped3A_12 = arith.constant 4 : i32
    "tpu.region"() ({
      %run_scoped3A_24 = tpu.sem_alloc : memref<!tpu.dma_semaphore, #tpu.memory_space<semaphore_mem>>
      %dma_start3A = arith.constant 512 : i32
      %dma_start3A_25 = arith.constant 0 : i32
      %dma_start3A_26 = tpu.memref_slice %arg7[%dma_start3A, %dma_start3A_25] : memref<1024x64xf32, #tpu.memory_space<vmem>> -> memref<128x64xf32, #tpu.memory_space<vmem>>
      %dma_start3A_27 = arith.constant 0 : i32
      %dma_start3A_28 = tpu.memref_slice %arg6[%run_scoped3A_12, %dma_start3A_27] : memref<8x128xi32, #tpu.memory_space<vmem>> -> memref<1x128xi32, #tpu.memory_space<vmem>>
      %dma_start3A_29 = tpu.memref_squeeze %dma_start3A_28 : memref<1x128xi32, #tpu.memory_space<vmem>> -> memref<128xi32, #tpu.memory_space<vmem>>
      %dma_start3A_30 = arith.constant 0 : i32
      %dma_start3A_31 = arith.constant 0 : i32
      %dma_start3A_32 = tpu.memref_slice %arg8[%dma_start3A_30, %dma_start3A_31] : memref<10240x64xf32, #tpu.memory_space<vmem_shared>> -> memref<10240x64xf32, #tpu.memory_space<vmem_shared>>
      tpu.enqueue_indirect_dma source(%dma_start3A_26 : memref<128x64xf32, #tpu.memory_space<vmem>>) target(%dma_start3A_32 : memref<10240x64xf32, #tpu.memory_space<vmem_shared>>) offsets(%dma_start3A_29 : memref<128xi32, #tpu.memory_space<vmem>>) semaphore(%run_scoped3A_24 : memref<!tpu.dma_semaphore, #tpu.memory_space<semaphore_mem>>) {add = true}
      %dma_wait3A = arith.constant 512 : i32
      %dma_wait3A_33 = arith.constant 0 : i32
      %dma_wait3A_34 = tpu.memref_slice %arg7[%dma_wait3A, %dma_wait3A_33] : memref<1024x64xf32, #tpu.memory_space<vmem>> -> memref<128x64xf32, #tpu.memory_space<vmem>>
      %dma_wait3A_35 = arith.constant 0 : i32
      %dma_wait3A_36 = tpu.memref_slice %arg6[%run_scoped3A_12, %dma_wait3A_35] : memref<8x128xi32, #tpu.memory_space<vmem>> -> memref<1x128xi32, #tpu.memory_space<vmem>>
      %dma_wait3A_37 = tpu.memref_squeeze %dma_wait3A_36 : memref<1x128xi32, #tpu.memory_space<vmem>> -> memref<128xi32, #tpu.memory_space<vmem>>
      %dma_wait3A_38 = arith.constant 0 : i32
      %dma_wait3A_39 = arith.constant 0 : i32
      %dma_wait3A_40 = tpu.memref_slice %arg8[%dma_wait3A_38, %dma_wait3A_39] : memref<10240x64xf32, #tpu.memory_space<vmem_shared>> -> memref<10240x64xf32, #tpu.memory_space<vmem_shared>>
      tpu.wait_indirect_dma semaphore(%run_scoped3A_24 : memref<!tpu.dma_semaphore, #tpu.memory_space<semaphore_mem>>) src(%dma_wait3A_34 : memref<128x64xf32, #tpu.memory_space<vmem>>) dst(%dma_wait3A_40 : memref<10240x64xf32, #tpu.memory_space<vmem_shared>>)
      tpu.yield
    }) : () -> ()
    %run_scoped3A_13 = arith.constant 5 : i32
    "tpu.region"() ({
      %run_scoped3A_24 = tpu.sem_alloc : memref<!tpu.dma_semaphore, #tpu.memory_space<semaphore_mem>>
      %dma_start3A = arith.constant 640 : i32
      %dma_start3A_25 = arith.constant 0 : i32
      %dma_start3A_26 = tpu.memref_slice %arg7[%dma_start3A, %dma_start3A_25] : memref<1024x64xf32, #tpu.memory_space<vmem>> -> memref<128x64xf32, #tpu.memory_space<vmem>>
      %dma_start3A_27 = arith.constant 0 : i32
      %dma_start3A_28 = tpu.memref_slice %arg6[%run_scoped3A_13, %dma_start3A_27] : memref<8x128xi32, #tpu.memory_space<vmem>> -> memref<1x128xi32, #tpu.memory_space<vmem>>
      %dma_start3A_29 = tpu.memref_squeeze %dma_start3A_28 : memref<1x128xi32, #tpu.memory_space<vmem>> -> memref<128xi32, #tpu.memory_space<vmem>>
      %dma_start3A_30 = arith.constant 0 : i32
      %dma_start3A_31 = arith.constant 0 : i32
      %dma_start3A_32 = tpu.memref_slice %arg8[%dma_start3A_30, %dma_start3A_31] : memref<10240x64xf32, #tpu.memory_space<vmem_shared>> -> memref<10240x64xf32, #tpu.memory_space<vmem_shared>>
      tpu.enqueue_indirect_dma source(%dma_start3A_26 : memref<128x64xf32, #tpu.memory_space<vmem>>) target(%dma_start3A_32 : memref<10240x64xf32, #tpu.memory_space<vmem_shared>>) offsets(%dma_start3A_29 : memref<128xi32, #tpu.memory_space<vmem>>) semaphore(%run_scoped3A_24 : memref<!tpu.dma_semaphore, #tpu.memory_space<semaphore_mem>>) {add = true}
      %dma_wait3A = arith.constant 640 : i32
      %dma_wait3A_33 = arith.constant 0 : i32
      %dma_wait3A_34 = tpu.memref_slice %arg7[%dma_wait3A, %dma_wait3A_33] : memref<1024x64xf32, #tpu.memory_space<vmem>> -> memref<128x64xf32, #tpu.memory_space<vmem>>
      %dma_wait3A_35 = arith.constant 0 : i32
      %dma_wait3A_36 = tpu.memref_slice %arg6[%run_scoped3A_13, %dma_wait3A_35] : memref<8x128xi32, #tpu.memory_space<vmem>> -> memref<1x128xi32, #tpu.memory_space<vmem>>
      %dma_wait3A_37 = tpu.memref_squeeze %dma_wait3A_36 : memref<1x128xi32, #tpu.memory_space<vmem>> -> memref<128xi32, #tpu.memory_space<vmem>>
      %dma_wait3A_38 = arith.constant 0 : i32
      %dma_wait3A_39 = arith.constant 0 : i32
      %dma_wait3A_40 = tpu.memref_slice %arg8[%dma_wait3A_38, %dma_wait3A_39] : memref<10240x64xf32, #tpu.memory_space<vmem_shared>> -> memref<10240x64xf32, #tpu.memory_space<vmem_shared>>
      tpu.wait_indirect_dma semaphore(%run_scoped3A_24 : memref<!tpu.dma_semaphore, #tpu.memory_space<semaphore_mem>>) src(%dma_wait3A_34 : memref<128x64xf32, #tpu.memory_space<vmem>>) dst(%dma_wait3A_40 : memref<10240x64xf32, #tpu.memory_space<vmem_shared>>)
      tpu.yield
    }) : () -> ()
    %run_scoped3A_14 = arith.constant 6 : i32
    "tpu.region"() ({
      %run_scoped3A_24 = tpu.sem_alloc : memref<!tpu.dma_semaphore, #tpu.memory_space<semaphore_mem>>
      %dma_start3A = arith.constant 768 : i32
      %dma_start3A_25 = arith.constant 0 : i32
      %dma_start3A_26 = tpu.memref_slice %arg7[%dma_start3A, %dma_start3A_25] : memref<1024x64xf32, #tpu.memory_space<vmem>> -> memref<128x64xf32, #tpu.memory_space<vmem>>
      %dma_start3A_27 = arith.constant 0 : i32
      %dma_start3A_28 = tpu.memref_slice %arg6[%run_scoped3A_14, %dma_start3A_27] : memref<8x128xi32, #tpu.memory_space<vmem>> -> memref<1x128xi32, #tpu.memory_space<vmem>>
      %dma_start3A_29 = tpu.memref_squeeze %dma_start3A_28 : memref<1x128xi32, #tpu.memory_space<vmem>> -> memref<128xi32, #tpu.memory_space<vmem>>
      %dma_start3A_30 = arith.constant 0 : i32
      %dma_start3A_31 = arith.constant 0 : i32
      %dma_start3A_32 = tpu.memref_slice %arg8[%dma_start3A_30, %dma_start3A_31] : memref<10240x64xf32, #tpu.memory_space<vmem_shared>> -> memref<10240x64xf32, #tpu.memory_space<vmem_shared>>
      tpu.enqueue_indirect_dma source(%dma_start3A_26 : memref<128x64xf32, #tpu.memory_space<vmem>>) target(%dma_start3A_32 : memref<10240x64xf32, #tpu.memory_space<vmem_shared>>) offsets(%dma_start3A_29 : memref<128xi32, #tpu.memory_space<vmem>>) semaphore(%run_scoped3A_24 : memref<!tpu.dma_semaphore, #tpu.memory_space<semaphore_mem>>) {add = true}
      %dma_wait3A = arith.constant 768 : i32
      %dma_wait3A_33 = arith.constant 0 : i32
      %dma_wait3A_34 = tpu.memref_slice %arg7[%dma_wait3A, %dma_wait3A_33] : memref<1024x64xf32, #tpu.memory_space<vmem>> -> memref<128x64xf32, #tpu.memory_space<vmem>>
      %dma_wait3A_35 = arith.constant 0 : i32
      %dma_wait3A_36 = tpu.memref_slice %arg6[%run_scoped3A_14, %dma_wait3A_35] : memref<8x128xi32, #tpu.memory_space<vmem>> -> memref<1x128xi32, #tpu.memory_space<vmem>>
      %dma_wait3A_37 = tpu.memref_squeeze %dma_wait3A_36 : memref<1x128xi32, #tpu.memory_space<vmem>> -> memref<128xi32, #tpu.memory_space<vmem>>
      %dma_wait3A_38 = arith.constant 0 : i32
      %dma_wait3A_39 = arith.constant 0 : i32
      %dma_wait3A_40 = tpu.memref_slice %arg8[%dma_wait3A_38, %dma_wait3A_39] : memref<10240x64xf32, #tpu.memory_space<vmem_shared>> -> memref<10240x64xf32, #tpu.memory_space<vmem_shared>>
      tpu.wait_indirect_dma semaphore(%run_scoped3A_24 : memref<!tpu.dma_semaphore, #tpu.memory_space<semaphore_mem>>) src(%dma_wait3A_34 : memref<128x64xf32, #tpu.memory_space<vmem>>) dst(%dma_wait3A_40 : memref<10240x64xf32, #tpu.memory_space<vmem_shared>>)
      tpu.yield
    }) : () -> ()
    %run_scoped3A_15 = arith.constant 7 : i32
    "tpu.region"() ({
      %run_scoped3A_24 = tpu.sem_alloc : memref<!tpu.dma_semaphore, #tpu.memory_space<semaphore_mem>>
      %dma_start3A = arith.constant 896 : i32
      %dma_start3A_25 = arith.constant 0 : i32
      %dma_start3A_26 = tpu.memref_slice %arg7[%dma_start3A, %dma_start3A_25] : memref<1024x64xf32, #tpu.memory_space<vmem>> -> memref<128x64xf32, #tpu.memory_space<vmem>>
      %dma_start3A_27 = arith.constant 0 : i32
      %dma_start3A_28 = tpu.memref_slice %arg6[%run_scoped3A_15, %dma_start3A_27] : memref<8x128xi32, #tpu.memory_space<vmem>> -> memref<1x128xi32, #tpu.memory_space<vmem>>
      %dma_start3A_29 = tpu.memref_squeeze %dma_start3A_28 : memref<1x128xi32, #tpu.memory_space<vmem>> -> memref<128xi32, #tpu.memory_space<vmem>>
      %dma_start3A_30 = arith.constant 0 : i32
      %dma_start3A_31 = arith.constant 0 : i32
      %dma_start3A_32 = tpu.memref_slice %arg8[%dma_start3A_30, %dma_start3A_31] : memref<10240x64xf32, #tpu.memory_space<vmem_shared>> -> memref<10240x64xf32, #tpu.memory_space<vmem_shared>>
      tpu.enqueue_indirect_dma source(%dma_start3A_26 : memref<128x64xf32, #tpu.memory_space<vmem>>) target(%dma_start3A_32 : memref<10240x64xf32, #tpu.memory_space<vmem_shared>>) offsets(%dma_start3A_29 : memref<128xi32, #tpu.memory_space<vmem>>) semaphore(%run_scoped3A_24 : memref<!tpu.dma_semaphore, #tpu.memory_space<semaphore_mem>>) {add = true}
      %dma_wait3A = arith.constant 896 : i32
      %dma_wait3A_33 = arith.constant 0 : i32
      %dma_wait3A_34 = tpu.memref_slice %arg7[%dma_wait3A, %dma_wait3A_33] : memref<1024x64xf32, #tpu.memory_space<vmem>> -> memref<128x64xf32, #tpu.memory_space<vmem>>
      %dma_wait3A_35 = arith.constant 0 : i32
      %dma_wait3A_36 = tpu.memref_slice %arg6[%run_scoped3A_15, %dma_wait3A_35] : memref<8x128xi32, #tpu.memory_space<vmem>> -> memref<1x128xi32, #tpu.memory_space<vmem>>
      %dma_wait3A_37 = tpu.memref_squeeze %dma_wait3A_36 : memref<1x128xi32, #tpu.memory_space<vmem>> -> memref<128xi32, #tpu.memory_space<vmem>>
      %dma_wait3A_38 = arith.constant 0 : i32
      %dma_wait3A_39 = arith.constant 0 : i32
      %dma_wait3A_40 = tpu.memref_slice %arg8[%dma_wait3A_38, %dma_wait3A_39] : memref<10240x64xf32, #tpu.memory_space<vmem_shared>> -> memref<10240x64xf32, #tpu.memory_space<vmem_shared>>
      tpu.wait_indirect_dma semaphore(%run_scoped3A_24 : memref<!tpu.dma_semaphore, #tpu.memory_space<semaphore_mem>>) src(%dma_wait3A_34 : memref<128x64xf32, #tpu.memory_space<vmem>>) dst(%dma_wait3A_40 : memref<10240x64xf32, #tpu.memory_space<vmem_shared>>)
      tpu.yield
    }) : () -> ()
    %barrier3A_16 = arith.constant 0 : index
    tpu.barrier barrier_id(%barrier3A_16)
    %mul3A_17 = arith.constant 640 : i32
    %mul3A_18 = arith.muli %arg1, %mul3A_17 : i32
    %mul3A_19 = arith.constant 10240 : i32
    %mul3A_20 = arith.muli %arg0, %mul3A_19 : i32
    %mul3A_21 = arith.constant 640 : i32
    %mul3A_22 = arith.muli %arg1, %mul3A_21 : i32
    %add3A_23 = arith.addi %mul3A_20, %mul3A_22 : i32
    "tpu.region"() ({
      %run_scoped3A_24 = tpu.sem_alloc : memref<!tpu.dma_semaphore, #tpu.memory_space<semaphore_mem>>
      %dma_start3A = arith.constant 0 : i32
      %dma_start3A_25 = tpu.memref_slice %arg5[%add3A_23, %dma_start3A] : memref<20480x64xf32, #tpu.memory_space<hbm>> -> memref<640x64xf32, #tpu.memory_space<hbm>>
      %dma_start3A_26 = arith.constant 0 : i32
      %dma_start3A_27 = tpu.memref_slice %arg8[%mul3A_18, %dma_start3A_26] : memref<10240x64xf32, #tpu.memory_space<vmem_shared>> -> memref<640x64xf32, #tpu.memory_space<vmem_shared>>
      tpu.enqueue_dma source(%dma_start3A_27 : memref<640x64xf32, #tpu.memory_space<vmem_shared>>) target(%dma_start3A_25 : memref<640x64xf32, #tpu.memory_space<hbm>>) target_semaphore(%run_scoped3A_24 : memref<!tpu.dma_semaphore, #tpu.memory_space<semaphore_mem>>)
      %dma_wait3A = arith.constant 0 : i32
      %dma_wait3A_28 = tpu.memref_slice %arg5[%add3A_23, %dma_wait3A] : memref<20480x64xf32, #tpu.memory_space<hbm>> -> memref<640x64xf32, #tpu.memory_space<hbm>>
      %dma_wait3A_29 = arith.constant 0 : i32
      %dma_wait3A_30 = tpu.memref_slice %arg8[%mul3A_18, %dma_wait3A_29] : memref<10240x64xf32, #tpu.memory_space<vmem_shared>> -> memref<640x64xf32, #tpu.memory_space<vmem_shared>>
      tpu.wait_dma2 semaphore(%run_scoped3A_24 : memref<!tpu.dma_semaphore, #tpu.memory_space<semaphore_mem>>) src(%dma_wait3A_30 : memref<640x64xf32, #tpu.memory_space<vmem_shared>>) dst(%dma_wait3A_28 : memref<640x64xf32, #tpu.memory_space<hbm>>)
      tpu.yield
    }) : () -> ()
    return
  }
}

#map = affine_map<(d0, d1) -> (0, 0)>
module attributes {stable_mosaic.version = 14 : i64} {
  func.func @k(%arg0: i32, %arg1: i32, %arg2: memref<4096x256xf32, #tpu.memory_space<hbm>>, %arg3: memref<32x128xi32, #tpu.memory_space<hbm>>, %arg4: memref<1536x256xf32, #tpu.memory_space<hbm>>, %arg5: memref<3072x256xf32, #tpu.memory_space<hbm>>, %arg6: memref<1x128xi32, #tpu.memory_space<vmem>>, %arg7: memref<128x256xf32, #tpu.memory_space<vmem>>, %arg8: memref<1536x256xf32, #tpu.memory_space<vmem_shared>>, %arg9: memref<!tpu.dma_semaphore, #tpu.memory_space<semaphore_mem>>) attributes {dimension_semantics = [#tpu.dimension_semantics<core_parallel>, #tpu.dimension_semantics<subcore_parallel>], iteration_bounds = array<i64: 2, 16>, scalar_prefetch = 0 : i64, scratch_operands = 4 : i64, tpu.core_type = #tpu.core_type<sc_vector_subcore>, window_params = [{transform_indices = #map}, {transform_indices = #map}, {transform_indices = #map}, {transform_indices = #map}]} {
    %mul3A = arith.constant 2 : i32
    %mul3A_0 = arith.muli %arg1, %mul3A : i32
    %add3A = arith.addi %mul3A_0, %arg0 : i32
    %mul3A_1 = arith.constant 96 : i32
    %mul3A_2 = arith.muli %arg1, %mul3A_1 : i32
    %mul3A_3 = arith.constant 96 : i32
    %mul3A_4 = arith.muli %arg1, %mul3A_3 : i32
    "tpu.region"() ({
      %run_scoped3A_17 = tpu.sem_alloc : memref<!tpu.dma_semaphore, #tpu.memory_space<semaphore_mem>>
      %dma_start3A = arith.constant 0 : i32
      %dma_start3A_18 = tpu.memref_slice %arg8[%mul3A_4, %dma_start3A] : memref<1536x256xf32, #tpu.memory_space<vmem_shared>> -> memref<96x256xf32, #tpu.memory_space<vmem_shared>>
      %dma_start3A_19 = arith.constant 0 : i32
      %dma_start3A_20 = tpu.memref_slice %arg4[%mul3A_2, %dma_start3A_19] : memref<1536x256xf32, #tpu.memory_space<hbm>> -> memref<96x256xf32, #tpu.memory_space<hbm>>
      tpu.enqueue_dma source(%dma_start3A_20 : memref<96x256xf32, #tpu.memory_space<hbm>>) target(%dma_start3A_18 : memref<96x256xf32, #tpu.memory_space<vmem_shared>>) target_semaphore(%run_scoped3A_17 : memref<!tpu.dma_semaphore, #tpu.memory_space<semaphore_mem>>)
      %dma_wait3A = arith.constant 0 : i32
      %dma_wait3A_21 = tpu.memref_slice %arg8[%mul3A_4, %dma_wait3A] : memref<1536x256xf32, #tpu.memory_space<vmem_shared>> -> memref<96x256xf32, #tpu.memory_space<vmem_shared>>
      %dma_wait3A_22 = arith.constant 0 : i32
      %dma_wait3A_23 = tpu.memref_slice %arg4[%mul3A_2, %dma_wait3A_22] : memref<1536x256xf32, #tpu.memory_space<hbm>> -> memref<96x256xf32, #tpu.memory_space<hbm>>
      tpu.wait_dma2 semaphore(%run_scoped3A_17 : memref<!tpu.dma_semaphore, #tpu.memory_space<semaphore_mem>>) src(%dma_wait3A_23 : memref<96x256xf32, #tpu.memory_space<hbm>>) dst(%dma_wait3A_21 : memref<96x256xf32, #tpu.memory_space<vmem_shared>>)
      tpu.yield
    }) : () -> ()
    %barrier3A = arith.constant 0 : index
    tpu.barrier barrier_id(%barrier3A)
    %mul3A_5 = arith.constant 1 : i32
    %mul3A_6 = arith.muli %add3A, %mul3A_5 : i32
    "tpu.region"() ({
      %run_scoped3A_17 = tpu.sem_alloc : memref<!tpu.dma_semaphore, #tpu.memory_space<semaphore_mem>>
      %dma_start3A = arith.constant 0 : i32
      %dma_start3A_18 = tpu.memref_slice %arg3[%mul3A_6, %dma_start3A] : memref<32x128xi32, #tpu.memory_space<hbm>> -> memref<1x128xi32, #tpu.memory_space<hbm>>
      %dma_start3A_19 = arith.constant 0 : i32
      %dma_start3A_20 = tpu.memref_slice %arg3[%mul3A_6, %dma_start3A_19] : memref<32x128xi32, #tpu.memory_space<hbm>> -> memref<1x128xi32, #tpu.memory_space<hbm>>
      tpu.enqueue_dma source(%dma_start3A_20 : memref<1x128xi32, #tpu.memory_space<hbm>>) target(%arg6 : memref<1x128xi32, #tpu.memory_space<vmem>>) target_semaphore(%run_scoped3A_17 : memref<!tpu.dma_semaphore, #tpu.memory_space<semaphore_mem>>)
      %dma_wait3A = arith.constant 0 : i32
      %dma_wait3A_21 = tpu.memref_slice %arg3[%mul3A_6, %dma_wait3A] : memref<32x128xi32, #tpu.memory_space<hbm>> -> memref<1x128xi32, #tpu.memory_space<hbm>>
      %dma_wait3A_22 = arith.constant 0 : i32
      %dma_wait3A_23 = tpu.memref_slice %arg3[%mul3A_6, %dma_wait3A_22] : memref<32x128xi32, #tpu.memory_space<hbm>> -> memref<1x128xi32, #tpu.memory_space<hbm>>
      tpu.wait_dma2 semaphore(%run_scoped3A_17 : memref<!tpu.dma_semaphore, #tpu.memory_space<semaphore_mem>>) src(%dma_wait3A_23 : memref<1x128xi32, #tpu.memory_space<hbm>>) dst(%arg6 : memref<1x128xi32, #tpu.memory_space<vmem>>)
      tpu.yield
    }) : () -> ()
    %mul3A_7 = arith.constant 128 : i32
    %mul3A_8 = arith.muli %add3A, %mul3A_7 : i32
    "tpu.region"() ({
      %run_scoped3A_17 = tpu.sem_alloc : memref<!tpu.dma_semaphore, #tpu.memory_space<semaphore_mem>>
      %dma_start3A = arith.constant 0 : i32
      %dma_start3A_18 = tpu.memref_slice %arg2[%mul3A_8, %dma_start3A] : memref<4096x256xf32, #tpu.memory_space<hbm>> -> memref<128x256xf32, #tpu.memory_space<hbm>>
      %dma_start3A_19 = arith.constant 0 : i32
      %dma_start3A_20 = tpu.memref_slice %arg2[%mul3A_8, %dma_start3A_19] : memref<4096x256xf32, #tpu.memory_space<hbm>> -> memref<128x256xf32, #tpu.memory_space<hbm>>
      tpu.enqueue_dma source(%dma_start3A_20 : memref<128x256xf32, #tpu.memory_space<hbm>>) target(%arg7 : memref<128x256xf32, #tpu.memory_space<vmem>>) target_semaphore(%run_scoped3A_17 : memref<!tpu.dma_semaphore, #tpu.memory_space<semaphore_mem>>)
      %dma_wait3A = arith.constant 0 : i32
      %dma_wait3A_21 = tpu.memref_slice %arg2[%mul3A_8, %dma_wait3A] : memref<4096x256xf32, #tpu.memory_space<hbm>> -> memref<128x256xf32, #tpu.memory_space<hbm>>
      %dma_wait3A_22 = arith.constant 0 : i32
      %dma_wait3A_23 = tpu.memref_slice %arg2[%mul3A_8, %dma_wait3A_22] : memref<4096x256xf32, #tpu.memory_space<hbm>> -> memref<128x256xf32, #tpu.memory_space<hbm>>
      tpu.wait_dma2 semaphore(%run_scoped3A_17 : memref<!tpu.dma_semaphore, #tpu.memory_space<semaphore_mem>>) src(%dma_wait3A_23 : memref<128x256xf32, #tpu.memory_space<hbm>>) dst(%arg7 : memref<128x256xf32, #tpu.memory_space<vmem>>)
      tpu.yield
    }) : () -> ()
    %run_scoped3A = arith.constant 0 : i32
    "tpu.region"() ({
      %run_scoped3A_17 = tpu.sem_alloc : memref<!tpu.dma_semaphore, #tpu.memory_space<semaphore_mem>>
      %dma_start3A = arith.constant 0 : i32
      %dma_start3A_18 = arith.constant 0 : i32
      %dma_start3A_19 = tpu.memref_slice %arg7[%dma_start3A, %dma_start3A_18] : memref<128x256xf32, #tpu.memory_space<vmem>> -> memref<128x256xf32, #tpu.memory_space<vmem>>
      %dma_start3A_20 = arith.constant 0 : i32
      %dma_start3A_21 = tpu.memref_slice %arg6[%run_scoped3A, %dma_start3A_20] : memref<1x128xi32, #tpu.memory_space<vmem>> -> memref<1x128xi32, #tpu.memory_space<vmem>>
      %dma_start3A_22 = tpu.memref_squeeze %dma_start3A_21 : memref<1x128xi32, #tpu.memory_space<vmem>> -> memref<128xi32, #tpu.memory_space<vmem>>
      %dma_start3A_23 = arith.constant 0 : i32
      %dma_start3A_24 = arith.constant 0 : i32
      %dma_start3A_25 = tpu.memref_slice %arg8[%dma_start3A_23, %dma_start3A_24] : memref<1536x256xf32, #tpu.memory_space<vmem_shared>> -> memref<1536x256xf32, #tpu.memory_space<vmem_shared>>
      tpu.enqueue_indirect_dma source(%dma_start3A_19 : memref<128x256xf32, #tpu.memory_space<vmem>>) target(%dma_start3A_25 : memref<1536x256xf32, #tpu.memory_space<vmem_shared>>) offsets(%dma_start3A_22 : memref<128xi32, #tpu.memory_space<vmem>>) semaphore(%run_scoped3A_17 : memref<!tpu.dma_semaphore, #tpu.memory_space<semaphore_mem>>) {add = true}
      %dma_wait3A = arith.constant 0 : i32
      %dma_wait3A_26 = arith.constant 0 : i32
      %dma_wait3A_27 = tpu.memref_slice %arg7[%dma_wait3A, %dma_wait3A_26] : memref<128x256xf32, #tpu.memory_space<vmem>> -> memref<128x256xf32, #tpu.memory_space<vmem>>
      %dma_wait3A_28 = arith.constant 0 : i32
      %dma_wait3A_29 = tpu.memref_slice %arg6[%run_scoped3A, %dma_wait3A_28] : memref<1x128xi32, #tpu.memory_space<vmem>> -> memref<1x128xi32, #tpu.memory_space<vmem>>
      %dma_wait3A_30 = tpu.memref_squeeze %dma_wait3A_29 : memref<1x128xi32, #tpu.memory_space<vmem>> -> memref<128xi32, #tpu.memory_space<vmem>>
      %dma_wait3A_31 = arith.constant 0 : i32
      %dma_wait3A_32 = arith.constant 0 : i32
      %dma_wait3A_33 = tpu.memref_slice %arg8[%dma_wait3A_31, %dma_wait3A_32] : memref<1536x256xf32, #tpu.memory_space<vmem_shared>> -> memref<1536x256xf32, #tpu.memory_space<vmem_shared>>
      tpu.wait_indirect_dma semaphore(%run_scoped3A_17 : memref<!tpu.dma_semaphore, #tpu.memory_space<semaphore_mem>>) src(%dma_wait3A_27 : memref<128x256xf32, #tpu.memory_space<vmem>>) dst(%dma_wait3A_33 : memref<1536x256xf32, #tpu.memory_space<vmem_shared>>)
      tpu.yield
    }) : () -> ()
    %barrier3A_9 = arith.constant 0 : index
    tpu.barrier barrier_id(%barrier3A_9)
    %mul3A_10 = arith.constant 96 : i32
    %mul3A_11 = arith.muli %arg1, %mul3A_10 : i32
    %mul3A_12 = arith.constant 1536 : i32
    %mul3A_13 = arith.muli %arg0, %mul3A_12 : i32
    %mul3A_14 = arith.constant 96 : i32
    %mul3A_15 = arith.muli %arg1, %mul3A_14 : i32
    %add3A_16 = arith.addi %mul3A_13, %mul3A_15 : i32
    "tpu.region"() ({
      %run_scoped3A_17 = tpu.sem_alloc : memref<!tpu.dma_semaphore, #tpu.memory_space<semaphore_mem>>
      %dma_start3A = arith.constant 0 : i32
      %dma_start3A_18 = tpu.memref_slice %arg5[%add3A_16, %dma_start3A] : memref<3072x256xf32, #tpu.memory_space<hbm>> -> memref<96x256xf32, #tpu.memory_space<hbm>>
      %dma_start3A_19 = arith.constant 0 : i32
      %dma_start3A_20 = tpu.memref_slice %arg8[%mul3A_11, %dma_start3A_19] : memref<1536x256xf32, #tpu.memory_space<vmem_shared>> -> memref<96x256xf32, #tpu.memory_space<vmem_shared>>
      tpu.enqueue_dma source(%dma_start3A_20 : memref<96x256xf32, #tpu.memory_space<vmem_shared>>) target(%dma_start3A_18 : memref<96x256xf32, #tpu.memory_space<hbm>>) target_semaphore(%run_scoped3A_17 : memref<!tpu.dma_semaphore, #tpu.memory_space<semaphore_mem>>)
      %dma_wait3A = arith.constant 0 : i32
      %dma_wait3A_21 = tpu.memref_slice %arg5[%add3A_16, %dma_wait3A] : memref<3072x256xf32, #tpu.memory_space<hbm>> -> memref<96x256xf32, #tpu.memory_space<hbm>>
      %dma_wait3A_22 = arith.constant 0 : i32
      %dma_wait3A_23 = tpu.memref_slice %arg8[%mul3A_11, %dma_wait3A_22] : memref<1536x256xf32, #tpu.memory_space<vmem_shared>> -> memref<96x256xf32, #tpu.memory_space<vmem_shared>>
      tpu.wait_dma2 semaphore(%run_scoped3A_17 : memref<!tpu.dma_semaphore, #tpu.memory_space<semaphore_mem>>) src(%dma_wait3A_23 : memref<96x256xf32, #tpu.memory_space<vmem_shared>>) dst(%dma_wait3A_21 : memref<96x256xf32, #tpu.memory_space<hbm>>)
      tpu.yield
    }) : () -> ()
    return
  }
}

#map = affine_map<(d0, d1) -> (0, 0, 0)>
#map1 = affine_map<(d0, d1) -> (0)>
module attributes {stable_mosaic.version = 14 : i64} {
  func.func @k(%arg0: i32, %arg1: i32, %arg2: memref<64x800x128xf32, #tpu.memory_space<hbm>>, %arg3: memref<102400xi32, #tpu.memory_space<hbm>>, %arg4: memref<2x235x128xf32, #tpu.memory_space<hbm>>, %arg5: memref<64x235x128xf32, #tpu.memory_space<hbm>>, %arg6: memref<2x235x128xf32, #tpu.memory_space<vmem>>, %arg7: memref<30080xi32, #tpu.memory_space<vmem>>, %arg8: memref<6400xi32, #tpu.memory_space<vmem>>, %arg9: memref<2x50x128xf32, #tpu.memory_space<vmem>>, %arg10: memref<!tpu.dma_semaphore, #tpu.memory_space<semaphore_mem>>) attributes {dimension_semantics = [#tpu.dimension_semantics<core_parallel>, #tpu.dimension_semantics<subcore_parallel>], iteration_bounds = array<i64: 2, 16>, scalar_prefetch = 0 : i64, scratch_operands = 5 : i64, tpu.core_type = #tpu.core_type<sc_vector_subcore>, window_params = [{transform_indices = #map}, {transform_indices = #map1}, {transform_indices = #map}, {transform_indices = #map}]} {
    %mul3A = arith.constant 2 : i32
    %mul3A_0 = arith.muli %arg1, %mul3A : i32
    %add3A = arith.addi %mul3A_0, %arg0 : i32
    "tpu.region"() ({
      %run_scoped3A = tpu.sem_alloc : memref<!tpu.dma_semaphore, #tpu.memory_space<semaphore_mem>>
      tpu.enqueue_dma source(%arg4 : memref<2x235x128xf32, #tpu.memory_space<hbm>>) target(%arg6 : memref<2x235x128xf32, #tpu.memory_space<vmem>>) target_semaphore(%run_scoped3A : memref<!tpu.dma_semaphore, #tpu.memory_space<semaphore_mem>>)
      tpu.wait_dma2 semaphore(%run_scoped3A : memref<!tpu.dma_semaphore, #tpu.memory_space<semaphore_mem>>) src(%arg4 : memref<2x235x128xf32, #tpu.memory_space<hbm>>) dst(%arg6 : memref<2x235x128xf32, #tpu.memory_space<vmem>>)
      tpu.yield
    }) : () -> ()
    %iota3A = tpu.iota {dimensions = array<i32: 0>} : vector<16xi32>
    %broadcast_in_dim3A = arith.constant 0 : i32
    %broadcast_in_dim3A_1 = vector.broadcast %broadcast_in_dim3A : i32 to vector<16xi32>
    %broadcast_in_dim3A_2 = arith.constant 1 : i32
    %broadcast_in_dim3A_3 = vector.broadcast %broadcast_in_dim3A_2 : i32 to vector<16xi32>
    %scan3A = arith.constant 0 : i32
    %scan3A_4 = arith.constant 0 : i32
    %scan3A_5 = arith.constant 16 : i32
    %scan3A_6 = arith.addi %scan3A_4, %scan3A_5 : i32
    %scan3A_7 = arith.constant 1 : i32
    scf.for %scan3A_11 = %scan3A_4 to %scan3A_6 step %scan3A_7  : i32 {
      %mul3A_12 = arith.constant 6400 : i32
      %mul3A_13 = arith.muli %scan3A_11, %mul3A_12 : i32
      "tpu.region"() ({
        %run_scoped3A = tpu.sem_alloc : memref<!tpu.dma_semaphore, #tpu.memory_space<semaphore_mem>>
        %dma_start3A = tpu.memref_slice %arg3[%mul3A_13] : memref<102400xi32, #tpu.memory_space<hbm>> -> memref<6400xi32, #tpu.memory_space<hbm>>
        %dma_start3A_24 = tpu.memref_slice %arg3[%mul3A_13] : memref<102400xi32, #tpu.memory_space<hbm>> -> memref<6400xi32, #tpu.memory_space<hbm>>
        tpu.enqueue_dma source(%dma_start3A_24 : memref<6400xi32, #tpu.memory_space<hbm>>) target(%arg8 : memref<6400xi32, #tpu.memory_space<vmem>>) target_semaphore(%run_scoped3A : memref<!tpu.dma_semaphore, #tpu.memory_space<semaphore_mem>>)
        %dma_wait3A = tpu.memref_slice %arg3[%mul3A_13] : memref<102400xi32, #tpu.memory_space<hbm>> -> memref<6400xi32, #tpu.memory_space<hbm>>
        %dma_wait3A_25 = tpu.memref_slice %arg3[%mul3A_13] : memref<102400xi32, #tpu.memory_space<hbm>> -> memref<6400xi32, #tpu.memory_space<hbm>>
        tpu.wait_dma2 semaphore(%run_scoped3A : memref<!tpu.dma_semaphore, #tpu.memory_space<semaphore_mem>>) src(%dma_wait3A_25 : memref<6400xi32, #tpu.memory_space<hbm>>) dst(%arg8 : memref<6400xi32, #tpu.memory_space<vmem>>)
        tpu.yield
      }) : () -> ()
      %mul3A_14 = arith.constant 2 : i32
      %mul3A_15 = arith.muli %mul3A_14, %add3A : i32
      %mul3A_16 = arith.constant 50 : i32
      %mul3A_17 = arith.muli %scan3A_11, %mul3A_16 : i32
      "tpu.region"() ({
        %run_scoped3A = tpu.sem_alloc : memref<!tpu.dma_semaphore, #tpu.memory_space<semaphore_mem>>
        %dma_start3A = arith.constant 0 : i32
        %dma_start3A_24 = tpu.memref_slice %arg2[%mul3A_15, %mul3A_17, %dma_start3A] : memref<64x800x128xf32, #tpu.memory_space<hbm>> -> memref<2x50x128xf32, #tpu.memory_space<hbm>>
        %dma_start3A_25 = arith.constant 0 : i32
        %dma_start3A_26 = tpu.memref_slice %arg2[%mul3A_15, %mul3A_17, %dma_start3A_25] : memref<64x800x128xf32, #tpu.memory_space<hbm>> -> memref<2x50x128xf32, #tpu.memory_space<hbm>>
        tpu.enqueue_dma source(%dma_start3A_26 : memref<2x50x128xf32, #tpu.memory_space<hbm>>) target(%arg9 : memref<2x50x128xf32, #tpu.memory_space<vmem>>) target_semaphore(%run_scoped3A : memref<!tpu.dma_semaphore, #tpu.memory_space<semaphore_mem>>)
        %dma_wait3A = arith.constant 0 : i32
        %dma_wait3A_27 = tpu.memref_slice %arg2[%mul3A_15, %mul3A_17, %dma_wait3A] : memref<64x800x128xf32, #tpu.memory_space<hbm>> -> memref<2x50x128xf32, #tpu.memory_space<hbm>>
        %dma_wait3A_28 = arith.constant 0 : i32
        %dma_wait3A_29 = tpu.memref_slice %arg2[%mul3A_15, %mul3A_17, %dma_wait3A_28] : memref<64x800x128xf32, #tpu.memory_space<hbm>> -> memref<2x50x128xf32, #tpu.memory_space<hbm>>
        tpu.wait_dma2 semaphore(%run_scoped3A : memref<!tpu.dma_semaphore, #tpu.memory_space<semaphore_mem>>) src(%dma_wait3A_29 : memref<2x50x128xf32, #tpu.memory_space<hbm>>) dst(%arg9 : memref<2x50x128xf32, #tpu.memory_space<vmem>>)
        tpu.yield
      }) : () -> ()
      %scan3A_18 = arith.constant 0 : i32
      %scan3A_19 = arith.constant 0 : i32
      %scan3A_20 = arith.constant 50 : i32
      %scan3A_21 = arith.addi %scan3A_19, %scan3A_20 : i32
      %scan3A_22 = arith.constant 1 : i32
      scf.for %scan3A_24 = %scan3A_19 to %scan3A_21 step %scan3A_22  : i32 {
        %mul3A_25 = arith.constant 128 : i32
        %mul3A_26 = arith.muli %scan3A_24, %mul3A_25 : i32
        %add3A_27 = arith.constant 0 : i32
        %add3A_28 = arith.addi %mul3A_26, %add3A_27 : i32
        %get3A = arith.index_cast %add3A_28 : i32 to index
        %get3A_29 = tpu.vector_load %arg8[%get3A] {strides = array<i32>} : memref<6400xi32, #tpu.memory_space<vmem>>, vector<16xi32>,
        %shift_right_logical3A = arith.constant 7 : i32
        %shift_right_logical3A_30 = vector.broadcast %shift_right_logical3A : i32 to vector<16xi32>
        %shift_right_logical3A_31 = arith.shrui %get3A_29, %shift_right_logical3A_30 : vector<16xi32>
        %and3A = arith.constant 127 : i32
        %and3A_32 = vector.broadcast %and3A : i32 to vector<16xi32>
        %and3A_33 = arith.andi %get3A_29, %and3A_32 : vector<16xi32>
        %get3A_34 = arith.constant 0 : i32
        %get3A_35 = arith.index_cast %get3A_34 : i32 to index
        %get3A_36 = arith.index_cast %scan3A_24 : i32 to index
        %get3A_37 = arith.constant 0 : index
        %get3A_38 = tpu.vector_load %arg9[%get3A_35, %get3A_36, %get3A_37] {strides = array<i32>} : memref<2x50x128xf32, #tpu.memory_space<vmem>>, vector<16xf32>,
        %get3A_39 = arith.constant 1 : i32
        %get3A_40 = arith.index_cast %get3A_39 : i32 to index
        %get3A_41 = arith.index_cast %scan3A_24 : i32 to index
        %get3A_42 = arith.constant 0 : index
        %get3A_43 = tpu.vector_load %arg9[%get3A_40, %get3A_41, %get3A_42] {strides = array<i32>} : memref<2x50x128xf32, #tpu.memory_space<vmem>>, vector<16xf32>,
        %broadcast_in_dim3A_44 = arith.constant 1 : i32
        %broadcast_in_dim3A_45 = vector.broadcast %broadcast_in_dim3A_44 : i32 to vector<16xi32>
        %while3A = arith.constant 1 : i32
        %while3A_46:2 = scf.while (%while3A_229 = %while3A, %while3A_230 = %broadcast_in_dim3A_45) : (i32, vector<16xi32>) -> (i32, vector<16xi32>) {
          %gt3A = arith.constant 0 : i32
          %gt3A_231 = arith.cmpi sgt, %while3A_229, %gt3A : i32
          scf.condition(%gt3A_231) %while3A_229, %while3A_230 : i32, vector<16xi32>
        } do {
        ^bb0(%while3A_229: i32, %while3A_230: vector<16xi32>):
          %ne3A = arith.constant 0 : i32
          %ne3A_231 = vector.broadcast %ne3A : i32 to vector<16xi32>
          %ne3A_232 = arith.cmpi ne, %while3A_230, %ne3A_231 : vector<16xi32>
          tpu.vector_store_idx %arg7[%get3A_29], %iota3A masked %ne3A_232 : memref<30080xi32, #tpu.memory_space<vmem>>[vector<16xi32>], vector<16xi32>, vector<16xi1>
          %gather3A = tpu.vector_load_idx %arg7[%get3A_29] : memref<30080xi32, #tpu.memory_space<vmem>>[vector<16xi32>], vector<16xi32>,
          %eq3A = arith.cmpi eq, %gather3A, %iota3A : vector<16xi32>
          %and3A_233 = arith.andi %ne3A_232, %eq3A : vector<16xi1>
          %gather3A_234 = tpu.vector_load_idx %arg6[%broadcast_in_dim3A_1, %shift_right_logical3A_31, %and3A_33] : memref<2x235x128xf32, #tpu.memory_space<vmem>>[vector<16xi32>, vector<16xi32>, vector<16xi32>], vector<16xf32>,
          %max3A = arith.maximumf %gather3A_234, %get3A_38 : vector<16xf32>
          tpu.vector_store_idx %arg6[%broadcast_in_dim3A_1, %shift_right_logical3A_31, %and3A_33], %max3A masked %and3A_233 : memref<2x235x128xf32, #tpu.memory_space<vmem>>[vector<16xi32>, vector<16xi32>, vector<16xi32>], vector<16xf32>, vector<16xi1>
          %gather3A_235 = tpu.vector_load_idx %arg6[%broadcast_in_dim3A_3, %shift_right_logical3A_31, %and3A_33] : memref<2x235x128xf32, #tpu.memory_space<vmem>>[vector<16xi32>, vector<16xi32>, vector<16xi32>], vector<16xf32>,
          %max3A_236 = arith.maximumf %gather3A_235, %get3A_43 : vector<16xf32>
          tpu.vector_store_idx %arg6[%broadcast_in_dim3A_3, %shift_right_logical3A_31, %and3A_33], %max3A_236 masked %and3A_233 : memref<2x235x128xf32, #tpu.memory_space<vmem>>[vector<16xi32>, vector<16xi32>, vector<16xi32>], vector<16xf32>, vector<16xi1>
          %not3A = arith.constant dense<true> : vector<16xi1>
          %not3A_237 = arith.xori %and3A_233, %not3A : vector<16xi1>
          %and3A_238 = arith.andi %ne3A_232, %not3A_237 : vector<16xi1>
          %convert_element_type3A = arith.extui %and3A_238 : vector<16xi1> to vector<16xi32>
          %reduce_max3A = arith.constant true
          %reduce_max3A_239 = vector.broadcast %reduce_max3A : i1 to vector<16xi1>
          %reduce_max3A_240 = arith.constant -2147483648 : i32
          %reduce_max3A_241 = vector.broadcast %reduce_max3A_240 : i32 to vector<16xi32>
          %reduce_max3A_242 = arith.xori %convert_element_type3A, %reduce_max3A_241 : vector<16xi32>
          %reduce_max3A_243 = tpu.scan <max>, %reduce_max3A_242 masked %reduce_max3A_239 : vector<16xi32>, vector<16xi1> -> vector<16xi32>
          %reduce_max3A_244 = arith.xori %reduce_max3A_243, %reduce_max3A_241 : vector<16xi32>
          %reduce_max3A_245 = vector.extract %reduce_max3A_244[15] : i32 from vector<16xi32>
          scf.yield %reduce_max3A_245, %convert_element_type3A : i32, vector<16xi32>
        }
        %mul3A_47 = arith.constant 128 : i32
        %mul3A_48 = arith.muli %scan3A_24, %mul3A_47 : i32
        %add3A_49 = arith.constant 16 : i32
        %add3A_50 = arith.addi %mul3A_48, %add3A_49 : i32
        %get3A_51 = arith.index_cast %add3A_50 : i32 to index
        %get3A_52 = tpu.vector_load %arg8[%get3A_51] {strides = array<i32>} : memref<6400xi32, #tpu.memory_space<vmem>>, vector<16xi32>,
        %shift_right_logical3A_53 = arith.constant 7 : i32
        %shift_right_logical3A_54 = vector.broadcast %shift_right_logical3A_53 : i32 to vector<16xi32>
        %shift_right_logical3A_55 = arith.shrui %get3A_52, %shift_right_logical3A_54 : vector<16xi32>
        %and3A_56 = arith.constant 127 : i32
        %and3A_57 = vector.broadcast %and3A_56 : i32 to vector<16xi32>
        %and3A_58 = arith.andi %get3A_52, %and3A_57 : vector<16xi32>
        %get3A_59 = arith.constant 0 : i32
        %get3A_60 = arith.index_cast %get3A_59 : i32 to index
        %get3A_61 = arith.index_cast %scan3A_24 : i32 to index
        %get3A_62 = arith.constant 16 : index
        %get3A_63 = tpu.vector_load %arg9[%get3A_60, %get3A_61, %get3A_62] {strides = array<i32>} : memref<2x50x128xf32, #tpu.memory_space<vmem>>, vector<16xf32>,
        %get3A_64 = arith.constant 1 : i32
        %get3A_65 = arith.index_cast %get3A_64 : i32 to index
        %get3A_66 = arith.index_cast %scan3A_24 : i32 to index
        %get3A_67 = arith.constant 16 : index
        %get3A_68 = tpu.vector_load %arg9[%get3A_65, %get3A_66, %get3A_67] {strides = array<i32>} : memref<2x50x128xf32, #tpu.memory_space<vmem>>, vector<16xf32>,
        %broadcast_in_dim3A_69 = arith.constant 1 : i32
        %broadcast_in_dim3A_70 = vector.broadcast %broadcast_in_dim3A_69 : i32 to vector<16xi32>
        %while3A_71 = arith.constant 1 : i32
        %while3A_72:2 = scf.while (%while3A_229 = %while3A_71, %while3A_230 = %broadcast_in_dim3A_70) : (i32, vector<16xi32>) -> (i32, vector<16xi32>) {
          %gt3A = arith.constant 0 : i32
          %gt3A_231 = arith.cmpi sgt, %while3A_229, %gt3A : i32
          scf.condition(%gt3A_231) %while3A_229, %while3A_230 : i32, vector<16xi32>
        } do {
        ^bb0(%while3A_229: i32, %while3A_230: vector<16xi32>):
          %ne3A = arith.constant 0 : i32
          %ne3A_231 = vector.broadcast %ne3A : i32 to vector<16xi32>
          %ne3A_232 = arith.cmpi ne, %while3A_230, %ne3A_231 : vector<16xi32>
          tpu.vector_store_idx %arg7[%get3A_52], %iota3A masked %ne3A_232 : memref<30080xi32, #tpu.memory_space<vmem>>[vector<16xi32>], vector<16xi32>, vector<16xi1>
          %gather3A = tpu.vector_load_idx %arg7[%get3A_52] : memref<30080xi32, #tpu.memory_space<vmem>>[vector<16xi32>], vector<16xi32>,
          %eq3A = arith.cmpi eq, %gather3A, %iota3A : vector<16xi32>
          %and3A_233 = arith.andi %ne3A_232, %eq3A : vector<16xi1>
          %gather3A_234 = tpu.vector_load_idx %arg6[%broadcast_in_dim3A_1, %shift_right_logical3A_55, %and3A_58] : memref<2x235x128xf32, #tpu.memory_space<vmem>>[vector<16xi32>, vector<16xi32>, vector<16xi32>], vector<16xf32>,
          %max3A = arith.maximumf %gather3A_234, %get3A_63 : vector<16xf32>
          tpu.vector_store_idx %arg6[%broadcast_in_dim3A_1, %shift_right_logical3A_55, %and3A_58], %max3A masked %and3A_233 : memref<2x235x128xf32, #tpu.memory_space<vmem>>[vector<16xi32>, vector<16xi32>, vector<16xi32>], vector<16xf32>, vector<16xi1>
          %gather3A_235 = tpu.vector_load_idx %arg6[%broadcast_in_dim3A_3, %shift_right_logical3A_55, %and3A_58] : memref<2x235x128xf32, #tpu.memory_space<vmem>>[vector<16xi32>, vector<16xi32>, vector<16xi32>], vector<16xf32>,
          %max3A_236 = arith.maximumf %gather3A_235, %get3A_68 : vector<16xf32>
          tpu.vector_store_idx %arg6[%broadcast_in_dim3A_3, %shift_right_logical3A_55, %and3A_58], %max3A_236 masked %and3A_233 : memref<2x235x128xf32, #tpu.memory_space<vmem>>[vector<16xi32>, vector<16xi32>, vector<16xi32>], vector<16xf32>, vector<16xi1>
          %not3A = arith.constant dense<true> : vector<16xi1>
          %not3A_237 = arith.xori %and3A_233, %not3A : vector<16xi1>
          %and3A_238 = arith.andi %ne3A_232, %not3A_237 : vector<16xi1>
          %convert_element_type3A = arith.extui %and3A_238 : vector<16xi1> to vector<16xi32>
          %reduce_max3A = arith.constant true
          %reduce_max3A_239 = vector.broadcast %reduce_max3A : i1 to vector<16xi1>
          %reduce_max3A_240 = arith.constant -2147483648 : i32
          %reduce_max3A_241 = vector.broadcast %reduce_max3A_240 : i32 to vector<16xi32>
          %reduce_max3A_242 = arith.xori %convert_element_type3A, %reduce_max3A_241 : vector<16xi32>
          %reduce_max3A_243 = tpu.scan <max>, %reduce_max3A_242 masked %reduce_max3A_239 : vector<16xi32>, vector<16xi1> -> vector<16xi32>
          %reduce_max3A_244 = arith.xori %reduce_max3A_243, %reduce_max3A_241 : vector<16xi32>
          %reduce_max3A_245 = vector.extract %reduce_max3A_244[15] : i32 from vector<16xi32>
          scf.yield %reduce_max3A_245, %convert_element_type3A : i32, vector<16xi32>
        }
        %mul3A_73 = arith.constant 128 : i32
        %mul3A_74 = arith.muli %scan3A_24, %mul3A_73 : i32
        %add3A_75 = arith.constant 32 : i32
        %add3A_76 = arith.addi %mul3A_74, %add3A_75 : i32
        %get3A_77 = arith.index_cast %add3A_76 : i32 to index
        %get3A_78 = tpu.vector_load %arg8[%get3A_77] {strides = array<i32>} : memref<6400xi32, #tpu.memory_space<vmem>>, vector<16xi32>,
        %shift_right_logical3A_79 = arith.constant 7 : i32
        %shift_right_logical3A_80 = vector.broadcast %shift_right_logical3A_79 : i32 to vector<16xi32>
        %shift_right_logical3A_81 = arith.shrui %get3A_78, %shift_right_logical3A_80 : vector<16xi32>
        %and3A_82 = arith.constant 127 : i32
        %and3A_83 = vector.broadcast %and3A_82 : i32 to vector<16xi32>
        %and3A_84 = arith.andi %get3A_78, %and3A_83 : vector<16xi32>
        %get3A_85 = arith.constant 0 : i32
        %get3A_86 = arith.index_cast %get3A_85 : i32 to index
        %get3A_87 = arith.index_cast %scan3A_24 : i32 to index
        %get3A_88 = arith.constant 32 : index
        %get3A_89 = tpu.vector_load %arg9[%get3A_86, %get3A_87, %get3A_88] {strides = array<i32>} : memref<2x50x128xf32, #tpu.memory_space<vmem>>, vector<16xf32>,
        %get3A_90 = arith.constant 1 : i32
        %get3A_91 = arith.index_cast %get3A_90 : i32 to index
        %get3A_92 = arith.index_cast %scan3A_24 : i32 to index
        %get3A_93 = arith.constant 32 : index
        %get3A_94 = tpu.vector_load %arg9[%get3A_91, %get3A_92, %get3A_93] {strides = array<i32>} : memref<2x50x128xf32, #tpu.memory_space<vmem>>, vector<16xf32>,
        %broadcast_in_dim3A_95 = arith.constant 1 : i32
        %broadcast_in_dim3A_96 = vector.broadcast %broadcast_in_dim3A_95 : i32 to vector<16xi32>
        %while3A_97 = arith.constant 1 : i32
        %while3A_98:2 = scf.while (%while3A_229 = %while3A_97, %while3A_230 = %broadcast_in_dim3A_96) : (i32, vector<16xi32>) -> (i32, vector<16xi32>) {
          %gt3A = arith.constant 0 : i32
          %gt3A_231 = arith.cmpi sgt, %while3A_229, %gt3A : i32
          scf.condition(%gt3A_231) %while3A_229, %while3A_230 : i32, vector<16xi32>
        } do {
        ^bb0(%while3A_229: i32, %while3A_230: vector<16xi32>):
          %ne3A = arith.constant 0 : i32
          %ne3A_231 = vector.broadcast %ne3A : i32 to vector<16xi32>
          %ne3A_232 = arith.cmpi ne, %while3A_230, %ne3A_231 : vector<16xi32>
          tpu.vector_store_idx %arg7[%get3A_78], %iota3A masked %ne3A_232 : memref<30080xi32, #tpu.memory_space<vmem>>[vector<16xi32>], vector<16xi32>, vector<16xi1>
          %gather3A = tpu.vector_load_idx %arg7[%get3A_78] : memref<30080xi32, #tpu.memory_space<vmem>>[vector<16xi32>], vector<16xi32>,
          %eq3A = arith.cmpi eq, %gather3A, %iota3A : vector<16xi32>
          %and3A_233 = arith.andi %ne3A_232, %eq3A : vector<16xi1>
          %gather3A_234 = tpu.vector_load_idx %arg6[%broadcast_in_dim3A_1, %shift_right_logical3A_81, %and3A_84] : memref<2x235x128xf32, #tpu.memory_space<vmem>>[vector<16xi32>, vector<16xi32>, vector<16xi32>], vector<16xf32>,
          %max3A = arith.maximumf %gather3A_234, %get3A_89 : vector<16xf32>
          tpu.vector_store_idx %arg6[%broadcast_in_dim3A_1, %shift_right_logical3A_81, %and3A_84], %max3A masked %and3A_233 : memref<2x235x128xf32, #tpu.memory_space<vmem>>[vector<16xi32>, vector<16xi32>, vector<16xi32>], vector<16xf32>, vector<16xi1>
          %gather3A_235 = tpu.vector_load_idx %arg6[%broadcast_in_dim3A_3, %shift_right_logical3A_81, %and3A_84] : memref<2x235x128xf32, #tpu.memory_space<vmem>>[vector<16xi32>, vector<16xi32>, vector<16xi32>], vector<16xf32>,
          %max3A_236 = arith.maximumf %gather3A_235, %get3A_94 : vector<16xf32>
          tpu.vector_store_idx %arg6[%broadcast_in_dim3A_3, %shift_right_logical3A_81, %and3A_84], %max3A_236 masked %and3A_233 : memref<2x235x128xf32, #tpu.memory_space<vmem>>[vector<16xi32>, vector<16xi32>, vector<16xi32>], vector<16xf32>, vector<16xi1>
          %not3A = arith.constant dense<true> : vector<16xi1>
          %not3A_237 = arith.xori %and3A_233, %not3A : vector<16xi1>
          %and3A_238 = arith.andi %ne3A_232, %not3A_237 : vector<16xi1>
          %convert_element_type3A = arith.extui %and3A_238 : vector<16xi1> to vector<16xi32>
          %reduce_max3A = arith.constant true
          %reduce_max3A_239 = vector.broadcast %reduce_max3A : i1 to vector<16xi1>
          %reduce_max3A_240 = arith.constant -2147483648 : i32
          %reduce_max3A_241 = vector.broadcast %reduce_max3A_240 : i32 to vector<16xi32>
          %reduce_max3A_242 = arith.xori %convert_element_type3A, %reduce_max3A_241 : vector<16xi32>
          %reduce_max3A_243 = tpu.scan <max>, %reduce_max3A_242 masked %reduce_max3A_239 : vector<16xi32>, vector<16xi1> -> vector<16xi32>
          %reduce_max3A_244 = arith.xori %reduce_max3A_243, %reduce_max3A_241 : vector<16xi32>
          %reduce_max3A_245 = vector.extract %reduce_max3A_244[15] : i32 from vector<16xi32>
          scf.yield %reduce_max3A_245, %convert_element_type3A : i32, vector<16xi32>
        }
        %mul3A_99 = arith.constant 128 : i32
        %mul3A_100 = arith.muli %scan3A_24, %mul3A_99 : i32
        %add3A_101 = arith.constant 48 : i32
        %add3A_102 = arith.addi %mul3A_100, %add3A_101 : i32
        %get3A_103 = arith.index_cast %add3A_102 : i32 to index
        %get3A_104 = tpu.vector_load %arg8[%get3A_103] {strides = array<i32>} : memref<6400xi32, #tpu.memory_space<vmem>>, vector<16xi32>,
        %shift_right_logical3A_105 = arith.constant 7 : i32
        %shift_right_logical3A_106 = vector.broadcast %shift_right_logical3A_105 : i32 to vector<16xi32>
        %shift_right_logical3A_107 = arith.shrui %get3A_104, %shift_right_logical3A_106 : vector<16xi32>
        %and3A_108 = arith.constant 127 : i32
        %and3A_109 = vector.broadcast %and3A_108 : i32 to vector<16xi32>
        %and3A_110 = arith.andi %get3A_104, %and3A_109 : vector<16xi32>
        %get3A_111 = arith.constant 0 : i32
        %get3A_112 = arith.index_cast %get3A_111 : i32 to index
        %get3A_113 = arith.index_cast %scan3A_24 : i32 to index
        %get3A_114 = arith.constant 48 : index
        %get3A_115 = tpu.vector_load %arg9[%get3A_112, %get3A_113, %get3A_114] {strides = array<i32>} : memref<2x50x128xf32, #tpu.memory_space<vmem>>, vector<16xf32>,
        %get3A_116 = arith.constant 1 : i32
        %get3A_117 = arith.index_cast %get3A_116 : i32 to index
        %get3A_118 = arith.index_cast %scan3A_24 : i32 to index
        %get3A_119 = arith.constant 48 : index
        %get3A_120 = tpu.vector_load %arg9[%get3A_117, %get3A_118, %get3A_119] {strides = array<i32>} : memref<2x50x128xf32, #tpu.memory_space<vmem>>, vector<16xf32>,
        %broadcast_in_dim3A_121 = arith.constant 1 : i32
        %broadcast_in_dim3A_122 = vector.broadcast %broadcast_in_dim3A_121 : i32 to vector<16xi32>
        %while3A_123 = arith.constant 1 : i32
        %while3A_124:2 = scf.while (%while3A_229 = %while3A_123, %while3A_230 = %broadcast_in_dim3A_122) : (i32, vector<16xi32>) -> (i32, vector<16xi32>) {
          %gt3A = arith.constant 0 : i32
          %gt3A_231 = arith.cmpi sgt, %while3A_229, %gt3A : i32
          scf.condition(%gt3A_231) %while3A_229, %while3A_230 : i32, vector<16xi32>
        } do {
        ^bb0(%while3A_229: i32, %while3A_230: vector<16xi32>):
          %ne3A = arith.constant 0 : i32
          %ne3A_231 = vector.broadcast %ne3A : i32 to vector<16xi32>
          %ne3A_232 = arith.cmpi ne, %while3A_230, %ne3A_231 : vector<16xi32>
          tpu.vector_store_idx %arg7[%get3A_104], %iota3A masked %ne3A_232 : memref<30080xi32, #tpu.memory_space<vmem>>[vector<16xi32>], vector<16xi32>, vector<16xi1>
          %gather3A = tpu.vector_load_idx %arg7[%get3A_104] : memref<30080xi32, #tpu.memory_space<vmem>>[vector<16xi32>], vector<16xi32>,
          %eq3A = arith.cmpi eq, %gather3A, %iota3A : vector<16xi32>
          %and3A_233 = arith.andi %ne3A_232, %eq3A : vector<16xi1>
          %gather3A_234 = tpu.vector_load_idx %arg6[%broadcast_in_dim3A_1, %shift_right_logical3A_107, %and3A_110] : memref<2x235x128xf32, #tpu.memory_space<vmem>>[vector<16xi32>, vector<16xi32>, vector<16xi32>], vector<16xf32>,
          %max3A = arith.maximumf %gather3A_234, %get3A_115 : vector<16xf32>
          tpu.vector_store_idx %arg6[%broadcast_in_dim3A_1, %shift_right_logical3A_107, %and3A_110], %max3A masked %and3A_233 : memref<2x235x128xf32, #tpu.memory_space<vmem>>[vector<16xi32>, vector<16xi32>, vector<16xi32>], vector<16xf32>, vector<16xi1>
          %gather3A_235 = tpu.vector_load_idx %arg6[%broadcast_in_dim3A_3, %shift_right_logical3A_107, %and3A_110] : memref<2x235x128xf32, #tpu.memory_space<vmem>>[vector<16xi32>, vector<16xi32>, vector<16xi32>], vector<16xf32>,
          %max3A_236 = arith.maximumf %gather3A_235, %get3A_120 : vector<16xf32>
          tpu.vector_store_idx %arg6[%broadcast_in_dim3A_3, %shift_right_logical3A_107, %and3A_110], %max3A_236 masked %and3A_233 : memref<2x235x128xf32, #tpu.memory_space<vmem>>[vector<16xi32>, vector<16xi32>, vector<16xi32>], vector<16xf32>, vector<16xi1>
          %not3A = arith.constant dense<true> : vector<16xi1>
          %not3A_237 = arith.xori %and3A_233, %not3A : vector<16xi1>
          %and3A_238 = arith.andi %ne3A_232, %not3A_237 : vector<16xi1>
          %convert_element_type3A = arith.extui %and3A_238 : vector<16xi1> to vector<16xi32>
          %reduce_max3A = arith.constant true
          %reduce_max3A_239 = vector.broadcast %reduce_max3A : i1 to vector<16xi1>
          %reduce_max3A_240 = arith.constant -2147483648 : i32
          %reduce_max3A_241 = vector.broadcast %reduce_max3A_240 : i32 to vector<16xi32>
          %reduce_max3A_242 = arith.xori %convert_element_type3A, %reduce_max3A_241 : vector<16xi32>
          %reduce_max3A_243 = tpu.scan <max>, %reduce_max3A_242 masked %reduce_max3A_239 : vector<16xi32>, vector<16xi1> -> vector<16xi32>
          %reduce_max3A_244 = arith.xori %reduce_max3A_243, %reduce_max3A_241 : vector<16xi32>
          %reduce_max3A_245 = vector.extract %reduce_max3A_244[15] : i32 from vector<16xi32>
          scf.yield %reduce_max3A_245, %convert_element_type3A : i32, vector<16xi32>
        }
        %mul3A_125 = arith.constant 128 : i32
        %mul3A_126 = arith.muli %scan3A_24, %mul3A_125 : i32
        %add3A_127 = arith.constant 64 : i32
        %add3A_128 = arith.addi %mul3A_126, %add3A_127 : i32
        %get3A_129 = arith.index_cast %add3A_128 : i32 to index
        %get3A_130 = tpu.vector_load %arg8[%get3A_129] {strides = array<i32>} : memref<6400xi32, #tpu.memory_space<vmem>>, vector<16xi32>,
        %shift_right_logical3A_131 = arith.constant 7 : i32
        %shift_right_logical3A_132 = vector.broadcast %shift_right_logical3A_131 : i32 to vector<16xi32>
        %shift_right_logical3A_133 = arith.shrui %get3A_130, %shift_right_logical3A_132 : vector<16xi32>
        %and3A_134 = arith.constant 127 : i32
        %and3A_135 = vector.broadcast %and3A_134 : i32 to vector<16xi32>
        %and3A_136 = arith.andi %get3A_130, %and3A_135 : vector<16xi32>
        %get3A_137 = arith.constant 0 : i32
        %get3A_138 = arith.index_cast %get3A_137 : i32 to index
        %get3A_139 = arith.index_cast %scan3A_24 : i32 to index
        %get3A_140 = arith.constant 64 : index
        %get3A_141 = tpu.vector_load %arg9[%get3A_138, %get3A_139, %get3A_140] {strides = array<i32>} : memref<2x50x128xf32, #tpu.memory_space<vmem>>, vector<16xf32>,
        %get3A_142 = arith.constant 1 : i32
        %get3A_143 = arith.index_cast %get3A_142 : i32 to index
        %get3A_144 = arith.index_cast %scan3A_24 : i32 to index
        %get3A_145 = arith.constant 64 : index
        %get3A_146 = tpu.vector_load %arg9[%get3A_143, %get3A_144, %get3A_145] {strides = array<i32>} : memref<2x50x128xf32, #tpu.memory_space<vmem>>, vector<16xf32>,
        %broadcast_in_dim3A_147 = arith.constant 1 : i32
        %broadcast_in_dim3A_148 = vector.broadcast %broadcast_in_dim3A_147 : i32 to vector<16xi32>
        %while3A_149 = arith.constant 1 : i32
        %while3A_150:2 = scf.while (%while3A_229 = %while3A_149, %while3A_230 = %broadcast_in_dim3A_148) : (i32, vector<16xi32>) -> (i32, vector<16xi32>) {
          %gt3A = arith.constant 0 : i32
          %gt3A_231 = arith.cmpi sgt, %while3A_229, %gt3A : i32
          scf.condition(%gt3A_231) %while3A_229, %while3A_230 : i32, vector<16xi32>
        } do {
        ^bb0(%while3A_229: i32, %while3A_230: vector<16xi32>):
          %ne3A = arith.constant 0 : i32
          %ne3A_231 = vector.broadcast %ne3A : i32 to vector<16xi32>
          %ne3A_232 = arith.cmpi ne, %while3A_230, %ne3A_231 : vector<16xi32>
          tpu.vector_store_idx %arg7[%get3A_130], %iota3A masked %ne3A_232 : memref<30080xi32, #tpu.memory_space<vmem>>[vector<16xi32>], vector<16xi32>, vector<16xi1>
          %gather3A = tpu.vector_load_idx %arg7[%get3A_130] : memref<30080xi32, #tpu.memory_space<vmem>>[vector<16xi32>], vector<16xi32>,
          %eq3A = arith.cmpi eq, %gather3A, %iota3A : vector<16xi32>
          %and3A_233 = arith.andi %ne3A_232, %eq3A : vector<16xi1>
          %gather3A_234 = tpu.vector_load_idx %arg6[%broadcast_in_dim3A_1, %shift_right_logical3A_133, %and3A_136] : memref<2x235x128xf32, #tpu.memory_space<vmem>>[vector<16xi32>, vector<16xi32>, vector<16xi32>], vector<16xf32>,
          %max3A = arith.maximumf %gather3A_234, %get3A_141 : vector<16xf32>
          tpu.vector_store_idx %arg6[%broadcast_in_dim3A_1, %shift_right_logical3A_133, %and3A_136], %max3A masked %and3A_233 : memref<2x235x128xf32, #tpu.memory_space<vmem>>[vector<16xi32>, vector<16xi32>, vector<16xi32>], vector<16xf32>, vector<16xi1>
          %gather3A_235 = tpu.vector_load_idx %arg6[%broadcast_in_dim3A_3, %shift_right_logical3A_133, %and3A_136] : memref<2x235x128xf32, #tpu.memory_space<vmem>>[vector<16xi32>, vector<16xi32>, vector<16xi32>], vector<16xf32>,
          %max3A_236 = arith.maximumf %gather3A_235, %get3A_146 : vector<16xf32>
          tpu.vector_store_idx %arg6[%broadcast_in_dim3A_3, %shift_right_logical3A_133, %and3A_136], %max3A_236 masked %and3A_233 : memref<2x235x128xf32, #tpu.memory_space<vmem>>[vector<16xi32>, vector<16xi32>, vector<16xi32>], vector<16xf32>, vector<16xi1>
          %not3A = arith.constant dense<true> : vector<16xi1>
          %not3A_237 = arith.xori %and3A_233, %not3A : vector<16xi1>
          %and3A_238 = arith.andi %ne3A_232, %not3A_237 : vector<16xi1>
          %convert_element_type3A = arith.extui %and3A_238 : vector<16xi1> to vector<16xi32>
          %reduce_max3A = arith.constant true
          %reduce_max3A_239 = vector.broadcast %reduce_max3A : i1 to vector<16xi1>
          %reduce_max3A_240 = arith.constant -2147483648 : i32
          %reduce_max3A_241 = vector.broadcast %reduce_max3A_240 : i32 to vector<16xi32>
          %reduce_max3A_242 = arith.xori %convert_element_type3A, %reduce_max3A_241 : vector<16xi32>
          %reduce_max3A_243 = tpu.scan <max>, %reduce_max3A_242 masked %reduce_max3A_239 : vector<16xi32>, vector<16xi1> -> vector<16xi32>
          %reduce_max3A_244 = arith.xori %reduce_max3A_243, %reduce_max3A_241 : vector<16xi32>
          %reduce_max3A_245 = vector.extract %reduce_max3A_244[15] : i32 from vector<16xi32>
          scf.yield %reduce_max3A_245, %convert_element_type3A : i32, vector<16xi32>
        }
        %mul3A_151 = arith.constant 128 : i32
        %mul3A_152 = arith.muli %scan3A_24, %mul3A_151 : i32
        %add3A_153 = arith.constant 80 : i32
        %add3A_154 = arith.addi %mul3A_152, %add3A_153 : i32
        %get3A_155 = arith.index_cast %add3A_154 : i32 to index
        %get3A_156 = tpu.vector_load %arg8[%get3A_155] {strides = array<i32>} : memref<6400xi32, #tpu.memory_space<vmem>>, vector<16xi32>,
        %shift_right_logical3A_157 = arith.constant 7 : i32
        %shift_right_logical3A_158 = vector.broadcast %shift_right_logical3A_157 : i32 to vector<16xi32>
        %shift_right_logical3A_159 = arith.shrui %get3A_156, %shift_right_logical3A_158 : vector<16xi32>
        %and3A_160 = arith.constant 127 : i32
        %and3A_161 = vector.broadcast %and3A_160 : i32 to vector<16xi32>
        %and3A_162 = arith.andi %get3A_156, %and3A_161 : vector<16xi32>
        %get3A_163 = arith.constant 0 : i32
        %get3A_164 = arith.index_cast %get3A_163 : i32 to index
        %get3A_165 = arith.index_cast %scan3A_24 : i32 to index
        %get3A_166 = arith.constant 80 : index
        %get3A_167 = tpu.vector_load %arg9[%get3A_164, %get3A_165, %get3A_166] {strides = array<i32>} : memref<2x50x128xf32, #tpu.memory_space<vmem>>, vector<16xf32>,
        %get3A_168 = arith.constant 1 : i32
        %get3A_169 = arith.index_cast %get3A_168 : i32 to index
        %get3A_170 = arith.index_cast %scan3A_24 : i32 to index
        %get3A_171 = arith.constant 80 : index
        %get3A_172 = tpu.vector_load %arg9[%get3A_169, %get3A_170, %get3A_171] {strides = array<i32>} : memref<2x50x128xf32, #tpu.memory_space<vmem>>, vector<16xf32>,
        %broadcast_in_dim3A_173 = arith.constant 1 : i32
        %broadcast_in_dim3A_174 = vector.broadcast %broadcast_in_dim3A_173 : i32 to vector<16xi32>
        %while3A_175 = arith.constant 1 : i32
        %while3A_176:2 = scf.while (%while3A_229 = %while3A_175, %while3A_230 = %broadcast_in_dim3A_174) : (i32, vector<16xi32>) -> (i32, vector<16xi32>) {
          %gt3A = arith.constant 0 : i32
          %gt3A_231 = arith.cmpi sgt, %while3A_229, %gt3A : i32
          scf.condition(%gt3A_231) %while3A_229, %while3A_230 : i32, vector<16xi32>
        } do {
        ^bb0(%while3A_229: i32, %while3A_230: vector<16xi32>):
          %ne3A = arith.constant 0 : i32
          %ne3A_231 = vector.broadcast %ne3A : i32 to vector<16xi32>
          %ne3A_232 = arith.cmpi ne, %while3A_230, %ne3A_231 : vector<16xi32>
          tpu.vector_store_idx %arg7[%get3A_156], %iota3A masked %ne3A_232 : memref<30080xi32, #tpu.memory_space<vmem>>[vector<16xi32>], vector<16xi32>, vector<16xi1>
          %gather3A = tpu.vector_load_idx %arg7[%get3A_156] : memref<30080xi32, #tpu.memory_space<vmem>>[vector<16xi32>], vector<16xi32>,
          %eq3A = arith.cmpi eq, %gather3A, %iota3A : vector<16xi32>
          %and3A_233 = arith.andi %ne3A_232, %eq3A : vector<16xi1>
          %gather3A_234 = tpu.vector_load_idx %arg6[%broadcast_in_dim3A_1, %shift_right_logical3A_159, %and3A_162] : memref<2x235x128xf32, #tpu.memory_space<vmem>>[vector<16xi32>, vector<16xi32>, vector<16xi32>], vector<16xf32>,
          %max3A = arith.maximumf %gather3A_234, %get3A_167 : vector<16xf32>
          tpu.vector_store_idx %arg6[%broadcast_in_dim3A_1, %shift_right_logical3A_159, %and3A_162], %max3A masked %and3A_233 : memref<2x235x128xf32, #tpu.memory_space<vmem>>[vector<16xi32>, vector<16xi32>, vector<16xi32>], vector<16xf32>, vector<16xi1>
          %gather3A_235 = tpu.vector_load_idx %arg6[%broadcast_in_dim3A_3, %shift_right_logical3A_159, %and3A_162] : memref<2x235x128xf32, #tpu.memory_space<vmem>>[vector<16xi32>, vector<16xi32>, vector<16xi32>], vector<16xf32>,
          %max3A_236 = arith.maximumf %gather3A_235, %get3A_172 : vector<16xf32>
          tpu.vector_store_idx %arg6[%broadcast_in_dim3A_3, %shift_right_logical3A_159, %and3A_162], %max3A_236 masked %and3A_233 : memref<2x235x128xf32, #tpu.memory_space<vmem>>[vector<16xi32>, vector<16xi32>, vector<16xi32>], vector<16xf32>, vector<16xi1>
          %not3A = arith.constant dense<true> : vector<16xi1>
          %not3A_237 = arith.xori %and3A_233, %not3A : vector<16xi1>
          %and3A_238 = arith.andi %ne3A_232, %not3A_237 : vector<16xi1>
          %convert_element_type3A = arith.extui %and3A_238 : vector<16xi1> to vector<16xi32>
          %reduce_max3A = arith.constant true
          %reduce_max3A_239 = vector.broadcast %reduce_max3A : i1 to vector<16xi1>
          %reduce_max3A_240 = arith.constant -2147483648 : i32
          %reduce_max3A_241 = vector.broadcast %reduce_max3A_240 : i32 to vector<16xi32>
          %reduce_max3A_242 = arith.xori %convert_element_type3A, %reduce_max3A_241 : vector<16xi32>
          %reduce_max3A_243 = tpu.scan <max>, %reduce_max3A_242 masked %reduce_max3A_239 : vector<16xi32>, vector<16xi1> -> vector<16xi32>
          %reduce_max3A_244 = arith.xori %reduce_max3A_243, %reduce_max3A_241 : vector<16xi32>
          %reduce_max3A_245 = vector.extract %reduce_max3A_244[15] : i32 from vector<16xi32>
          scf.yield %reduce_max3A_245, %convert_element_type3A : i32, vector<16xi32>
        }
        %mul3A_177 = arith.constant 128 : i32
        %mul3A_178 = arith.muli %scan3A_24, %mul3A_177 : i32
        %add3A_179 = arith.constant 96 : i32
        %add3A_180 = arith.addi %mul3A_178, %add3A_179 : i32
        %get3A_181 = arith.index_cast %add3A_180 : i32 to index
        %get3A_182 = tpu.vector_load %arg8[%get3A_181] {strides = array<i32>} : memref<6400xi32, #tpu.memory_space<vmem>>, vector<16xi32>,
        %shift_right_logical3A_183 = arith.constant 7 : i32
        %shift_right_logical3A_184 = vector.broadcast %shift_right_logical3A_183 : i32 to vector<16xi32>
        %shift_right_logical3A_185 = arith.shrui %get3A_182, %shift_right_logical3A_184 : vector<16xi32>
        %and3A_186 = arith.constant 127 : i32
        %and3A_187 = vector.broadcast %and3A_186 : i32 to vector<16xi32>
        %and3A_188 = arith.andi %get3A_182, %and3A_187 : vector<16xi32>
        %get3A_189 = arith.constant 0 : i32
        %get3A_190 = arith.index_cast %get3A_189 : i32 to index
        %get3A_191 = arith.index_cast %scan3A_24 : i32 to index
        %get3A_192 = arith.constant 96 : index
        %get3A_193 = tpu.vector_load %arg9[%get3A_190, %get3A_191, %get3A_192] {strides = array<i32>} : memref<2x50x128xf32, #tpu.memory_space<vmem>>, vector<16xf32>,
        %get3A_194 = arith.constant 1 : i32
        %get3A_195 = arith.index_cast %get3A_194 : i32 to index
        %get3A_196 = arith.index_cast %scan3A_24 : i32 to index
        %get3A_197 = arith.constant 96 : index
        %get3A_198 = tpu.vector_load %arg9[%get3A_195, %get3A_196, %get3A_197] {strides = array<i32>} : memref<2x50x128xf32, #tpu.memory_space<vmem>>, vector<16xf32>,
        %broadcast_in_dim3A_199 = arith.constant 1 : i32
        %broadcast_in_dim3A_200 = vector.broadcast %broadcast_in_dim3A_199 : i32 to vector<16xi32>
        %while3A_201 = arith.constant 1 : i32
        %while3A_202:2 = scf.while (%while3A_229 = %while3A_201, %while3A_230 = %broadcast_in_dim3A_200) : (i32, vector<16xi32>) -> (i32, vector<16xi32>) {
          %gt3A = arith.constant 0 : i32
          %gt3A_231 = arith.cmpi sgt, %while3A_229, %gt3A : i32
          scf.condition(%gt3A_231) %while3A_229, %while3A_230 : i32, vector<16xi32>
        } do {
        ^bb0(%while3A_229: i32, %while3A_230: vector<16xi32>):
          %ne3A = arith.constant 0 : i32
          %ne3A_231 = vector.broadcast %ne3A : i32 to vector<16xi32>
          %ne3A_232 = arith.cmpi ne, %while3A_230, %ne3A_231 : vector<16xi32>
          tpu.vector_store_idx %arg7[%get3A_182], %iota3A masked %ne3A_232 : memref<30080xi32, #tpu.memory_space<vmem>>[vector<16xi32>], vector<16xi32>, vector<16xi1>
          %gather3A = tpu.vector_load_idx %arg7[%get3A_182] : memref<30080xi32, #tpu.memory_space<vmem>>[vector<16xi32>], vector<16xi32>,
          %eq3A = arith.cmpi eq, %gather3A, %iota3A : vector<16xi32>
          %and3A_233 = arith.andi %ne3A_232, %eq3A : vector<16xi1>
          %gather3A_234 = tpu.vector_load_idx %arg6[%broadcast_in_dim3A_1, %shift_right_logical3A_185, %and3A_188] : memref<2x235x128xf32, #tpu.memory_space<vmem>>[vector<16xi32>, vector<16xi32>, vector<16xi32>], vector<16xf32>,
          %max3A = arith.maximumf %gather3A_234, %get3A_193 : vector<16xf32>
          tpu.vector_store_idx %arg6[%broadcast_in_dim3A_1, %shift_right_logical3A_185, %and3A_188], %max3A masked %and3A_233 : memref<2x235x128xf32, #tpu.memory_space<vmem>>[vector<16xi32>, vector<16xi32>, vector<16xi32>], vector<16xf32>, vector<16xi1>
          %gather3A_235 = tpu.vector_load_idx %arg6[%broadcast_in_dim3A_3, %shift_right_logical3A_185, %and3A_188] : memref<2x235x128xf32, #tpu.memory_space<vmem>>[vector<16xi32>, vector<16xi32>, vector<16xi32>], vector<16xf32>,
          %max3A_236 = arith.maximumf %gather3A_235, %get3A_198 : vector<16xf32>
          tpu.vector_store_idx %arg6[%broadcast_in_dim3A_3, %shift_right_logical3A_185, %and3A_188], %max3A_236 masked %and3A_233 : memref<2x235x128xf32, #tpu.memory_space<vmem>>[vector<16xi32>, vector<16xi32>, vector<16xi32>], vector<16xf32>, vector<16xi1>
          %not3A = arith.constant dense<true> : vector<16xi1>
          %not3A_237 = arith.xori %and3A_233, %not3A : vector<16xi1>
          %and3A_238 = arith.andi %ne3A_232, %not3A_237 : vector<16xi1>
          %convert_element_type3A = arith.extui %and3A_238 : vector<16xi1> to vector<16xi32>
          %reduce_max3A = arith.constant true
          %reduce_max3A_239 = vector.broadcast %reduce_max3A : i1 to vector<16xi1>
          %reduce_max3A_240 = arith.constant -2147483648 : i32
          %reduce_max3A_241 = vector.broadcast %reduce_max3A_240 : i32 to vector<16xi32>
          %reduce_max3A_242 = arith.xori %convert_element_type3A, %reduce_max3A_241 : vector<16xi32>
          %reduce_max3A_243 = tpu.scan <max>, %reduce_max3A_242 masked %reduce_max3A_239 : vector<16xi32>, vector<16xi1> -> vector<16xi32>
          %reduce_max3A_244 = arith.xori %reduce_max3A_243, %reduce_max3A_241 : vector<16xi32>
          %reduce_max3A_245 = vector.extract %reduce_max3A_244[15] : i32 from vector<16xi32>
          scf.yield %reduce_max3A_245, %convert_element_type3A : i32, vector<16xi32>
        }
        %mul3A_203 = arith.constant 128 : i32
        %mul3A_204 = arith.muli %scan3A_24, %mul3A_203 : i32
        %add3A_205 = arith.constant 112 : i32
        %add3A_206 = arith.addi %mul3A_204, %add3A_205 : i32
        %get3A_207 = arith.index_cast %add3A_206 : i32 to index
        %get3A_208 = tpu.vector_load %arg8[%get3A_207] {strides = array<i32>} : memref<6400xi32, #tpu.memory_space<vmem>>, vector<16xi32>,
        %shift_right_logical3A_209 = arith.constant 7 : i32
        %shift_right_logical3A_210 = vector.broadcast %shift_right_logical3A_209 : i32 to vector<16xi32>
        %shift_right_logical3A_211 = arith.shrui %get3A_208, %shift_right_logical3A_210 : vector<16xi32>
        %and3A_212 = arith.constant 127 : i32
        %and3A_213 = vector.broadcast %and3A_212 : i32 to vector<16xi32>
        %and3A_214 = arith.andi %get3A_208, %and3A_213 : vector<16xi32>
        %get3A_215 = arith.constant 0 : i32
        %get3A_216 = arith.index_cast %get3A_215 : i32 to index
        %get3A_217 = arith.index_cast %scan3A_24 : i32 to index
        %get3A_218 = arith.constant 112 : index
        %get3A_219 = tpu.vector_load %arg9[%get3A_216, %get3A_217, %get3A_218] {strides = array<i32>} : memref<2x50x128xf32, #tpu.memory_space<vmem>>, vector<16xf32>,
        %get3A_220 = arith.constant 1 : i32
        %get3A_221 = arith.index_cast %get3A_220 : i32 to index
        %get3A_222 = arith.index_cast %scan3A_24 : i32 to index
        %get3A_223 = arith.constant 112 : index
        %get3A_224 = tpu.vector_load %arg9[%get3A_221, %get3A_222, %get3A_223] {strides = array<i32>} : memref<2x50x128xf32, #tpu.memory_space<vmem>>, vector<16xf32>,
        %broadcast_in_dim3A_225 = arith.constant 1 : i32
        %broadcast_in_dim3A_226 = vector.broadcast %broadcast_in_dim3A_225 : i32 to vector<16xi32>
        %while3A_227 = arith.constant 1 : i32
        %while3A_228:2 = scf.while (%while3A_229 = %while3A_227, %while3A_230 = %broadcast_in_dim3A_226) : (i32, vector<16xi32>) -> (i32, vector<16xi32>) {
          %gt3A = arith.constant 0 : i32
          %gt3A_231 = arith.cmpi sgt, %while3A_229, %gt3A : i32
          scf.condition(%gt3A_231) %while3A_229, %while3A_230 : i32, vector<16xi32>
        } do {
        ^bb0(%while3A_229: i32, %while3A_230: vector<16xi32>):
          %ne3A = arith.constant 0 : i32
          %ne3A_231 = vector.broadcast %ne3A : i32 to vector<16xi32>
          %ne3A_232 = arith.cmpi ne, %while3A_230, %ne3A_231 : vector<16xi32>
          tpu.vector_store_idx %arg7[%get3A_208], %iota3A masked %ne3A_232 : memref<30080xi32, #tpu.memory_space<vmem>>[vector<16xi32>], vector<16xi32>, vector<16xi1>
          %gather3A = tpu.vector_load_idx %arg7[%get3A_208] : memref<30080xi32, #tpu.memory_space<vmem>>[vector<16xi32>], vector<16xi32>,
          %eq3A = arith.cmpi eq, %gather3A, %iota3A : vector<16xi32>
          %and3A_233 = arith.andi %ne3A_232, %eq3A : vector<16xi1>
          %gather3A_234 = tpu.vector_load_idx %arg6[%broadcast_in_dim3A_1, %shift_right_logical3A_211, %and3A_214] : memref<2x235x128xf32, #tpu.memory_space<vmem>>[vector<16xi32>, vector<16xi32>, vector<16xi32>], vector<16xf32>,
          %max3A = arith.maximumf %gather3A_234, %get3A_219 : vector<16xf32>
          tpu.vector_store_idx %arg6[%broadcast_in_dim3A_1, %shift_right_logical3A_211, %and3A_214], %max3A masked %and3A_233 : memref<2x235x128xf32, #tpu.memory_space<vmem>>[vector<16xi32>, vector<16xi32>, vector<16xi32>], vector<16xf32>, vector<16xi1>
          %gather3A_235 = tpu.vector_load_idx %arg6[%broadcast_in_dim3A_3, %shift_right_logical3A_211, %and3A_214] : memref<2x235x128xf32, #tpu.memory_space<vmem>>[vector<16xi32>, vector<16xi32>, vector<16xi32>], vector<16xf32>,
          %max3A_236 = arith.maximumf %gather3A_235, %get3A_224 : vector<16xf32>
          tpu.vector_store_idx %arg6[%broadcast_in_dim3A_3, %shift_right_logical3A_211, %and3A_214], %max3A_236 masked %and3A_233 : memref<2x235x128xf32, #tpu.memory_space<vmem>>[vector<16xi32>, vector<16xi32>, vector<16xi32>], vector<16xf32>, vector<16xi1>
          %not3A = arith.constant dense<true> : vector<16xi1>
          %not3A_237 = arith.xori %and3A_233, %not3A : vector<16xi1>
          %and3A_238 = arith.andi %ne3A_232, %not3A_237 : vector<16xi1>
          %convert_element_type3A = arith.extui %and3A_238 : vector<16xi1> to vector<16xi32>
          %reduce_max3A = arith.constant true
          %reduce_max3A_239 = vector.broadcast %reduce_max3A : i1 to vector<16xi1>
          %reduce_max3A_240 = arith.constant -2147483648 : i32
          %reduce_max3A_241 = vector.broadcast %reduce_max3A_240 : i32 to vector<16xi32>
          %reduce_max3A_242 = arith.xori %convert_element_type3A, %reduce_max3A_241 : vector<16xi32>
          %reduce_max3A_243 = tpu.scan <max>, %reduce_max3A_242 masked %reduce_max3A_239 : vector<16xi32>, vector<16xi1> -> vector<16xi32>
          %reduce_max3A_244 = arith.xori %reduce_max3A_243, %reduce_max3A_241 : vector<16xi32>
          %reduce_max3A_245 = vector.extract %reduce_max3A_244[15] : i32 from vector<16xi32>
          scf.yield %reduce_max3A_245, %convert_element_type3A : i32, vector<16xi32>
        }
      }
      %scan3A_23 = arith.constant 50 : i32
    }
    %scan3A_8 = arith.constant 16 : i32
    %mul3A_9 = arith.constant 2 : i32
    %mul3A_10 = arith.muli %mul3A_9, %add3A : i32
    "tpu.region"() ({
      %run_scoped3A = tpu.sem_alloc : memref<!tpu.dma_semaphore, #tpu.memory_space<semaphore_mem>>
      %dma_start3A = arith.constant 0 : i32
      %dma_start3A_11 = arith.constant 0 : i32
      %dma_start3A_12 = tpu.memref_slice %arg5[%mul3A_10, %dma_start3A, %dma_start3A_11] : memref<64x235x128xf32, #tpu.memory_space<hbm>> -> memref<2x235x128xf32, #tpu.memory_space<hbm>>
      %dma_start3A_13 = arith.constant 0 : i32
      %dma_start3A_14 = arith.constant 0 : i32
      %dma_start3A_15 = tpu.memref_slice %arg5[%mul3A_10, %dma_start3A_13, %dma_start3A_14] : memref<64x235x128xf32, #tpu.memory_space<hbm>> -> memref<2x235x128xf32, #tpu.memory_space<hbm>>
      tpu.enqueue_dma source(%arg6 : memref<2x235x128xf32, #tpu.memory_space<vmem>>) target(%dma_start3A_15 : memref<2x235x128xf32, #tpu.memory_space<hbm>>) target_semaphore(%run_scoped3A : memref<!tpu.dma_semaphore, #tpu.memory_space<semaphore_mem>>)
      %dma_wait3A = arith.constant 0 : i32
      %dma_wait3A_16 = arith.constant 0 : i32
      %dma_wait3A_17 = tpu.memref_slice %arg5[%mul3A_10, %dma_wait3A, %dma_wait3A_16] : memref<64x235x128xf32, #tpu.memory_space<hbm>> -> memref<2x235x128xf32, #tpu.memory_space<hbm>>
      %dma_wait3A_18 = arith.constant 0 : i32
      %dma_wait3A_19 = arith.constant 0 : i32
      %dma_wait3A_20 = tpu.memref_slice %arg5[%mul3A_10, %dma_wait3A_18, %dma_wait3A_19] : memref<64x235x128xf32, #tpu.memory_space<hbm>> -> memref<2x235x128xf32, #tpu.memory_space<hbm>>
      tpu.wait_dma2 semaphore(%run_scoped3A : memref<!tpu.dma_semaphore, #tpu.memory_space<semaphore_mem>>) src(%arg6 : memref<2x235x128xf32, #tpu.memory_space<vmem>>) dst(%dma_wait3A_20 : memref<2x235x128xf32, #tpu.memory_space<hbm>>)
      tpu.yield
    }) : () -> ()
    return
  }
}

#map = affine_map<(d0, d1) -> (0, 0)>
module attributes {stable_mosaic.version = 14 : i64} {
  func.func @k(%arg0: i32, %arg1: i32, %arg2: memref<12288x128xf32, #tpu.memory_space<hbm>>, %arg3: memref<96x128xi32, #tpu.memory_space<hbm>>, %arg4: memref<4096x128xf32, #tpu.memory_space<hbm>>, %arg5: memref<8192x128xf32, #tpu.memory_space<hbm>>, %arg6: memref<3x128xi32, #tpu.memory_space<vmem>>, %arg7: memref<384x128xf32, #tpu.memory_space<vmem>>, %arg8: memref<4096x128xf32, #tpu.memory_space<vmem_shared>>, %arg9: memref<!tpu.dma_semaphore, #tpu.memory_space<semaphore_mem>>) attributes {dimension_semantics = [#tpu.dimension_semantics<core_parallel>, #tpu.dimension_semantics<subcore_parallel>], iteration_bounds = array<i64: 2, 16>, scalar_prefetch = 0 : i64, scratch_operands = 4 : i64, tpu.core_type = #tpu.core_type<sc_vector_subcore>, window_params = [{transform_indices = #map}, {transform_indices = #map}, {transform_indices = #map}, {transform_indices = #map}]} {
    %mul3A = arith.constant 2 : i32
    %mul3A_0 = arith.muli %arg1, %mul3A : i32
    %add3A = arith.addi %mul3A_0, %arg0 : i32
    %mul3A_1 = arith.constant 256 : i32
    %mul3A_2 = arith.muli %arg1, %mul3A_1 : i32
    %mul3A_3 = arith.constant 256 : i32
    %mul3A_4 = arith.muli %arg1, %mul3A_3 : i32
    "tpu.region"() ({
      %run_scoped3A_19 = tpu.sem_alloc : memref<!tpu.dma_semaphore, #tpu.memory_space<semaphore_mem>>
      %dma_start3A = arith.constant 0 : i32
      %dma_start3A_20 = tpu.memref_slice %arg8[%mul3A_4, %dma_start3A] : memref<4096x128xf32, #tpu.memory_space<vmem_shared>> -> memref<256x128xf32, #tpu.memory_space<vmem_shared>>
      %dma_start3A_21 = arith.constant 0 : i32
      %dma_start3A_22 = tpu.memref_slice %arg4[%mul3A_2, %dma_start3A_21] : memref<4096x128xf32, #tpu.memory_space<hbm>> -> memref<256x128xf32, #tpu.memory_space<hbm>>
      tpu.enqueue_dma source(%dma_start3A_22 : memref<256x128xf32, #tpu.memory_space<hbm>>) target(%dma_start3A_20 : memref<256x128xf32, #tpu.memory_space<vmem_shared>>) target_semaphore(%run_scoped3A_19 : memref<!tpu.dma_semaphore, #tpu.memory_space<semaphore_mem>>)
      %dma_wait3A = arith.constant 0 : i32
      %dma_wait3A_23 = tpu.memref_slice %arg8[%mul3A_4, %dma_wait3A] : memref<4096x128xf32, #tpu.memory_space<vmem_shared>> -> memref<256x128xf32, #tpu.memory_space<vmem_shared>>
      %dma_wait3A_24 = arith.constant 0 : i32
      %dma_wait3A_25 = tpu.memref_slice %arg4[%mul3A_2, %dma_wait3A_24] : memref<4096x128xf32, #tpu.memory_space<hbm>> -> memref<256x128xf32, #tpu.memory_space<hbm>>
      tpu.wait_dma2 semaphore(%run_scoped3A_19 : memref<!tpu.dma_semaphore, #tpu.memory_space<semaphore_mem>>) src(%dma_wait3A_25 : memref<256x128xf32, #tpu.memory_space<hbm>>) dst(%dma_wait3A_23 : memref<256x128xf32, #tpu.memory_space<vmem_shared>>)
      tpu.yield
    }) : () -> ()
    %barrier3A = arith.constant 0 : index
    tpu.barrier barrier_id(%barrier3A)
    %mul3A_5 = arith.constant 3 : i32
    %mul3A_6 = arith.muli %add3A, %mul3A_5 : i32
    "tpu.region"() ({
      %run_scoped3A_19 = tpu.sem_alloc : memref<!tpu.dma_semaphore, #tpu.memory_space<semaphore_mem>>
      %dma_start3A = arith.constant 0 : i32
      %dma_start3A_20 = tpu.memref_slice %arg3[%mul3A_6, %dma_start3A] : memref<96x128xi32, #tpu.memory_space<hbm>> -> memref<3x128xi32, #tpu.memory_space<hbm>>
      %dma_start3A_21 = arith.constant 0 : i32
      %dma_start3A_22 = tpu.memref_slice %arg3[%mul3A_6, %dma_start3A_21] : memref<96x128xi32, #tpu.memory_space<hbm>> -> memref<3x128xi32, #tpu.memory_space<hbm>>
      tpu.enqueue_dma source(%dma_start3A_22 : memref<3x128xi32, #tpu.memory_space<hbm>>) target(%arg6 : memref<3x128xi32, #tpu.memory_space<vmem>>) target_semaphore(%run_scoped3A_19 : memref<!tpu.dma_semaphore, #tpu.memory_space<semaphore_mem>>)
      %dma_wait3A = arith.constant 0 : i32
      %dma_wait3A_23 = tpu.memref_slice %arg3[%mul3A_6, %dma_wait3A] : memref<96x128xi32, #tpu.memory_space<hbm>> -> memref<3x128xi32, #tpu.memory_space<hbm>>
      %dma_wait3A_24 = arith.constant 0 : i32
      %dma_wait3A_25 = tpu.memref_slice %arg3[%mul3A_6, %dma_wait3A_24] : memref<96x128xi32, #tpu.memory_space<hbm>> -> memref<3x128xi32, #tpu.memory_space<hbm>>
      tpu.wait_dma2 semaphore(%run_scoped3A_19 : memref<!tpu.dma_semaphore, #tpu.memory_space<semaphore_mem>>) src(%dma_wait3A_25 : memref<3x128xi32, #tpu.memory_space<hbm>>) dst(%arg6 : memref<3x128xi32, #tpu.memory_space<vmem>>)
      tpu.yield
    }) : () -> ()
    %mul3A_7 = arith.constant 384 : i32
    %mul3A_8 = arith.muli %add3A, %mul3A_7 : i32
    "tpu.region"() ({
      %run_scoped3A_19 = tpu.sem_alloc : memref<!tpu.dma_semaphore, #tpu.memory_space<semaphore_mem>>
      %dma_start3A = arith.constant 0 : i32
      %dma_start3A_20 = tpu.memref_slice %arg2[%mul3A_8, %dma_start3A] : memref<12288x128xf32, #tpu.memory_space<hbm>> -> memref<384x128xf32, #tpu.memory_space<hbm>>
      %dma_start3A_21 = arith.constant 0 : i32
      %dma_start3A_22 = tpu.memref_slice %arg2[%mul3A_8, %dma_start3A_21] : memref<12288x128xf32, #tpu.memory_space<hbm>> -> memref<384x128xf32, #tpu.memory_space<hbm>>
      tpu.enqueue_dma source(%dma_start3A_22 : memref<384x128xf32, #tpu.memory_space<hbm>>) target(%arg7 : memref<384x128xf32, #tpu.memory_space<vmem>>) target_semaphore(%run_scoped3A_19 : memref<!tpu.dma_semaphore, #tpu.memory_space<semaphore_mem>>)
      %dma_wait3A = arith.constant 0 : i32
      %dma_wait3A_23 = tpu.memref_slice %arg2[%mul3A_8, %dma_wait3A] : memref<12288x128xf32, #tpu.memory_space<hbm>> -> memref<384x128xf32, #tpu.memory_space<hbm>>
      %dma_wait3A_24 = arith.constant 0 : i32
      %dma_wait3A_25 = tpu.memref_slice %arg2[%mul3A_8, %dma_wait3A_24] : memref<12288x128xf32, #tpu.memory_space<hbm>> -> memref<384x128xf32, #tpu.memory_space<hbm>>
      tpu.wait_dma2 semaphore(%run_scoped3A_19 : memref<!tpu.dma_semaphore, #tpu.memory_space<semaphore_mem>>) src(%dma_wait3A_25 : memref<384x128xf32, #tpu.memory_space<hbm>>) dst(%arg7 : memref<384x128xf32, #tpu.memory_space<vmem>>)
      tpu.yield
    }) : () -> ()
    %run_scoped3A = arith.constant 0 : i32
    "tpu.region"() ({
      %run_scoped3A_19 = tpu.sem_alloc : memref<!tpu.dma_semaphore, #tpu.memory_space<semaphore_mem>>
      %dma_start3A = arith.constant 0 : i32
      %dma_start3A_20 = arith.constant 0 : i32
      %dma_start3A_21 = tpu.memref_slice %arg7[%dma_start3A, %dma_start3A_20] : memref<384x128xf32, #tpu.memory_space<vmem>> -> memref<128x128xf32, #tpu.memory_space<vmem>>
      %dma_start3A_22 = arith.constant 0 : i32
      %dma_start3A_23 = tpu.memref_slice %arg6[%run_scoped3A, %dma_start3A_22] : memref<3x128xi32, #tpu.memory_space<vmem>> -> memref<1x128xi32, #tpu.memory_space<vmem>>
      %dma_start3A_24 = tpu.memref_squeeze %dma_start3A_23 : memref<1x128xi32, #tpu.memory_space<vmem>> -> memref<128xi32, #tpu.memory_space<vmem>>
      %dma_start3A_25 = arith.constant 0 : i32
      %dma_start3A_26 = arith.constant 0 : i32
      %dma_start3A_27 = tpu.memref_slice %arg8[%dma_start3A_25, %dma_start3A_26] : memref<4096x128xf32, #tpu.memory_space<vmem_shared>> -> memref<4096x128xf32, #tpu.memory_space<vmem_shared>>
      tpu.enqueue_indirect_dma source(%dma_start3A_21 : memref<128x128xf32, #tpu.memory_space<vmem>>) target(%dma_start3A_27 : memref<4096x128xf32, #tpu.memory_space<vmem_shared>>) offsets(%dma_start3A_24 : memref<128xi32, #tpu.memory_space<vmem>>) semaphore(%run_scoped3A_19 : memref<!tpu.dma_semaphore, #tpu.memory_space<semaphore_mem>>) {add = true}
      %dma_wait3A = arith.constant 0 : i32
      %dma_wait3A_28 = arith.constant 0 : i32
      %dma_wait3A_29 = tpu.memref_slice %arg7[%dma_wait3A, %dma_wait3A_28] : memref<384x128xf32, #tpu.memory_space<vmem>> -> memref<128x128xf32, #tpu.memory_space<vmem>>
      %dma_wait3A_30 = arith.constant 0 : i32
      %dma_wait3A_31 = tpu.memref_slice %arg6[%run_scoped3A, %dma_wait3A_30] : memref<3x128xi32, #tpu.memory_space<vmem>> -> memref<1x128xi32, #tpu.memory_space<vmem>>
      %dma_wait3A_32 = tpu.memref_squeeze %dma_wait3A_31 : memref<1x128xi32, #tpu.memory_space<vmem>> -> memref<128xi32, #tpu.memory_space<vmem>>
      %dma_wait3A_33 = arith.constant 0 : i32
      %dma_wait3A_34 = arith.constant 0 : i32
      %dma_wait3A_35 = tpu.memref_slice %arg8[%dma_wait3A_33, %dma_wait3A_34] : memref<4096x128xf32, #tpu.memory_space<vmem_shared>> -> memref<4096x128xf32, #tpu.memory_space<vmem_shared>>
      tpu.wait_indirect_dma semaphore(%run_scoped3A_19 : memref<!tpu.dma_semaphore, #tpu.memory_space<semaphore_mem>>) src(%dma_wait3A_29 : memref<128x128xf32, #tpu.memory_space<vmem>>) dst(%dma_wait3A_35 : memref<4096x128xf32, #tpu.memory_space<vmem_shared>>)
      tpu.yield
    }) : () -> ()
    %run_scoped3A_9 = arith.constant 1 : i32
    "tpu.region"() ({
      %run_scoped3A_19 = tpu.sem_alloc : memref<!tpu.dma_semaphore, #tpu.memory_space<semaphore_mem>>
      %dma_start3A = arith.constant 128 : i32
      %dma_start3A_20 = arith.constant 0 : i32
      %dma_start3A_21 = tpu.memref_slice %arg7[%dma_start3A, %dma_start3A_20] : memref<384x128xf32, #tpu.memory_space<vmem>> -> memref<128x128xf32, #tpu.memory_space<vmem>>
      %dma_start3A_22 = arith.constant 0 : i32
      %dma_start3A_23 = tpu.memref_slice %arg6[%run_scoped3A_9, %dma_start3A_22] : memref<3x128xi32, #tpu.memory_space<vmem>> -> memref<1x128xi32, #tpu.memory_space<vmem>>
      %dma_start3A_24 = tpu.memref_squeeze %dma_start3A_23 : memref<1x128xi32, #tpu.memory_space<vmem>> -> memref<128xi32, #tpu.memory_space<vmem>>
      %dma_start3A_25 = arith.constant 0 : i32
      %dma_start3A_26 = arith.constant 0 : i32
      %dma_start3A_27 = tpu.memref_slice %arg8[%dma_start3A_25, %dma_start3A_26] : memref<4096x128xf32, #tpu.memory_space<vmem_shared>> -> memref<4096x128xf32, #tpu.memory_space<vmem_shared>>
      tpu.enqueue_indirect_dma source(%dma_start3A_21 : memref<128x128xf32, #tpu.memory_space<vmem>>) target(%dma_start3A_27 : memref<4096x128xf32, #tpu.memory_space<vmem_shared>>) offsets(%dma_start3A_24 : memref<128xi32, #tpu.memory_space<vmem>>) semaphore(%run_scoped3A_19 : memref<!tpu.dma_semaphore, #tpu.memory_space<semaphore_mem>>) {add = true}
      %dma_wait3A = arith.constant 128 : i32
      %dma_wait3A_28 = arith.constant 0 : i32
      %dma_wait3A_29 = tpu.memref_slice %arg7[%dma_wait3A, %dma_wait3A_28] : memref<384x128xf32, #tpu.memory_space<vmem>> -> memref<128x128xf32, #tpu.memory_space<vmem>>
      %dma_wait3A_30 = arith.constant 0 : i32
      %dma_wait3A_31 = tpu.memref_slice %arg6[%run_scoped3A_9, %dma_wait3A_30] : memref<3x128xi32, #tpu.memory_space<vmem>> -> memref<1x128xi32, #tpu.memory_space<vmem>>
      %dma_wait3A_32 = tpu.memref_squeeze %dma_wait3A_31 : memref<1x128xi32, #tpu.memory_space<vmem>> -> memref<128xi32, #tpu.memory_space<vmem>>
      %dma_wait3A_33 = arith.constant 0 : i32
      %dma_wait3A_34 = arith.constant 0 : i32
      %dma_wait3A_35 = tpu.memref_slice %arg8[%dma_wait3A_33, %dma_wait3A_34] : memref<4096x128xf32, #tpu.memory_space<vmem_shared>> -> memref<4096x128xf32, #tpu.memory_space<vmem_shared>>
      tpu.wait_indirect_dma semaphore(%run_scoped3A_19 : memref<!tpu.dma_semaphore, #tpu.memory_space<semaphore_mem>>) src(%dma_wait3A_29 : memref<128x128xf32, #tpu.memory_space<vmem>>) dst(%dma_wait3A_35 : memref<4096x128xf32, #tpu.memory_space<vmem_shared>>)
      tpu.yield
    }) : () -> ()
    %run_scoped3A_10 = arith.constant 2 : i32
    "tpu.region"() ({
      %run_scoped3A_19 = tpu.sem_alloc : memref<!tpu.dma_semaphore, #tpu.memory_space<semaphore_mem>>
      %dma_start3A = arith.constant 256 : i32
      %dma_start3A_20 = arith.constant 0 : i32
      %dma_start3A_21 = tpu.memref_slice %arg7[%dma_start3A, %dma_start3A_20] : memref<384x128xf32, #tpu.memory_space<vmem>> -> memref<128x128xf32, #tpu.memory_space<vmem>>
      %dma_start3A_22 = arith.constant 0 : i32
      %dma_start3A_23 = tpu.memref_slice %arg6[%run_scoped3A_10, %dma_start3A_22] : memref<3x128xi32, #tpu.memory_space<vmem>> -> memref<1x128xi32, #tpu.memory_space<vmem>>
      %dma_start3A_24 = tpu.memref_squeeze %dma_start3A_23 : memref<1x128xi32, #tpu.memory_space<vmem>> -> memref<128xi32, #tpu.memory_space<vmem>>
      %dma_start3A_25 = arith.constant 0 : i32
      %dma_start3A_26 = arith.constant 0 : i32
      %dma_start3A_27 = tpu.memref_slice %arg8[%dma_start3A_25, %dma_start3A_26] : memref<4096x128xf32, #tpu.memory_space<vmem_shared>> -> memref<4096x128xf32, #tpu.memory_space<vmem_shared>>
      tpu.enqueue_indirect_dma source(%dma_start3A_21 : memref<128x128xf32, #tpu.memory_space<vmem>>) target(%dma_start3A_27 : memref<4096x128xf32, #tpu.memory_space<vmem_shared>>) offsets(%dma_start3A_24 : memref<128xi32, #tpu.memory_space<vmem>>) semaphore(%run_scoped3A_19 : memref<!tpu.dma_semaphore, #tpu.memory_space<semaphore_mem>>) {add = true}
      %dma_wait3A = arith.constant 256 : i32
      %dma_wait3A_28 = arith.constant 0 : i32
      %dma_wait3A_29 = tpu.memref_slice %arg7[%dma_wait3A, %dma_wait3A_28] : memref<384x128xf32, #tpu.memory_space<vmem>> -> memref<128x128xf32, #tpu.memory_space<vmem>>
      %dma_wait3A_30 = arith.constant 0 : i32
      %dma_wait3A_31 = tpu.memref_slice %arg6[%run_scoped3A_10, %dma_wait3A_30] : memref<3x128xi32, #tpu.memory_space<vmem>> -> memref<1x128xi32, #tpu.memory_space<vmem>>
      %dma_wait3A_32 = tpu.memref_squeeze %dma_wait3A_31 : memref<1x128xi32, #tpu.memory_space<vmem>> -> memref<128xi32, #tpu.memory_space<vmem>>
      %dma_wait3A_33 = arith.constant 0 : i32
      %dma_wait3A_34 = arith.constant 0 : i32
      %dma_wait3A_35 = tpu.memref_slice %arg8[%dma_wait3A_33, %dma_wait3A_34] : memref<4096x128xf32, #tpu.memory_space<vmem_shared>> -> memref<4096x128xf32, #tpu.memory_space<vmem_shared>>
      tpu.wait_indirect_dma semaphore(%run_scoped3A_19 : memref<!tpu.dma_semaphore, #tpu.memory_space<semaphore_mem>>) src(%dma_wait3A_29 : memref<128x128xf32, #tpu.memory_space<vmem>>) dst(%dma_wait3A_35 : memref<4096x128xf32, #tpu.memory_space<vmem_shared>>)
      tpu.yield
    }) : () -> ()
    %barrier3A_11 = arith.constant 0 : index
    tpu.barrier barrier_id(%barrier3A_11)
    %mul3A_12 = arith.constant 256 : i32
    %mul3A_13 = arith.muli %arg1, %mul3A_12 : i32
    %mul3A_14 = arith.constant 4096 : i32
    %mul3A_15 = arith.muli %arg0, %mul3A_14 : i32
    %mul3A_16 = arith.constant 256 : i32
    %mul3A_17 = arith.muli %arg1, %mul3A_16 : i32
    %add3A_18 = arith.addi %mul3A_15, %mul3A_17 : i32
    "tpu.region"() ({
      %run_scoped3A_19 = tpu.sem_alloc : memref<!tpu.dma_semaphore, #tpu.memory_space<semaphore_mem>>
      %dma_start3A = arith.constant 0 : i32
      %dma_start3A_20 = tpu.memref_slice %arg5[%add3A_18, %dma_start3A] : memref<8192x128xf32, #tpu.memory_space<hbm>> -> memref<256x128xf32, #tpu.memory_space<hbm>>
      %dma_start3A_21 = arith.constant 0 : i32
      %dma_start3A_22 = tpu.memref_slice %arg8[%mul3A_13, %dma_start3A_21] : memref<4096x128xf32, #tpu.memory_space<vmem_shared>> -> memref<256x128xf32, #tpu.memory_space<vmem_shared>>
      tpu.enqueue_dma source(%dma_start3A_22 : memref<256x128xf32, #tpu.memory_space<vmem_shared>>) target(%dma_start3A_20 : memref<256x128xf32, #tpu.memory_space<hbm>>) target_semaphore(%run_scoped3A_19 : memref<!tpu.dma_semaphore, #tpu.memory_space<semaphore_mem>>)
      %dma_wait3A = arith.constant 0 : i32
      %dma_wait3A_23 = tpu.memref_slice %arg5[%add3A_18, %dma_wait3A] : memref<8192x128xf32, #tpu.memory_space<hbm>> -> memref<256x128xf32, #tpu.memory_space<hbm>>
      %dma_wait3A_24 = arith.constant 0 : i32
      %dma_wait3A_25 = tpu.memref_slice %arg8[%mul3A_13, %dma_wait3A_24] : memref<4096x128xf32, #tpu.memory_space<vmem_shared>> -> memref<256x128xf32, #tpu.memory_space<vmem_shared>>
      tpu.wait_dma2 semaphore(%run_scoped3A_19 : memref<!tpu.dma_semaphore, #tpu.memory_space<semaphore_mem>>) src(%dma_wait3A_25 : memref<256x128xf32, #tpu.memory_space<vmem_shared>>) dst(%dma_wait3A_23 : memref<256x128xf32, #tpu.memory_space<hbm>>)
      tpu.yield
    }) : () -> ()
    return
  }
}

#map = affine_map<(d0, d1) -> (0, 0)>
#map1 = affine_map<(d0, d1) -> (0)>
module attributes {stable_mosaic.version = 14 : i64} {
  func.func @k(%arg0: i32, %arg1: i32, %arg2: memref<1500x256xf32, #tpu.memory_space<hbm>>, %arg3: memref<4096xi32, #tpu.memory_space<hbm>>, %arg4: memref<4000x256xf32, #tpu.memory_space<hbm>>, %arg5: memref<128xi32, #tpu.memory_space<vmem>>, %arg6: memref<128x256xf32, #tpu.memory_space<vmem>>, %arg7: memref<!tpu.dma_semaphore, #tpu.memory_space<semaphore_mem>>) attributes {dimension_semantics = [#tpu.dimension_semantics<core_parallel>, #tpu.dimension_semantics<subcore_parallel>], iteration_bounds = array<i64: 2, 16>, scalar_prefetch = 0 : i64, scratch_operands = 3 : i64, tpu.core_type = #tpu.core_type<sc_vector_subcore>, window_params = [{transform_indices = #map}, {transform_indices = #map1}, {transform_indices = #map}]} {
    %mul3A = arith.constant 2 : i32
    %mul3A_0 = arith.muli %arg1, %mul3A : i32
    %add3A = arith.addi %mul3A_0, %arg0 : i32
    %mul3A_1 = arith.constant 128 : i32
    %mul3A_2 = arith.muli %add3A, %mul3A_1 : i32
    "tpu.region"() ({
      %run_scoped3A = tpu.sem_alloc : memref<!tpu.dma_semaphore, #tpu.memory_space<semaphore_mem>>
      %dma_start3A_23 = tpu.memref_slice %arg3[%mul3A_2] : memref<4096xi32, #tpu.memory_space<hbm>> -> memref<128xi32, #tpu.memory_space<hbm>>
      %dma_start3A_24 = tpu.memref_slice %arg3[%mul3A_2] : memref<4096xi32, #tpu.memory_space<hbm>> -> memref<128xi32, #tpu.memory_space<hbm>>
      tpu.enqueue_dma source(%dma_start3A_24 : memref<128xi32, #tpu.memory_space<hbm>>) target(%arg5 : memref<128xi32, #tpu.memory_space<vmem>>) target_semaphore(%run_scoped3A : memref<!tpu.dma_semaphore, #tpu.memory_space<semaphore_mem>>)
      %dma_wait3A_25 = tpu.memref_slice %arg3[%mul3A_2] : memref<4096xi32, #tpu.memory_space<hbm>> -> memref<128xi32, #tpu.memory_space<hbm>>
      %dma_wait3A_26 = tpu.memref_slice %arg3[%mul3A_2] : memref<4096xi32, #tpu.memory_space<hbm>> -> memref<128xi32, #tpu.memory_space<hbm>>
      tpu.wait_dma2 semaphore(%run_scoped3A : memref<!tpu.dma_semaphore, #tpu.memory_space<semaphore_mem>>) src(%dma_wait3A_26 : memref<128xi32, #tpu.memory_space<hbm>>) dst(%arg5 : memref<128xi32, #tpu.memory_space<vmem>>)
      tpu.yield
    }) : () -> ()
    %dma_start3A = arith.constant 0 : i32
    %dma_start3A_3 = arith.constant 0 : i32
    %dma_start3A_4 = tpu.memref_slice %arg6[%dma_start3A, %dma_start3A_3] : memref<128x256xf32, #tpu.memory_space<vmem>> -> memref<128x256xf32, #tpu.memory_space<vmem>>
    %dma_start3A_5 = arith.constant 0 : i32
    %dma_start3A_6 = tpu.memref_slice %arg5[%dma_start3A_5] : memref<128xi32, #tpu.memory_space<vmem>> -> memref<128xi32, #tpu.memory_space<vmem>>
    %dma_start3A_7 = arith.constant 0 : i32
    %dma_start3A_8 = arith.constant 0 : i32
    %dma_start3A_9 = tpu.memref_slice %arg2[%dma_start3A_7, %dma_start3A_8] : memref<1500x256xf32, #tpu.memory_space<hbm>> -> memref<1500x256xf32, #tpu.memory_space<hbm>>
    tpu.enqueue_indirect_dma source(%dma_start3A_9 : memref<1500x256xf32, #tpu.memory_space<hbm>>) target(%dma_start3A_4 : memref<128x256xf32, #tpu.memory_space<vmem>>) offsets(%dma_start3A_6 : memref<128xi32, #tpu.memory_space<vmem>>) semaphore(%arg7 : memref<!tpu.dma_semaphore, #tpu.memory_space<semaphore_mem>>)
    %dma_wait3A = arith.constant 0 : i32
    %dma_wait3A_10 = arith.constant 0 : i32
    %dma_wait3A_11 = tpu.memref_slice %arg6[%dma_wait3A, %dma_wait3A_10] : memref<128x256xf32, #tpu.memory_space<vmem>> -> memref<128x256xf32, #tpu.memory_space<vmem>>
    %dma_wait3A_12 = arith.constant 0 : i32
    %dma_wait3A_13 = tpu.memref_slice %arg5[%dma_wait3A_12] : memref<128xi32, #tpu.memory_space<vmem>> -> memref<128xi32, #tpu.memory_space<vmem>>
    %dma_wait3A_14 = arith.constant 0 : i32
    %dma_wait3A_15 = arith.constant 0 : i32
    %dma_wait3A_16 = tpu.memref_slice %arg2[%dma_wait3A_14, %dma_wait3A_15] : memref<1500x256xf32, #tpu.memory_space<hbm>> -> memref<1500x256xf32, #tpu.memory_space<hbm>>
    tpu.wait_indirect_dma semaphore(%arg7 : memref<!tpu.dma_semaphore, #tpu.memory_space<semaphore_mem>>) src(%dma_wait3A_16 : memref<1500x256xf32, #tpu.memory_space<hbm>>) dst(%dma_wait3A_11 : memref<128x256xf32, #tpu.memory_space<vmem>>)
    %eq3A = arith.constant 31 : i32
    %eq3A_17 = arith.cmpi eq, %add3A, %eq3A : i32
    %convert_element_type3A = arith.extui %eq3A_17 : i1 to i32
    %cond3A = arith.constant 0 : i32
    %cond3A_18 = arith.cmpi ne, %convert_element_type3A, %cond3A : i32
    scf.if %cond3A_18 {
      "tpu.region"() ({
        %run_scoped3A = tpu.sem_alloc : memref<!tpu.dma_semaphore, #tpu.memory_space<semaphore_mem>>
        %dma_start3A_23 = arith.constant 0 : i32
        %dma_start3A_24 = arith.constant 0 : i32
        %dma_start3A_25 = tpu.memref_slice %arg6[%dma_start3A_23, %dma_start3A_24] : memref<128x256xf32, #tpu.memory_space<vmem>> -> memref<32x256xf32, #tpu.memory_space<vmem>>
        %dma_start3A_26 = arith.constant 3968 : i32
        %dma_start3A_27 = arith.constant 0 : i32
        %dma_start3A_28 = tpu.memref_slice %arg4[%dma_start3A_26, %dma_start3A_27] : memref<4000x256xf32, #tpu.memory_space<hbm>> -> memref<32x256xf32, #tpu.memory_space<hbm>>
        %dma_start3A_29 = arith.constant 3968 : i32
        %dma_start3A_30 = arith.constant 0 : i32
        %dma_start3A_31 = tpu.memref_slice %arg4[%dma_start3A_29, %dma_start3A_30] : memref<4000x256xf32, #tpu.memory_space<hbm>> -> memref<32x256xf32, #tpu.memory_space<hbm>>
        %dma_start3A_32 = arith.constant 0 : i32
        %dma_start3A_33 = arith.constant 0 : i32
        %dma_start3A_34 = tpu.memref_slice %arg6[%dma_start3A_32, %dma_start3A_33] : memref<128x256xf32, #tpu.memory_space<vmem>> -> memref<32x256xf32, #tpu.memory_space<vmem>>
        tpu.enqueue_dma source(%dma_start3A_34 : memref<32x256xf32, #tpu.memory_space<vmem>>) target(%dma_start3A_31 : memref<32x256xf32, #tpu.memory_space<hbm>>) target_semaphore(%run_scoped3A : memref<!tpu.dma_semaphore, #tpu.memory_space<semaphore_mem>>)
        %dma_wait3A_35 = arith.constant 0 : i32
        %dma_wait3A_36 = arith.constant 0 : i32
        %dma_wait3A_37 = tpu.memref_slice %arg6[%dma_wait3A_35, %dma_wait3A_36] : memref<128x256xf32, #tpu.memory_space<vmem>> -> memref<32x256xf32, #tpu.memory_space<vmem>>
        %dma_wait3A_38 = arith.constant 3968 : i32
        %dma_wait3A_39 = arith.constant 0 : i32
        %dma_wait3A_40 = tpu.memref_slice %arg4[%dma_wait3A_38, %dma_wait3A_39] : memref<4000x256xf32, #tpu.memory_space<hbm>> -> memref<32x256xf32, #tpu.memory_space<hbm>>
        %dma_wait3A_41 = arith.constant 3968 : i32
        %dma_wait3A_42 = arith.constant 0 : i32
        %dma_wait3A_43 = tpu.memref_slice %arg4[%dma_wait3A_41, %dma_wait3A_42] : memref<4000x256xf32, #tpu.memory_space<hbm>> -> memref<32x256xf32, #tpu.memory_space<hbm>>
        %dma_wait3A_44 = arith.constant 0 : i32
        %dma_wait3A_45 = arith.constant 0 : i32
        %dma_wait3A_46 = tpu.memref_slice %arg6[%dma_wait3A_44, %dma_wait3A_45] : memref<128x256xf32, #tpu.memory_space<vmem>> -> memref<32x256xf32, #tpu.memory_space<vmem>>
        tpu.wait_dma2 semaphore(%run_scoped3A : memref<!tpu.dma_semaphore, #tpu.memory_space<semaphore_mem>>) src(%dma_wait3A_46 : memref<32x256xf32, #tpu.memory_space<vmem>>) dst(%dma_wait3A_43 : memref<32x256xf32, #tpu.memory_space<hbm>>)
        tpu.yield
      }) : () -> ()
    } else {
    }
    %lt3A = arith.constant 31 : i32
    %lt3A_19 = arith.cmpi slt, %add3A, %lt3A : i32
    %convert_element_type3A_20 = arith.extui %lt3A_19 : i1 to i32
    %cond3A_21 = arith.constant 0 : i32
    %cond3A_22 = arith.cmpi ne, %convert_element_type3A_20, %cond3A_21 : i32
    scf.if %cond3A_22 {
      "tpu.region"() ({
        %run_scoped3A = tpu.sem_alloc : memref<!tpu.dma_semaphore, #tpu.memory_space<semaphore_mem>>
        %dma_start3A_23 = arith.constant 0 : i32
        %dma_start3A_24 = tpu.memref_slice %arg4[%mul3A_2, %dma_start3A_23] : memref<4000x256xf32, #tpu.memory_space<hbm>> -> memref<128x256xf32, #tpu.memory_space<hbm>>
        %dma_start3A_25 = arith.constant 0 : i32
        %dma_start3A_26 = tpu.memref_slice %arg4[%mul3A_2, %dma_start3A_25] : memref<4000x256xf32, #tpu.memory_space<hbm>> -> memref<128x256xf32, #tpu.memory_space<hbm>>
        tpu.enqueue_dma source(%arg6 : memref<128x256xf32, #tpu.memory_space<vmem>>) target(%dma_start3A_26 : memref<128x256xf32, #tpu.memory_space<hbm>>) target_semaphore(%run_scoped3A : memref<!tpu.dma_semaphore, #tpu.memory_space<semaphore_mem>>)
        %dma_wait3A_27 = arith.constant 0 : i32
        %dma_wait3A_28 = tpu.memref_slice %arg4[%mul3A_2, %dma_wait3A_27] : memref<4000x256xf32, #tpu.memory_space<hbm>> -> memref<128x256xf32, #tpu.memory_space<hbm>>
        %dma_wait3A_29 = arith.constant 0 : i32
        %dma_wait3A_30 = tpu.memref_slice %arg4[%mul3A_2, %dma_wait3A_29] : memref<4000x256xf32, #tpu.memory_space<hbm>> -> memref<128x256xf32, #tpu.memory_space<hbm>>
        tpu.wait_dma2 semaphore(%run_scoped3A : memref<!tpu.dma_semaphore, #tpu.memory_space<semaphore_mem>>) src(%arg6 : memref<128x256xf32, #tpu.memory_space<vmem>>) dst(%dma_wait3A_30 : memref<128x256xf32, #tpu.memory_space<hbm>>)
        tpu.yield
      }) : () -> ()
    } else {
    }
    return
  }
}

#map = affine_map<(d0, d1) -> (0, 0)>
#map1 = affine_map<(d0, d1) -> (0)>
module attributes {stable_mosaic.version = 14 : i64} {
  func.func @k(%arg0: i32, %arg1: i32, %arg2: memref<4000x128xf32, #tpu.memory_space<hbm>>, %arg3: memref<12288xi32, #tpu.memory_space<hbm>>, %arg4: memref<10000x128xf32, #tpu.memory_space<hbm>>, %arg5: memref<384xi32, #tpu.memory_space<vmem>>, %arg6: memref<384x128xf32, #tpu.memory_space<vmem>>, %arg7: memref<!tpu.dma_semaphore, #tpu.memory_space<semaphore_mem>>) attributes {dimension_semantics = [#tpu.dimension_semantics<core_parallel>, #tpu.dimension_semantics<subcore_parallel>], iteration_bounds = array<i64: 2, 16>, scalar_prefetch = 0 : i64, scratch_operands = 3 : i64, tpu.core_type = #tpu.core_type<sc_vector_subcore>, window_params = [{transform_indices = #map}, {transform_indices = #map1}, {transform_indices = #map}]} {
    %mul3A = arith.constant 2 : i32
    %mul3A_0 = arith.muli %arg1, %mul3A : i32
    %add3A = arith.addi %mul3A_0, %arg0 : i32
    %mul3A_1 = arith.constant 384 : i32
    %mul3A_2 = arith.muli %add3A, %mul3A_1 : i32
    "tpu.region"() ({
      %run_scoped3A = tpu.sem_alloc : memref<!tpu.dma_semaphore, #tpu.memory_space<semaphore_mem>>
      %dma_start3A_55 = tpu.memref_slice %arg3[%mul3A_2] : memref<12288xi32, #tpu.memory_space<hbm>> -> memref<384xi32, #tpu.memory_space<hbm>>
      %dma_start3A_56 = tpu.memref_slice %arg3[%mul3A_2] : memref<12288xi32, #tpu.memory_space<hbm>> -> memref<384xi32, #tpu.memory_space<hbm>>
      tpu.enqueue_dma source(%dma_start3A_56 : memref<384xi32, #tpu.memory_space<hbm>>) target(%arg5 : memref<384xi32, #tpu.memory_space<vmem>>) target_semaphore(%run_scoped3A : memref<!tpu.dma_semaphore, #tpu.memory_space<semaphore_mem>>)
      %dma_wait3A_57 = tpu.memref_slice %arg3[%mul3A_2] : memref<12288xi32, #tpu.memory_space<hbm>> -> memref<384xi32, #tpu.memory_space<hbm>>
      %dma_wait3A_58 = tpu.memref_slice %arg3[%mul3A_2] : memref<12288xi32, #tpu.memory_space<hbm>> -> memref<384xi32, #tpu.memory_space<hbm>>
      tpu.wait_dma2 semaphore(%run_scoped3A : memref<!tpu.dma_semaphore, #tpu.memory_space<semaphore_mem>>) src(%dma_wait3A_58 : memref<384xi32, #tpu.memory_space<hbm>>) dst(%arg5 : memref<384xi32, #tpu.memory_space<vmem>>)
      tpu.yield
    }) : () -> ()
    %dma_start3A = arith.constant 0 : i32
    %dma_start3A_3 = arith.constant 0 : i32
    %dma_start3A_4 = tpu.memref_slice %arg6[%dma_start3A, %dma_start3A_3] : memref<384x128xf32, #tpu.memory_space<vmem>> -> memref<128x128xf32, #tpu.memory_space<vmem>>
    %dma_start3A_5 = arith.constant 0 : i32
    %dma_start3A_6 = tpu.memref_slice %arg5[%dma_start3A_5] : memref<384xi32, #tpu.memory_space<vmem>> -> memref<128xi32, #tpu.memory_space<vmem>>
    %dma_start3A_7 = arith.constant 0 : i32
    %dma_start3A_8 = arith.constant 0 : i32
    %dma_start3A_9 = tpu.memref_slice %arg2[%dma_start3A_7, %dma_start3A_8] : memref<4000x128xf32, #tpu.memory_space<hbm>> -> memref<4000x128xf32, #tpu.memory_space<hbm>>
    tpu.enqueue_indirect_dma source(%dma_start3A_9 : memref<4000x128xf32, #tpu.memory_space<hbm>>) target(%dma_start3A_4 : memref<128x128xf32, #tpu.memory_space<vmem>>) offsets(%dma_start3A_6 : memref<128xi32, #tpu.memory_space<vmem>>) semaphore(%arg7 : memref<!tpu.dma_semaphore, #tpu.memory_space<semaphore_mem>>)
    %dma_start3A_10 = arith.constant 128 : i32
    %dma_start3A_11 = arith.constant 0 : i32
    %dma_start3A_12 = tpu.memref_slice %arg6[%dma_start3A_10, %dma_start3A_11] : memref<384x128xf32, #tpu.memory_space<vmem>> -> memref<128x128xf32, #tpu.memory_space<vmem>>
    %dma_start3A_13 = arith.constant 128 : i32
    %dma_start3A_14 = tpu.memref_slice %arg5[%dma_start3A_13] : memref<384xi32, #tpu.memory_space<vmem>> -> memref<128xi32, #tpu.memory_space<vmem>>
    %dma_start3A_15 = arith.constant 0 : i32
    %dma_start3A_16 = arith.constant 0 : i32
    %dma_start3A_17 = tpu.memref_slice %arg2[%dma_start3A_15, %dma_start3A_16] : memref<4000x128xf32, #tpu.memory_space<hbm>> -> memref<4000x128xf32, #tpu.memory_space<hbm>>
    tpu.enqueue_indirect_dma source(%dma_start3A_17 : memref<4000x128xf32, #tpu.memory_space<hbm>>) target(%dma_start3A_12 : memref<128x128xf32, #tpu.memory_space<vmem>>) offsets(%dma_start3A_14 : memref<128xi32, #tpu.memory_space<vmem>>) semaphore(%arg7 : memref<!tpu.dma_semaphore, #tpu.memory_space<semaphore_mem>>)
    %dma_start3A_18 = arith.constant 256 : i32
    %dma_start3A_19 = arith.constant 0 : i32
    %dma_start3A_20 = tpu.memref_slice %arg6[%dma_start3A_18, %dma_start3A_19] : memref<384x128xf32, #tpu.memory_space<vmem>> -> memref<128x128xf32, #tpu.memory_space<vmem>>
    %dma_start3A_21 = arith.constant 256 : i32
    %dma_start3A_22 = tpu.memref_slice %arg5[%dma_start3A_21] : memref<384xi32, #tpu.memory_space<vmem>> -> memref<128xi32, #tpu.memory_space<vmem>>
    %dma_start3A_23 = arith.constant 0 : i32
    %dma_start3A_24 = arith.constant 0 : i32
    %dma_start3A_25 = tpu.memref_slice %arg2[%dma_start3A_23, %dma_start3A_24] : memref<4000x128xf32, #tpu.memory_space<hbm>> -> memref<4000x128xf32, #tpu.memory_space<hbm>>
    tpu.enqueue_indirect_dma source(%dma_start3A_25 : memref<4000x128xf32, #tpu.memory_space<hbm>>) target(%dma_start3A_20 : memref<128x128xf32, #tpu.memory_space<vmem>>) offsets(%dma_start3A_22 : memref<128xi32, #tpu.memory_space<vmem>>) semaphore(%arg7 : memref<!tpu.dma_semaphore, #tpu.memory_space<semaphore_mem>>)
    %dma_wait3A = arith.constant 0 : i32
    %dma_wait3A_26 = arith.constant 0 : i32
    %dma_wait3A_27 = tpu.memref_slice %arg6[%dma_wait3A, %dma_wait3A_26] : memref<384x128xf32, #tpu.memory_space<vmem>> -> memref<128x128xf32, #tpu.memory_space<vmem>>
    %dma_wait3A_28 = arith.constant 0 : i32
    %dma_wait3A_29 = tpu.memref_slice %arg5[%dma_wait3A_28] : memref<384xi32, #tpu.memory_space<vmem>> -> memref<128xi32, #tpu.memory_space<vmem>>
    %dma_wait3A_30 = arith.constant 0 : i32
    %dma_wait3A_31 = arith.constant 0 : i32
    %dma_wait3A_32 = tpu.memref_slice %arg2[%dma_wait3A_30, %dma_wait3A_31] : memref<4000x128xf32, #tpu.memory_space<hbm>> -> memref<4000x128xf32, #tpu.memory_space<hbm>>
    tpu.wait_indirect_dma semaphore(%arg7 : memref<!tpu.dma_semaphore, #tpu.memory_space<semaphore_mem>>) src(%dma_wait3A_32 : memref<4000x128xf32, #tpu.memory_space<hbm>>) dst(%dma_wait3A_27 : memref<128x128xf32, #tpu.memory_space<vmem>>)
    %dma_wait3A_33 = arith.constant 128 : i32
    %dma_wait3A_34 = arith.constant 0 : i32
    %dma_wait3A_35 = tpu.memref_slice %arg6[%dma_wait3A_33, %dma_wait3A_34] : memref<384x128xf32, #tpu.memory_space<vmem>> -> memref<128x128xf32, #tpu.memory_space<vmem>>
    %dma_wait3A_36 = arith.constant 128 : i32
    %dma_wait3A_37 = tpu.memref_slice %arg5[%dma_wait3A_36] : memref<384xi32, #tpu.memory_space<vmem>> -> memref<128xi32, #tpu.memory_space<vmem>>
    %dma_wait3A_38 = arith.constant 0 : i32
    %dma_wait3A_39 = arith.constant 0 : i32
    %dma_wait3A_40 = tpu.memref_slice %arg2[%dma_wait3A_38, %dma_wait3A_39] : memref<4000x128xf32, #tpu.memory_space<hbm>> -> memref<4000x128xf32, #tpu.memory_space<hbm>>
    tpu.wait_indirect_dma semaphore(%arg7 : memref<!tpu.dma_semaphore, #tpu.memory_space<semaphore_mem>>) src(%dma_wait3A_40 : memref<4000x128xf32, #tpu.memory_space<hbm>>) dst(%dma_wait3A_35 : memref<128x128xf32, #tpu.memory_space<vmem>>)
    %dma_wait3A_41 = arith.constant 256 : i32
    %dma_wait3A_42 = arith.constant 0 : i32
    %dma_wait3A_43 = tpu.memref_slice %arg6[%dma_wait3A_41, %dma_wait3A_42] : memref<384x128xf32, #tpu.memory_space<vmem>> -> memref<128x128xf32, #tpu.memory_space<vmem>>
    %dma_wait3A_44 = arith.constant 256 : i32
    %dma_wait3A_45 = tpu.memref_slice %arg5[%dma_wait3A_44] : memref<384xi32, #tpu.memory_space<vmem>> -> memref<128xi32, #tpu.memory_space<vmem>>
    %dma_wait3A_46 = arith.constant 0 : i32
    %dma_wait3A_47 = arith.constant 0 : i32
    %dma_wait3A_48 = tpu.memref_slice %arg2[%dma_wait3A_46, %dma_wait3A_47] : memref<4000x128xf32, #tpu.memory_space<hbm>> -> memref<4000x128xf32, #tpu.memory_space<hbm>>
    tpu.wait_indirect_dma semaphore(%arg7 : memref<!tpu.dma_semaphore, #tpu.memory_space<semaphore_mem>>) src(%dma_wait3A_48 : memref<4000x128xf32, #tpu.memory_space<hbm>>) dst(%dma_wait3A_43 : memref<128x128xf32, #tpu.memory_space<vmem>>)
    %eq3A = arith.constant 26 : i32
    %eq3A_49 = arith.cmpi eq, %add3A, %eq3A : i32
    %convert_element_type3A = arith.extui %eq3A_49 : i1 to i32
    %cond3A = arith.constant 0 : i32
    %cond3A_50 = arith.cmpi ne, %convert_element_type3A, %cond3A : i32
    scf.if %cond3A_50 {
      "tpu.region"() ({
        %run_scoped3A = tpu.sem_alloc : memref<!tpu.dma_semaphore, #tpu.memory_space<semaphore_mem>>
        %dma_start3A_55 = arith.constant 0 : i32
        %dma_start3A_56 = arith.constant 0 : i32
        %dma_start3A_57 = tpu.memref_slice %arg6[%dma_start3A_55, %dma_start3A_56] : memref<384x128xf32, #tpu.memory_space<vmem>> -> memref<16x128xf32, #tpu.memory_space<vmem>>
        %dma_start3A_58 = arith.constant 9984 : i32
        %dma_start3A_59 = arith.constant 0 : i32
        %dma_start3A_60 = tpu.memref_slice %arg4[%dma_start3A_58, %dma_start3A_59] : memref<10000x128xf32, #tpu.memory_space<hbm>> -> memref<16x128xf32, #tpu.memory_space<hbm>>
        %dma_start3A_61 = arith.constant 9984 : i32
        %dma_start3A_62 = arith.constant 0 : i32
        %dma_start3A_63 = tpu.memref_slice %arg4[%dma_start3A_61, %dma_start3A_62] : memref<10000x128xf32, #tpu.memory_space<hbm>> -> memref<16x128xf32, #tpu.memory_space<hbm>>
        %dma_start3A_64 = arith.constant 0 : i32
        %dma_start3A_65 = arith.constant 0 : i32
        %dma_start3A_66 = tpu.memref_slice %arg6[%dma_start3A_64, %dma_start3A_65] : memref<384x128xf32, #tpu.memory_space<vmem>> -> memref<16x128xf32, #tpu.memory_space<vmem>>
        tpu.enqueue_dma source(%dma_start3A_66 : memref<16x128xf32, #tpu.memory_space<vmem>>) target(%dma_start3A_63 : memref<16x128xf32, #tpu.memory_space<hbm>>) target_semaphore(%run_scoped3A : memref<!tpu.dma_semaphore, #tpu.memory_space<semaphore_mem>>)
        %dma_wait3A_67 = arith.constant 0 : i32
        %dma_wait3A_68 = arith.constant 0 : i32
        %dma_wait3A_69 = tpu.memref_slice %arg6[%dma_wait3A_67, %dma_wait3A_68] : memref<384x128xf32, #tpu.memory_space<vmem>> -> memref<16x128xf32, #tpu.memory_space<vmem>>
        %dma_wait3A_70 = arith.constant 9984 : i32
        %dma_wait3A_71 = arith.constant 0 : i32
        %dma_wait3A_72 = tpu.memref_slice %arg4[%dma_wait3A_70, %dma_wait3A_71] : memref<10000x128xf32, #tpu.memory_space<hbm>> -> memref<16x128xf32, #tpu.memory_space<hbm>>
        %dma_wait3A_73 = arith.constant 9984 : i32
        %dma_wait3A_74 = arith.constant 0 : i32
        %dma_wait3A_75 = tpu.memref_slice %arg4[%dma_wait3A_73, %dma_wait3A_74] : memref<10000x128xf32, #tpu.memory_space<hbm>> -> memref<16x128xf32, #tpu.memory_space<hbm>>
        %dma_wait3A_76 = arith.constant 0 : i32
        %dma_wait3A_77 = arith.constant 0 : i32
        %dma_wait3A_78 = tpu.memref_slice %arg6[%dma_wait3A_76, %dma_wait3A_77] : memref<384x128xf32, #tpu.memory_space<vmem>> -> memref<16x128xf32, #tpu.memory_space<vmem>>
        tpu.wait_dma2 semaphore(%run_scoped3A : memref<!tpu.dma_semaphore, #tpu.memory_space<semaphore_mem>>) src(%dma_wait3A_78 : memref<16x128xf32, #tpu.memory_space<vmem>>) dst(%dma_wait3A_75 : memref<16x128xf32, #tpu.memory_space<hbm>>)
        tpu.yield
      }) : () -> ()
    } else {
    }
    %lt3A = arith.constant 26 : i32
    %lt3A_51 = arith.cmpi slt, %add3A, %lt3A : i32
    %convert_element_type3A_52 = arith.extui %lt3A_51 : i1 to i32
    %cond3A_53 = arith.constant 0 : i32
    %cond3A_54 = arith.cmpi ne, %convert_element_type3A_52, %cond3A_53 : i32
    scf.if %cond3A_54 {
      "tpu.region"() ({
        %run_scoped3A = tpu.sem_alloc : memref<!tpu.dma_semaphore, #tpu.memory_space<semaphore_mem>>
        %dma_start3A_55 = arith.constant 0 : i32
        %dma_start3A_56 = tpu.memref_slice %arg4[%mul3A_2, %dma_start3A_55] : memref<10000x128xf32, #tpu.memory_space<hbm>> -> memref<384x128xf32, #tpu.memory_space<hbm>>
        %dma_start3A_57 = arith.constant 0 : i32
        %dma_start3A_58 = tpu.memref_slice %arg4[%mul3A_2, %dma_start3A_57] : memref<10000x128xf32, #tpu.memory_space<hbm>> -> memref<384x128xf32, #tpu.memory_space<hbm>>
        tpu.enqueue_dma source(%arg6 : memref<384x128xf32, #tpu.memory_space<vmem>>) target(%dma_start3A_58 : memref<384x128xf32, #tpu.memory_space<hbm>>) target_semaphore(%run_scoped3A : memref<!tpu.dma_semaphore, #tpu.memory_space<semaphore_mem>>)
        %dma_wait3A_59 = arith.constant 0 : i32
        %dma_wait3A_60 = tpu.memref_slice %arg4[%mul3A_2, %dma_wait3A_59] : memref<10000x128xf32, #tpu.memory_space<hbm>> -> memref<384x128xf32, #tpu.memory_space<hbm>>
        %dma_wait3A_61 = arith.constant 0 : i32
        %dma_wait3A_62 = tpu.memref_slice %arg4[%mul3A_2, %dma_wait3A_61] : memref<10000x128xf32, #tpu.memory_space<hbm>> -> memref<384x128xf32, #tpu.memory_space<hbm>>
        tpu.wait_dma2 semaphore(%run_scoped3A : memref<!tpu.dma_semaphore, #tpu.memory_space<semaphore_mem>>) src(%arg6 : memref<384x128xf32, #tpu.memory_space<vmem>>) dst(%dma_wait3A_62 : memref<384x128xf32, #tpu.memory_space<hbm>>)
        tpu.yield
      }) : () -> ()
    } else {
    }
    return
  }
}

#map = affine_map<(d0, d1) -> (0, 0)>
#map1 = affine_map<(d0, d1) -> (0)>
module attributes {stable_mosaic.version = 14 : i64} {
  func.func @k(%arg0: i32, %arg1: i32, %arg2: memref<10000x64xf32, #tpu.memory_space<hbm>>, %arg3: memref<32768xi32, #tpu.memory_space<hbm>>, %arg4: memref<30000x64xf32, #tpu.memory_space<hbm>>, %arg5: memref<1024xi32, #tpu.memory_space<vmem>>, %arg6: memref<1024x64xf32, #tpu.memory_space<vmem>>, %arg7: memref<!tpu.dma_semaphore, #tpu.memory_space<semaphore_mem>>) attributes {dimension_semantics = [#tpu.dimension_semantics<core_parallel>, #tpu.dimension_semantics<subcore_parallel>], iteration_bounds = array<i64: 2, 16>, scalar_prefetch = 0 : i64, scratch_operands = 3 : i64, tpu.core_type = #tpu.core_type<sc_vector_subcore>, window_params = [{transform_indices = #map}, {transform_indices = #map1}, {transform_indices = #map}]} {
    %mul3A = arith.constant 2 : i32
    %mul3A_0 = arith.muli %arg1, %mul3A : i32
    %add3A = arith.addi %mul3A_0, %arg0 : i32
    %mul3A_1 = arith.constant 1024 : i32
    %mul3A_2 = arith.muli %add3A, %mul3A_1 : i32
    "tpu.region"() ({
      %run_scoped3A = tpu.sem_alloc : memref<!tpu.dma_semaphore, #tpu.memory_space<semaphore_mem>>
      %dma_start3A_135 = tpu.memref_slice %arg3[%mul3A_2] : memref<32768xi32, #tpu.memory_space<hbm>> -> memref<1024xi32, #tpu.memory_space<hbm>>
      %dma_start3A_136 = tpu.memref_slice %arg3[%mul3A_2] : memref<32768xi32, #tpu.memory_space<hbm>> -> memref<1024xi32, #tpu.memory_space<hbm>>
      tpu.enqueue_dma source(%dma_start3A_136 : memref<1024xi32, #tpu.memory_space<hbm>>) target(%arg5 : memref<1024xi32, #tpu.memory_space<vmem>>) target_semaphore(%run_scoped3A : memref<!tpu.dma_semaphore, #tpu.memory_space<semaphore_mem>>)
      %dma_wait3A_137 = tpu.memref_slice %arg3[%mul3A_2] : memref<32768xi32, #tpu.memory_space<hbm>> -> memref<1024xi32, #tpu.memory_space<hbm>>
      %dma_wait3A_138 = tpu.memref_slice %arg3[%mul3A_2] : memref<32768xi32, #tpu.memory_space<hbm>> -> memref<1024xi32, #tpu.memory_space<hbm>>
      tpu.wait_dma2 semaphore(%run_scoped3A : memref<!tpu.dma_semaphore, #tpu.memory_space<semaphore_mem>>) src(%dma_wait3A_138 : memref<1024xi32, #tpu.memory_space<hbm>>) dst(%arg5 : memref<1024xi32, #tpu.memory_space<vmem>>)
      tpu.yield
    }) : () -> ()
    %dma_start3A = arith.constant 0 : i32
    %dma_start3A_3 = arith.constant 0 : i32
    %dma_start3A_4 = tpu.memref_slice %arg6[%dma_start3A, %dma_start3A_3] : memref<1024x64xf32, #tpu.memory_space<vmem>> -> memref<128x64xf32, #tpu.memory_space<vmem>>
    %dma_start3A_5 = arith.constant 0 : i32
    %dma_start3A_6 = tpu.memref_slice %arg5[%dma_start3A_5] : memref<1024xi32, #tpu.memory_space<vmem>> -> memref<128xi32, #tpu.memory_space<vmem>>
    %dma_start3A_7 = arith.constant 0 : i32
    %dma_start3A_8 = arith.constant 0 : i32
    %dma_start3A_9 = tpu.memref_slice %arg2[%dma_start3A_7, %dma_start3A_8] : memref<10000x64xf32, #tpu.memory_space<hbm>> -> memref<10000x64xf32, #tpu.memory_space<hbm>>
    tpu.enqueue_indirect_dma source(%dma_start3A_9 : memref<10000x64xf32, #tpu.memory_space<hbm>>) target(%dma_start3A_4 : memref<128x64xf32, #tpu.memory_space<vmem>>) offsets(%dma_start3A_6 : memref<128xi32, #tpu.memory_space<vmem>>) semaphore(%arg7 : memref<!tpu.dma_semaphore, #tpu.memory_space<semaphore_mem>>)
    %dma_start3A_10 = arith.constant 128 : i32
    %dma_start3A_11 = arith.constant 0 : i32
    %dma_start3A_12 = tpu.memref_slice %arg6[%dma_start3A_10, %dma_start3A_11] : memref<1024x64xf32, #tpu.memory_space<vmem>> -> memref<128x64xf32, #tpu.memory_space<vmem>>
    %dma_start3A_13 = arith.constant 128 : i32
    %dma_start3A_14 = tpu.memref_slice %arg5[%dma_start3A_13] : memref<1024xi32, #tpu.memory_space<vmem>> -> memref<128xi32, #tpu.memory_space<vmem>>
    %dma_start3A_15 = arith.constant 0 : i32
    %dma_start3A_16 = arith.constant 0 : i32
    %dma_start3A_17 = tpu.memref_slice %arg2[%dma_start3A_15, %dma_start3A_16] : memref<10000x64xf32, #tpu.memory_space<hbm>> -> memref<10000x64xf32, #tpu.memory_space<hbm>>
    tpu.enqueue_indirect_dma source(%dma_start3A_17 : memref<10000x64xf32, #tpu.memory_space<hbm>>) target(%dma_start3A_12 : memref<128x64xf32, #tpu.memory_space<vmem>>) offsets(%dma_start3A_14 : memref<128xi32, #tpu.memory_space<vmem>>) semaphore(%arg7 : memref<!tpu.dma_semaphore, #tpu.memory_space<semaphore_mem>>)
    %dma_start3A_18 = arith.constant 256 : i32
    %dma_start3A_19 = arith.constant 0 : i32
    %dma_start3A_20 = tpu.memref_slice %arg6[%dma_start3A_18, %dma_start3A_19] : memref<1024x64xf32, #tpu.memory_space<vmem>> -> memref<128x64xf32, #tpu.memory_space<vmem>>
    %dma_start3A_21 = arith.constant 256 : i32
    %dma_start3A_22 = tpu.memref_slice %arg5[%dma_start3A_21] : memref<1024xi32, #tpu.memory_space<vmem>> -> memref<128xi32, #tpu.memory_space<vmem>>
    %dma_start3A_23 = arith.constant 0 : i32
    %dma_start3A_24 = arith.constant 0 : i32
    %dma_start3A_25 = tpu.memref_slice %arg2[%dma_start3A_23, %dma_start3A_24] : memref<10000x64xf32, #tpu.memory_space<hbm>> -> memref<10000x64xf32, #tpu.memory_space<hbm>>
    tpu.enqueue_indirect_dma source(%dma_start3A_25 : memref<10000x64xf32, #tpu.memory_space<hbm>>) target(%dma_start3A_20 : memref<128x64xf32, #tpu.memory_space<vmem>>) offsets(%dma_start3A_22 : memref<128xi32, #tpu.memory_space<vmem>>) semaphore(%arg7 : memref<!tpu.dma_semaphore, #tpu.memory_space<semaphore_mem>>)
    %dma_start3A_26 = arith.constant 384 : i32
    %dma_start3A_27 = arith.constant 0 : i32
    %dma_start3A_28 = tpu.memref_slice %arg6[%dma_start3A_26, %dma_start3A_27] : memref<1024x64xf32, #tpu.memory_space<vmem>> -> memref<128x64xf32, #tpu.memory_space<vmem>>
    %dma_start3A_29 = arith.constant 384 : i32
    %dma_start3A_30 = tpu.memref_slice %arg5[%dma_start3A_29] : memref<1024xi32, #tpu.memory_space<vmem>> -> memref<128xi32, #tpu.memory_space<vmem>>
    %dma_start3A_31 = arith.constant 0 : i32
    %dma_start3A_32 = arith.constant 0 : i32
    %dma_start3A_33 = tpu.memref_slice %arg2[%dma_start3A_31, %dma_start3A_32] : memref<10000x64xf32, #tpu.memory_space<hbm>> -> memref<10000x64xf32, #tpu.memory_space<hbm>>
    tpu.enqueue_indirect_dma source(%dma_start3A_33 : memref<10000x64xf32, #tpu.memory_space<hbm>>) target(%dma_start3A_28 : memref<128x64xf32, #tpu.memory_space<vmem>>) offsets(%dma_start3A_30 : memref<128xi32, #tpu.memory_space<vmem>>) semaphore(%arg7 : memref<!tpu.dma_semaphore, #tpu.memory_space<semaphore_mem>>)
    %dma_start3A_34 = arith.constant 512 : i32
    %dma_start3A_35 = arith.constant 0 : i32
    %dma_start3A_36 = tpu.memref_slice %arg6[%dma_start3A_34, %dma_start3A_35] : memref<1024x64xf32, #tpu.memory_space<vmem>> -> memref<128x64xf32, #tpu.memory_space<vmem>>
    %dma_start3A_37 = arith.constant 512 : i32
    %dma_start3A_38 = tpu.memref_slice %arg5[%dma_start3A_37] : memref<1024xi32, #tpu.memory_space<vmem>> -> memref<128xi32, #tpu.memory_space<vmem>>
    %dma_start3A_39 = arith.constant 0 : i32
    %dma_start3A_40 = arith.constant 0 : i32
    %dma_start3A_41 = tpu.memref_slice %arg2[%dma_start3A_39, %dma_start3A_40] : memref<10000x64xf32, #tpu.memory_space<hbm>> -> memref<10000x64xf32, #tpu.memory_space<hbm>>
    tpu.enqueue_indirect_dma source(%dma_start3A_41 : memref<10000x64xf32, #tpu.memory_space<hbm>>) target(%dma_start3A_36 : memref<128x64xf32, #tpu.memory_space<vmem>>) offsets(%dma_start3A_38 : memref<128xi32, #tpu.memory_space<vmem>>) semaphore(%arg7 : memref<!tpu.dma_semaphore, #tpu.memory_space<semaphore_mem>>)
    %dma_start3A_42 = arith.constant 640 : i32
    %dma_start3A_43 = arith.constant 0 : i32
    %dma_start3A_44 = tpu.memref_slice %arg6[%dma_start3A_42, %dma_start3A_43] : memref<1024x64xf32, #tpu.memory_space<vmem>> -> memref<128x64xf32, #tpu.memory_space<vmem>>
    %dma_start3A_45 = arith.constant 640 : i32
    %dma_start3A_46 = tpu.memref_slice %arg5[%dma_start3A_45] : memref<1024xi32, #tpu.memory_space<vmem>> -> memref<128xi32, #tpu.memory_space<vmem>>
    %dma_start3A_47 = arith.constant 0 : i32
    %dma_start3A_48 = arith.constant 0 : i32
    %dma_start3A_49 = tpu.memref_slice %arg2[%dma_start3A_47, %dma_start3A_48] : memref<10000x64xf32, #tpu.memory_space<hbm>> -> memref<10000x64xf32, #tpu.memory_space<hbm>>
    tpu.enqueue_indirect_dma source(%dma_start3A_49 : memref<10000x64xf32, #tpu.memory_space<hbm>>) target(%dma_start3A_44 : memref<128x64xf32, #tpu.memory_space<vmem>>) offsets(%dma_start3A_46 : memref<128xi32, #tpu.memory_space<vmem>>) semaphore(%arg7 : memref<!tpu.dma_semaphore, #tpu.memory_space<semaphore_mem>>)
    %dma_start3A_50 = arith.constant 768 : i32
    %dma_start3A_51 = arith.constant 0 : i32
    %dma_start3A_52 = tpu.memref_slice %arg6[%dma_start3A_50, %dma_start3A_51] : memref<1024x64xf32, #tpu.memory_space<vmem>> -> memref<128x64xf32, #tpu.memory_space<vmem>>
    %dma_start3A_53 = arith.constant 768 : i32
    %dma_start3A_54 = tpu.memref_slice %arg5[%dma_start3A_53] : memref<1024xi32, #tpu.memory_space<vmem>> -> memref<128xi32, #tpu.memory_space<vmem>>
    %dma_start3A_55 = arith.constant 0 : i32
    %dma_start3A_56 = arith.constant 0 : i32
    %dma_start3A_57 = tpu.memref_slice %arg2[%dma_start3A_55, %dma_start3A_56] : memref<10000x64xf32, #tpu.memory_space<hbm>> -> memref<10000x64xf32, #tpu.memory_space<hbm>>
    tpu.enqueue_indirect_dma source(%dma_start3A_57 : memref<10000x64xf32, #tpu.memory_space<hbm>>) target(%dma_start3A_52 : memref<128x64xf32, #tpu.memory_space<vmem>>) offsets(%dma_start3A_54 : memref<128xi32, #tpu.memory_space<vmem>>) semaphore(%arg7 : memref<!tpu.dma_semaphore, #tpu.memory_space<semaphore_mem>>)
    %dma_start3A_58 = arith.constant 896 : i32
    %dma_start3A_59 = arith.constant 0 : i32
    %dma_start3A_60 = tpu.memref_slice %arg6[%dma_start3A_58, %dma_start3A_59] : memref<1024x64xf32, #tpu.memory_space<vmem>> -> memref<128x64xf32, #tpu.memory_space<vmem>>
    %dma_start3A_61 = arith.constant 896 : i32
    %dma_start3A_62 = tpu.memref_slice %arg5[%dma_start3A_61] : memref<1024xi32, #tpu.memory_space<vmem>> -> memref<128xi32, #tpu.memory_space<vmem>>
    %dma_start3A_63 = arith.constant 0 : i32
    %dma_start3A_64 = arith.constant 0 : i32
    %dma_start3A_65 = tpu.memref_slice %arg2[%dma_start3A_63, %dma_start3A_64] : memref<10000x64xf32, #tpu.memory_space<hbm>> -> memref<10000x64xf32, #tpu.memory_space<hbm>>
    tpu.enqueue_indirect_dma source(%dma_start3A_65 : memref<10000x64xf32, #tpu.memory_space<hbm>>) target(%dma_start3A_60 : memref<128x64xf32, #tpu.memory_space<vmem>>) offsets(%dma_start3A_62 : memref<128xi32, #tpu.memory_space<vmem>>) semaphore(%arg7 : memref<!tpu.dma_semaphore, #tpu.memory_space<semaphore_mem>>)
    %dma_wait3A = arith.constant 0 : i32
    %dma_wait3A_66 = arith.constant 0 : i32
    %dma_wait3A_67 = tpu.memref_slice %arg6[%dma_wait3A, %dma_wait3A_66] : memref<1024x64xf32, #tpu.memory_space<vmem>> -> memref<128x64xf32, #tpu.memory_space<vmem>>
    %dma_wait3A_68 = arith.constant 0 : i32
    %dma_wait3A_69 = tpu.memref_slice %arg5[%dma_wait3A_68] : memref<1024xi32, #tpu.memory_space<vmem>> -> memref<128xi32, #tpu.memory_space<vmem>>
    %dma_wait3A_70 = arith.constant 0 : i32
    %dma_wait3A_71 = arith.constant 0 : i32
    %dma_wait3A_72 = tpu.memref_slice %arg2[%dma_wait3A_70, %dma_wait3A_71] : memref<10000x64xf32, #tpu.memory_space<hbm>> -> memref<10000x64xf32, #tpu.memory_space<hbm>>
    tpu.wait_indirect_dma semaphore(%arg7 : memref<!tpu.dma_semaphore, #tpu.memory_space<semaphore_mem>>) src(%dma_wait3A_72 : memref<10000x64xf32, #tpu.memory_space<hbm>>) dst(%dma_wait3A_67 : memref<128x64xf32, #tpu.memory_space<vmem>>)
    %dma_wait3A_73 = arith.constant 128 : i32
    %dma_wait3A_74 = arith.constant 0 : i32
    %dma_wait3A_75 = tpu.memref_slice %arg6[%dma_wait3A_73, %dma_wait3A_74] : memref<1024x64xf32, #tpu.memory_space<vmem>> -> memref<128x64xf32, #tpu.memory_space<vmem>>
    %dma_wait3A_76 = arith.constant 128 : i32
    %dma_wait3A_77 = tpu.memref_slice %arg5[%dma_wait3A_76] : memref<1024xi32, #tpu.memory_space<vmem>> -> memref<128xi32, #tpu.memory_space<vmem>>
    %dma_wait3A_78 = arith.constant 0 : i32
    %dma_wait3A_79 = arith.constant 0 : i32
    %dma_wait3A_80 = tpu.memref_slice %arg2[%dma_wait3A_78, %dma_wait3A_79] : memref<10000x64xf32, #tpu.memory_space<hbm>> -> memref<10000x64xf32, #tpu.memory_space<hbm>>
    tpu.wait_indirect_dma semaphore(%arg7 : memref<!tpu.dma_semaphore, #tpu.memory_space<semaphore_mem>>) src(%dma_wait3A_80 : memref<10000x64xf32, #tpu.memory_space<hbm>>) dst(%dma_wait3A_75 : memref<128x64xf32, #tpu.memory_space<vmem>>)
    %dma_wait3A_81 = arith.constant 256 : i32
    %dma_wait3A_82 = arith.constant 0 : i32
    %dma_wait3A_83 = tpu.memref_slice %arg6[%dma_wait3A_81, %dma_wait3A_82] : memref<1024x64xf32, #tpu.memory_space<vmem>> -> memref<128x64xf32, #tpu.memory_space<vmem>>
    %dma_wait3A_84 = arith.constant 256 : i32
    %dma_wait3A_85 = tpu.memref_slice %arg5[%dma_wait3A_84] : memref<1024xi32, #tpu.memory_space<vmem>> -> memref<128xi32, #tpu.memory_space<vmem>>
    %dma_wait3A_86 = arith.constant 0 : i32
    %dma_wait3A_87 = arith.constant 0 : i32
    %dma_wait3A_88 = tpu.memref_slice %arg2[%dma_wait3A_86, %dma_wait3A_87] : memref<10000x64xf32, #tpu.memory_space<hbm>> -> memref<10000x64xf32, #tpu.memory_space<hbm>>
    tpu.wait_indirect_dma semaphore(%arg7 : memref<!tpu.dma_semaphore, #tpu.memory_space<semaphore_mem>>) src(%dma_wait3A_88 : memref<10000x64xf32, #tpu.memory_space<hbm>>) dst(%dma_wait3A_83 : memref<128x64xf32, #tpu.memory_space<vmem>>)
    %dma_wait3A_89 = arith.constant 384 : i32
    %dma_wait3A_90 = arith.constant 0 : i32
    %dma_wait3A_91 = tpu.memref_slice %arg6[%dma_wait3A_89, %dma_wait3A_90] : memref<1024x64xf32, #tpu.memory_space<vmem>> -> memref<128x64xf32, #tpu.memory_space<vmem>>
    %dma_wait3A_92 = arith.constant 384 : i32
    %dma_wait3A_93 = tpu.memref_slice %arg5[%dma_wait3A_92] : memref<1024xi32, #tpu.memory_space<vmem>> -> memref<128xi32, #tpu.memory_space<vmem>>
    %dma_wait3A_94 = arith.constant 0 : i32
    %dma_wait3A_95 = arith.constant 0 : i32
    %dma_wait3A_96 = tpu.memref_slice %arg2[%dma_wait3A_94, %dma_wait3A_95] : memref<10000x64xf32, #tpu.memory_space<hbm>> -> memref<10000x64xf32, #tpu.memory_space<hbm>>
    tpu.wait_indirect_dma semaphore(%arg7 : memref<!tpu.dma_semaphore, #tpu.memory_space<semaphore_mem>>) src(%dma_wait3A_96 : memref<10000x64xf32, #tpu.memory_space<hbm>>) dst(%dma_wait3A_91 : memref<128x64xf32, #tpu.memory_space<vmem>>)
    %dma_wait3A_97 = arith.constant 512 : i32
    %dma_wait3A_98 = arith.constant 0 : i32
    %dma_wait3A_99 = tpu.memref_slice %arg6[%dma_wait3A_97, %dma_wait3A_98] : memref<1024x64xf32, #tpu.memory_space<vmem>> -> memref<128x64xf32, #tpu.memory_space<vmem>>
    %dma_wait3A_100 = arith.constant 512 : i32
    %dma_wait3A_101 = tpu.memref_slice %arg5[%dma_wait3A_100] : memref<1024xi32, #tpu.memory_space<vmem>> -> memref<128xi32, #tpu.memory_space<vmem>>
    %dma_wait3A_102 = arith.constant 0 : i32
    %dma_wait3A_103 = arith.constant 0 : i32
    %dma_wait3A_104 = tpu.memref_slice %arg2[%dma_wait3A_102, %dma_wait3A_103] : memref<10000x64xf32, #tpu.memory_space<hbm>> -> memref<10000x64xf32, #tpu.memory_space<hbm>>
    tpu.wait_indirect_dma semaphore(%arg7 : memref<!tpu.dma_semaphore, #tpu.memory_space<semaphore_mem>>) src(%dma_wait3A_104 : memref<10000x64xf32, #tpu.memory_space<hbm>>) dst(%dma_wait3A_99 : memref<128x64xf32, #tpu.memory_space<vmem>>)
    %dma_wait3A_105 = arith.constant 640 : i32
    %dma_wait3A_106 = arith.constant 0 : i32
    %dma_wait3A_107 = tpu.memref_slice %arg6[%dma_wait3A_105, %dma_wait3A_106] : memref<1024x64xf32, #tpu.memory_space<vmem>> -> memref<128x64xf32, #tpu.memory_space<vmem>>
    %dma_wait3A_108 = arith.constant 640 : i32
    %dma_wait3A_109 = tpu.memref_slice %arg5[%dma_wait3A_108] : memref<1024xi32, #tpu.memory_space<vmem>> -> memref<128xi32, #tpu.memory_space<vmem>>
    %dma_wait3A_110 = arith.constant 0 : i32
    %dma_wait3A_111 = arith.constant 0 : i32
    %dma_wait3A_112 = tpu.memref_slice %arg2[%dma_wait3A_110, %dma_wait3A_111] : memref<10000x64xf32, #tpu.memory_space<hbm>> -> memref<10000x64xf32, #tpu.memory_space<hbm>>
    tpu.wait_indirect_dma semaphore(%arg7 : memref<!tpu.dma_semaphore, #tpu.memory_space<semaphore_mem>>) src(%dma_wait3A_112 : memref<10000x64xf32, #tpu.memory_space<hbm>>) dst(%dma_wait3A_107 : memref<128x64xf32, #tpu.memory_space<vmem>>)
    %dma_wait3A_113 = arith.constant 768 : i32
    %dma_wait3A_114 = arith.constant 0 : i32
    %dma_wait3A_115 = tpu.memref_slice %arg6[%dma_wait3A_113, %dma_wait3A_114] : memref<1024x64xf32, #tpu.memory_space<vmem>> -> memref<128x64xf32, #tpu.memory_space<vmem>>
    %dma_wait3A_116 = arith.constant 768 : i32
    %dma_wait3A_117 = tpu.memref_slice %arg5[%dma_wait3A_116] : memref<1024xi32, #tpu.memory_space<vmem>> -> memref<128xi32, #tpu.memory_space<vmem>>
    %dma_wait3A_118 = arith.constant 0 : i32
    %dma_wait3A_119 = arith.constant 0 : i32
    %dma_wait3A_120 = tpu.memref_slice %arg2[%dma_wait3A_118, %dma_wait3A_119] : memref<10000x64xf32, #tpu.memory_space<hbm>> -> memref<10000x64xf32, #tpu.memory_space<hbm>>
    tpu.wait_indirect_dma semaphore(%arg7 : memref<!tpu.dma_semaphore, #tpu.memory_space<semaphore_mem>>) src(%dma_wait3A_120 : memref<10000x64xf32, #tpu.memory_space<hbm>>) dst(%dma_wait3A_115 : memref<128x64xf32, #tpu.memory_space<vmem>>)
    %dma_wait3A_121 = arith.constant 896 : i32
    %dma_wait3A_122 = arith.constant 0 : i32
    %dma_wait3A_123 = tpu.memref_slice %arg6[%dma_wait3A_121, %dma_wait3A_122] : memref<1024x64xf32, #tpu.memory_space<vmem>> -> memref<128x64xf32, #tpu.memory_space<vmem>>
    %dma_wait3A_124 = arith.constant 896 : i32
    %dma_wait3A_125 = tpu.memref_slice %arg5[%dma_wait3A_124] : memref<1024xi32, #tpu.memory_space<vmem>> -> memref<128xi32, #tpu.memory_space<vmem>>
    %dma_wait3A_126 = arith.constant 0 : i32
    %dma_wait3A_127 = arith.constant 0 : i32
    %dma_wait3A_128 = tpu.memref_slice %arg2[%dma_wait3A_126, %dma_wait3A_127] : memref<10000x64xf32, #tpu.memory_space<hbm>> -> memref<10000x64xf32, #tpu.memory_space<hbm>>
    tpu.wait_indirect_dma semaphore(%arg7 : memref<!tpu.dma_semaphore, #tpu.memory_space<semaphore_mem>>) src(%dma_wait3A_128 : memref<10000x64xf32, #tpu.memory_space<hbm>>) dst(%dma_wait3A_123 : memref<128x64xf32, #tpu.memory_space<vmem>>)
    %eq3A = arith.constant 29 : i32
    %eq3A_129 = arith.cmpi eq, %add3A, %eq3A : i32
    %convert_element_type3A = arith.extui %eq3A_129 : i1 to i32
    %cond3A = arith.constant 0 : i32
    %cond3A_130 = arith.cmpi ne, %convert_element_type3A, %cond3A : i32
    scf.if %cond3A_130 {
      "tpu.region"() ({
        %run_scoped3A = tpu.sem_alloc : memref<!tpu.dma_semaphore, #tpu.memory_space<semaphore_mem>>
        %dma_start3A_135 = arith.constant 0 : i32
        %dma_start3A_136 = arith.constant 0 : i32
        %dma_start3A_137 = tpu.memref_slice %arg6[%dma_start3A_135, %dma_start3A_136] : memref<1024x64xf32, #tpu.memory_space<vmem>> -> memref<304x64xf32, #tpu.memory_space<vmem>>
        %dma_start3A_138 = arith.constant 29696 : i32
        %dma_start3A_139 = arith.constant 0 : i32
        %dma_start3A_140 = tpu.memref_slice %arg4[%dma_start3A_138, %dma_start3A_139] : memref<30000x64xf32, #tpu.memory_space<hbm>> -> memref<304x64xf32, #tpu.memory_space<hbm>>
        %dma_start3A_141 = arith.constant 29696 : i32
        %dma_start3A_142 = arith.constant 0 : i32
        %dma_start3A_143 = tpu.memref_slice %arg4[%dma_start3A_141, %dma_start3A_142] : memref<30000x64xf32, #tpu.memory_space<hbm>> -> memref<304x64xf32, #tpu.memory_space<hbm>>
        %dma_start3A_144 = arith.constant 0 : i32
        %dma_start3A_145 = arith.constant 0 : i32
        %dma_start3A_146 = tpu.memref_slice %arg6[%dma_start3A_144, %dma_start3A_145] : memref<1024x64xf32, #tpu.memory_space<vmem>> -> memref<304x64xf32, #tpu.memory_space<vmem>>
        tpu.enqueue_dma source(%dma_start3A_146 : memref<304x64xf32, #tpu.memory_space<vmem>>) target(%dma_start3A_143 : memref<304x64xf32, #tpu.memory_space<hbm>>) target_semaphore(%run_scoped3A : memref<!tpu.dma_semaphore, #tpu.memory_space<semaphore_mem>>)
        %dma_wait3A_147 = arith.constant 0 : i32
        %dma_wait3A_148 = arith.constant 0 : i32
        %dma_wait3A_149 = tpu.memref_slice %arg6[%dma_wait3A_147, %dma_wait3A_148] : memref<1024x64xf32, #tpu.memory_space<vmem>> -> memref<304x64xf32, #tpu.memory_space<vmem>>
        %dma_wait3A_150 = arith.constant 29696 : i32
        %dma_wait3A_151 = arith.constant 0 : i32
        %dma_wait3A_152 = tpu.memref_slice %arg4[%dma_wait3A_150, %dma_wait3A_151] : memref<30000x64xf32, #tpu.memory_space<hbm>> -> memref<304x64xf32, #tpu.memory_space<hbm>>
        %dma_wait3A_153 = arith.constant 29696 : i32
        %dma_wait3A_154 = arith.constant 0 : i32
        %dma_wait3A_155 = tpu.memref_slice %arg4[%dma_wait3A_153, %dma_wait3A_154] : memref<30000x64xf32, #tpu.memory_space<hbm>> -> memref<304x64xf32, #tpu.memory_space<hbm>>
        %dma_wait3A_156 = arith.constant 0 : i32
        %dma_wait3A_157 = arith.constant 0 : i32
        %dma_wait3A_158 = tpu.memref_slice %arg6[%dma_wait3A_156, %dma_wait3A_157] : memref<1024x64xf32, #tpu.memory_space<vmem>> -> memref<304x64xf32, #tpu.memory_space<vmem>>
        tpu.wait_dma2 semaphore(%run_scoped3A : memref<!tpu.dma_semaphore, #tpu.memory_space<semaphore_mem>>) src(%dma_wait3A_158 : memref<304x64xf32, #tpu.memory_space<vmem>>) dst(%dma_wait3A_155 : memref<304x64xf32, #tpu.memory_space<hbm>>)
        tpu.yield
      }) : () -> ()
    } else {
    }
    %lt3A = arith.constant 29 : i32
    %lt3A_131 = arith.cmpi slt, %add3A, %lt3A : i32
    %convert_element_type3A_132 = arith.extui %lt3A_131 : i1 to i32
    %cond3A_133 = arith.constant 0 : i32
    %cond3A_134 = arith.cmpi ne, %convert_element_type3A_132, %cond3A_133 : i32
    scf.if %cond3A_134 {
      "tpu.region"() ({
        %run_scoped3A = tpu.sem_alloc : memref<!tpu.dma_semaphore, #tpu.memory_space<semaphore_mem>>
        %dma_start3A_135 = arith.constant 0 : i32
        %dma_start3A_136 = tpu.memref_slice %arg4[%mul3A_2, %dma_start3A_135] : memref<30000x64xf32, #tpu.memory_space<hbm>> -> memref<1024x64xf32, #tpu.memory_space<hbm>>
        %dma_start3A_137 = arith.constant 0 : i32
        %dma_start3A_138 = tpu.memref_slice %arg4[%mul3A_2, %dma_start3A_137] : memref<30000x64xf32, #tpu.memory_space<hbm>> -> memref<1024x64xf32, #tpu.memory_space<hbm>>
        tpu.enqueue_dma source(%arg6 : memref<1024x64xf32, #tpu.memory_space<vmem>>) target(%dma_start3A_138 : memref<1024x64xf32, #tpu.memory_space<hbm>>) target_semaphore(%run_scoped3A : memref<!tpu.dma_semaphore, #tpu.memory_space<semaphore_mem>>)
        %dma_wait3A_139 = arith.constant 0 : i32
        %dma_wait3A_140 = tpu.memref_slice %arg4[%mul3A_2, %dma_wait3A_139] : memref<30000x64xf32, #tpu.memory_space<hbm>> -> memref<1024x64xf32, #tpu.memory_space<hbm>>
        %dma_wait3A_141 = arith.constant 0 : i32
        %dma_wait3A_142 = tpu.memref_slice %arg4[%mul3A_2, %dma_wait3A_141] : memref<30000x64xf32, #tpu.memory_space<hbm>> -> memref<1024x64xf32, #tpu.memory_space<hbm>>
        tpu.wait_dma2 semaphore(%run_scoped3A : memref<!tpu.dma_semaphore, #tpu.memory_space<semaphore_mem>>) src(%arg6 : memref<1024x64xf32, #tpu.memory_space<vmem>>) dst(%dma_wait3A_142 : memref<1024x64xf32, #tpu.memory_space<hbm>>)
        tpu.yield
      }) : () -> ()
    } else {
    }
    return
  }
}

#map = affine_map<(d0, d1) -> (0, 0)>
#map1 = affine_map<(d0, d1) -> (0)>
module attributes {stable_mosaic.version = 14 : i64} {
  func.func @k(%arg0: i32, %arg1: i32, %arg2: memref<30000x32xf32, #tpu.memory_space<hbm>>, %arg3: memref<102400xi32, #tpu.memory_space<hbm>>, %arg4: memref<100000x32xf32, #tpu.memory_space<hbm>>, %arg5: memref<3200xi32, #tpu.memory_space<vmem>>, %arg6: memref<3200x32xf32, #tpu.memory_space<vmem>>, %arg7: memref<!tpu.dma_semaphore, #tpu.memory_space<semaphore_mem>>) attributes {dimension_semantics = [#tpu.dimension_semantics<core_parallel>, #tpu.dimension_semantics<subcore_parallel>], iteration_bounds = array<i64: 2, 16>, scalar_prefetch = 0 : i64, scratch_operands = 3 : i64, tpu.core_type = #tpu.core_type<sc_vector_subcore>, window_params = [{transform_indices = #map}, {transform_indices = #map1}, {transform_indices = #map}]} {
    %mul3A = arith.constant 2 : i32
    %mul3A_0 = arith.muli %arg1, %mul3A : i32
    %add3A = arith.addi %mul3A_0, %arg0 : i32
    %mul3A_1 = arith.constant 3200 : i32
    %mul3A_2 = arith.muli %add3A, %mul3A_1 : i32
    "tpu.region"() ({
      %run_scoped3A = tpu.sem_alloc : memref<!tpu.dma_semaphore, #tpu.memory_space<semaphore_mem>>
      %dma_start3A_407 = tpu.memref_slice %arg3[%mul3A_2] : memref<102400xi32, #tpu.memory_space<hbm>> -> memref<3200xi32, #tpu.memory_space<hbm>>
      %dma_start3A_408 = tpu.memref_slice %arg3[%mul3A_2] : memref<102400xi32, #tpu.memory_space<hbm>> -> memref<3200xi32, #tpu.memory_space<hbm>>
      tpu.enqueue_dma source(%dma_start3A_408 : memref<3200xi32, #tpu.memory_space<hbm>>) target(%arg5 : memref<3200xi32, #tpu.memory_space<vmem>>) target_semaphore(%run_scoped3A : memref<!tpu.dma_semaphore, #tpu.memory_space<semaphore_mem>>)
      %dma_wait3A_409 = tpu.memref_slice %arg3[%mul3A_2] : memref<102400xi32, #tpu.memory_space<hbm>> -> memref<3200xi32, #tpu.memory_space<hbm>>
      %dma_wait3A_410 = tpu.memref_slice %arg3[%mul3A_2] : memref<102400xi32, #tpu.memory_space<hbm>> -> memref<3200xi32, #tpu.memory_space<hbm>>
      tpu.wait_dma2 semaphore(%run_scoped3A : memref<!tpu.dma_semaphore, #tpu.memory_space<semaphore_mem>>) src(%dma_wait3A_410 : memref<3200xi32, #tpu.memory_space<hbm>>) dst(%arg5 : memref<3200xi32, #tpu.memory_space<vmem>>)
      tpu.yield
    }) : () -> ()
    %dma_start3A = arith.constant 0 : i32
    %dma_start3A_3 = arith.constant 0 : i32
    %dma_start3A_4 = tpu.memref_slice %arg6[%dma_start3A, %dma_start3A_3] : memref<3200x32xf32, #tpu.memory_space<vmem>> -> memref<128x32xf32, #tpu.memory_space<vmem>>
    %dma_start3A_5 = arith.constant 0 : i32
    %dma_start3A_6 = tpu.memref_slice %arg5[%dma_start3A_5] : memref<3200xi32, #tpu.memory_space<vmem>> -> memref<128xi32, #tpu.memory_space<vmem>>
    %dma_start3A_7 = arith.constant 0 : i32
    %dma_start3A_8 = arith.constant 0 : i32
    %dma_start3A_9 = tpu.memref_slice %arg2[%dma_start3A_7, %dma_start3A_8] : memref<30000x32xf32, #tpu.memory_space<hbm>> -> memref<30000x32xf32, #tpu.memory_space<hbm>>
    tpu.enqueue_indirect_dma source(%dma_start3A_9 : memref<30000x32xf32, #tpu.memory_space<hbm>>) target(%dma_start3A_4 : memref<128x32xf32, #tpu.memory_space<vmem>>) offsets(%dma_start3A_6 : memref<128xi32, #tpu.memory_space<vmem>>) semaphore(%arg7 : memref<!tpu.dma_semaphore, #tpu.memory_space<semaphore_mem>>)
    %dma_start3A_10 = arith.constant 128 : i32
    %dma_start3A_11 = arith.constant 0 : i32
    %dma_start3A_12 = tpu.memref_slice %arg6[%dma_start3A_10, %dma_start3A_11] : memref<3200x32xf32, #tpu.memory_space<vmem>> -> memref<128x32xf32, #tpu.memory_space<vmem>>
    %dma_start3A_13 = arith.constant 128 : i32
    %dma_start3A_14 = tpu.memref_slice %arg5[%dma_start3A_13] : memref<3200xi32, #tpu.memory_space<vmem>> -> memref<128xi32, #tpu.memory_space<vmem>>
    %dma_start3A_15 = arith.constant 0 : i32
    %dma_start3A_16 = arith.constant 0 : i32
    %dma_start3A_17 = tpu.memref_slice %arg2[%dma_start3A_15, %dma_start3A_16] : memref<30000x32xf32, #tpu.memory_space<hbm>> -> memref<30000x32xf32, #tpu.memory_space<hbm>>
    tpu.enqueue_indirect_dma source(%dma_start3A_17 : memref<30000x32xf32, #tpu.memory_space<hbm>>) target(%dma_start3A_12 : memref<128x32xf32, #tpu.memory_space<vmem>>) offsets(%dma_start3A_14 : memref<128xi32, #tpu.memory_space<vmem>>) semaphore(%arg7 : memref<!tpu.dma_semaphore, #tpu.memory_space<semaphore_mem>>)
    %dma_start3A_18 = arith.constant 256 : i32
    %dma_start3A_19 = arith.constant 0 : i32
    %dma_start3A_20 = tpu.memref_slice %arg6[%dma_start3A_18, %dma_start3A_19] : memref<3200x32xf32, #tpu.memory_space<vmem>> -> memref<128x32xf32, #tpu.memory_space<vmem>>
    %dma_start3A_21 = arith.constant 256 : i32
    %dma_start3A_22 = tpu.memref_slice %arg5[%dma_start3A_21] : memref<3200xi32, #tpu.memory_space<vmem>> -> memref<128xi32, #tpu.memory_space<vmem>>
    %dma_start3A_23 = arith.constant 0 : i32
    %dma_start3A_24 = arith.constant 0 : i32
    %dma_start3A_25 = tpu.memref_slice %arg2[%dma_start3A_23, %dma_start3A_24] : memref<30000x32xf32, #tpu.memory_space<hbm>> -> memref<30000x32xf32, #tpu.memory_space<hbm>>
    tpu.enqueue_indirect_dma source(%dma_start3A_25 : memref<30000x32xf32, #tpu.memory_space<hbm>>) target(%dma_start3A_20 : memref<128x32xf32, #tpu.memory_space<vmem>>) offsets(%dma_start3A_22 : memref<128xi32, #tpu.memory_space<vmem>>) semaphore(%arg7 : memref<!tpu.dma_semaphore, #tpu.memory_space<semaphore_mem>>)
    %dma_start3A_26 = arith.constant 384 : i32
    %dma_start3A_27 = arith.constant 0 : i32
    %dma_start3A_28 = tpu.memref_slice %arg6[%dma_start3A_26, %dma_start3A_27] : memref<3200x32xf32, #tpu.memory_space<vmem>> -> memref<128x32xf32, #tpu.memory_space<vmem>>
    %dma_start3A_29 = arith.constant 384 : i32
    %dma_start3A_30 = tpu.memref_slice %arg5[%dma_start3A_29] : memref<3200xi32, #tpu.memory_space<vmem>> -> memref<128xi32, #tpu.memory_space<vmem>>
    %dma_start3A_31 = arith.constant 0 : i32
    %dma_start3A_32 = arith.constant 0 : i32
    %dma_start3A_33 = tpu.memref_slice %arg2[%dma_start3A_31, %dma_start3A_32] : memref<30000x32xf32, #tpu.memory_space<hbm>> -> memref<30000x32xf32, #tpu.memory_space<hbm>>
    tpu.enqueue_indirect_dma source(%dma_start3A_33 : memref<30000x32xf32, #tpu.memory_space<hbm>>) target(%dma_start3A_28 : memref<128x32xf32, #tpu.memory_space<vmem>>) offsets(%dma_start3A_30 : memref<128xi32, #tpu.memory_space<vmem>>) semaphore(%arg7 : memref<!tpu.dma_semaphore, #tpu.memory_space<semaphore_mem>>)
    %dma_start3A_34 = arith.constant 512 : i32
    %dma_start3A_35 = arith.constant 0 : i32
    %dma_start3A_36 = tpu.memref_slice %arg6[%dma_start3A_34, %dma_start3A_35] : memref<3200x32xf32, #tpu.memory_space<vmem>> -> memref<128x32xf32, #tpu.memory_space<vmem>>
    %dma_start3A_37 = arith.constant 512 : i32
    %dma_start3A_38 = tpu.memref_slice %arg5[%dma_start3A_37] : memref<3200xi32, #tpu.memory_space<vmem>> -> memref<128xi32, #tpu.memory_space<vmem>>
    %dma_start3A_39 = arith.constant 0 : i32
    %dma_start3A_40 = arith.constant 0 : i32
    %dma_start3A_41 = tpu.memref_slice %arg2[%dma_start3A_39, %dma_start3A_40] : memref<30000x32xf32, #tpu.memory_space<hbm>> -> memref<30000x32xf32, #tpu.memory_space<hbm>>
    tpu.enqueue_indirect_dma source(%dma_start3A_41 : memref<30000x32xf32, #tpu.memory_space<hbm>>) target(%dma_start3A_36 : memref<128x32xf32, #tpu.memory_space<vmem>>) offsets(%dma_start3A_38 : memref<128xi32, #tpu.memory_space<vmem>>) semaphore(%arg7 : memref<!tpu.dma_semaphore, #tpu.memory_space<semaphore_mem>>)
    %dma_start3A_42 = arith.constant 640 : i32
    %dma_start3A_43 = arith.constant 0 : i32
    %dma_start3A_44 = tpu.memref_slice %arg6[%dma_start3A_42, %dma_start3A_43] : memref<3200x32xf32, #tpu.memory_space<vmem>> -> memref<128x32xf32, #tpu.memory_space<vmem>>
    %dma_start3A_45 = arith.constant 640 : i32
    %dma_start3A_46 = tpu.memref_slice %arg5[%dma_start3A_45] : memref<3200xi32, #tpu.memory_space<vmem>> -> memref<128xi32, #tpu.memory_space<vmem>>
    %dma_start3A_47 = arith.constant 0 : i32
    %dma_start3A_48 = arith.constant 0 : i32
    %dma_start3A_49 = tpu.memref_slice %arg2[%dma_start3A_47, %dma_start3A_48] : memref<30000x32xf32, #tpu.memory_space<hbm>> -> memref<30000x32xf32, #tpu.memory_space<hbm>>
    tpu.enqueue_indirect_dma source(%dma_start3A_49 : memref<30000x32xf32, #tpu.memory_space<hbm>>) target(%dma_start3A_44 : memref<128x32xf32, #tpu.memory_space<vmem>>) offsets(%dma_start3A_46 : memref<128xi32, #tpu.memory_space<vmem>>) semaphore(%arg7 : memref<!tpu.dma_semaphore, #tpu.memory_space<semaphore_mem>>)
    %dma_start3A_50 = arith.constant 768 : i32
    %dma_start3A_51 = arith.constant 0 : i32
    %dma_start3A_52 = tpu.memref_slice %arg6[%dma_start3A_50, %dma_start3A_51] : memref<3200x32xf32, #tpu.memory_space<vmem>> -> memref<128x32xf32, #tpu.memory_space<vmem>>
    %dma_start3A_53 = arith.constant 768 : i32
    %dma_start3A_54 = tpu.memref_slice %arg5[%dma_start3A_53] : memref<3200xi32, #tpu.memory_space<vmem>> -> memref<128xi32, #tpu.memory_space<vmem>>
    %dma_start3A_55 = arith.constant 0 : i32
    %dma_start3A_56 = arith.constant 0 : i32
    %dma_start3A_57 = tpu.memref_slice %arg2[%dma_start3A_55, %dma_start3A_56] : memref<30000x32xf32, #tpu.memory_space<hbm>> -> memref<30000x32xf32, #tpu.memory_space<hbm>>
    tpu.enqueue_indirect_dma source(%dma_start3A_57 : memref<30000x32xf32, #tpu.memory_space<hbm>>) target(%dma_start3A_52 : memref<128x32xf32, #tpu.memory_space<vmem>>) offsets(%dma_start3A_54 : memref<128xi32, #tpu.memory_space<vmem>>) semaphore(%arg7 : memref<!tpu.dma_semaphore, #tpu.memory_space<semaphore_mem>>)
    %dma_start3A_58 = arith.constant 896 : i32
    %dma_start3A_59 = arith.constant 0 : i32
    %dma_start3A_60 = tpu.memref_slice %arg6[%dma_start3A_58, %dma_start3A_59] : memref<3200x32xf32, #tpu.memory_space<vmem>> -> memref<128x32xf32, #tpu.memory_space<vmem>>
    %dma_start3A_61 = arith.constant 896 : i32
    %dma_start3A_62 = tpu.memref_slice %arg5[%dma_start3A_61] : memref<3200xi32, #tpu.memory_space<vmem>> -> memref<128xi32, #tpu.memory_space<vmem>>
    %dma_start3A_63 = arith.constant 0 : i32
    %dma_start3A_64 = arith.constant 0 : i32
    %dma_start3A_65 = tpu.memref_slice %arg2[%dma_start3A_63, %dma_start3A_64] : memref<30000x32xf32, #tpu.memory_space<hbm>> -> memref<30000x32xf32, #tpu.memory_space<hbm>>
    tpu.enqueue_indirect_dma source(%dma_start3A_65 : memref<30000x32xf32, #tpu.memory_space<hbm>>) target(%dma_start3A_60 : memref<128x32xf32, #tpu.memory_space<vmem>>) offsets(%dma_start3A_62 : memref<128xi32, #tpu.memory_space<vmem>>) semaphore(%arg7 : memref<!tpu.dma_semaphore, #tpu.memory_space<semaphore_mem>>)
    %dma_start3A_66 = arith.constant 1024 : i32
    %dma_start3A_67 = arith.constant 0 : i32
    %dma_start3A_68 = tpu.memref_slice %arg6[%dma_start3A_66, %dma_start3A_67] : memref<3200x32xf32, #tpu.memory_space<vmem>> -> memref<128x32xf32, #tpu.memory_space<vmem>>
    %dma_start3A_69 = arith.constant 1024 : i32
    %dma_start3A_70 = tpu.memref_slice %arg5[%dma_start3A_69] : memref<3200xi32, #tpu.memory_space<vmem>> -> memref<128xi32, #tpu.memory_space<vmem>>
    %dma_start3A_71 = arith.constant 0 : i32
    %dma_start3A_72 = arith.constant 0 : i32
    %dma_start3A_73 = tpu.memref_slice %arg2[%dma_start3A_71, %dma_start3A_72] : memref<30000x32xf32, #tpu.memory_space<hbm>> -> memref<30000x32xf32, #tpu.memory_space<hbm>>
    tpu.enqueue_indirect_dma source(%dma_start3A_73 : memref<30000x32xf32, #tpu.memory_space<hbm>>) target(%dma_start3A_68 : memref<128x32xf32, #tpu.memory_space<vmem>>) offsets(%dma_start3A_70 : memref<128xi32, #tpu.memory_space<vmem>>) semaphore(%arg7 : memref<!tpu.dma_semaphore, #tpu.memory_space<semaphore_mem>>)
    %dma_start3A_74 = arith.constant 1152 : i32
    %dma_start3A_75 = arith.constant 0 : i32
    %dma_start3A_76 = tpu.memref_slice %arg6[%dma_start3A_74, %dma_start3A_75] : memref<3200x32xf32, #tpu.memory_space<vmem>> -> memref<128x32xf32, #tpu.memory_space<vmem>>
    %dma_start3A_77 = arith.constant 1152 : i32
    %dma_start3A_78 = tpu.memref_slice %arg5[%dma_start3A_77] : memref<3200xi32, #tpu.memory_space<vmem>> -> memref<128xi32, #tpu.memory_space<vmem>>
    %dma_start3A_79 = arith.constant 0 : i32
    %dma_start3A_80 = arith.constant 0 : i32
    %dma_start3A_81 = tpu.memref_slice %arg2[%dma_start3A_79, %dma_start3A_80] : memref<30000x32xf32, #tpu.memory_space<hbm>> -> memref<30000x32xf32, #tpu.memory_space<hbm>>
    tpu.enqueue_indirect_dma source(%dma_start3A_81 : memref<30000x32xf32, #tpu.memory_space<hbm>>) target(%dma_start3A_76 : memref<128x32xf32, #tpu.memory_space<vmem>>) offsets(%dma_start3A_78 : memref<128xi32, #tpu.memory_space<vmem>>) semaphore(%arg7 : memref<!tpu.dma_semaphore, #tpu.memory_space<semaphore_mem>>)
    %dma_start3A_82 = arith.constant 1280 : i32
    %dma_start3A_83 = arith.constant 0 : i32
    %dma_start3A_84 = tpu.memref_slice %arg6[%dma_start3A_82, %dma_start3A_83] : memref<3200x32xf32, #tpu.memory_space<vmem>> -> memref<128x32xf32, #tpu.memory_space<vmem>>
    %dma_start3A_85 = arith.constant 1280 : i32
    %dma_start3A_86 = tpu.memref_slice %arg5[%dma_start3A_85] : memref<3200xi32, #tpu.memory_space<vmem>> -> memref<128xi32, #tpu.memory_space<vmem>>
    %dma_start3A_87 = arith.constant 0 : i32
    %dma_start3A_88 = arith.constant 0 : i32
    %dma_start3A_89 = tpu.memref_slice %arg2[%dma_start3A_87, %dma_start3A_88] : memref<30000x32xf32, #tpu.memory_space<hbm>> -> memref<30000x32xf32, #tpu.memory_space<hbm>>
    tpu.enqueue_indirect_dma source(%dma_start3A_89 : memref<30000x32xf32, #tpu.memory_space<hbm>>) target(%dma_start3A_84 : memref<128x32xf32, #tpu.memory_space<vmem>>) offsets(%dma_start3A_86 : memref<128xi32, #tpu.memory_space<vmem>>) semaphore(%arg7 : memref<!tpu.dma_semaphore, #tpu.memory_space<semaphore_mem>>)
    %dma_start3A_90 = arith.constant 1408 : i32
    %dma_start3A_91 = arith.constant 0 : i32
    %dma_start3A_92 = tpu.memref_slice %arg6[%dma_start3A_90, %dma_start3A_91] : memref<3200x32xf32, #tpu.memory_space<vmem>> -> memref<128x32xf32, #tpu.memory_space<vmem>>
    %dma_start3A_93 = arith.constant 1408 : i32
    %dma_start3A_94 = tpu.memref_slice %arg5[%dma_start3A_93] : memref<3200xi32, #tpu.memory_space<vmem>> -> memref<128xi32, #tpu.memory_space<vmem>>
    %dma_start3A_95 = arith.constant 0 : i32
    %dma_start3A_96 = arith.constant 0 : i32
    %dma_start3A_97 = tpu.memref_slice %arg2[%dma_start3A_95, %dma_start3A_96] : memref<30000x32xf32, #tpu.memory_space<hbm>> -> memref<30000x32xf32, #tpu.memory_space<hbm>>
    tpu.enqueue_indirect_dma source(%dma_start3A_97 : memref<30000x32xf32, #tpu.memory_space<hbm>>) target(%dma_start3A_92 : memref<128x32xf32, #tpu.memory_space<vmem>>) offsets(%dma_start3A_94 : memref<128xi32, #tpu.memory_space<vmem>>) semaphore(%arg7 : memref<!tpu.dma_semaphore, #tpu.memory_space<semaphore_mem>>)
    %dma_start3A_98 = arith.constant 1536 : i32
    %dma_start3A_99 = arith.constant 0 : i32
    %dma_start3A_100 = tpu.memref_slice %arg6[%dma_start3A_98, %dma_start3A_99] : memref<3200x32xf32, #tpu.memory_space<vmem>> -> memref<128x32xf32, #tpu.memory_space<vmem>>
    %dma_start3A_101 = arith.constant 1536 : i32
    %dma_start3A_102 = tpu.memref_slice %arg5[%dma_start3A_101] : memref<3200xi32, #tpu.memory_space<vmem>> -> memref<128xi32, #tpu.memory_space<vmem>>
    %dma_start3A_103 = arith.constant 0 : i32
    %dma_start3A_104 = arith.constant 0 : i32
    %dma_start3A_105 = tpu.memref_slice %arg2[%dma_start3A_103, %dma_start3A_104] : memref<30000x32xf32, #tpu.memory_space<hbm>> -> memref<30000x32xf32, #tpu.memory_space<hbm>>
    tpu.enqueue_indirect_dma source(%dma_start3A_105 : memref<30000x32xf32, #tpu.memory_space<hbm>>) target(%dma_start3A_100 : memref<128x32xf32, #tpu.memory_space<vmem>>) offsets(%dma_start3A_102 : memref<128xi32, #tpu.memory_space<vmem>>) semaphore(%arg7 : memref<!tpu.dma_semaphore, #tpu.memory_space<semaphore_mem>>)
    %dma_start3A_106 = arith.constant 1664 : i32
    %dma_start3A_107 = arith.constant 0 : i32
    %dma_start3A_108 = tpu.memref_slice %arg6[%dma_start3A_106, %dma_start3A_107] : memref<3200x32xf32, #tpu.memory_space<vmem>> -> memref<128x32xf32, #tpu.memory_space<vmem>>
    %dma_start3A_109 = arith.constant 1664 : i32
    %dma_start3A_110 = tpu.memref_slice %arg5[%dma_start3A_109] : memref<3200xi32, #tpu.memory_space<vmem>> -> memref<128xi32, #tpu.memory_space<vmem>>
    %dma_start3A_111 = arith.constant 0 : i32
    %dma_start3A_112 = arith.constant 0 : i32
    %dma_start3A_113 = tpu.memref_slice %arg2[%dma_start3A_111, %dma_start3A_112] : memref<30000x32xf32, #tpu.memory_space<hbm>> -> memref<30000x32xf32, #tpu.memory_space<hbm>>
    tpu.enqueue_indirect_dma source(%dma_start3A_113 : memref<30000x32xf32, #tpu.memory_space<hbm>>) target(%dma_start3A_108 : memref<128x32xf32, #tpu.memory_space<vmem>>) offsets(%dma_start3A_110 : memref<128xi32, #tpu.memory_space<vmem>>) semaphore(%arg7 : memref<!tpu.dma_semaphore, #tpu.memory_space<semaphore_mem>>)
    %dma_start3A_114 = arith.constant 1792 : i32
    %dma_start3A_115 = arith.constant 0 : i32
    %dma_start3A_116 = tpu.memref_slice %arg6[%dma_start3A_114, %dma_start3A_115] : memref<3200x32xf32, #tpu.memory_space<vmem>> -> memref<128x32xf32, #tpu.memory_space<vmem>>
    %dma_start3A_117 = arith.constant 1792 : i32
    %dma_start3A_118 = tpu.memref_slice %arg5[%dma_start3A_117] : memref<3200xi32, #tpu.memory_space<vmem>> -> memref<128xi32, #tpu.memory_space<vmem>>
    %dma_start3A_119 = arith.constant 0 : i32
    %dma_start3A_120 = arith.constant 0 : i32
    %dma_start3A_121 = tpu.memref_slice %arg2[%dma_start3A_119, %dma_start3A_120] : memref<30000x32xf32, #tpu.memory_space<hbm>> -> memref<30000x32xf32, #tpu.memory_space<hbm>>
    tpu.enqueue_indirect_dma source(%dma_start3A_121 : memref<30000x32xf32, #tpu.memory_space<hbm>>) target(%dma_start3A_116 : memref<128x32xf32, #tpu.memory_space<vmem>>) offsets(%dma_start3A_118 : memref<128xi32, #tpu.memory_space<vmem>>) semaphore(%arg7 : memref<!tpu.dma_semaphore, #tpu.memory_space<semaphore_mem>>)
    %dma_start3A_122 = arith.constant 1920 : i32
    %dma_start3A_123 = arith.constant 0 : i32
    %dma_start3A_124 = tpu.memref_slice %arg6[%dma_start3A_122, %dma_start3A_123] : memref<3200x32xf32, #tpu.memory_space<vmem>> -> memref<128x32xf32, #tpu.memory_space<vmem>>
    %dma_start3A_125 = arith.constant 1920 : i32
    %dma_start3A_126 = tpu.memref_slice %arg5[%dma_start3A_125] : memref<3200xi32, #tpu.memory_space<vmem>> -> memref<128xi32, #tpu.memory_space<vmem>>
    %dma_start3A_127 = arith.constant 0 : i32
    %dma_start3A_128 = arith.constant 0 : i32
    %dma_start3A_129 = tpu.memref_slice %arg2[%dma_start3A_127, %dma_start3A_128] : memref<30000x32xf32, #tpu.memory_space<hbm>> -> memref<30000x32xf32, #tpu.memory_space<hbm>>
    tpu.enqueue_indirect_dma source(%dma_start3A_129 : memref<30000x32xf32, #tpu.memory_space<hbm>>) target(%dma_start3A_124 : memref<128x32xf32, #tpu.memory_space<vmem>>) offsets(%dma_start3A_126 : memref<128xi32, #tpu.memory_space<vmem>>) semaphore(%arg7 : memref<!tpu.dma_semaphore, #tpu.memory_space<semaphore_mem>>)
    %dma_start3A_130 = arith.constant 2048 : i32
    %dma_start3A_131 = arith.constant 0 : i32
    %dma_start3A_132 = tpu.memref_slice %arg6[%dma_start3A_130, %dma_start3A_131] : memref<3200x32xf32, #tpu.memory_space<vmem>> -> memref<128x32xf32, #tpu.memory_space<vmem>>
    %dma_start3A_133 = arith.constant 2048 : i32
    %dma_start3A_134 = tpu.memref_slice %arg5[%dma_start3A_133] : memref<3200xi32, #tpu.memory_space<vmem>> -> memref<128xi32, #tpu.memory_space<vmem>>
    %dma_start3A_135 = arith.constant 0 : i32
    %dma_start3A_136 = arith.constant 0 : i32
    %dma_start3A_137 = tpu.memref_slice %arg2[%dma_start3A_135, %dma_start3A_136] : memref<30000x32xf32, #tpu.memory_space<hbm>> -> memref<30000x32xf32, #tpu.memory_space<hbm>>
    tpu.enqueue_indirect_dma source(%dma_start3A_137 : memref<30000x32xf32, #tpu.memory_space<hbm>>) target(%dma_start3A_132 : memref<128x32xf32, #tpu.memory_space<vmem>>) offsets(%dma_start3A_134 : memref<128xi32, #tpu.memory_space<vmem>>) semaphore(%arg7 : memref<!tpu.dma_semaphore, #tpu.memory_space<semaphore_mem>>)
    %dma_start3A_138 = arith.constant 2176 : i32
    %dma_start3A_139 = arith.constant 0 : i32
    %dma_start3A_140 = tpu.memref_slice %arg6[%dma_start3A_138, %dma_start3A_139] : memref<3200x32xf32, #tpu.memory_space<vmem>> -> memref<128x32xf32, #tpu.memory_space<vmem>>
    %dma_start3A_141 = arith.constant 2176 : i32
    %dma_start3A_142 = tpu.memref_slice %arg5[%dma_start3A_141] : memref<3200xi32, #tpu.memory_space<vmem>> -> memref<128xi32, #tpu.memory_space<vmem>>
    %dma_start3A_143 = arith.constant 0 : i32
    %dma_start3A_144 = arith.constant 0 : i32
    %dma_start3A_145 = tpu.memref_slice %arg2[%dma_start3A_143, %dma_start3A_144] : memref<30000x32xf32, #tpu.memory_space<hbm>> -> memref<30000x32xf32, #tpu.memory_space<hbm>>
    tpu.enqueue_indirect_dma source(%dma_start3A_145 : memref<30000x32xf32, #tpu.memory_space<hbm>>) target(%dma_start3A_140 : memref<128x32xf32, #tpu.memory_space<vmem>>) offsets(%dma_start3A_142 : memref<128xi32, #tpu.memory_space<vmem>>) semaphore(%arg7 : memref<!tpu.dma_semaphore, #tpu.memory_space<semaphore_mem>>)
    %dma_start3A_146 = arith.constant 2304 : i32
    %dma_start3A_147 = arith.constant 0 : i32
    %dma_start3A_148 = tpu.memref_slice %arg6[%dma_start3A_146, %dma_start3A_147] : memref<3200x32xf32, #tpu.memory_space<vmem>> -> memref<128x32xf32, #tpu.memory_space<vmem>>
    %dma_start3A_149 = arith.constant 2304 : i32
    %dma_start3A_150 = tpu.memref_slice %arg5[%dma_start3A_149] : memref<3200xi32, #tpu.memory_space<vmem>> -> memref<128xi32, #tpu.memory_space<vmem>>
    %dma_start3A_151 = arith.constant 0 : i32
    %dma_start3A_152 = arith.constant 0 : i32
    %dma_start3A_153 = tpu.memref_slice %arg2[%dma_start3A_151, %dma_start3A_152] : memref<30000x32xf32, #tpu.memory_space<hbm>> -> memref<30000x32xf32, #tpu.memory_space<hbm>>
    tpu.enqueue_indirect_dma source(%dma_start3A_153 : memref<30000x32xf32, #tpu.memory_space<hbm>>) target(%dma_start3A_148 : memref<128x32xf32, #tpu.memory_space<vmem>>) offsets(%dma_start3A_150 : memref<128xi32, #tpu.memory_space<vmem>>) semaphore(%arg7 : memref<!tpu.dma_semaphore, #tpu.memory_space<semaphore_mem>>)
    %dma_start3A_154 = arith.constant 2432 : i32
    %dma_start3A_155 = arith.constant 0 : i32
    %dma_start3A_156 = tpu.memref_slice %arg6[%dma_start3A_154, %dma_start3A_155] : memref<3200x32xf32, #tpu.memory_space<vmem>> -> memref<128x32xf32, #tpu.memory_space<vmem>>
    %dma_start3A_157 = arith.constant 2432 : i32
    %dma_start3A_158 = tpu.memref_slice %arg5[%dma_start3A_157] : memref<3200xi32, #tpu.memory_space<vmem>> -> memref<128xi32, #tpu.memory_space<vmem>>
    %dma_start3A_159 = arith.constant 0 : i32
    %dma_start3A_160 = arith.constant 0 : i32
    %dma_start3A_161 = tpu.memref_slice %arg2[%dma_start3A_159, %dma_start3A_160] : memref<30000x32xf32, #tpu.memory_space<hbm>> -> memref<30000x32xf32, #tpu.memory_space<hbm>>
    tpu.enqueue_indirect_dma source(%dma_start3A_161 : memref<30000x32xf32, #tpu.memory_space<hbm>>) target(%dma_start3A_156 : memref<128x32xf32, #tpu.memory_space<vmem>>) offsets(%dma_start3A_158 : memref<128xi32, #tpu.memory_space<vmem>>) semaphore(%arg7 : memref<!tpu.dma_semaphore, #tpu.memory_space<semaphore_mem>>)
    %dma_start3A_162 = arith.constant 2560 : i32
    %dma_start3A_163 = arith.constant 0 : i32
    %dma_start3A_164 = tpu.memref_slice %arg6[%dma_start3A_162, %dma_start3A_163] : memref<3200x32xf32, #tpu.memory_space<vmem>> -> memref<128x32xf32, #tpu.memory_space<vmem>>
    %dma_start3A_165 = arith.constant 2560 : i32
    %dma_start3A_166 = tpu.memref_slice %arg5[%dma_start3A_165] : memref<3200xi32, #tpu.memory_space<vmem>> -> memref<128xi32, #tpu.memory_space<vmem>>
    %dma_start3A_167 = arith.constant 0 : i32
    %dma_start3A_168 = arith.constant 0 : i32
    %dma_start3A_169 = tpu.memref_slice %arg2[%dma_start3A_167, %dma_start3A_168] : memref<30000x32xf32, #tpu.memory_space<hbm>> -> memref<30000x32xf32, #tpu.memory_space<hbm>>
    tpu.enqueue_indirect_dma source(%dma_start3A_169 : memref<30000x32xf32, #tpu.memory_space<hbm>>) target(%dma_start3A_164 : memref<128x32xf32, #tpu.memory_space<vmem>>) offsets(%dma_start3A_166 : memref<128xi32, #tpu.memory_space<vmem>>) semaphore(%arg7 : memref<!tpu.dma_semaphore, #tpu.memory_space<semaphore_mem>>)
    %dma_start3A_170 = arith.constant 2688 : i32
    %dma_start3A_171 = arith.constant 0 : i32
    %dma_start3A_172 = tpu.memref_slice %arg6[%dma_start3A_170, %dma_start3A_171] : memref<3200x32xf32, #tpu.memory_space<vmem>> -> memref<128x32xf32, #tpu.memory_space<vmem>>
    %dma_start3A_173 = arith.constant 2688 : i32
    %dma_start3A_174 = tpu.memref_slice %arg5[%dma_start3A_173] : memref<3200xi32, #tpu.memory_space<vmem>> -> memref<128xi32, #tpu.memory_space<vmem>>
    %dma_start3A_175 = arith.constant 0 : i32
    %dma_start3A_176 = arith.constant 0 : i32
    %dma_start3A_177 = tpu.memref_slice %arg2[%dma_start3A_175, %dma_start3A_176] : memref<30000x32xf32, #tpu.memory_space<hbm>> -> memref<30000x32xf32, #tpu.memory_space<hbm>>
    tpu.enqueue_indirect_dma source(%dma_start3A_177 : memref<30000x32xf32, #tpu.memory_space<hbm>>) target(%dma_start3A_172 : memref<128x32xf32, #tpu.memory_space<vmem>>) offsets(%dma_start3A_174 : memref<128xi32, #tpu.memory_space<vmem>>) semaphore(%arg7 : memref<!tpu.dma_semaphore, #tpu.memory_space<semaphore_mem>>)
    %dma_start3A_178 = arith.constant 2816 : i32
    %dma_start3A_179 = arith.constant 0 : i32
    %dma_start3A_180 = tpu.memref_slice %arg6[%dma_start3A_178, %dma_start3A_179] : memref<3200x32xf32, #tpu.memory_space<vmem>> -> memref<128x32xf32, #tpu.memory_space<vmem>>
    %dma_start3A_181 = arith.constant 2816 : i32
    %dma_start3A_182 = tpu.memref_slice %arg5[%dma_start3A_181] : memref<3200xi32, #tpu.memory_space<vmem>> -> memref<128xi32, #tpu.memory_space<vmem>>
    %dma_start3A_183 = arith.constant 0 : i32
    %dma_start3A_184 = arith.constant 0 : i32
    %dma_start3A_185 = tpu.memref_slice %arg2[%dma_start3A_183, %dma_start3A_184] : memref<30000x32xf32, #tpu.memory_space<hbm>> -> memref<30000x32xf32, #tpu.memory_space<hbm>>
    tpu.enqueue_indirect_dma source(%dma_start3A_185 : memref<30000x32xf32, #tpu.memory_space<hbm>>) target(%dma_start3A_180 : memref<128x32xf32, #tpu.memory_space<vmem>>) offsets(%dma_start3A_182 : memref<128xi32, #tpu.memory_space<vmem>>) semaphore(%arg7 : memref<!tpu.dma_semaphore, #tpu.memory_space<semaphore_mem>>)
    %dma_start3A_186 = arith.constant 2944 : i32
    %dma_start3A_187 = arith.constant 0 : i32
    %dma_start3A_188 = tpu.memref_slice %arg6[%dma_start3A_186, %dma_start3A_187] : memref<3200x32xf32, #tpu.memory_space<vmem>> -> memref<128x32xf32, #tpu.memory_space<vmem>>
    %dma_start3A_189 = arith.constant 2944 : i32
    %dma_start3A_190 = tpu.memref_slice %arg5[%dma_start3A_189] : memref<3200xi32, #tpu.memory_space<vmem>> -> memref<128xi32, #tpu.memory_space<vmem>>
    %dma_start3A_191 = arith.constant 0 : i32
    %dma_start3A_192 = arith.constant 0 : i32
    %dma_start3A_193 = tpu.memref_slice %arg2[%dma_start3A_191, %dma_start3A_192] : memref<30000x32xf32, #tpu.memory_space<hbm>> -> memref<30000x32xf32, #tpu.memory_space<hbm>>
    tpu.enqueue_indirect_dma source(%dma_start3A_193 : memref<30000x32xf32, #tpu.memory_space<hbm>>) target(%dma_start3A_188 : memref<128x32xf32, #tpu.memory_space<vmem>>) offsets(%dma_start3A_190 : memref<128xi32, #tpu.memory_space<vmem>>) semaphore(%arg7 : memref<!tpu.dma_semaphore, #tpu.memory_space<semaphore_mem>>)
    %dma_start3A_194 = arith.constant 3072 : i32
    %dma_start3A_195 = arith.constant 0 : i32
    %dma_start3A_196 = tpu.memref_slice %arg6[%dma_start3A_194, %dma_start3A_195] : memref<3200x32xf32, #tpu.memory_space<vmem>> -> memref<128x32xf32, #tpu.memory_space<vmem>>
    %dma_start3A_197 = arith.constant 3072 : i32
    %dma_start3A_198 = tpu.memref_slice %arg5[%dma_start3A_197] : memref<3200xi32, #tpu.memory_space<vmem>> -> memref<128xi32, #tpu.memory_space<vmem>>
    %dma_start3A_199 = arith.constant 0 : i32
    %dma_start3A_200 = arith.constant 0 : i32
    %dma_start3A_201 = tpu.memref_slice %arg2[%dma_start3A_199, %dma_start3A_200] : memref<30000x32xf32, #tpu.memory_space<hbm>> -> memref<30000x32xf32, #tpu.memory_space<hbm>>
    tpu.enqueue_indirect_dma source(%dma_start3A_201 : memref<30000x32xf32, #tpu.memory_space<hbm>>) target(%dma_start3A_196 : memref<128x32xf32, #tpu.memory_space<vmem>>) offsets(%dma_start3A_198 : memref<128xi32, #tpu.memory_space<vmem>>) semaphore(%arg7 : memref<!tpu.dma_semaphore, #tpu.memory_space<semaphore_mem>>)
    %dma_wait3A = arith.constant 0 : i32
    %dma_wait3A_202 = arith.constant 0 : i32
    %dma_wait3A_203 = tpu.memref_slice %arg6[%dma_wait3A, %dma_wait3A_202] : memref<3200x32xf32, #tpu.memory_space<vmem>> -> memref<128x32xf32, #tpu.memory_space<vmem>>
    %dma_wait3A_204 = arith.constant 0 : i32
    %dma_wait3A_205 = tpu.memref_slice %arg5[%dma_wait3A_204] : memref<3200xi32, #tpu.memory_space<vmem>> -> memref<128xi32, #tpu.memory_space<vmem>>
    %dma_wait3A_206 = arith.constant 0 : i32
    %dma_wait3A_207 = arith.constant 0 : i32
    %dma_wait3A_208 = tpu.memref_slice %arg2[%dma_wait3A_206, %dma_wait3A_207] : memref<30000x32xf32, #tpu.memory_space<hbm>> -> memref<30000x32xf32, #tpu.memory_space<hbm>>
    tpu.wait_indirect_dma semaphore(%arg7 : memref<!tpu.dma_semaphore, #tpu.memory_space<semaphore_mem>>) src(%dma_wait3A_208 : memref<30000x32xf32, #tpu.memory_space<hbm>>) dst(%dma_wait3A_203 : memref<128x32xf32, #tpu.memory_space<vmem>>)
    %dma_wait3A_209 = arith.constant 128 : i32
    %dma_wait3A_210 = arith.constant 0 : i32
    %dma_wait3A_211 = tpu.memref_slice %arg6[%dma_wait3A_209, %dma_wait3A_210] : memref<3200x32xf32, #tpu.memory_space<vmem>> -> memref<128x32xf32, #tpu.memory_space<vmem>>
    %dma_wait3A_212 = arith.constant 128 : i32
    %dma_wait3A_213 = tpu.memref_slice %arg5[%dma_wait3A_212] : memref<3200xi32, #tpu.memory_space<vmem>> -> memref<128xi32, #tpu.memory_space<vmem>>
    %dma_wait3A_214 = arith.constant 0 : i32
    %dma_wait3A_215 = arith.constant 0 : i32
    %dma_wait3A_216 = tpu.memref_slice %arg2[%dma_wait3A_214, %dma_wait3A_215] : memref<30000x32xf32, #tpu.memory_space<hbm>> -> memref<30000x32xf32, #tpu.memory_space<hbm>>
    tpu.wait_indirect_dma semaphore(%arg7 : memref<!tpu.dma_semaphore, #tpu.memory_space<semaphore_mem>>) src(%dma_wait3A_216 : memref<30000x32xf32, #tpu.memory_space<hbm>>) dst(%dma_wait3A_211 : memref<128x32xf32, #tpu.memory_space<vmem>>)
    %dma_wait3A_217 = arith.constant 256 : i32
    %dma_wait3A_218 = arith.constant 0 : i32
    %dma_wait3A_219 = tpu.memref_slice %arg6[%dma_wait3A_217, %dma_wait3A_218] : memref<3200x32xf32, #tpu.memory_space<vmem>> -> memref<128x32xf32, #tpu.memory_space<vmem>>
    %dma_wait3A_220 = arith.constant 256 : i32
    %dma_wait3A_221 = tpu.memref_slice %arg5[%dma_wait3A_220] : memref<3200xi32, #tpu.memory_space<vmem>> -> memref<128xi32, #tpu.memory_space<vmem>>
    %dma_wait3A_222 = arith.constant 0 : i32
    %dma_wait3A_223 = arith.constant 0 : i32
    %dma_wait3A_224 = tpu.memref_slice %arg2[%dma_wait3A_222, %dma_wait3A_223] : memref<30000x32xf32, #tpu.memory_space<hbm>> -> memref<30000x32xf32, #tpu.memory_space<hbm>>
    tpu.wait_indirect_dma semaphore(%arg7 : memref<!tpu.dma_semaphore, #tpu.memory_space<semaphore_mem>>) src(%dma_wait3A_224 : memref<30000x32xf32, #tpu.memory_space<hbm>>) dst(%dma_wait3A_219 : memref<128x32xf32, #tpu.memory_space<vmem>>)
    %dma_wait3A_225 = arith.constant 384 : i32
    %dma_wait3A_226 = arith.constant 0 : i32
    %dma_wait3A_227 = tpu.memref_slice %arg6[%dma_wait3A_225, %dma_wait3A_226] : memref<3200x32xf32, #tpu.memory_space<vmem>> -> memref<128x32xf32, #tpu.memory_space<vmem>>
    %dma_wait3A_228 = arith.constant 384 : i32
    %dma_wait3A_229 = tpu.memref_slice %arg5[%dma_wait3A_228] : memref<3200xi32, #tpu.memory_space<vmem>> -> memref<128xi32, #tpu.memory_space<vmem>>
    %dma_wait3A_230 = arith.constant 0 : i32
    %dma_wait3A_231 = arith.constant 0 : i32
    %dma_wait3A_232 = tpu.memref_slice %arg2[%dma_wait3A_230, %dma_wait3A_231] : memref<30000x32xf32, #tpu.memory_space<hbm>> -> memref<30000x32xf32, #tpu.memory_space<hbm>>
    tpu.wait_indirect_dma semaphore(%arg7 : memref<!tpu.dma_semaphore, #tpu.memory_space<semaphore_mem>>) src(%dma_wait3A_232 : memref<30000x32xf32, #tpu.memory_space<hbm>>) dst(%dma_wait3A_227 : memref<128x32xf32, #tpu.memory_space<vmem>>)
    %dma_wait3A_233 = arith.constant 512 : i32
    %dma_wait3A_234 = arith.constant 0 : i32
    %dma_wait3A_235 = tpu.memref_slice %arg6[%dma_wait3A_233, %dma_wait3A_234] : memref<3200x32xf32, #tpu.memory_space<vmem>> -> memref<128x32xf32, #tpu.memory_space<vmem>>
    %dma_wait3A_236 = arith.constant 512 : i32
    %dma_wait3A_237 = tpu.memref_slice %arg5[%dma_wait3A_236] : memref<3200xi32, #tpu.memory_space<vmem>> -> memref<128xi32, #tpu.memory_space<vmem>>
    %dma_wait3A_238 = arith.constant 0 : i32
    %dma_wait3A_239 = arith.constant 0 : i32
    %dma_wait3A_240 = tpu.memref_slice %arg2[%dma_wait3A_238, %dma_wait3A_239] : memref<30000x32xf32, #tpu.memory_space<hbm>> -> memref<30000x32xf32, #tpu.memory_space<hbm>>
    tpu.wait_indirect_dma semaphore(%arg7 : memref<!tpu.dma_semaphore, #tpu.memory_space<semaphore_mem>>) src(%dma_wait3A_240 : memref<30000x32xf32, #tpu.memory_space<hbm>>) dst(%dma_wait3A_235 : memref<128x32xf32, #tpu.memory_space<vmem>>)
    %dma_wait3A_241 = arith.constant 640 : i32
    %dma_wait3A_242 = arith.constant 0 : i32
    %dma_wait3A_243 = tpu.memref_slice %arg6[%dma_wait3A_241, %dma_wait3A_242] : memref<3200x32xf32, #tpu.memory_space<vmem>> -> memref<128x32xf32, #tpu.memory_space<vmem>>
    %dma_wait3A_244 = arith.constant 640 : i32
    %dma_wait3A_245 = tpu.memref_slice %arg5[%dma_wait3A_244] : memref<3200xi32, #tpu.memory_space<vmem>> -> memref<128xi32, #tpu.memory_space<vmem>>
    %dma_wait3A_246 = arith.constant 0 : i32
    %dma_wait3A_247 = arith.constant 0 : i32
    %dma_wait3A_248 = tpu.memref_slice %arg2[%dma_wait3A_246, %dma_wait3A_247] : memref<30000x32xf32, #tpu.memory_space<hbm>> -> memref<30000x32xf32, #tpu.memory_space<hbm>>
    tpu.wait_indirect_dma semaphore(%arg7 : memref<!tpu.dma_semaphore, #tpu.memory_space<semaphore_mem>>) src(%dma_wait3A_248 : memref<30000x32xf32, #tpu.memory_space<hbm>>) dst(%dma_wait3A_243 : memref<128x32xf32, #tpu.memory_space<vmem>>)
    %dma_wait3A_249 = arith.constant 768 : i32
    %dma_wait3A_250 = arith.constant 0 : i32
    %dma_wait3A_251 = tpu.memref_slice %arg6[%dma_wait3A_249, %dma_wait3A_250] : memref<3200x32xf32, #tpu.memory_space<vmem>> -> memref<128x32xf32, #tpu.memory_space<vmem>>
    %dma_wait3A_252 = arith.constant 768 : i32
    %dma_wait3A_253 = tpu.memref_slice %arg5[%dma_wait3A_252] : memref<3200xi32, #tpu.memory_space<vmem>> -> memref<128xi32, #tpu.memory_space<vmem>>
    %dma_wait3A_254 = arith.constant 0 : i32
    %dma_wait3A_255 = arith.constant 0 : i32
    %dma_wait3A_256 = tpu.memref_slice %arg2[%dma_wait3A_254, %dma_wait3A_255] : memref<30000x32xf32, #tpu.memory_space<hbm>> -> memref<30000x32xf32, #tpu.memory_space<hbm>>
    tpu.wait_indirect_dma semaphore(%arg7 : memref<!tpu.dma_semaphore, #tpu.memory_space<semaphore_mem>>) src(%dma_wait3A_256 : memref<30000x32xf32, #tpu.memory_space<hbm>>) dst(%dma_wait3A_251 : memref<128x32xf32, #tpu.memory_space<vmem>>)
    %dma_wait3A_257 = arith.constant 896 : i32
    %dma_wait3A_258 = arith.constant 0 : i32
    %dma_wait3A_259 = tpu.memref_slice %arg6[%dma_wait3A_257, %dma_wait3A_258] : memref<3200x32xf32, #tpu.memory_space<vmem>> -> memref<128x32xf32, #tpu.memory_space<vmem>>
    %dma_wait3A_260 = arith.constant 896 : i32
    %dma_wait3A_261 = tpu.memref_slice %arg5[%dma_wait3A_260] : memref<3200xi32, #tpu.memory_space<vmem>> -> memref<128xi32, #tpu.memory_space<vmem>>
    %dma_wait3A_262 = arith.constant 0 : i32
    %dma_wait3A_263 = arith.constant 0 : i32
    %dma_wait3A_264 = tpu.memref_slice %arg2[%dma_wait3A_262, %dma_wait3A_263] : memref<30000x32xf32, #tpu.memory_space<hbm>> -> memref<30000x32xf32, #tpu.memory_space<hbm>>
    tpu.wait_indirect_dma semaphore(%arg7 : memref<!tpu.dma_semaphore, #tpu.memory_space<semaphore_mem>>) src(%dma_wait3A_264 : memref<30000x32xf32, #tpu.memory_space<hbm>>) dst(%dma_wait3A_259 : memref<128x32xf32, #tpu.memory_space<vmem>>)
    %dma_wait3A_265 = arith.constant 1024 : i32
    %dma_wait3A_266 = arith.constant 0 : i32
    %dma_wait3A_267 = tpu.memref_slice %arg6[%dma_wait3A_265, %dma_wait3A_266] : memref<3200x32xf32, #tpu.memory_space<vmem>> -> memref<128x32xf32, #tpu.memory_space<vmem>>
    %dma_wait3A_268 = arith.constant 1024 : i32
    %dma_wait3A_269 = tpu.memref_slice %arg5[%dma_wait3A_268] : memref<3200xi32, #tpu.memory_space<vmem>> -> memref<128xi32, #tpu.memory_space<vmem>>
    %dma_wait3A_270 = arith.constant 0 : i32
    %dma_wait3A_271 = arith.constant 0 : i32
    %dma_wait3A_272 = tpu.memref_slice %arg2[%dma_wait3A_270, %dma_wait3A_271] : memref<30000x32xf32, #tpu.memory_space<hbm>> -> memref<30000x32xf32, #tpu.memory_space<hbm>>
    tpu.wait_indirect_dma semaphore(%arg7 : memref<!tpu.dma_semaphore, #tpu.memory_space<semaphore_mem>>) src(%dma_wait3A_272 : memref<30000x32xf32, #tpu.memory_space<hbm>>) dst(%dma_wait3A_267 : memref<128x32xf32, #tpu.memory_space<vmem>>)
    %dma_wait3A_273 = arith.constant 1152 : i32
    %dma_wait3A_274 = arith.constant 0 : i32
    %dma_wait3A_275 = tpu.memref_slice %arg6[%dma_wait3A_273, %dma_wait3A_274] : memref<3200x32xf32, #tpu.memory_space<vmem>> -> memref<128x32xf32, #tpu.memory_space<vmem>>
    %dma_wait3A_276 = arith.constant 1152 : i32
    %dma_wait3A_277 = tpu.memref_slice %arg5[%dma_wait3A_276] : memref<3200xi32, #tpu.memory_space<vmem>> -> memref<128xi32, #tpu.memory_space<vmem>>
    %dma_wait3A_278 = arith.constant 0 : i32
    %dma_wait3A_279 = arith.constant 0 : i32
    %dma_wait3A_280 = tpu.memref_slice %arg2[%dma_wait3A_278, %dma_wait3A_279] : memref<30000x32xf32, #tpu.memory_space<hbm>> -> memref<30000x32xf32, #tpu.memory_space<hbm>>
    tpu.wait_indirect_dma semaphore(%arg7 : memref<!tpu.dma_semaphore, #tpu.memory_space<semaphore_mem>>) src(%dma_wait3A_280 : memref<30000x32xf32, #tpu.memory_space<hbm>>) dst(%dma_wait3A_275 : memref<128x32xf32, #tpu.memory_space<vmem>>)
    %dma_wait3A_281 = arith.constant 1280 : i32
    %dma_wait3A_282 = arith.constant 0 : i32
    %dma_wait3A_283 = tpu.memref_slice %arg6[%dma_wait3A_281, %dma_wait3A_282] : memref<3200x32xf32, #tpu.memory_space<vmem>> -> memref<128x32xf32, #tpu.memory_space<vmem>>
    %dma_wait3A_284 = arith.constant 1280 : i32
    %dma_wait3A_285 = tpu.memref_slice %arg5[%dma_wait3A_284] : memref<3200xi32, #tpu.memory_space<vmem>> -> memref<128xi32, #tpu.memory_space<vmem>>
    %dma_wait3A_286 = arith.constant 0 : i32
    %dma_wait3A_287 = arith.constant 0 : i32
    %dma_wait3A_288 = tpu.memref_slice %arg2[%dma_wait3A_286, %dma_wait3A_287] : memref<30000x32xf32, #tpu.memory_space<hbm>> -> memref<30000x32xf32, #tpu.memory_space<hbm>>
    tpu.wait_indirect_dma semaphore(%arg7 : memref<!tpu.dma_semaphore, #tpu.memory_space<semaphore_mem>>) src(%dma_wait3A_288 : memref<30000x32xf32, #tpu.memory_space<hbm>>) dst(%dma_wait3A_283 : memref<128x32xf32, #tpu.memory_space<vmem>>)
    %dma_wait3A_289 = arith.constant 1408 : i32
    %dma_wait3A_290 = arith.constant 0 : i32
    %dma_wait3A_291 = tpu.memref_slice %arg6[%dma_wait3A_289, %dma_wait3A_290] : memref<3200x32xf32, #tpu.memory_space<vmem>> -> memref<128x32xf32, #tpu.memory_space<vmem>>
    %dma_wait3A_292 = arith.constant 1408 : i32
    %dma_wait3A_293 = tpu.memref_slice %arg5[%dma_wait3A_292] : memref<3200xi32, #tpu.memory_space<vmem>> -> memref<128xi32, #tpu.memory_space<vmem>>
    %dma_wait3A_294 = arith.constant 0 : i32
    %dma_wait3A_295 = arith.constant 0 : i32
    %dma_wait3A_296 = tpu.memref_slice %arg2[%dma_wait3A_294, %dma_wait3A_295] : memref<30000x32xf32, #tpu.memory_space<hbm>> -> memref<30000x32xf32, #tpu.memory_space<hbm>>
    tpu.wait_indirect_dma semaphore(%arg7 : memref<!tpu.dma_semaphore, #tpu.memory_space<semaphore_mem>>) src(%dma_wait3A_296 : memref<30000x32xf32, #tpu.memory_space<hbm>>) dst(%dma_wait3A_291 : memref<128x32xf32, #tpu.memory_space<vmem>>)
    %dma_wait3A_297 = arith.constant 1536 : i32
    %dma_wait3A_298 = arith.constant 0 : i32
    %dma_wait3A_299 = tpu.memref_slice %arg6[%dma_wait3A_297, %dma_wait3A_298] : memref<3200x32xf32, #tpu.memory_space<vmem>> -> memref<128x32xf32, #tpu.memory_space<vmem>>
    %dma_wait3A_300 = arith.constant 1536 : i32
    %dma_wait3A_301 = tpu.memref_slice %arg5[%dma_wait3A_300] : memref<3200xi32, #tpu.memory_space<vmem>> -> memref<128xi32, #tpu.memory_space<vmem>>
    %dma_wait3A_302 = arith.constant 0 : i32
    %dma_wait3A_303 = arith.constant 0 : i32
    %dma_wait3A_304 = tpu.memref_slice %arg2[%dma_wait3A_302, %dma_wait3A_303] : memref<30000x32xf32, #tpu.memory_space<hbm>> -> memref<30000x32xf32, #tpu.memory_space<hbm>>
    tpu.wait_indirect_dma semaphore(%arg7 : memref<!tpu.dma_semaphore, #tpu.memory_space<semaphore_mem>>) src(%dma_wait3A_304 : memref<30000x32xf32, #tpu.memory_space<hbm>>) dst(%dma_wait3A_299 : memref<128x32xf32, #tpu.memory_space<vmem>>)
    %dma_wait3A_305 = arith.constant 1664 : i32
    %dma_wait3A_306 = arith.constant 0 : i32
    %dma_wait3A_307 = tpu.memref_slice %arg6[%dma_wait3A_305, %dma_wait3A_306] : memref<3200x32xf32, #tpu.memory_space<vmem>> -> memref<128x32xf32, #tpu.memory_space<vmem>>
    %dma_wait3A_308 = arith.constant 1664 : i32
    %dma_wait3A_309 = tpu.memref_slice %arg5[%dma_wait3A_308] : memref<3200xi32, #tpu.memory_space<vmem>> -> memref<128xi32, #tpu.memory_space<vmem>>
    %dma_wait3A_310 = arith.constant 0 : i32
    %dma_wait3A_311 = arith.constant 0 : i32
    %dma_wait3A_312 = tpu.memref_slice %arg2[%dma_wait3A_310, %dma_wait3A_311] : memref<30000x32xf32, #tpu.memory_space<hbm>> -> memref<30000x32xf32, #tpu.memory_space<hbm>>
    tpu.wait_indirect_dma semaphore(%arg7 : memref<!tpu.dma_semaphore, #tpu.memory_space<semaphore_mem>>) src(%dma_wait3A_312 : memref<30000x32xf32, #tpu.memory_space<hbm>>) dst(%dma_wait3A_307 : memref<128x32xf32, #tpu.memory_space<vmem>>)
    %dma_wait3A_313 = arith.constant 1792 : i32
    %dma_wait3A_314 = arith.constant 0 : i32
    %dma_wait3A_315 = tpu.memref_slice %arg6[%dma_wait3A_313, %dma_wait3A_314] : memref<3200x32xf32, #tpu.memory_space<vmem>> -> memref<128x32xf32, #tpu.memory_space<vmem>>
    %dma_wait3A_316 = arith.constant 1792 : i32
    %dma_wait3A_317 = tpu.memref_slice %arg5[%dma_wait3A_316] : memref<3200xi32, #tpu.memory_space<vmem>> -> memref<128xi32, #tpu.memory_space<vmem>>
    %dma_wait3A_318 = arith.constant 0 : i32
    %dma_wait3A_319 = arith.constant 0 : i32
    %dma_wait3A_320 = tpu.memref_slice %arg2[%dma_wait3A_318, %dma_wait3A_319] : memref<30000x32xf32, #tpu.memory_space<hbm>> -> memref<30000x32xf32, #tpu.memory_space<hbm>>
    tpu.wait_indirect_dma semaphore(%arg7 : memref<!tpu.dma_semaphore, #tpu.memory_space<semaphore_mem>>) src(%dma_wait3A_320 : memref<30000x32xf32, #tpu.memory_space<hbm>>) dst(%dma_wait3A_315 : memref<128x32xf32, #tpu.memory_space<vmem>>)
    %dma_wait3A_321 = arith.constant 1920 : i32
    %dma_wait3A_322 = arith.constant 0 : i32
    %dma_wait3A_323 = tpu.memref_slice %arg6[%dma_wait3A_321, %dma_wait3A_322] : memref<3200x32xf32, #tpu.memory_space<vmem>> -> memref<128x32xf32, #tpu.memory_space<vmem>>
    %dma_wait3A_324 = arith.constant 1920 : i32
    %dma_wait3A_325 = tpu.memref_slice %arg5[%dma_wait3A_324] : memref<3200xi32, #tpu.memory_space<vmem>> -> memref<128xi32, #tpu.memory_space<vmem>>
    %dma_wait3A_326 = arith.constant 0 : i32
    %dma_wait3A_327 = arith.constant 0 : i32
    %dma_wait3A_328 = tpu.memref_slice %arg2[%dma_wait3A_326, %dma_wait3A_327] : memref<30000x32xf32, #tpu.memory_space<hbm>> -> memref<30000x32xf32, #tpu.memory_space<hbm>>
    tpu.wait_indirect_dma semaphore(%arg7 : memref<!tpu.dma_semaphore, #tpu.memory_space<semaphore_mem>>) src(%dma_wait3A_328 : memref<30000x32xf32, #tpu.memory_space<hbm>>) dst(%dma_wait3A_323 : memref<128x32xf32, #tpu.memory_space<vmem>>)
    %dma_wait3A_329 = arith.constant 2048 : i32
    %dma_wait3A_330 = arith.constant 0 : i32
    %dma_wait3A_331 = tpu.memref_slice %arg6[%dma_wait3A_329, %dma_wait3A_330] : memref<3200x32xf32, #tpu.memory_space<vmem>> -> memref<128x32xf32, #tpu.memory_space<vmem>>
    %dma_wait3A_332 = arith.constant 2048 : i32
    %dma_wait3A_333 = tpu.memref_slice %arg5[%dma_wait3A_332] : memref<3200xi32, #tpu.memory_space<vmem>> -> memref<128xi32, #tpu.memory_space<vmem>>
    %dma_wait3A_334 = arith.constant 0 : i32
    %dma_wait3A_335 = arith.constant 0 : i32
    %dma_wait3A_336 = tpu.memref_slice %arg2[%dma_wait3A_334, %dma_wait3A_335] : memref<30000x32xf32, #tpu.memory_space<hbm>> -> memref<30000x32xf32, #tpu.memory_space<hbm>>
    tpu.wait_indirect_dma semaphore(%arg7 : memref<!tpu.dma_semaphore, #tpu.memory_space<semaphore_mem>>) src(%dma_wait3A_336 : memref<30000x32xf32, #tpu.memory_space<hbm>>) dst(%dma_wait3A_331 : memref<128x32xf32, #tpu.memory_space<vmem>>)
    %dma_wait3A_337 = arith.constant 2176 : i32
    %dma_wait3A_338 = arith.constant 0 : i32
    %dma_wait3A_339 = tpu.memref_slice %arg6[%dma_wait3A_337, %dma_wait3A_338] : memref<3200x32xf32, #tpu.memory_space<vmem>> -> memref<128x32xf32, #tpu.memory_space<vmem>>
    %dma_wait3A_340 = arith.constant 2176 : i32
    %dma_wait3A_341 = tpu.memref_slice %arg5[%dma_wait3A_340] : memref<3200xi32, #tpu.memory_space<vmem>> -> memref<128xi32, #tpu.memory_space<vmem>>
    %dma_wait3A_342 = arith.constant 0 : i32
    %dma_wait3A_343 = arith.constant 0 : i32
    %dma_wait3A_344 = tpu.memref_slice %arg2[%dma_wait3A_342, %dma_wait3A_343] : memref<30000x32xf32, #tpu.memory_space<hbm>> -> memref<30000x32xf32, #tpu.memory_space<hbm>>
    tpu.wait_indirect_dma semaphore(%arg7 : memref<!tpu.dma_semaphore, #tpu.memory_space<semaphore_mem>>) src(%dma_wait3A_344 : memref<30000x32xf32, #tpu.memory_space<hbm>>) dst(%dma_wait3A_339 : memref<128x32xf32, #tpu.memory_space<vmem>>)
    %dma_wait3A_345 = arith.constant 2304 : i32
    %dma_wait3A_346 = arith.constant 0 : i32
    %dma_wait3A_347 = tpu.memref_slice %arg6[%dma_wait3A_345, %dma_wait3A_346] : memref<3200x32xf32, #tpu.memory_space<vmem>> -> memref<128x32xf32, #tpu.memory_space<vmem>>
    %dma_wait3A_348 = arith.constant 2304 : i32
    %dma_wait3A_349 = tpu.memref_slice %arg5[%dma_wait3A_348] : memref<3200xi32, #tpu.memory_space<vmem>> -> memref<128xi32, #tpu.memory_space<vmem>>
    %dma_wait3A_350 = arith.constant 0 : i32
    %dma_wait3A_351 = arith.constant 0 : i32
    %dma_wait3A_352 = tpu.memref_slice %arg2[%dma_wait3A_350, %dma_wait3A_351] : memref<30000x32xf32, #tpu.memory_space<hbm>> -> memref<30000x32xf32, #tpu.memory_space<hbm>>
    tpu.wait_indirect_dma semaphore(%arg7 : memref<!tpu.dma_semaphore, #tpu.memory_space<semaphore_mem>>) src(%dma_wait3A_352 : memref<30000x32xf32, #tpu.memory_space<hbm>>) dst(%dma_wait3A_347 : memref<128x32xf32, #tpu.memory_space<vmem>>)
    %dma_wait3A_353 = arith.constant 2432 : i32
    %dma_wait3A_354 = arith.constant 0 : i32
    %dma_wait3A_355 = tpu.memref_slice %arg6[%dma_wait3A_353, %dma_wait3A_354] : memref<3200x32xf32, #tpu.memory_space<vmem>> -> memref<128x32xf32, #tpu.memory_space<vmem>>
    %dma_wait3A_356 = arith.constant 2432 : i32
    %dma_wait3A_357 = tpu.memref_slice %arg5[%dma_wait3A_356] : memref<3200xi32, #tpu.memory_space<vmem>> -> memref<128xi32, #tpu.memory_space<vmem>>
    %dma_wait3A_358 = arith.constant 0 : i32
    %dma_wait3A_359 = arith.constant 0 : i32
    %dma_wait3A_360 = tpu.memref_slice %arg2[%dma_wait3A_358, %dma_wait3A_359] : memref<30000x32xf32, #tpu.memory_space<hbm>> -> memref<30000x32xf32, #tpu.memory_space<hbm>>
    tpu.wait_indirect_dma semaphore(%arg7 : memref<!tpu.dma_semaphore, #tpu.memory_space<semaphore_mem>>) src(%dma_wait3A_360 : memref<30000x32xf32, #tpu.memory_space<hbm>>) dst(%dma_wait3A_355 : memref<128x32xf32, #tpu.memory_space<vmem>>)
    %dma_wait3A_361 = arith.constant 2560 : i32
    %dma_wait3A_362 = arith.constant 0 : i32
    %dma_wait3A_363 = tpu.memref_slice %arg6[%dma_wait3A_361, %dma_wait3A_362] : memref<3200x32xf32, #tpu.memory_space<vmem>> -> memref<128x32xf32, #tpu.memory_space<vmem>>
    %dma_wait3A_364 = arith.constant 2560 : i32
    %dma_wait3A_365 = tpu.memref_slice %arg5[%dma_wait3A_364] : memref<3200xi32, #tpu.memory_space<vmem>> -> memref<128xi32, #tpu.memory_space<vmem>>
    %dma_wait3A_366 = arith.constant 0 : i32
    %dma_wait3A_367 = arith.constant 0 : i32
    %dma_wait3A_368 = tpu.memref_slice %arg2[%dma_wait3A_366, %dma_wait3A_367] : memref<30000x32xf32, #tpu.memory_space<hbm>> -> memref<30000x32xf32, #tpu.memory_space<hbm>>
    tpu.wait_indirect_dma semaphore(%arg7 : memref<!tpu.dma_semaphore, #tpu.memory_space<semaphore_mem>>) src(%dma_wait3A_368 : memref<30000x32xf32, #tpu.memory_space<hbm>>) dst(%dma_wait3A_363 : memref<128x32xf32, #tpu.memory_space<vmem>>)
    %dma_wait3A_369 = arith.constant 2688 : i32
    %dma_wait3A_370 = arith.constant 0 : i32
    %dma_wait3A_371 = tpu.memref_slice %arg6[%dma_wait3A_369, %dma_wait3A_370] : memref<3200x32xf32, #tpu.memory_space<vmem>> -> memref<128x32xf32, #tpu.memory_space<vmem>>
    %dma_wait3A_372 = arith.constant 2688 : i32
    %dma_wait3A_373 = tpu.memref_slice %arg5[%dma_wait3A_372] : memref<3200xi32, #tpu.memory_space<vmem>> -> memref<128xi32, #tpu.memory_space<vmem>>
    %dma_wait3A_374 = arith.constant 0 : i32
    %dma_wait3A_375 = arith.constant 0 : i32
    %dma_wait3A_376 = tpu.memref_slice %arg2[%dma_wait3A_374, %dma_wait3A_375] : memref<30000x32xf32, #tpu.memory_space<hbm>> -> memref<30000x32xf32, #tpu.memory_space<hbm>>
    tpu.wait_indirect_dma semaphore(%arg7 : memref<!tpu.dma_semaphore, #tpu.memory_space<semaphore_mem>>) src(%dma_wait3A_376 : memref<30000x32xf32, #tpu.memory_space<hbm>>) dst(%dma_wait3A_371 : memref<128x32xf32, #tpu.memory_space<vmem>>)
    %dma_wait3A_377 = arith.constant 2816 : i32
    %dma_wait3A_378 = arith.constant 0 : i32
    %dma_wait3A_379 = tpu.memref_slice %arg6[%dma_wait3A_377, %dma_wait3A_378] : memref<3200x32xf32, #tpu.memory_space<vmem>> -> memref<128x32xf32, #tpu.memory_space<vmem>>
    %dma_wait3A_380 = arith.constant 2816 : i32
    %dma_wait3A_381 = tpu.memref_slice %arg5[%dma_wait3A_380] : memref<3200xi32, #tpu.memory_space<vmem>> -> memref<128xi32, #tpu.memory_space<vmem>>
    %dma_wait3A_382 = arith.constant 0 : i32
    %dma_wait3A_383 = arith.constant 0 : i32
    %dma_wait3A_384 = tpu.memref_slice %arg2[%dma_wait3A_382, %dma_wait3A_383] : memref<30000x32xf32, #tpu.memory_space<hbm>> -> memref<30000x32xf32, #tpu.memory_space<hbm>>
    tpu.wait_indirect_dma semaphore(%arg7 : memref<!tpu.dma_semaphore, #tpu.memory_space<semaphore_mem>>) src(%dma_wait3A_384 : memref<30000x32xf32, #tpu.memory_space<hbm>>) dst(%dma_wait3A_379 : memref<128x32xf32, #tpu.memory_space<vmem>>)
    %dma_wait3A_385 = arith.constant 2944 : i32
    %dma_wait3A_386 = arith.constant 0 : i32
    %dma_wait3A_387 = tpu.memref_slice %arg6[%dma_wait3A_385, %dma_wait3A_386] : memref<3200x32xf32, #tpu.memory_space<vmem>> -> memref<128x32xf32, #tpu.memory_space<vmem>>
    %dma_wait3A_388 = arith.constant 2944 : i32
    %dma_wait3A_389 = tpu.memref_slice %arg5[%dma_wait3A_388] : memref<3200xi32, #tpu.memory_space<vmem>> -> memref<128xi32, #tpu.memory_space<vmem>>
    %dma_wait3A_390 = arith.constant 0 : i32
    %dma_wait3A_391 = arith.constant 0 : i32
    %dma_wait3A_392 = tpu.memref_slice %arg2[%dma_wait3A_390, %dma_wait3A_391] : memref<30000x32xf32, #tpu.memory_space<hbm>> -> memref<30000x32xf32, #tpu.memory_space<hbm>>
    tpu.wait_indirect_dma semaphore(%arg7 : memref<!tpu.dma_semaphore, #tpu.memory_space<semaphore_mem>>) src(%dma_wait3A_392 : memref<30000x32xf32, #tpu.memory_space<hbm>>) dst(%dma_wait3A_387 : memref<128x32xf32, #tpu.memory_space<vmem>>)
    %dma_wait3A_393 = arith.constant 3072 : i32
    %dma_wait3A_394 = arith.constant 0 : i32
    %dma_wait3A_395 = tpu.memref_slice %arg6[%dma_wait3A_393, %dma_wait3A_394] : memref<3200x32xf32, #tpu.memory_space<vmem>> -> memref<128x32xf32, #tpu.memory_space<vmem>>
    %dma_wait3A_396 = arith.constant 3072 : i32
    %dma_wait3A_397 = tpu.memref_slice %arg5[%dma_wait3A_396] : memref<3200xi32, #tpu.memory_space<vmem>> -> memref<128xi32, #tpu.memory_space<vmem>>
    %dma_wait3A_398 = arith.constant 0 : i32
    %dma_wait3A_399 = arith.constant 0 : i32
    %dma_wait3A_400 = tpu.memref_slice %arg2[%dma_wait3A_398, %dma_wait3A_399] : memref<30000x32xf32, #tpu.memory_space<hbm>> -> memref<30000x32xf32, #tpu.memory_space<hbm>>
    tpu.wait_indirect_dma semaphore(%arg7 : memref<!tpu.dma_semaphore, #tpu.memory_space<semaphore_mem>>) src(%dma_wait3A_400 : memref<30000x32xf32, #tpu.memory_space<hbm>>) dst(%dma_wait3A_395 : memref<128x32xf32, #tpu.memory_space<vmem>>)
    %eq3A = arith.constant 31 : i32
    %eq3A_401 = arith.cmpi eq, %add3A, %eq3A : i32
    %convert_element_type3A = arith.extui %eq3A_401 : i1 to i32
    %cond3A = arith.constant 0 : i32
    %cond3A_402 = arith.cmpi ne, %convert_element_type3A, %cond3A : i32
    scf.if %cond3A_402 {
      "tpu.region"() ({
        %run_scoped3A = tpu.sem_alloc : memref<!tpu.dma_semaphore, #tpu.memory_space<semaphore_mem>>
        %dma_start3A_407 = arith.constant 0 : i32
        %dma_start3A_408 = arith.constant 0 : i32
        %dma_start3A_409 = tpu.memref_slice %arg6[%dma_start3A_407, %dma_start3A_408] : memref<3200x32xf32, #tpu.memory_space<vmem>> -> memref<800x32xf32, #tpu.memory_space<vmem>>
        %dma_start3A_410 = arith.constant 99200 : i32
        %dma_start3A_411 = arith.constant 0 : i32
        %dma_start3A_412 = tpu.memref_slice %arg4[%dma_start3A_410, %dma_start3A_411] : memref<100000x32xf32, #tpu.memory_space<hbm>> -> memref<800x32xf32, #tpu.memory_space<hbm>>
        %dma_start3A_413 = arith.constant 99200 : i32
        %dma_start3A_414 = arith.constant 0 : i32
        %dma_start3A_415 = tpu.memref_slice %arg4[%dma_start3A_413, %dma_start3A_414] : memref<100000x32xf32, #tpu.memory_space<hbm>> -> memref<800x32xf32, #tpu.memory_space<hbm>>
        %dma_start3A_416 = arith.constant 0 : i32
        %dma_start3A_417 = arith.constant 0 : i32
        %dma_start3A_418 = tpu.memref_slice %arg6[%dma_start3A_416, %dma_start3A_417] : memref<3200x32xf32, #tpu.memory_space<vmem>> -> memref<800x32xf32, #tpu.memory_space<vmem>>
        tpu.enqueue_dma source(%dma_start3A_418 : memref<800x32xf32, #tpu.memory_space<vmem>>) target(%dma_start3A_415 : memref<800x32xf32, #tpu.memory_space<hbm>>) target_semaphore(%run_scoped3A : memref<!tpu.dma_semaphore, #tpu.memory_space<semaphore_mem>>)
        %dma_wait3A_419 = arith.constant 0 : i32
        %dma_wait3A_420 = arith.constant 0 : i32
        %dma_wait3A_421 = tpu.memref_slice %arg6[%dma_wait3A_419, %dma_wait3A_420] : memref<3200x32xf32, #tpu.memory_space<vmem>> -> memref<800x32xf32, #tpu.memory_space<vmem>>
        %dma_wait3A_422 = arith.constant 99200 : i32
        %dma_wait3A_423 = arith.constant 0 : i32
        %dma_wait3A_424 = tpu.memref_slice %arg4[%dma_wait3A_422, %dma_wait3A_423] : memref<100000x32xf32, #tpu.memory_space<hbm>> -> memref<800x32xf32, #tpu.memory_space<hbm>>
        %dma_wait3A_425 = arith.constant 99200 : i32
        %dma_wait3A_426 = arith.constant 0 : i32
        %dma_wait3A_427 = tpu.memref_slice %arg4[%dma_wait3A_425, %dma_wait3A_426] : memref<100000x32xf32, #tpu.memory_space<hbm>> -> memref<800x32xf32, #tpu.memory_space<hbm>>
        %dma_wait3A_428 = arith.constant 0 : i32
        %dma_wait3A_429 = arith.constant 0 : i32
        %dma_wait3A_430 = tpu.memref_slice %arg6[%dma_wait3A_428, %dma_wait3A_429] : memref<3200x32xf32, #tpu.memory_space<vmem>> -> memref<800x32xf32, #tpu.memory_space<vmem>>
        tpu.wait_dma2 semaphore(%run_scoped3A : memref<!tpu.dma_semaphore, #tpu.memory_space<semaphore_mem>>) src(%dma_wait3A_430 : memref<800x32xf32, #tpu.memory_space<vmem>>) dst(%dma_wait3A_427 : memref<800x32xf32, #tpu.memory_space<hbm>>)
        tpu.yield
      }) : () -> ()
    } else {
    }
    %lt3A = arith.constant 31 : i32
    %lt3A_403 = arith.cmpi slt, %add3A, %lt3A : i32
    %convert_element_type3A_404 = arith.extui %lt3A_403 : i1 to i32
    %cond3A_405 = arith.constant 0 : i32
    %cond3A_406 = arith.cmpi ne, %convert_element_type3A_404, %cond3A_405 : i32
    scf.if %cond3A_406 {
      "tpu.region"() ({
        %run_scoped3A = tpu.sem_alloc : memref<!tpu.dma_semaphore, #tpu.memory_space<semaphore_mem>>
        %dma_start3A_407 = arith.constant 0 : i32
        %dma_start3A_408 = tpu.memref_slice %arg4[%mul3A_2, %dma_start3A_407] : memref<100000x32xf32, #tpu.memory_space<hbm>> -> memref<3200x32xf32, #tpu.memory_space<hbm>>
        %dma_start3A_409 = arith.constant 0 : i32
        %dma_start3A_410 = tpu.memref_slice %arg4[%mul3A_2, %dma_start3A_409] : memref<100000x32xf32, #tpu.memory_space<hbm>> -> memref<3200x32xf32, #tpu.memory_space<hbm>>
        tpu.enqueue_dma source(%arg6 : memref<3200x32xf32, #tpu.memory_space<vmem>>) target(%dma_start3A_410 : memref<3200x32xf32, #tpu.memory_space<hbm>>) target_semaphore(%run_scoped3A : memref<!tpu.dma_semaphore, #tpu.memory_space<semaphore_mem>>)
        %dma_wait3A_411 = arith.constant 0 : i32
        %dma_wait3A_412 = tpu.memref_slice %arg4[%mul3A_2, %dma_wait3A_411] : memref<100000x32xf32, #tpu.memory_space<hbm>> -> memref<3200x32xf32, #tpu.memory_space<hbm>>
        %dma_wait3A_413 = arith.constant 0 : i32
        %dma_wait3A_414 = tpu.memref_slice %arg4[%mul3A_2, %dma_wait3A_413] : memref<100000x32xf32, #tpu.memory_space<hbm>> -> memref<3200x32xf32, #tpu.memory_space<hbm>>
        tpu.wait_dma2 semaphore(%run_scoped3A : memref<!tpu.dma_semaphore, #tpu.memory_space<semaphore_mem>>) src(%arg6 : memref<3200x32xf32, #tpu.memory_space<vmem>>) dst(%dma_wait3A_414 : memref<3200x32xf32, #tpu.memory_space<hbm>>)
        tpu.yield
      }) : () -> ()
    } else {
    }
    return
  }
}

module attributes {stable_mosaic.version = 14 : i64} {
  func.func @_mlp_t_body(%arg0: i32, %arg1: memref<1024x3xf32, #tpu.memory_space<vmem>>, %arg2: memref<1024x128xf32, #tpu.memory_space<vmem>>, %arg3: memref<131x16xf32, #tpu.memory_space<vmem>>, %arg4: memref<16x32xf32, #tpu.memory_space<vmem>>, %arg5: memref<32x64xf32, #tpu.memory_space<vmem>>, %arg6: memref<64x8x128xf32, #tpu.memory_space<vmem>>) attributes {dimension_semantics = [#tpu.dimension_semantics<arbitrary>], iteration_bounds = array<i64: 98>, scalar_prefetch = 0 : i64, scratch_operands = 0 : i64, tpu.core_type = #tpu.core_type<tc>, window_params = [{transform_indices = @transform_0, window_bounds = array<i64: 1024, 3>}, {transform_indices = @transform_1, window_bounds = array<i64: 1024, 128>}, {pipeline_mode = #tpu.pipeline_mode<synchronous>, transform_indices = @transform_2, window_bounds = array<i64: 131, 16>}, {pipeline_mode = #tpu.pipeline_mode<synchronous>, transform_indices = @transform_3, window_bounds = array<i64: 16, 32>}, {pipeline_mode = #tpu.pipeline_mode<synchronous>, transform_indices = @transform_4, window_bounds = array<i64: 32, 64>}, {transform_indices = @transform_5, window_bounds = array<i64: 64, 8, 128>}]} {
    %get3A = arith.constant 0 : index
    %get3A_0 = arith.constant 0 : index
    %get3A_1 = vector.load %arg3[%get3A, %get3A_0] : memref<131x16xf32, #tpu.memory_space<vmem>>, vector<131x16xf32>
    %get3A_2 = arith.constant 0 : index
    %get3A_3 = arith.constant 0 : index
    %get3A_4 = vector.load %arg1[%get3A_2, %get3A_3] : memref<1024x3xf32, #tpu.memory_space<vmem>>, vector<1024x3xf32>
    %slice3A = vector.extract_strided_slice %get3A_1 {offsets = [0, 0], sizes = [3, 16], strides = [1, 1]} : vector<131x16xf32> to vector<3x16xf32>
    %dot_general3A = arith.constant dense<0.000000e+00> : vector<1024x16xf32>
    %dot_general3A_5 = tpu.matmul %get3A_4, %slice3A, %dot_general3A {dimension_numbers = #tpu.dot_dimension_numbers<[1], [0], [0], [1], [0, 0, 1, 1], [], []>, transpose_lhs_hint = false} : vector<1024x3xf32>, vector<3x16xf32>, vector<1024x16xf32> -> vector<1024x16xf32>
    %get3A_6 = arith.constant 0 : index
    %get3A_7 = arith.constant 0 : index
    %get3A_8 = vector.load %arg2[%get3A_6, %get3A_7] : memref<1024x128xf32, #tpu.memory_space<vmem>>, vector<1024x128xf32>
    %slice3A_9 = vector.extract_strided_slice %get3A_1 {offsets = [3, 0], sizes = [128, 16], strides = [1, 1]} : vector<131x16xf32> to vector<128x16xf32>
    %dot_general3A_10 = arith.constant dense<0.000000e+00> : vector<1024x16xf32>
    %dot_general3A_11 = tpu.matmul %get3A_8, %slice3A_9, %dot_general3A_10 {dimension_numbers = #tpu.dot_dimension_numbers<[1], [0], [0], [1], [0, 0, 1, 1], [], []>, transpose_lhs_hint = false} : vector<1024x128xf32>, vector<128x16xf32>, vector<1024x16xf32> -> vector<1024x16xf32>
    %add3A = arith.addf %dot_general3A_5, %dot_general3A_11 : vector<1024x16xf32>
    %max3A = arith.constant 0.000000e+00 : f32
    %max3A_12 = vector.broadcast %max3A : f32 to vector<1024x16xf32>
    %max3A_13 = arith.maximumf %add3A, %max3A_12 : vector<1024x16xf32>
    %get3A_14 = arith.constant 0 : index
    %get3A_15 = arith.constant 0 : index
    %get3A_16 = vector.load %arg4[%get3A_14, %get3A_15] : memref<16x32xf32, #tpu.memory_space<vmem>>, vector<16x32xf32>
    %dot_general3A_17 = arith.constant dense<0.000000e+00> : vector<1024x32xf32>
    %dot_general3A_18 = tpu.matmul %max3A_13, %get3A_16, %dot_general3A_17 {dimension_numbers = #tpu.dot_dimension_numbers<[1], [0], [0], [1], [0, 0, 1, 1], [], []>, transpose_lhs_hint = false} : vector<1024x16xf32>, vector<16x32xf32>, vector<1024x32xf32> -> vector<1024x32xf32>
    %max3A_19 = arith.constant 0.000000e+00 : f32
    %max3A_20 = vector.broadcast %max3A_19 : f32 to vector<1024x32xf32>
    %max3A_21 = arith.maximumf %dot_general3A_18, %max3A_20 : vector<1024x32xf32>
    %get3A_22 = arith.constant 0 : index
    %get3A_23 = arith.constant 0 : index
    %get3A_24 = vector.load %arg5[%get3A_22, %get3A_23] : memref<32x64xf32, #tpu.memory_space<vmem>>, vector<32x64xf32>
    %dot_general3A_25 = arith.constant dense<0.000000e+00> : vector<1024x64xf32>
    %dot_general3A_26 = tpu.matmul %max3A_21, %get3A_24, %dot_general3A_25 {dimension_numbers = #tpu.dot_dimension_numbers<[1], [0], [0], [1], [0, 0, 1, 1], [], []>, transpose_lhs_hint = false} : vector<1024x32xf32>, vector<32x64xf32>, vector<1024x64xf32> -> vector<1024x64xf32>
    %max3A_27 = arith.constant 0.000000e+00 : f32
    %max3A_28 = vector.broadcast %max3A_27 : f32 to vector<1024x64xf32>
    %max3A_29 = arith.maximumf %dot_general3A_26, %max3A_28 : vector<1024x64xf32>
    %transpose3A = tpu.transpose %max3A_29, [1, 0] : vector<1024x64xf32> -> vector<64x1024xf32>
    %reshape3A = vector.shape_cast %transpose3A : vector<64x1024xf32> to vector<64x8x128xf32>
    %swap3A = arith.constant 0 : index
    %swap3A_30 = arith.constant 0 : index
    %swap3A_31 = arith.constant 0 : index
    %swap3A_32 = vector.load %arg6[%swap3A, %swap3A_30, %swap3A_31] : memref<64x8x128xf32, #tpu.memory_space<vmem>>, vector<64x8x128xf32>
    tpu.vector_store %arg6[%swap3A, %swap3A_30, %swap3A_31], %reshape3A {strides = array<i32>} : memref<64x8x128xf32, #tpu.memory_space<vmem>>, vector<64x8x128xf32>,
    return
  }
  func.func @transform_0(%arg0: i32) -> (i32, i32) {
    %c0_i32 = arith.constant 0 : i32
    %c0_i32_0 = arith.constant 0 : i32
    return %arg0, %c0_i32 : i32, i32
  }
  func.func @transform_1(%arg0: i32) -> (i32, i32) {
    %c0_i32 = arith.constant 0 : i32
    %c0_i32_0 = arith.constant 0 : i32
    return %arg0, %c0_i32 : i32, i32
  }
  func.func @transform_2(%arg0: i32) -> (i32, i32) {
    %c0_i32 = arith.constant 0 : i32
    %c0_i32_0 = arith.constant 0 : i32
    %c0_i32_1 = arith.constant 0 : i32
    return %c0_i32, %c0_i32_0 : i32, i32
  }
  func.func @transform_3(%arg0: i32) -> (i32, i32) {
    %c0_i32 = arith.constant 0 : i32
    %c0_i32_0 = arith.constant 0 : i32
    %c0_i32_1 = arith.constant 0 : i32
    return %c0_i32, %c0_i32_0 : i32, i32
  }
  func.func @transform_4(%arg0: i32) -> (i32, i32) {
    %c0_i32 = arith.constant 0 : i32
    %c0_i32_0 = arith.constant 0 : i32
    %c0_i32_1 = arith.constant 0 : i32
    return %c0_i32, %c0_i32_0 : i32, i32
  }
  func.func @transform_5(%arg0: i32) -> (i32, i32, i32) {
    %c0_i32 = arith.constant 0 : i32
    %c0_i32_0 = arith.constant 0 : i32
    %c0_i32_1 = arith.constant 0 : i32
    return %c0_i32, %arg0, %c0_i32_0 : i32, i32, i32
  }
}

module attributes {stable_mosaic.version = 14 : i64} {
  func.func @body(%arg0: i32, %arg1: memref<64x8x128xf32, #tpu.memory_space<vmem>>, %arg2: memref<64x64xf32, #tpu.memory_space<vmem>>, %arg3: memref<64x64xf32, #tpu.memory_space<vmem>>, %arg4: memref<64x64xf32, #tpu.memory_space<vmem>>, %arg5: memref<64x64xf32, #tpu.memory_space<vmem>>, %arg6: memref<64x64xf32, #tpu.memory_space<vmem>>, %arg7: memref<1024x64xf32, #tpu.memory_space<vmem>>, %arg8: memref<1024x64xf32, #tpu.memory_space<vmem>>) attributes {dimension_semantics = [#tpu.dimension_semantics<arbitrary>], iteration_bounds = array<i64: 30>, scalar_prefetch = 0 : i64, scratch_operands = 0 : i64, tpu.core_type = #tpu.core_type<tc>, window_params = [{transform_indices = @transform_0, window_bounds = array<i64: 64, 8, 128>}, {pipeline_mode = #tpu.pipeline_mode<synchronous>, transform_indices = @transform_1, window_bounds = array<i64: 64, 64>}, {pipeline_mode = #tpu.pipeline_mode<synchronous>, transform_indices = @transform_2, window_bounds = array<i64: 64, 64>}, {pipeline_mode = #tpu.pipeline_mode<synchronous>, transform_indices = @transform_3, window_bounds = array<i64: 64, 64>}, {pipeline_mode = #tpu.pipeline_mode<synchronous>, transform_indices = @transform_4, window_bounds = array<i64: 64, 64>}, {pipeline_mode = #tpu.pipeline_mode<synchronous>, transform_indices = @transform_5, window_bounds = array<i64: 64, 64>}, {transform_indices = @transform_6, window_bounds = array<i64: 1024, 64>}, {transform_indices = @transform_7, window_bounds = array<i64: 1024, 64>}]} {
    %get3A = arith.constant 0 : index
    %get3A_0 = arith.constant 0 : index
    %get3A_1 = arith.constant 0 : index
    %get3A_2 = vector.load %arg1[%get3A, %get3A_0, %get3A_1] : memref<64x8x128xf32, #tpu.memory_space<vmem>>, vector<64x8x128xf32>
    %reshape3A = vector.shape_cast %get3A_2 : vector<64x8x128xf32> to vector<64x1024xf32>
    %transpose3A = tpu.transpose %reshape3A, [1, 0] : vector<64x1024xf32> -> vector<1024x64xf32>
    %get3A_3 = arith.constant 0 : index
    %get3A_4 = arith.constant 0 : index
    %get3A_5 = vector.load %arg2[%get3A_3, %get3A_4] : memref<64x64xf32, #tpu.memory_space<vmem>>, vector<64x64xf32>
    %dot_general3A = arith.constant dense<0.000000e+00> : vector<1024x64xf32>
    %dot_general3A_6 = tpu.matmul %transpose3A, %get3A_5, %dot_general3A {dimension_numbers = #tpu.dot_dimension_numbers<[1], [0], [0], [1], [0, 0, 1, 1], [], []>, transpose_lhs_hint = false} : vector<1024x64xf32>, vector<64x64xf32>, vector<1024x64xf32> -> vector<1024x64xf32>
    %get3A_7 = arith.constant 0 : index
    %get3A_8 = arith.constant 0 : index
    %get3A_9 = vector.load %arg3[%get3A_7, %get3A_8] : memref<64x64xf32, #tpu.memory_space<vmem>>, vector<64x64xf32>
    %get3A_10 = arith.constant 0 : index
    %get3A_11 = arith.constant 0 : index
    %get3A_12 = vector.load %arg4[%get3A_10, %get3A_11] : memref<64x64xf32, #tpu.memory_space<vmem>>, vector<64x64xf32>
    %reduce_sum3A = arith.constant dense<0.000000e+00> : vector<1024xf32>
    %reduce_sum3A_13 = vector.multi_reduction <add>, %dot_general3A_6, %reduce_sum3A [1] : vector<1024x64xf32> to vector<1024xf32>
    %broadcast_in_dim3A = vector.shape_cast %reduce_sum3A_13 : vector<1024xf32> to vector<1024x1xf32>
    %div3A = arith.constant 6.400000e+01 : f32
    %div3A_14 = vector.broadcast %div3A : f32 to vector<1024x1xf32>
    %div3A_15 = arith.divf %broadcast_in_dim3A, %div3A_14 : vector<1024x1xf32>
    %jit3A = arith.constant 0 : i32
    %reduce_sum3A_16 = arith.constant dense<0.000000e+00> : vector<1024xf32>
    %reduce_sum3A_17 = vector.multi_reduction <add>, %dot_general3A_6, %reduce_sum3A_16 [1] : vector<1024x64xf32> to vector<1024xf32>
    %broadcast_in_dim3A_18 = vector.shape_cast %reduce_sum3A_17 : vector<1024xf32> to vector<1024x1xf32>
    %div3A_19 = arith.constant 6.400000e+01 : f32
    %div3A_20 = vector.broadcast %div3A_19 : f32 to vector<1024x1xf32>
    %div3A_21 = arith.divf %broadcast_in_dim3A_18, %div3A_20 : vector<1024x1xf32>
    %sub3A = vector.broadcast %div3A_21 : vector<1024x1xf32> to vector<1024x64xf32>
    %sub3A_22 = arith.subf %dot_general3A_6, %sub3A : vector<1024x64xf32>
    %square3A = arith.mulf %sub3A_22, %sub3A_22 : vector<1024x64xf32>
    %convert_element_type3A = arith.sitofp %jit3A : i32 to f32
    %sub3A_23 = arith.constant 6.400000e+01 : f32
    %sub3A_24 = arith.subf %sub3A_23, %convert_element_type3A : f32
    %reduce_sum3A_25 = arith.constant dense<0.000000e+00> : vector<1024xf32>
    %reduce_sum3A_26 = vector.multi_reduction <add>, %square3A, %reduce_sum3A_25 [1] : vector<1024x64xf32> to vector<1024xf32>
    %broadcast_in_dim3A_27 = vector.shape_cast %reduce_sum3A_26 : vector<1024xf32> to vector<1024x1xf32>
    %div3A_28 = vector.broadcast %sub3A_24 : f32 to vector<1024x1xf32>
    %div3A_29 = arith.divf %broadcast_in_dim3A_27, %div3A_28 : vector<1024x1xf32>
    %gt3A = arith.constant 0.000000e+00 : f32
    %gt3A_30 = arith.cmpf ogt, %sub3A_24, %gt3A : f32
    %jit3A_31 = arith.constant 0x7FC00000 : f32
    %broadcast_in_dim3A_32 = vector.broadcast %jit3A_31 : f32 to vector<1024x1xf32>
    %select_n3A = arith.select %gt3A_30, %div3A_29, %broadcast_in_dim3A_32 : vector<1024x1xf32>
    %sub3A_33 = vector.broadcast %div3A_15 : vector<1024x1xf32> to vector<1024x64xf32>
    %sub3A_34 = arith.subf %dot_general3A_6, %sub3A_33 : vector<1024x64xf32>
    %add3A = arith.constant 9.99999974E-6 : f32
    %add3A_35 = vector.broadcast %add3A : f32 to vector<1024x1xf32>
    %add3A_36 = arith.addf %select_n3A, %add3A_35 : vector<1024x1xf32>
    %rsqrt3A = math.rsqrt %add3A_36 : vector<1024x1xf32>
    %mul3A = vector.broadcast %rsqrt3A : vector<1024x1xf32> to vector<1024x64xf32>
    %mul3A_37 = arith.mulf %sub3A_34, %mul3A : vector<1024x64xf32>
    %max3A = arith.constant 0.000000e+00 : f32
    %max3A_38 = vector.broadcast %max3A : f32 to vector<1024x64xf32>
    %max3A_39 = arith.maximumf %mul3A_37, %max3A_38 : vector<1024x64xf32>
    %dot_general3A_40 = arith.constant dense<0.000000e+00> : vector<1024x64xf32>
    %dot_general3A_41 = tpu.matmul %max3A_39, %get3A_9, %dot_general3A_40 {dimension_numbers = #tpu.dot_dimension_numbers<[1], [0], [0], [1], [0, 0, 1, 1], [], []>, transpose_lhs_hint = false} : vector<1024x64xf32>, vector<64x64xf32>, vector<1024x64xf32> -> vector<1024x64xf32>
    %reduce_sum3A_42 = arith.constant dense<0.000000e+00> : vector<1024xf32>
    %reduce_sum3A_43 = vector.multi_reduction <add>, %dot_general3A_41, %reduce_sum3A_42 [1] : vector<1024x64xf32> to vector<1024xf32>
    %broadcast_in_dim3A_44 = vector.shape_cast %reduce_sum3A_43 : vector<1024xf32> to vector<1024x1xf32>
    %div3A_45 = arith.constant 6.400000e+01 : f32
    %div3A_46 = vector.broadcast %div3A_45 : f32 to vector<1024x1xf32>
    %div3A_47 = arith.divf %broadcast_in_dim3A_44, %div3A_46 : vector<1024x1xf32>
    %jit3A_48 = arith.constant 0 : i32
    %reduce_sum3A_49 = arith.constant dense<0.000000e+00> : vector<1024xf32>
    %reduce_sum3A_50 = vector.multi_reduction <add>, %dot_general3A_41, %reduce_sum3A_49 [1] : vector<1024x64xf32> to vector<1024xf32>
    %broadcast_in_dim3A_51 = vector.shape_cast %reduce_sum3A_50 : vector<1024xf32> to vector<1024x1xf32>
    %div3A_52 = arith.constant 6.400000e+01 : f32
    %div3A_53 = vector.broadcast %div3A_52 : f32 to vector<1024x1xf32>
    %div3A_54 = arith.divf %broadcast_in_dim3A_51, %div3A_53 : vector<1024x1xf32>
    %sub3A_55 = vector.broadcast %div3A_54 : vector<1024x1xf32> to vector<1024x64xf32>
    %sub3A_56 = arith.subf %dot_general3A_41, %sub3A_55 : vector<1024x64xf32>
    %square3A_57 = arith.mulf %sub3A_56, %sub3A_56 : vector<1024x64xf32>
    %convert_element_type3A_58 = arith.sitofp %jit3A_48 : i32 to f32
    %sub3A_59 = arith.constant 6.400000e+01 : f32
    %sub3A_60 = arith.subf %sub3A_59, %convert_element_type3A_58 : f32
    %reduce_sum3A_61 = arith.constant dense<0.000000e+00> : vector<1024xf32>
    %reduce_sum3A_62 = vector.multi_reduction <add>, %square3A_57, %reduce_sum3A_61 [1] : vector<1024x64xf32> to vector<1024xf32>
    %broadcast_in_dim3A_63 = vector.shape_cast %reduce_sum3A_62 : vector<1024xf32> to vector<1024x1xf32>
    %div3A_64 = vector.broadcast %sub3A_60 : f32 to vector<1024x1xf32>
    %div3A_65 = arith.divf %broadcast_in_dim3A_63, %div3A_64 : vector<1024x1xf32>
    %gt3A_66 = arith.constant 0.000000e+00 : f32
    %gt3A_67 = arith.cmpf ogt, %sub3A_60, %gt3A_66 : f32
    %jit3A_68 = arith.constant 0x7FC00000 : f32
    %broadcast_in_dim3A_69 = vector.broadcast %jit3A_68 : f32 to vector<1024x1xf32>
    %select_n3A_70 = arith.select %gt3A_67, %div3A_65, %broadcast_in_dim3A_69 : vector<1024x1xf32>
    %sub3A_71 = vector.broadcast %div3A_47 : vector<1024x1xf32> to vector<1024x64xf32>
    %sub3A_72 = arith.subf %dot_general3A_41, %sub3A_71 : vector<1024x64xf32>
    %add3A_73 = arith.constant 9.99999974E-6 : f32
    %add3A_74 = vector.broadcast %add3A_73 : f32 to vector<1024x1xf32>
    %add3A_75 = arith.addf %select_n3A_70, %add3A_74 : vector<1024x1xf32>
    %rsqrt3A_76 = math.rsqrt %add3A_75 : vector<1024x1xf32>
    %mul3A_77 = vector.broadcast %rsqrt3A_76 : vector<1024x1xf32> to vector<1024x64xf32>
    %mul3A_78 = arith.mulf %sub3A_72, %mul3A_77 : vector<1024x64xf32>
    %max3A_79 = arith.constant 0.000000e+00 : f32
    %max3A_80 = vector.broadcast %max3A_79 : f32 to vector<1024x64xf32>
    %max3A_81 = arith.maximumf %mul3A_78, %max3A_80 : vector<1024x64xf32>
    %dot_general3A_82 = arith.constant dense<0.000000e+00> : vector<1024x64xf32>
    %dot_general3A_83 = tpu.matmul %max3A_81, %get3A_12, %dot_general3A_82 {dimension_numbers = #tpu.dot_dimension_numbers<[1], [0], [0], [1], [0, 0, 1, 1], [], []>, transpose_lhs_hint = false} : vector<1024x64xf32>, vector<64x64xf32>, vector<1024x64xf32> -> vector<1024x64xf32>
    %add3A_84 = arith.addf %dot_general3A_6, %dot_general3A_83 : vector<1024x64xf32>
    %get3A_85 = arith.constant 0 : index
    %get3A_86 = arith.constant 0 : index
    %get3A_87 = vector.load %arg5[%get3A_85, %get3A_86] : memref<64x64xf32, #tpu.memory_space<vmem>>, vector<64x64xf32>
    %get3A_88 = arith.constant 0 : index
    %get3A_89 = arith.constant 0 : index
    %get3A_90 = vector.load %arg6[%get3A_88, %get3A_89] : memref<64x64xf32, #tpu.memory_space<vmem>>, vector<64x64xf32>
    %reduce_sum3A_91 = arith.constant dense<0.000000e+00> : vector<1024xf32>
    %reduce_sum3A_92 = vector.multi_reduction <add>, %add3A_84, %reduce_sum3A_91 [1] : vector<1024x64xf32> to vector<1024xf32>
    %broadcast_in_dim3A_93 = vector.shape_cast %reduce_sum3A_92 : vector<1024xf32> to vector<1024x1xf32>
    %div3A_94 = arith.constant 6.400000e+01 : f32
    %div3A_95 = vector.broadcast %div3A_94 : f32 to vector<1024x1xf32>
    %div3A_96 = arith.divf %broadcast_in_dim3A_93, %div3A_95 : vector<1024x1xf32>
    %jit3A_97 = arith.constant 0 : i32
    %reduce_sum3A_98 = arith.constant dense<0.000000e+00> : vector<1024xf32>
    %reduce_sum3A_99 = vector.multi_reduction <add>, %add3A_84, %reduce_sum3A_98 [1] : vector<1024x64xf32> to vector<1024xf32>
    %broadcast_in_dim3A_100 = vector.shape_cast %reduce_sum3A_99 : vector<1024xf32> to vector<1024x1xf32>
    %div3A_101 = arith.constant 6.400000e+01 : f32
    %div3A_102 = vector.broadcast %div3A_101 : f32 to vector<1024x1xf32>
    %div3A_103 = arith.divf %broadcast_in_dim3A_100, %div3A_102 : vector<1024x1xf32>
    %sub3A_104 = vector.broadcast %div3A_103 : vector<1024x1xf32> to vector<1024x64xf32>
    %sub3A_105 = arith.subf %add3A_84, %sub3A_104 : vector<1024x64xf32>
    %square3A_106 = arith.mulf %sub3A_105, %sub3A_105 : vector<1024x64xf32>
    %convert_element_type3A_107 = arith.sitofp %jit3A_97 : i32 to f32
    %sub3A_108 = arith.constant 6.400000e+01 : f32
    %sub3A_109 = arith.subf %sub3A_108, %convert_element_type3A_107 : f32
    %reduce_sum3A_110 = arith.constant dense<0.000000e+00> : vector<1024xf32>
    %reduce_sum3A_111 = vector.multi_reduction <add>, %square3A_106, %reduce_sum3A_110 [1] : vector<1024x64xf32> to vector<1024xf32>
    %broadcast_in_dim3A_112 = vector.shape_cast %reduce_sum3A_111 : vector<1024xf32> to vector<1024x1xf32>
    %div3A_113 = vector.broadcast %sub3A_109 : f32 to vector<1024x1xf32>
    %div3A_114 = arith.divf %broadcast_in_dim3A_112, %div3A_113 : vector<1024x1xf32>
    %gt3A_115 = arith.constant 0.000000e+00 : f32
    %gt3A_116 = arith.cmpf ogt, %sub3A_109, %gt3A_115 : f32
    %jit3A_117 = arith.constant 0x7FC00000 : f32
    %broadcast_in_dim3A_118 = vector.broadcast %jit3A_117 : f32 to vector<1024x1xf32>
    %select_n3A_119 = arith.select %gt3A_116, %div3A_114, %broadcast_in_dim3A_118 : vector<1024x1xf32>
    %sub3A_120 = vector.broadcast %div3A_96 : vector<1024x1xf32> to vector<1024x64xf32>
    %sub3A_121 = arith.subf %add3A_84, %sub3A_120 : vector<1024x64xf32>
    %add3A_122 = arith.constant 9.99999974E-6 : f32
    %add3A_123 = vector.broadcast %add3A_122 : f32 to vector<1024x1xf32>
    %add3A_124 = arith.addf %select_n3A_119, %add3A_123 : vector<1024x1xf32>
    %rsqrt3A_125 = math.rsqrt %add3A_124 : vector<1024x1xf32>
    %mul3A_126 = vector.broadcast %rsqrt3A_125 : vector<1024x1xf32> to vector<1024x64xf32>
    %mul3A_127 = arith.mulf %sub3A_121, %mul3A_126 : vector<1024x64xf32>
    %max3A_128 = arith.constant 0.000000e+00 : f32
    %max3A_129 = vector.broadcast %max3A_128 : f32 to vector<1024x64xf32>
    %max3A_130 = arith.maximumf %mul3A_127, %max3A_129 : vector<1024x64xf32>
    %dot_general3A_131 = arith.constant dense<0.000000e+00> : vector<1024x64xf32>
    %dot_general3A_132 = tpu.matmul %max3A_130, %get3A_87, %dot_general3A_131 {dimension_numbers = #tpu.dot_dimension_numbers<[1], [0], [0], [1], [0, 0, 1, 1], [], []>, transpose_lhs_hint = false} : vector<1024x64xf32>, vector<64x64xf32>, vector<1024x64xf32> -> vector<1024x64xf32>
    %reduce_sum3A_133 = arith.constant dense<0.000000e+00> : vector<1024xf32>
    %reduce_sum3A_134 = vector.multi_reduction <add>, %dot_general3A_132, %reduce_sum3A_133 [1] : vector<1024x64xf32> to vector<1024xf32>
    %broadcast_in_dim3A_135 = vector.shape_cast %reduce_sum3A_134 : vector<1024xf32> to vector<1024x1xf32>
    %div3A_136 = arith.constant 6.400000e+01 : f32
    %div3A_137 = vector.broadcast %div3A_136 : f32 to vector<1024x1xf32>
    %div3A_138 = arith.divf %broadcast_in_dim3A_135, %div3A_137 : vector<1024x1xf32>
    %jit3A_139 = arith.constant 0 : i32
    %reduce_sum3A_140 = arith.constant dense<0.000000e+00> : vector<1024xf32>
    %reduce_sum3A_141 = vector.multi_reduction <add>, %dot_general3A_132, %reduce_sum3A_140 [1] : vector<1024x64xf32> to vector<1024xf32>
    %broadcast_in_dim3A_142 = vector.shape_cast %reduce_sum3A_141 : vector<1024xf32> to vector<1024x1xf32>
    %div3A_143 = arith.constant 6.400000e+01 : f32
    %div3A_144 = vector.broadcast %div3A_143 : f32 to vector<1024x1xf32>
    %div3A_145 = arith.divf %broadcast_in_dim3A_142, %div3A_144 : vector<1024x1xf32>
    %sub3A_146 = vector.broadcast %div3A_145 : vector<1024x1xf32> to vector<1024x64xf32>
    %sub3A_147 = arith.subf %dot_general3A_132, %sub3A_146 : vector<1024x64xf32>
    %square3A_148 = arith.mulf %sub3A_147, %sub3A_147 : vector<1024x64xf32>
    %convert_element_type3A_149 = arith.sitofp %jit3A_139 : i32 to f32
    %sub3A_150 = arith.constant 6.400000e+01 : f32
    %sub3A_151 = arith.subf %sub3A_150, %convert_element_type3A_149 : f32
    %reduce_sum3A_152 = arith.constant dense<0.000000e+00> : vector<1024xf32>
    %reduce_sum3A_153 = vector.multi_reduction <add>, %square3A_148, %reduce_sum3A_152 [1] : vector<1024x64xf32> to vector<1024xf32>
    %broadcast_in_dim3A_154 = vector.shape_cast %reduce_sum3A_153 : vector<1024xf32> to vector<1024x1xf32>
    %div3A_155 = vector.broadcast %sub3A_151 : f32 to vector<1024x1xf32>
    %div3A_156 = arith.divf %broadcast_in_dim3A_154, %div3A_155 : vector<1024x1xf32>
    %gt3A_157 = arith.constant 0.000000e+00 : f32
    %gt3A_158 = arith.cmpf ogt, %sub3A_151, %gt3A_157 : f32
    %jit3A_159 = arith.constant 0x7FC00000 : f32
    %broadcast_in_dim3A_160 = vector.broadcast %jit3A_159 : f32 to vector<1024x1xf32>
    %select_n3A_161 = arith.select %gt3A_158, %div3A_156, %broadcast_in_dim3A_160 : vector<1024x1xf32>
    %sub3A_162 = vector.broadcast %div3A_138 : vector<1024x1xf32> to vector<1024x64xf32>
    %sub3A_163 = arith.subf %dot_general3A_132, %sub3A_162 : vector<1024x64xf32>
    %add3A_164 = arith.constant 9.99999974E-6 : f32
    %add3A_165 = vector.broadcast %add3A_164 : f32 to vector<1024x1xf32>
    %add3A_166 = arith.addf %select_n3A_161, %add3A_165 : vector<1024x1xf32>
    %rsqrt3A_167 = math.rsqrt %add3A_166 : vector<1024x1xf32>
    %mul3A_168 = vector.broadcast %rsqrt3A_167 : vector<1024x1xf32> to vector<1024x64xf32>
    %mul3A_169 = arith.mulf %sub3A_163, %mul3A_168 : vector<1024x64xf32>
    %max3A_170 = arith.constant 0.000000e+00 : f32
    %max3A_171 = vector.broadcast %max3A_170 : f32 to vector<1024x64xf32>
    %max3A_172 = arith.maximumf %mul3A_169, %max3A_171 : vector<1024x64xf32>
    %dot_general3A_173 = arith.constant dense<0.000000e+00> : vector<1024x64xf32>
    %dot_general3A_174 = tpu.matmul %max3A_172, %get3A_90, %dot_general3A_173 {dimension_numbers = #tpu.dot_dimension_numbers<[1], [0], [0], [1], [0, 0, 1, 1], [], []>, transpose_lhs_hint = false} : vector<1024x64xf32>, vector<64x64xf32>, vector<1024x64xf32> -> vector<1024x64xf32>
    %add3A_175 = arith.addf %add3A_84, %dot_general3A_174 : vector<1024x64xf32>
    %swap3A = arith.constant 0 : index
    %swap3A_176 = arith.constant 0 : index
    %swap3A_177 = vector.load %arg7[%swap3A, %swap3A_176] : memref<1024x64xf32, #tpu.memory_space<vmem>>, vector<1024x64xf32>
    tpu.vector_store %arg7[%swap3A, %swap3A_176], %add3A_175 {strides = array<i32>} : memref<1024x64xf32, #tpu.memory_space<vmem>>, vector<1024x64xf32>,
    %reduce_sum3A_178 = arith.constant dense<0.000000e+00> : vector<1024xf32>
    %reduce_sum3A_179 = vector.multi_reduction <add>, %add3A_175, %reduce_sum3A_178 [1] : vector<1024x64xf32> to vector<1024xf32>
    %broadcast_in_dim3A_180 = vector.shape_cast %reduce_sum3A_179 : vector<1024xf32> to vector<1024x1xf32>
    %div3A_181 = arith.constant 6.400000e+01 : f32
    %div3A_182 = vector.broadcast %div3A_181 : f32 to vector<1024x1xf32>
    %div3A_183 = arith.divf %broadcast_in_dim3A_180, %div3A_182 : vector<1024x1xf32>
    %jit3A_184 = arith.constant 0 : i32
    %reduce_sum3A_185 = arith.constant dense<0.000000e+00> : vector<1024xf32>
    %reduce_sum3A_186 = vector.multi_reduction <add>, %add3A_175, %reduce_sum3A_185 [1] : vector<1024x64xf32> to vector<1024xf32>
    %broadcast_in_dim3A_187 = vector.shape_cast %reduce_sum3A_186 : vector<1024xf32> to vector<1024x1xf32>
    %div3A_188 = arith.constant 6.400000e+01 : f32
    %div3A_189 = vector.broadcast %div3A_188 : f32 to vector<1024x1xf32>
    %div3A_190 = arith.divf %broadcast_in_dim3A_187, %div3A_189 : vector<1024x1xf32>
    %sub3A_191 = vector.broadcast %div3A_190 : vector<1024x1xf32> to vector<1024x64xf32>
    %sub3A_192 = arith.subf %add3A_175, %sub3A_191 : vector<1024x64xf32>
    %square3A_193 = arith.mulf %sub3A_192, %sub3A_192 : vector<1024x64xf32>
    %convert_element_type3A_194 = arith.sitofp %jit3A_184 : i32 to f32
    %sub3A_195 = arith.constant 6.400000e+01 : f32
    %sub3A_196 = arith.subf %sub3A_195, %convert_element_type3A_194 : f32
    %reduce_sum3A_197 = arith.constant dense<0.000000e+00> : vector<1024xf32>
    %reduce_sum3A_198 = vector.multi_reduction <add>, %square3A_193, %reduce_sum3A_197 [1] : vector<1024x64xf32> to vector<1024xf32>
    %broadcast_in_dim3A_199 = vector.shape_cast %reduce_sum3A_198 : vector<1024xf32> to vector<1024x1xf32>
    %div3A_200 = vector.broadcast %sub3A_196 : f32 to vector<1024x1xf32>
    %div3A_201 = arith.divf %broadcast_in_dim3A_199, %div3A_200 : vector<1024x1xf32>
    %gt3A_202 = arith.constant 0.000000e+00 : f32
    %gt3A_203 = arith.cmpf ogt, %sub3A_196, %gt3A_202 : f32
    %jit3A_204 = arith.constant 0x7FC00000 : f32
    %broadcast_in_dim3A_205 = vector.broadcast %jit3A_204 : f32 to vector<1024x1xf32>
    %select_n3A_206 = arith.select %gt3A_203, %div3A_201, %broadcast_in_dim3A_205 : vector<1024x1xf32>
    %sub3A_207 = vector.broadcast %div3A_183 : vector<1024x1xf32> to vector<1024x64xf32>
    %sub3A_208 = arith.subf %add3A_175, %sub3A_207 : vector<1024x64xf32>
    %add3A_209 = arith.constant 9.99999974E-6 : f32
    %add3A_210 = vector.broadcast %add3A_209 : f32 to vector<1024x1xf32>
    %add3A_211 = arith.addf %select_n3A_206, %add3A_210 : vector<1024x1xf32>
    %rsqrt3A_212 = math.rsqrt %add3A_211 : vector<1024x1xf32>
    %mul3A_213 = vector.broadcast %rsqrt3A_212 : vector<1024x1xf32> to vector<1024x64xf32>
    %mul3A_214 = arith.mulf %sub3A_208, %mul3A_213 : vector<1024x64xf32>
    %max3A_215 = arith.constant 0.000000e+00 : f32
    %max3A_216 = vector.broadcast %max3A_215 : f32 to vector<1024x64xf32>
    %max3A_217 = arith.maximumf %mul3A_214, %max3A_216 : vector<1024x64xf32>
    %swap3A_218 = arith.constant 0 : index
    %swap3A_219 = arith.constant 0 : index
    %swap3A_220 = vector.load %arg8[%swap3A_218, %swap3A_219] : memref<1024x64xf32, #tpu.memory_space<vmem>>, vector<1024x64xf32>
    tpu.vector_store %arg8[%swap3A_218, %swap3A_219], %max3A_217 {strides = array<i32>} : memref<1024x64xf32, #tpu.memory_space<vmem>>, vector<1024x64xf32>,
    return
  }
  func.func @transform_0(%arg0: i32) -> (i32, i32, i32) {
    %c0_i32 = arith.constant 0 : i32
    %c0_i32_0 = arith.constant 0 : i32
    %c0_i32_1 = arith.constant 0 : i32
    return %c0_i32, %arg0, %c0_i32_0 : i32, i32, i32
  }
  func.func @transform_1(%arg0: i32) -> (i32, i32) {
    %c0_i32 = arith.constant 0 : i32
    %c0_i32_0 = arith.constant 0 : i32
    %c0_i32_1 = arith.constant 0 : i32
    return %c0_i32, %c0_i32_0 : i32, i32
  }
  func.func @transform_2(%arg0: i32) -> (i32, i32) {
    %c0_i32 = arith.constant 0 : i32
    %c0_i32_0 = arith.constant 0 : i32
    %c0_i32_1 = arith.constant 0 : i32
    return %c0_i32, %c0_i32_0 : i32, i32
  }
  func.func @transform_3(%arg0: i32) -> (i32, i32) {
    %c0_i32 = arith.constant 0 : i32
    %c0_i32_0 = arith.constant 0 : i32
    %c0_i32_1 = arith.constant 0 : i32
    return %c0_i32, %c0_i32_0 : i32, i32
  }
  func.func @transform_4(%arg0: i32) -> (i32, i32) {
    %c0_i32 = arith.constant 0 : i32
    %c0_i32_0 = arith.constant 0 : i32
    %c0_i32_1 = arith.constant 0 : i32
    return %c0_i32, %c0_i32_0 : i32, i32
  }
  func.func @transform_5(%arg0: i32) -> (i32, i32) {
    %c0_i32 = arith.constant 0 : i32
    %c0_i32_0 = arith.constant 0 : i32
    %c0_i32_1 = arith.constant 0 : i32
    return %c0_i32, %c0_i32_0 : i32, i32
  }
  func.func @transform_6(%arg0: i32) -> (i32, i32) {
    %c0_i32 = arith.constant 0 : i32
    %c0_i32_0 = arith.constant 0 : i32
    return %arg0, %c0_i32 : i32, i32
  }
  func.func @transform_7(%arg0: i32) -> (i32, i32) {
    %c0_i32 = arith.constant 0 : i32
    %c0_i32_0 = arith.constant 0 : i32
    return %arg0, %c0_i32 : i32, i32
  }
}

module attributes {stable_mosaic.version = 14 : i64} {
  func.func @body(%arg0: i32, %arg1: memref<512x64xf32, #tpu.memory_space<vmem>>, %arg2: memref<512x64xf32, #tpu.memory_space<vmem>>, %arg3: memref<64x128xf32, #tpu.memory_space<vmem>>, %arg4: memref<128x128xf32, #tpu.memory_space<vmem>>, %arg5: memref<128x128xf32, #tpu.memory_space<vmem>>, %arg6: memref<128x128xf32, #tpu.memory_space<vmem>>, %arg7: memref<128x128xf32, #tpu.memory_space<vmem>>, %arg8: memref<512x128xf32, #tpu.memory_space<vmem>>, %arg9: memref<512x128xf32, #tpu.memory_space<vmem>>) attributes {dimension_semantics = [#tpu.dimension_semantics<arbitrary>], iteration_bounds = array<i64: 20>, scalar_prefetch = 0 : i64, scratch_operands = 0 : i64, tpu.core_type = #tpu.core_type<tc>, window_params = [{transform_indices = @transform_0, window_bounds = array<i64: 512, 64>}, {transform_indices = @transform_1, window_bounds = array<i64: 512, 64>}, {pipeline_mode = #tpu.pipeline_mode<synchronous>, transform_indices = @transform_2, window_bounds = array<i64: 64, 128>}, {pipeline_mode = #tpu.pipeline_mode<synchronous>, transform_indices = @transform_3, window_bounds = array<i64: 128, 128>}, {pipeline_mode = #tpu.pipeline_mode<synchronous>, transform_indices = @transform_4, window_bounds = array<i64: 128, 128>}, {pipeline_mode = #tpu.pipeline_mode<synchronous>, transform_indices = @transform_5, window_bounds = array<i64: 128, 128>}, {pipeline_mode = #tpu.pipeline_mode<synchronous>, transform_indices = @transform_6, window_bounds = array<i64: 128, 128>}, {transform_indices = @transform_7, window_bounds = array<i64: 512, 128>}, {transform_indices = @transform_8, window_bounds = array<i64: 512, 128>}]} {
    %get3A = arith.constant 0 : index
    %get3A_0 = arith.constant 0 : index
    %get3A_1 = vector.load %arg1[%get3A, %get3A_0] : memref<512x64xf32, #tpu.memory_space<vmem>>, vector<512x64xf32>
    %get3A_2 = arith.constant 0 : index
    %get3A_3 = arith.constant 0 : index
    %get3A_4 = vector.load %arg2[%get3A_2, %get3A_3] : memref<512x64xf32, #tpu.memory_space<vmem>>, vector<512x64xf32>
    %add3A = arith.addf %get3A_1, %get3A_4 : vector<512x64xf32>
    %get3A_5 = arith.constant 0 : index
    %get3A_6 = arith.constant 0 : index
    %get3A_7 = vector.load %arg3[%get3A_5, %get3A_6] : memref<64x128xf32, #tpu.memory_space<vmem>>, vector<64x128xf32>
    %dot_general3A = arith.constant dense<0.000000e+00> : vector<512x128xf32>
    %dot_general3A_8 = tpu.matmul %add3A, %get3A_7, %dot_general3A {dimension_numbers = #tpu.dot_dimension_numbers<[1], [0], [0], [1], [0, 0, 1, 1], [], []>, transpose_lhs_hint = false} : vector<512x64xf32>, vector<64x128xf32>, vector<512x128xf32> -> vector<512x128xf32>
    %get3A_9 = arith.constant 0 : index
    %get3A_10 = arith.constant 0 : index
    %get3A_11 = vector.load %arg4[%get3A_9, %get3A_10] : memref<128x128xf32, #tpu.memory_space<vmem>>, vector<128x128xf32>
    %get3A_12 = arith.constant 0 : index
    %get3A_13 = arith.constant 0 : index
    %get3A_14 = vector.load %arg5[%get3A_12, %get3A_13] : memref<128x128xf32, #tpu.memory_space<vmem>>, vector<128x128xf32>
    %reduce_sum3A = arith.constant dense<0.000000e+00> : vector<512xf32>
    %reduce_sum3A_15 = vector.multi_reduction <add>, %dot_general3A_8, %reduce_sum3A [1] : vector<512x128xf32> to vector<512xf32>
    %broadcast_in_dim3A = vector.shape_cast %reduce_sum3A_15 : vector<512xf32> to vector<512x1xf32>
    %div3A = arith.constant 1.280000e+02 : f32
    %div3A_16 = vector.broadcast %div3A : f32 to vector<512x1xf32>
    %div3A_17 = arith.divf %broadcast_in_dim3A, %div3A_16 : vector<512x1xf32>
    %jit3A = arith.constant 0 : i32
    %reduce_sum3A_18 = arith.constant dense<0.000000e+00> : vector<512xf32>
    %reduce_sum3A_19 = vector.multi_reduction <add>, %dot_general3A_8, %reduce_sum3A_18 [1] : vector<512x128xf32> to vector<512xf32>
    %broadcast_in_dim3A_20 = vector.shape_cast %reduce_sum3A_19 : vector<512xf32> to vector<512x1xf32>
    %div3A_21 = arith.constant 1.280000e+02 : f32
    %div3A_22 = vector.broadcast %div3A_21 : f32 to vector<512x1xf32>
    %div3A_23 = arith.divf %broadcast_in_dim3A_20, %div3A_22 : vector<512x1xf32>
    %sub3A = vector.broadcast %div3A_23 : vector<512x1xf32> to vector<512x128xf32>
    %sub3A_24 = arith.subf %dot_general3A_8, %sub3A : vector<512x128xf32>
    %square3A = arith.mulf %sub3A_24, %sub3A_24 : vector<512x128xf32>
    %convert_element_type3A = arith.sitofp %jit3A : i32 to f32
    %sub3A_25 = arith.constant 1.280000e+02 : f32
    %sub3A_26 = arith.subf %sub3A_25, %convert_element_type3A : f32
    %reduce_sum3A_27 = arith.constant dense<0.000000e+00> : vector<512xf32>
    %reduce_sum3A_28 = vector.multi_reduction <add>, %square3A, %reduce_sum3A_27 [1] : vector<512x128xf32> to vector<512xf32>
    %broadcast_in_dim3A_29 = vector.shape_cast %reduce_sum3A_28 : vector<512xf32> to vector<512x1xf32>
    %div3A_30 = vector.broadcast %sub3A_26 : f32 to vector<512x1xf32>
    %div3A_31 = arith.divf %broadcast_in_dim3A_29, %div3A_30 : vector<512x1xf32>
    %gt3A = arith.constant 0.000000e+00 : f32
    %gt3A_32 = arith.cmpf ogt, %sub3A_26, %gt3A : f32
    %jit3A_33 = arith.constant 0x7FC00000 : f32
    %broadcast_in_dim3A_34 = vector.broadcast %jit3A_33 : f32 to vector<512x1xf32>
    %select_n3A = arith.select %gt3A_32, %div3A_31, %broadcast_in_dim3A_34 : vector<512x1xf32>
    %sub3A_35 = vector.broadcast %div3A_17 : vector<512x1xf32> to vector<512x128xf32>
    %sub3A_36 = arith.subf %dot_general3A_8, %sub3A_35 : vector<512x128xf32>
    %add3A_37 = arith.constant 9.99999974E-6 : f32
    %add3A_38 = vector.broadcast %add3A_37 : f32 to vector<512x1xf32>
    %add3A_39 = arith.addf %select_n3A, %add3A_38 : vector<512x1xf32>
    %rsqrt3A = math.rsqrt %add3A_39 : vector<512x1xf32>
    %mul3A = vector.broadcast %rsqrt3A : vector<512x1xf32> to vector<512x128xf32>
    %mul3A_40 = arith.mulf %sub3A_36, %mul3A : vector<512x128xf32>
    %max3A = arith.constant 0.000000e+00 : f32
    %max3A_41 = vector.broadcast %max3A : f32 to vector<512x128xf32>
    %max3A_42 = arith.maximumf %mul3A_40, %max3A_41 : vector<512x128xf32>
    %dot_general3A_43 = arith.constant dense<0.000000e+00> : vector<512x128xf32>
    %dot_general3A_44 = tpu.matmul %max3A_42, %get3A_11, %dot_general3A_43 {dimension_numbers = #tpu.dot_dimension_numbers<[1], [0], [0], [1], [0, 0, 1, 1], [], []>, transpose_lhs_hint = false} : vector<512x128xf32>, vector<128x128xf32>, vector<512x128xf32> -> vector<512x128xf32>
    %reduce_sum3A_45 = arith.constant dense<0.000000e+00> : vector<512xf32>
    %reduce_sum3A_46 = vector.multi_reduction <add>, %dot_general3A_44, %reduce_sum3A_45 [1] : vector<512x128xf32> to vector<512xf32>
    %broadcast_in_dim3A_47 = vector.shape_cast %reduce_sum3A_46 : vector<512xf32> to vector<512x1xf32>
    %div3A_48 = arith.constant 1.280000e+02 : f32
    %div3A_49 = vector.broadcast %div3A_48 : f32 to vector<512x1xf32>
    %div3A_50 = arith.divf %broadcast_in_dim3A_47, %div3A_49 : vector<512x1xf32>
    %jit3A_51 = arith.constant 0 : i32
    %reduce_sum3A_52 = arith.constant dense<0.000000e+00> : vector<512xf32>
    %reduce_sum3A_53 = vector.multi_reduction <add>, %dot_general3A_44, %reduce_sum3A_52 [1] : vector<512x128xf32> to vector<512xf32>
    %broadcast_in_dim3A_54 = vector.shape_cast %reduce_sum3A_53 : vector<512xf32> to vector<512x1xf32>
    %div3A_55 = arith.constant 1.280000e+02 : f32
    %div3A_56 = vector.broadcast %div3A_55 : f32 to vector<512x1xf32>
    %div3A_57 = arith.divf %broadcast_in_dim3A_54, %div3A_56 : vector<512x1xf32>
    %sub3A_58 = vector.broadcast %div3A_57 : vector<512x1xf32> to vector<512x128xf32>
    %sub3A_59 = arith.subf %dot_general3A_44, %sub3A_58 : vector<512x128xf32>
    %square3A_60 = arith.mulf %sub3A_59, %sub3A_59 : vector<512x128xf32>
    %convert_element_type3A_61 = arith.sitofp %jit3A_51 : i32 to f32
    %sub3A_62 = arith.constant 1.280000e+02 : f32
    %sub3A_63 = arith.subf %sub3A_62, %convert_element_type3A_61 : f32
    %reduce_sum3A_64 = arith.constant dense<0.000000e+00> : vector<512xf32>
    %reduce_sum3A_65 = vector.multi_reduction <add>, %square3A_60, %reduce_sum3A_64 [1] : vector<512x128xf32> to vector<512xf32>
    %broadcast_in_dim3A_66 = vector.shape_cast %reduce_sum3A_65 : vector<512xf32> to vector<512x1xf32>
    %div3A_67 = vector.broadcast %sub3A_63 : f32 to vector<512x1xf32>
    %div3A_68 = arith.divf %broadcast_in_dim3A_66, %div3A_67 : vector<512x1xf32>
    %gt3A_69 = arith.constant 0.000000e+00 : f32
    %gt3A_70 = arith.cmpf ogt, %sub3A_63, %gt3A_69 : f32
    %jit3A_71 = arith.constant 0x7FC00000 : f32
    %broadcast_in_dim3A_72 = vector.broadcast %jit3A_71 : f32 to vector<512x1xf32>
    %select_n3A_73 = arith.select %gt3A_70, %div3A_68, %broadcast_in_dim3A_72 : vector<512x1xf32>
    %sub3A_74 = vector.broadcast %div3A_50 : vector<512x1xf32> to vector<512x128xf32>
    %sub3A_75 = arith.subf %dot_general3A_44, %sub3A_74 : vector<512x128xf32>
    %add3A_76 = arith.constant 9.99999974E-6 : f32
    %add3A_77 = vector.broadcast %add3A_76 : f32 to vector<512x1xf32>
    %add3A_78 = arith.addf %select_n3A_73, %add3A_77 : vector<512x1xf32>
    %rsqrt3A_79 = math.rsqrt %add3A_78 : vector<512x1xf32>
    %mul3A_80 = vector.broadcast %rsqrt3A_79 : vector<512x1xf32> to vector<512x128xf32>
    %mul3A_81 = arith.mulf %sub3A_75, %mul3A_80 : vector<512x128xf32>
    %max3A_82 = arith.constant 0.000000e+00 : f32
    %max3A_83 = vector.broadcast %max3A_82 : f32 to vector<512x128xf32>
    %max3A_84 = arith.maximumf %mul3A_81, %max3A_83 : vector<512x128xf32>
    %dot_general3A_85 = arith.constant dense<0.000000e+00> : vector<512x128xf32>
    %dot_general3A_86 = tpu.matmul %max3A_84, %get3A_14, %dot_general3A_85 {dimension_numbers = #tpu.dot_dimension_numbers<[1], [0], [0], [1], [0, 0, 1, 1], [], []>, transpose_lhs_hint = false} : vector<512x128xf32>, vector<128x128xf32>, vector<512x128xf32> -> vector<512x128xf32>
    %add3A_87 = arith.addf %dot_general3A_8, %dot_general3A_86 : vector<512x128xf32>
    %get3A_88 = arith.constant 0 : index
    %get3A_89 = arith.constant 0 : index
    %get3A_90 = vector.load %arg6[%get3A_88, %get3A_89] : memref<128x128xf32, #tpu.memory_space<vmem>>, vector<128x128xf32>
    %get3A_91 = arith.constant 0 : index
    %get3A_92 = arith.constant 0 : index
    %get3A_93 = vector.load %arg7[%get3A_91, %get3A_92] : memref<128x128xf32, #tpu.memory_space<vmem>>, vector<128x128xf32>
    %reduce_sum3A_94 = arith.constant dense<0.000000e+00> : vector<512xf32>
    %reduce_sum3A_95 = vector.multi_reduction <add>, %add3A_87, %reduce_sum3A_94 [1] : vector<512x128xf32> to vector<512xf32>
    %broadcast_in_dim3A_96 = vector.shape_cast %reduce_sum3A_95 : vector<512xf32> to vector<512x1xf32>
    %div3A_97 = arith.constant 1.280000e+02 : f32
    %div3A_98 = vector.broadcast %div3A_97 : f32 to vector<512x1xf32>
    %div3A_99 = arith.divf %broadcast_in_dim3A_96, %div3A_98 : vector<512x1xf32>
    %jit3A_100 = arith.constant 0 : i32
    %reduce_sum3A_101 = arith.constant dense<0.000000e+00> : vector<512xf32>
    %reduce_sum3A_102 = vector.multi_reduction <add>, %add3A_87, %reduce_sum3A_101 [1] : vector<512x128xf32> to vector<512xf32>
    %broadcast_in_dim3A_103 = vector.shape_cast %reduce_sum3A_102 : vector<512xf32> to vector<512x1xf32>
    %div3A_104 = arith.constant 1.280000e+02 : f32
    %div3A_105 = vector.broadcast %div3A_104 : f32 to vector<512x1xf32>
    %div3A_106 = arith.divf %broadcast_in_dim3A_103, %div3A_105 : vector<512x1xf32>
    %sub3A_107 = vector.broadcast %div3A_106 : vector<512x1xf32> to vector<512x128xf32>
    %sub3A_108 = arith.subf %add3A_87, %sub3A_107 : vector<512x128xf32>
    %square3A_109 = arith.mulf %sub3A_108, %sub3A_108 : vector<512x128xf32>
    %convert_element_type3A_110 = arith.sitofp %jit3A_100 : i32 to f32
    %sub3A_111 = arith.constant 1.280000e+02 : f32
    %sub3A_112 = arith.subf %sub3A_111, %convert_element_type3A_110 : f32
    %reduce_sum3A_113 = arith.constant dense<0.000000e+00> : vector<512xf32>
    %reduce_sum3A_114 = vector.multi_reduction <add>, %square3A_109, %reduce_sum3A_113 [1] : vector<512x128xf32> to vector<512xf32>
    %broadcast_in_dim3A_115 = vector.shape_cast %reduce_sum3A_114 : vector<512xf32> to vector<512x1xf32>
    %div3A_116 = vector.broadcast %sub3A_112 : f32 to vector<512x1xf32>
    %div3A_117 = arith.divf %broadcast_in_dim3A_115, %div3A_116 : vector<512x1xf32>
    %gt3A_118 = arith.constant 0.000000e+00 : f32
    %gt3A_119 = arith.cmpf ogt, %sub3A_112, %gt3A_118 : f32
    %jit3A_120 = arith.constant 0x7FC00000 : f32
    %broadcast_in_dim3A_121 = vector.broadcast %jit3A_120 : f32 to vector<512x1xf32>
    %select_n3A_122 = arith.select %gt3A_119, %div3A_117, %broadcast_in_dim3A_121 : vector<512x1xf32>
    %sub3A_123 = vector.broadcast %div3A_99 : vector<512x1xf32> to vector<512x128xf32>
    %sub3A_124 = arith.subf %add3A_87, %sub3A_123 : vector<512x128xf32>
    %add3A_125 = arith.constant 9.99999974E-6 : f32
    %add3A_126 = vector.broadcast %add3A_125 : f32 to vector<512x1xf32>
    %add3A_127 = arith.addf %select_n3A_122, %add3A_126 : vector<512x1xf32>
    %rsqrt3A_128 = math.rsqrt %add3A_127 : vector<512x1xf32>
    %mul3A_129 = vector.broadcast %rsqrt3A_128 : vector<512x1xf32> to vector<512x128xf32>
    %mul3A_130 = arith.mulf %sub3A_124, %mul3A_129 : vector<512x128xf32>
    %max3A_131 = arith.constant 0.000000e+00 : f32
    %max3A_132 = vector.broadcast %max3A_131 : f32 to vector<512x128xf32>
    %max3A_133 = arith.maximumf %mul3A_130, %max3A_132 : vector<512x128xf32>
    %dot_general3A_134 = arith.constant dense<0.000000e+00> : vector<512x128xf32>
    %dot_general3A_135 = tpu.matmul %max3A_133, %get3A_90, %dot_general3A_134 {dimension_numbers = #tpu.dot_dimension_numbers<[1], [0], [0], [1], [0, 0, 1, 1], [], []>, transpose_lhs_hint = false} : vector<512x128xf32>, vector<128x128xf32>, vector<512x128xf32> -> vector<512x128xf32>
    %reduce_sum3A_136 = arith.constant dense<0.000000e+00> : vector<512xf32>
    %reduce_sum3A_137 = vector.multi_reduction <add>, %dot_general3A_135, %reduce_sum3A_136 [1] : vector<512x128xf32> to vector<512xf32>
    %broadcast_in_dim3A_138 = vector.shape_cast %reduce_sum3A_137 : vector<512xf32> to vector<512x1xf32>
    %div3A_139 = arith.constant 1.280000e+02 : f32
    %div3A_140 = vector.broadcast %div3A_139 : f32 to vector<512x1xf32>
    %div3A_141 = arith.divf %broadcast_in_dim3A_138, %div3A_140 : vector<512x1xf32>
    %jit3A_142 = arith.constant 0 : i32
    %reduce_sum3A_143 = arith.constant dense<0.000000e+00> : vector<512xf32>
    %reduce_sum3A_144 = vector.multi_reduction <add>, %dot_general3A_135, %reduce_sum3A_143 [1] : vector<512x128xf32> to vector<512xf32>
    %broadcast_in_dim3A_145 = vector.shape_cast %reduce_sum3A_144 : vector<512xf32> to vector<512x1xf32>
    %div3A_146 = arith.constant 1.280000e+02 : f32
    %div3A_147 = vector.broadcast %div3A_146 : f32 to vector<512x1xf32>
    %div3A_148 = arith.divf %broadcast_in_dim3A_145, %div3A_147 : vector<512x1xf32>
    %sub3A_149 = vector.broadcast %div3A_148 : vector<512x1xf32> to vector<512x128xf32>
    %sub3A_150 = arith.subf %dot_general3A_135, %sub3A_149 : vector<512x128xf32>
    %square3A_151 = arith.mulf %sub3A_150, %sub3A_150 : vector<512x128xf32>
    %convert_element_type3A_152 = arith.sitofp %jit3A_142 : i32 to f32
    %sub3A_153 = arith.constant 1.280000e+02 : f32
    %sub3A_154 = arith.subf %sub3A_153, %convert_element_type3A_152 : f32
    %reduce_sum3A_155 = arith.constant dense<0.000000e+00> : vector<512xf32>
    %reduce_sum3A_156 = vector.multi_reduction <add>, %square3A_151, %reduce_sum3A_155 [1] : vector<512x128xf32> to vector<512xf32>
    %broadcast_in_dim3A_157 = vector.shape_cast %reduce_sum3A_156 : vector<512xf32> to vector<512x1xf32>
    %div3A_158 = vector.broadcast %sub3A_154 : f32 to vector<512x1xf32>
    %div3A_159 = arith.divf %broadcast_in_dim3A_157, %div3A_158 : vector<512x1xf32>
    %gt3A_160 = arith.constant 0.000000e+00 : f32
    %gt3A_161 = arith.cmpf ogt, %sub3A_154, %gt3A_160 : f32
    %jit3A_162 = arith.constant 0x7FC00000 : f32
    %broadcast_in_dim3A_163 = vector.broadcast %jit3A_162 : f32 to vector<512x1xf32>
    %select_n3A_164 = arith.select %gt3A_161, %div3A_159, %broadcast_in_dim3A_163 : vector<512x1xf32>
    %sub3A_165 = vector.broadcast %div3A_141 : vector<512x1xf32> to vector<512x128xf32>
    %sub3A_166 = arith.subf %dot_general3A_135, %sub3A_165 : vector<512x128xf32>
    %add3A_167 = arith.constant 9.99999974E-6 : f32
    %add3A_168 = vector.broadcast %add3A_167 : f32 to vector<512x1xf32>
    %add3A_169 = arith.addf %select_n3A_164, %add3A_168 : vector<512x1xf32>
    %rsqrt3A_170 = math.rsqrt %add3A_169 : vector<512x1xf32>
    %mul3A_171 = vector.broadcast %rsqrt3A_170 : vector<512x1xf32> to vector<512x128xf32>
    %mul3A_172 = arith.mulf %sub3A_166, %mul3A_171 : vector<512x128xf32>
    %max3A_173 = arith.constant 0.000000e+00 : f32
    %max3A_174 = vector.broadcast %max3A_173 : f32 to vector<512x128xf32>
    %max3A_175 = arith.maximumf %mul3A_172, %max3A_174 : vector<512x128xf32>
    %dot_general3A_176 = arith.constant dense<0.000000e+00> : vector<512x128xf32>
    %dot_general3A_177 = tpu.matmul %max3A_175, %get3A_93, %dot_general3A_176 {dimension_numbers = #tpu.dot_dimension_numbers<[1], [0], [0], [1], [0, 0, 1, 1], [], []>, transpose_lhs_hint = false} : vector<512x128xf32>, vector<128x128xf32>, vector<512x128xf32> -> vector<512x128xf32>
    %add3A_178 = arith.addf %add3A_87, %dot_general3A_177 : vector<512x128xf32>
    %swap3A = arith.constant 0 : index
    %swap3A_179 = arith.constant 0 : index
    %swap3A_180 = vector.load %arg8[%swap3A, %swap3A_179] : memref<512x128xf32, #tpu.memory_space<vmem>>, vector<512x128xf32>
    tpu.vector_store %arg8[%swap3A, %swap3A_179], %add3A_178 {strides = array<i32>} : memref<512x128xf32, #tpu.memory_space<vmem>>, vector<512x128xf32>,
    %reduce_sum3A_181 = arith.constant dense<0.000000e+00> : vector<512xf32>
    %reduce_sum3A_182 = vector.multi_reduction <add>, %add3A_178, %reduce_sum3A_181 [1] : vector<512x128xf32> to vector<512xf32>
    %broadcast_in_dim3A_183 = vector.shape_cast %reduce_sum3A_182 : vector<512xf32> to vector<512x1xf32>
    %div3A_184 = arith.constant 1.280000e+02 : f32
    %div3A_185 = vector.broadcast %div3A_184 : f32 to vector<512x1xf32>
    %div3A_186 = arith.divf %broadcast_in_dim3A_183, %div3A_185 : vector<512x1xf32>
    %jit3A_187 = arith.constant 0 : i32
    %reduce_sum3A_188 = arith.constant dense<0.000000e+00> : vector<512xf32>
    %reduce_sum3A_189 = vector.multi_reduction <add>, %add3A_178, %reduce_sum3A_188 [1] : vector<512x128xf32> to vector<512xf32>
    %broadcast_in_dim3A_190 = vector.shape_cast %reduce_sum3A_189 : vector<512xf32> to vector<512x1xf32>
    %div3A_191 = arith.constant 1.280000e+02 : f32
    %div3A_192 = vector.broadcast %div3A_191 : f32 to vector<512x1xf32>
    %div3A_193 = arith.divf %broadcast_in_dim3A_190, %div3A_192 : vector<512x1xf32>
    %sub3A_194 = vector.broadcast %div3A_193 : vector<512x1xf32> to vector<512x128xf32>
    %sub3A_195 = arith.subf %add3A_178, %sub3A_194 : vector<512x128xf32>
    %square3A_196 = arith.mulf %sub3A_195, %sub3A_195 : vector<512x128xf32>
    %convert_element_type3A_197 = arith.sitofp %jit3A_187 : i32 to f32
    %sub3A_198 = arith.constant 1.280000e+02 : f32
    %sub3A_199 = arith.subf %sub3A_198, %convert_element_type3A_197 : f32
    %reduce_sum3A_200 = arith.constant dense<0.000000e+00> : vector<512xf32>
    %reduce_sum3A_201 = vector.multi_reduction <add>, %square3A_196, %reduce_sum3A_200 [1] : vector<512x128xf32> to vector<512xf32>
    %broadcast_in_dim3A_202 = vector.shape_cast %reduce_sum3A_201 : vector<512xf32> to vector<512x1xf32>
    %div3A_203 = vector.broadcast %sub3A_199 : f32 to vector<512x1xf32>
    %div3A_204 = arith.divf %broadcast_in_dim3A_202, %div3A_203 : vector<512x1xf32>
    %gt3A_205 = arith.constant 0.000000e+00 : f32
    %gt3A_206 = arith.cmpf ogt, %sub3A_199, %gt3A_205 : f32
    %jit3A_207 = arith.constant 0x7FC00000 : f32
    %broadcast_in_dim3A_208 = vector.broadcast %jit3A_207 : f32 to vector<512x1xf32>
    %select_n3A_209 = arith.select %gt3A_206, %div3A_204, %broadcast_in_dim3A_208 : vector<512x1xf32>
    %sub3A_210 = vector.broadcast %div3A_186 : vector<512x1xf32> to vector<512x128xf32>
    %sub3A_211 = arith.subf %add3A_178, %sub3A_210 : vector<512x128xf32>
    %add3A_212 = arith.constant 9.99999974E-6 : f32
    %add3A_213 = vector.broadcast %add3A_212 : f32 to vector<512x1xf32>
    %add3A_214 = arith.addf %select_n3A_209, %add3A_213 : vector<512x1xf32>
    %rsqrt3A_215 = math.rsqrt %add3A_214 : vector<512x1xf32>
    %mul3A_216 = vector.broadcast %rsqrt3A_215 : vector<512x1xf32> to vector<512x128xf32>
    %mul3A_217 = arith.mulf %sub3A_211, %mul3A_216 : vector<512x128xf32>
    %max3A_218 = arith.constant 0.000000e+00 : f32
    %max3A_219 = vector.broadcast %max3A_218 : f32 to vector<512x128xf32>
    %max3A_220 = arith.maximumf %mul3A_217, %max3A_219 : vector<512x128xf32>
    %swap3A_221 = arith.constant 0 : index
    %swap3A_222 = arith.constant 0 : index
    %swap3A_223 = vector.load %arg9[%swap3A_221, %swap3A_222] : memref<512x128xf32, #tpu.memory_space<vmem>>, vector<512x128xf32>
    tpu.vector_store %arg9[%swap3A_221, %swap3A_222], %max3A_220 {strides = array<i32>} : memref<512x128xf32, #tpu.memory_space<vmem>>, vector<512x128xf32>,
    return
  }
  func.func @transform_0(%arg0: i32) -> (i32, i32) {
    %add3A = arith.constant 0 : i32
    %add3A_0 = arith.addi %arg0, %add3A : i32
    %c0_i32 = arith.constant 0 : i32
    %c0_i32_1 = arith.constant 0 : i32
    return %add3A_0, %c0_i32 : i32, i32
  }
  func.func @transform_1(%arg0: i32) -> (i32, i32) {
    %add3A = arith.constant 20 : i32
    %add3A_0 = arith.addi %arg0, %add3A : i32
    %c0_i32 = arith.constant 0 : i32
    %c0_i32_1 = arith.constant 0 : i32
    return %add3A_0, %c0_i32 : i32, i32
  }
  func.func @transform_2(%arg0: i32) -> (i32, i32) {
    %c0_i32 = arith.constant 0 : i32
    %c0_i32_0 = arith.constant 0 : i32
    %c0_i32_1 = arith.constant 0 : i32
    return %c0_i32, %c0_i32_0 : i32, i32
  }
  func.func @transform_3(%arg0: i32) -> (i32, i32) {
    %c0_i32 = arith.constant 0 : i32
    %c0_i32_0 = arith.constant 0 : i32
    %c0_i32_1 = arith.constant 0 : i32
    return %c0_i32, %c0_i32_0 : i32, i32
  }
  func.func @transform_4(%arg0: i32) -> (i32, i32) {
    %c0_i32 = arith.constant 0 : i32
    %c0_i32_0 = arith.constant 0 : i32
    %c0_i32_1 = arith.constant 0 : i32
    return %c0_i32, %c0_i32_0 : i32, i32
  }
  func.func @transform_5(%arg0: i32) -> (i32, i32) {
    %c0_i32 = arith.constant 0 : i32
    %c0_i32_0 = arith.constant 0 : i32
    %c0_i32_1 = arith.constant 0 : i32
    return %c0_i32, %c0_i32_0 : i32, i32
  }
  func.func @transform_6(%arg0: i32) -> (i32, i32) {
    %c0_i32 = arith.constant 0 : i32
    %c0_i32_0 = arith.constant 0 : i32
    %c0_i32_1 = arith.constant 0 : i32
    return %c0_i32, %c0_i32_0 : i32, i32
  }
  func.func @transform_7(%arg0: i32) -> (i32, i32) {
    %c0_i32 = arith.constant 0 : i32
    %c0_i32_0 = arith.constant 0 : i32
    return %arg0, %c0_i32 : i32, i32
  }
  func.func @transform_8(%arg0: i32) -> (i32, i32) {
    %c0_i32 = arith.constant 0 : i32
    %c0_i32_0 = arith.constant 0 : i32
    return %arg0, %c0_i32 : i32, i32
  }
}

module attributes {stable_mosaic.version = 14 : i64} {
  func.func @body(%arg0: i32, %arg1: memref<512x128xf32, #tpu.memory_space<vmem>>, %arg2: memref<512x128xf32, #tpu.memory_space<vmem>>, %arg3: memref<128x256xf32, #tpu.memory_space<vmem>>, %arg4: memref<256x256xf32, #tpu.memory_space<vmem>>, %arg5: memref<256x256xf32, #tpu.memory_space<vmem>>, %arg6: memref<256x256xf32, #tpu.memory_space<vmem>>, %arg7: memref<256x256xf32, #tpu.memory_space<vmem>>, %arg8: memref<512x256xf32, #tpu.memory_space<vmem>>, %arg9: memref<512x256xf32, #tpu.memory_space<vmem>>) attributes {dimension_semantics = [#tpu.dimension_semantics<arbitrary>], iteration_bounds = array<i64: 8>, scalar_prefetch = 0 : i64, scratch_operands = 0 : i64, tpu.core_type = #tpu.core_type<tc>, window_params = [{transform_indices = @transform_0, window_bounds = array<i64: 512, 128>}, {transform_indices = @transform_1, window_bounds = array<i64: 512, 128>}, {pipeline_mode = #tpu.pipeline_mode<synchronous>, transform_indices = @transform_2, window_bounds = array<i64: 128, 256>}, {pipeline_mode = #tpu.pipeline_mode<synchronous>, transform_indices = @transform_3, window_bounds = array<i64: 256, 256>}, {pipeline_mode = #tpu.pipeline_mode<synchronous>, transform_indices = @transform_4, window_bounds = array<i64: 256, 256>}, {pipeline_mode = #tpu.pipeline_mode<synchronous>, transform_indices = @transform_5, window_bounds = array<i64: 256, 256>}, {pipeline_mode = #tpu.pipeline_mode<synchronous>, transform_indices = @transform_6, window_bounds = array<i64: 256, 256>}, {transform_indices = @transform_7, window_bounds = array<i64: 512, 256>}, {transform_indices = @transform_8, window_bounds = array<i64: 512, 256>}]} {
    %get3A = arith.constant 0 : index
    %get3A_0 = arith.constant 0 : index
    %get3A_1 = vector.load %arg1[%get3A, %get3A_0] : memref<512x128xf32, #tpu.memory_space<vmem>>, vector<512x128xf32>
    %get3A_2 = arith.constant 0 : index
    %get3A_3 = arith.constant 0 : index
    %get3A_4 = vector.load %arg2[%get3A_2, %get3A_3] : memref<512x128xf32, #tpu.memory_space<vmem>>, vector<512x128xf32>
    %add3A = arith.addf %get3A_1, %get3A_4 : vector<512x128xf32>
    %get3A_5 = arith.constant 0 : index
    %get3A_6 = arith.constant 0 : index
    %get3A_7 = vector.load %arg3[%get3A_5, %get3A_6] : memref<128x256xf32, #tpu.memory_space<vmem>>, vector<128x256xf32>
    %dot_general3A = arith.constant dense<0.000000e+00> : vector<512x256xf32>
    %dot_general3A_8 = tpu.matmul %add3A, %get3A_7, %dot_general3A {dimension_numbers = #tpu.dot_dimension_numbers<[1], [0], [0], [1], [0, 0, 1, 1], [], []>, transpose_lhs_hint = false} : vector<512x128xf32>, vector<128x256xf32>, vector<512x256xf32> -> vector<512x256xf32>
    %get3A_9 = arith.constant 0 : index
    %get3A_10 = arith.constant 0 : index
    %get3A_11 = vector.load %arg4[%get3A_9, %get3A_10] : memref<256x256xf32, #tpu.memory_space<vmem>>, vector<256x256xf32>
    %get3A_12 = arith.constant 0 : index
    %get3A_13 = arith.constant 0 : index
    %get3A_14 = vector.load %arg5[%get3A_12, %get3A_13] : memref<256x256xf32, #tpu.memory_space<vmem>>, vector<256x256xf32>
    %reduce_sum3A = arith.constant dense<0.000000e+00> : vector<512xf32>
    %reduce_sum3A_15 = vector.multi_reduction <add>, %dot_general3A_8, %reduce_sum3A [1] : vector<512x256xf32> to vector<512xf32>
    %broadcast_in_dim3A = vector.shape_cast %reduce_sum3A_15 : vector<512xf32> to vector<512x1xf32>
    %div3A = arith.constant 2.560000e+02 : f32
    %div3A_16 = vector.broadcast %div3A : f32 to vector<512x1xf32>
    %div3A_17 = arith.divf %broadcast_in_dim3A, %div3A_16 : vector<512x1xf32>
    %jit3A = arith.constant 0 : i32
    %reduce_sum3A_18 = arith.constant dense<0.000000e+00> : vector<512xf32>
    %reduce_sum3A_19 = vector.multi_reduction <add>, %dot_general3A_8, %reduce_sum3A_18 [1] : vector<512x256xf32> to vector<512xf32>
    %broadcast_in_dim3A_20 = vector.shape_cast %reduce_sum3A_19 : vector<512xf32> to vector<512x1xf32>
    %div3A_21 = arith.constant 2.560000e+02 : f32
    %div3A_22 = vector.broadcast %div3A_21 : f32 to vector<512x1xf32>
    %div3A_23 = arith.divf %broadcast_in_dim3A_20, %div3A_22 : vector<512x1xf32>
    %sub3A = vector.broadcast %div3A_23 : vector<512x1xf32> to vector<512x256xf32>
    %sub3A_24 = arith.subf %dot_general3A_8, %sub3A : vector<512x256xf32>
    %square3A = arith.mulf %sub3A_24, %sub3A_24 : vector<512x256xf32>
    %convert_element_type3A = arith.sitofp %jit3A : i32 to f32
    %sub3A_25 = arith.constant 2.560000e+02 : f32
    %sub3A_26 = arith.subf %sub3A_25, %convert_element_type3A : f32
    %reduce_sum3A_27 = arith.constant dense<0.000000e+00> : vector<512xf32>
    %reduce_sum3A_28 = vector.multi_reduction <add>, %square3A, %reduce_sum3A_27 [1] : vector<512x256xf32> to vector<512xf32>
    %broadcast_in_dim3A_29 = vector.shape_cast %reduce_sum3A_28 : vector<512xf32> to vector<512x1xf32>
    %div3A_30 = vector.broadcast %sub3A_26 : f32 to vector<512x1xf32>
    %div3A_31 = arith.divf %broadcast_in_dim3A_29, %div3A_30 : vector<512x1xf32>
    %gt3A = arith.constant 0.000000e+00 : f32
    %gt3A_32 = arith.cmpf ogt, %sub3A_26, %gt3A : f32
    %jit3A_33 = arith.constant 0x7FC00000 : f32
    %broadcast_in_dim3A_34 = vector.broadcast %jit3A_33 : f32 to vector<512x1xf32>
    %select_n3A = arith.select %gt3A_32, %div3A_31, %broadcast_in_dim3A_34 : vector<512x1xf32>
    %sub3A_35 = vector.broadcast %div3A_17 : vector<512x1xf32> to vector<512x256xf32>
    %sub3A_36 = arith.subf %dot_general3A_8, %sub3A_35 : vector<512x256xf32>
    %add3A_37 = arith.constant 9.99999974E-6 : f32
    %add3A_38 = vector.broadcast %add3A_37 : f32 to vector<512x1xf32>
    %add3A_39 = arith.addf %select_n3A, %add3A_38 : vector<512x1xf32>
    %rsqrt3A = math.rsqrt %add3A_39 : vector<512x1xf32>
    %mul3A = vector.broadcast %rsqrt3A : vector<512x1xf32> to vector<512x256xf32>
    %mul3A_40 = arith.mulf %sub3A_36, %mul3A : vector<512x256xf32>
    %max3A = arith.constant 0.000000e+00 : f32
    %max3A_41 = vector.broadcast %max3A : f32 to vector<512x256xf32>
    %max3A_42 = arith.maximumf %mul3A_40, %max3A_41 : vector<512x256xf32>
    %dot_general3A_43 = arith.constant dense<0.000000e+00> : vector<512x256xf32>
    %dot_general3A_44 = tpu.matmul %max3A_42, %get3A_11, %dot_general3A_43 {dimension_numbers = #tpu.dot_dimension_numbers<[1], [0], [0], [1], [0, 0, 1, 1], [], []>, transpose_lhs_hint = false} : vector<512x256xf32>, vector<256x256xf32>, vector<512x256xf32> -> vector<512x256xf32>
    %reduce_sum3A_45 = arith.constant dense<0.000000e+00> : vector<512xf32>
    %reduce_sum3A_46 = vector.multi_reduction <add>, %dot_general3A_44, %reduce_sum3A_45 [1] : vector<512x256xf32> to vector<512xf32>
    %broadcast_in_dim3A_47 = vector.shape_cast %reduce_sum3A_46 : vector<512xf32> to vector<512x1xf32>
    %div3A_48 = arith.constant 2.560000e+02 : f32
    %div3A_49 = vector.broadcast %div3A_48 : f32 to vector<512x1xf32>
    %div3A_50 = arith.divf %broadcast_in_dim3A_47, %div3A_49 : vector<512x1xf32>
    %jit3A_51 = arith.constant 0 : i32
    %reduce_sum3A_52 = arith.constant dense<0.000000e+00> : vector<512xf32>
    %reduce_sum3A_53 = vector.multi_reduction <add>, %dot_general3A_44, %reduce_sum3A_52 [1] : vector<512x256xf32> to vector<512xf32>
    %broadcast_in_dim3A_54 = vector.shape_cast %reduce_sum3A_53 : vector<512xf32> to vector<512x1xf32>
    %div3A_55 = arith.constant 2.560000e+02 : f32
    %div3A_56 = vector.broadcast %div3A_55 : f32 to vector<512x1xf32>
    %div3A_57 = arith.divf %broadcast_in_dim3A_54, %div3A_56 : vector<512x1xf32>
    %sub3A_58 = vector.broadcast %div3A_57 : vector<512x1xf32> to vector<512x256xf32>
    %sub3A_59 = arith.subf %dot_general3A_44, %sub3A_58 : vector<512x256xf32>
    %square3A_60 = arith.mulf %sub3A_59, %sub3A_59 : vector<512x256xf32>
    %convert_element_type3A_61 = arith.sitofp %jit3A_51 : i32 to f32
    %sub3A_62 = arith.constant 2.560000e+02 : f32
    %sub3A_63 = arith.subf %sub3A_62, %convert_element_type3A_61 : f32
    %reduce_sum3A_64 = arith.constant dense<0.000000e+00> : vector<512xf32>
    %reduce_sum3A_65 = vector.multi_reduction <add>, %square3A_60, %reduce_sum3A_64 [1] : vector<512x256xf32> to vector<512xf32>
    %broadcast_in_dim3A_66 = vector.shape_cast %reduce_sum3A_65 : vector<512xf32> to vector<512x1xf32>
    %div3A_67 = vector.broadcast %sub3A_63 : f32 to vector<512x1xf32>
    %div3A_68 = arith.divf %broadcast_in_dim3A_66, %div3A_67 : vector<512x1xf32>
    %gt3A_69 = arith.constant 0.000000e+00 : f32
    %gt3A_70 = arith.cmpf ogt, %sub3A_63, %gt3A_69 : f32
    %jit3A_71 = arith.constant 0x7FC00000 : f32
    %broadcast_in_dim3A_72 = vector.broadcast %jit3A_71 : f32 to vector<512x1xf32>
    %select_n3A_73 = arith.select %gt3A_70, %div3A_68, %broadcast_in_dim3A_72 : vector<512x1xf32>
    %sub3A_74 = vector.broadcast %div3A_50 : vector<512x1xf32> to vector<512x256xf32>
    %sub3A_75 = arith.subf %dot_general3A_44, %sub3A_74 : vector<512x256xf32>
    %add3A_76 = arith.constant 9.99999974E-6 : f32
    %add3A_77 = vector.broadcast %add3A_76 : f32 to vector<512x1xf32>
    %add3A_78 = arith.addf %select_n3A_73, %add3A_77 : vector<512x1xf32>
    %rsqrt3A_79 = math.rsqrt %add3A_78 : vector<512x1xf32>
    %mul3A_80 = vector.broadcast %rsqrt3A_79 : vector<512x1xf32> to vector<512x256xf32>
    %mul3A_81 = arith.mulf %sub3A_75, %mul3A_80 : vector<512x256xf32>
    %max3A_82 = arith.constant 0.000000e+00 : f32
    %max3A_83 = vector.broadcast %max3A_82 : f32 to vector<512x256xf32>
    %max3A_84 = arith.maximumf %mul3A_81, %max3A_83 : vector<512x256xf32>
    %dot_general3A_85 = arith.constant dense<0.000000e+00> : vector<512x256xf32>
    %dot_general3A_86 = tpu.matmul %max3A_84, %get3A_14, %dot_general3A_85 {dimension_numbers = #tpu.dot_dimension_numbers<[1], [0], [0], [1], [0, 0, 1, 1], [], []>, transpose_lhs_hint = false} : vector<512x256xf32>, vector<256x256xf32>, vector<512x256xf32> -> vector<512x256xf32>
    %add3A_87 = arith.addf %dot_general3A_8, %dot_general3A_86 : vector<512x256xf32>
    %get3A_88 = arith.constant 0 : index
    %get3A_89 = arith.constant 0 : index
    %get3A_90 = vector.load %arg6[%get3A_88, %get3A_89] : memref<256x256xf32, #tpu.memory_space<vmem>>, vector<256x256xf32>
    %get3A_91 = arith.constant 0 : index
    %get3A_92 = arith.constant 0 : index
    %get3A_93 = vector.load %arg7[%get3A_91, %get3A_92] : memref<256x256xf32, #tpu.memory_space<vmem>>, vector<256x256xf32>
    %reduce_sum3A_94 = arith.constant dense<0.000000e+00> : vector<512xf32>
    %reduce_sum3A_95 = vector.multi_reduction <add>, %add3A_87, %reduce_sum3A_94 [1] : vector<512x256xf32> to vector<512xf32>
    %broadcast_in_dim3A_96 = vector.shape_cast %reduce_sum3A_95 : vector<512xf32> to vector<512x1xf32>
    %div3A_97 = arith.constant 2.560000e+02 : f32
    %div3A_98 = vector.broadcast %div3A_97 : f32 to vector<512x1xf32>
    %div3A_99 = arith.divf %broadcast_in_dim3A_96, %div3A_98 : vector<512x1xf32>
    %jit3A_100 = arith.constant 0 : i32
    %reduce_sum3A_101 = arith.constant dense<0.000000e+00> : vector<512xf32>
    %reduce_sum3A_102 = vector.multi_reduction <add>, %add3A_87, %reduce_sum3A_101 [1] : vector<512x256xf32> to vector<512xf32>
    %broadcast_in_dim3A_103 = vector.shape_cast %reduce_sum3A_102 : vector<512xf32> to vector<512x1xf32>
    %div3A_104 = arith.constant 2.560000e+02 : f32
    %div3A_105 = vector.broadcast %div3A_104 : f32 to vector<512x1xf32>
    %div3A_106 = arith.divf %broadcast_in_dim3A_103, %div3A_105 : vector<512x1xf32>
    %sub3A_107 = vector.broadcast %div3A_106 : vector<512x1xf32> to vector<512x256xf32>
    %sub3A_108 = arith.subf %add3A_87, %sub3A_107 : vector<512x256xf32>
    %square3A_109 = arith.mulf %sub3A_108, %sub3A_108 : vector<512x256xf32>
    %convert_element_type3A_110 = arith.sitofp %jit3A_100 : i32 to f32
    %sub3A_111 = arith.constant 2.560000e+02 : f32
    %sub3A_112 = arith.subf %sub3A_111, %convert_element_type3A_110 : f32
    %reduce_sum3A_113 = arith.constant dense<0.000000e+00> : vector<512xf32>
    %reduce_sum3A_114 = vector.multi_reduction <add>, %square3A_109, %reduce_sum3A_113 [1] : vector<512x256xf32> to vector<512xf32>
    %broadcast_in_dim3A_115 = vector.shape_cast %reduce_sum3A_114 : vector<512xf32> to vector<512x1xf32>
    %div3A_116 = vector.broadcast %sub3A_112 : f32 to vector<512x1xf32>
    %div3A_117 = arith.divf %broadcast_in_dim3A_115, %div3A_116 : vector<512x1xf32>
    %gt3A_118 = arith.constant 0.000000e+00 : f32
    %gt3A_119 = arith.cmpf ogt, %sub3A_112, %gt3A_118 : f32
    %jit3A_120 = arith.constant 0x7FC00000 : f32
    %broadcast_in_dim3A_121 = vector.broadcast %jit3A_120 : f32 to vector<512x1xf32>
    %select_n3A_122 = arith.select %gt3A_119, %div3A_117, %broadcast_in_dim3A_121 : vector<512x1xf32>
    %sub3A_123 = vector.broadcast %div3A_99 : vector<512x1xf32> to vector<512x256xf32>
    %sub3A_124 = arith.subf %add3A_87, %sub3A_123 : vector<512x256xf32>
    %add3A_125 = arith.constant 9.99999974E-6 : f32
    %add3A_126 = vector.broadcast %add3A_125 : f32 to vector<512x1xf32>
    %add3A_127 = arith.addf %select_n3A_122, %add3A_126 : vector<512x1xf32>
    %rsqrt3A_128 = math.rsqrt %add3A_127 : vector<512x1xf32>
    %mul3A_129 = vector.broadcast %rsqrt3A_128 : vector<512x1xf32> to vector<512x256xf32>
    %mul3A_130 = arith.mulf %sub3A_124, %mul3A_129 : vector<512x256xf32>
    %max3A_131 = arith.constant 0.000000e+00 : f32
    %max3A_132 = vector.broadcast %max3A_131 : f32 to vector<512x256xf32>
    %max3A_133 = arith.maximumf %mul3A_130, %max3A_132 : vector<512x256xf32>
    %dot_general3A_134 = arith.constant dense<0.000000e+00> : vector<512x256xf32>
    %dot_general3A_135 = tpu.matmul %max3A_133, %get3A_90, %dot_general3A_134 {dimension_numbers = #tpu.dot_dimension_numbers<[1], [0], [0], [1], [0, 0, 1, 1], [], []>, transpose_lhs_hint = false} : vector<512x256xf32>, vector<256x256xf32>, vector<512x256xf32> -> vector<512x256xf32>
    %reduce_sum3A_136 = arith.constant dense<0.000000e+00> : vector<512xf32>
    %reduce_sum3A_137 = vector.multi_reduction <add>, %dot_general3A_135, %reduce_sum3A_136 [1] : vector<512x256xf32> to vector<512xf32>
    %broadcast_in_dim3A_138 = vector.shape_cast %reduce_sum3A_137 : vector<512xf32> to vector<512x1xf32>
    %div3A_139 = arith.constant 2.560000e+02 : f32
    %div3A_140 = vector.broadcast %div3A_139 : f32 to vector<512x1xf32>
    %div3A_141 = arith.divf %broadcast_in_dim3A_138, %div3A_140 : vector<512x1xf32>
    %jit3A_142 = arith.constant 0 : i32
    %reduce_sum3A_143 = arith.constant dense<0.000000e+00> : vector<512xf32>
    %reduce_sum3A_144 = vector.multi_reduction <add>, %dot_general3A_135, %reduce_sum3A_143 [1] : vector<512x256xf32> to vector<512xf32>
    %broadcast_in_dim3A_145 = vector.shape_cast %reduce_sum3A_144 : vector<512xf32> to vector<512x1xf32>
    %div3A_146 = arith.constant 2.560000e+02 : f32
    %div3A_147 = vector.broadcast %div3A_146 : f32 to vector<512x1xf32>
    %div3A_148 = arith.divf %broadcast_in_dim3A_145, %div3A_147 : vector<512x1xf32>
    %sub3A_149 = vector.broadcast %div3A_148 : vector<512x1xf32> to vector<512x256xf32>
    %sub3A_150 = arith.subf %dot_general3A_135, %sub3A_149 : vector<512x256xf32>
    %square3A_151 = arith.mulf %sub3A_150, %sub3A_150 : vector<512x256xf32>
    %convert_element_type3A_152 = arith.sitofp %jit3A_142 : i32 to f32
    %sub3A_153 = arith.constant 2.560000e+02 : f32
    %sub3A_154 = arith.subf %sub3A_153, %convert_element_type3A_152 : f32
    %reduce_sum3A_155 = arith.constant dense<0.000000e+00> : vector<512xf32>
    %reduce_sum3A_156 = vector.multi_reduction <add>, %square3A_151, %reduce_sum3A_155 [1] : vector<512x256xf32> to vector<512xf32>
    %broadcast_in_dim3A_157 = vector.shape_cast %reduce_sum3A_156 : vector<512xf32> to vector<512x1xf32>
    %div3A_158 = vector.broadcast %sub3A_154 : f32 to vector<512x1xf32>
    %div3A_159 = arith.divf %broadcast_in_dim3A_157, %div3A_158 : vector<512x1xf32>
    %gt3A_160 = arith.constant 0.000000e+00 : f32
    %gt3A_161 = arith.cmpf ogt, %sub3A_154, %gt3A_160 : f32
    %jit3A_162 = arith.constant 0x7FC00000 : f32
    %broadcast_in_dim3A_163 = vector.broadcast %jit3A_162 : f32 to vector<512x1xf32>
    %select_n3A_164 = arith.select %gt3A_161, %div3A_159, %broadcast_in_dim3A_163 : vector<512x1xf32>
    %sub3A_165 = vector.broadcast %div3A_141 : vector<512x1xf32> to vector<512x256xf32>
    %sub3A_166 = arith.subf %dot_general3A_135, %sub3A_165 : vector<512x256xf32>
    %add3A_167 = arith.constant 9.99999974E-6 : f32
    %add3A_168 = vector.broadcast %add3A_167 : f32 to vector<512x1xf32>
    %add3A_169 = arith.addf %select_n3A_164, %add3A_168 : vector<512x1xf32>
    %rsqrt3A_170 = math.rsqrt %add3A_169 : vector<512x1xf32>
    %mul3A_171 = vector.broadcast %rsqrt3A_170 : vector<512x1xf32> to vector<512x256xf32>
    %mul3A_172 = arith.mulf %sub3A_166, %mul3A_171 : vector<512x256xf32>
    %max3A_173 = arith.constant 0.000000e+00 : f32
    %max3A_174 = vector.broadcast %max3A_173 : f32 to vector<512x256xf32>
    %max3A_175 = arith.maximumf %mul3A_172, %max3A_174 : vector<512x256xf32>
    %dot_general3A_176 = arith.constant dense<0.000000e+00> : vector<512x256xf32>
    %dot_general3A_177 = tpu.matmul %max3A_175, %get3A_93, %dot_general3A_176 {dimension_numbers = #tpu.dot_dimension_numbers<[1], [0], [0], [1], [0, 0, 1, 1], [], []>, transpose_lhs_hint = false} : vector<512x256xf32>, vector<256x256xf32>, vector<512x256xf32> -> vector<512x256xf32>
    %add3A_178 = arith.addf %add3A_87, %dot_general3A_177 : vector<512x256xf32>
    %swap3A = arith.constant 0 : index
    %swap3A_179 = arith.constant 0 : index
    %swap3A_180 = vector.load %arg8[%swap3A, %swap3A_179] : memref<512x256xf32, #tpu.memory_space<vmem>>, vector<512x256xf32>
    tpu.vector_store %arg8[%swap3A, %swap3A_179], %add3A_178 {strides = array<i32>} : memref<512x256xf32, #tpu.memory_space<vmem>>, vector<512x256xf32>,
    %reduce_sum3A_181 = arith.constant dense<0.000000e+00> : vector<512xf32>
    %reduce_sum3A_182 = vector.multi_reduction <add>, %add3A_178, %reduce_sum3A_181 [1] : vector<512x256xf32> to vector<512xf32>
    %broadcast_in_dim3A_183 = vector.shape_cast %reduce_sum3A_182 : vector<512xf32> to vector<512x1xf32>
    %div3A_184 = arith.constant 2.560000e+02 : f32
    %div3A_185 = vector.broadcast %div3A_184 : f32 to vector<512x1xf32>
    %div3A_186 = arith.divf %broadcast_in_dim3A_183, %div3A_185 : vector<512x1xf32>
    %jit3A_187 = arith.constant 0 : i32
    %reduce_sum3A_188 = arith.constant dense<0.000000e+00> : vector<512xf32>
    %reduce_sum3A_189 = vector.multi_reduction <add>, %add3A_178, %reduce_sum3A_188 [1] : vector<512x256xf32> to vector<512xf32>
    %broadcast_in_dim3A_190 = vector.shape_cast %reduce_sum3A_189 : vector<512xf32> to vector<512x1xf32>
    %div3A_191 = arith.constant 2.560000e+02 : f32
    %div3A_192 = vector.broadcast %div3A_191 : f32 to vector<512x1xf32>
    %div3A_193 = arith.divf %broadcast_in_dim3A_190, %div3A_192 : vector<512x1xf32>
    %sub3A_194 = vector.broadcast %div3A_193 : vector<512x1xf32> to vector<512x256xf32>
    %sub3A_195 = arith.subf %add3A_178, %sub3A_194 : vector<512x256xf32>
    %square3A_196 = arith.mulf %sub3A_195, %sub3A_195 : vector<512x256xf32>
    %convert_element_type3A_197 = arith.sitofp %jit3A_187 : i32 to f32
    %sub3A_198 = arith.constant 2.560000e+02 : f32
    %sub3A_199 = arith.subf %sub3A_198, %convert_element_type3A_197 : f32
    %reduce_sum3A_200 = arith.constant dense<0.000000e+00> : vector<512xf32>
    %reduce_sum3A_201 = vector.multi_reduction <add>, %square3A_196, %reduce_sum3A_200 [1] : vector<512x256xf32> to vector<512xf32>
    %broadcast_in_dim3A_202 = vector.shape_cast %reduce_sum3A_201 : vector<512xf32> to vector<512x1xf32>
    %div3A_203 = vector.broadcast %sub3A_199 : f32 to vector<512x1xf32>
    %div3A_204 = arith.divf %broadcast_in_dim3A_202, %div3A_203 : vector<512x1xf32>
    %gt3A_205 = arith.constant 0.000000e+00 : f32
    %gt3A_206 = arith.cmpf ogt, %sub3A_199, %gt3A_205 : f32
    %jit3A_207 = arith.constant 0x7FC00000 : f32
    %broadcast_in_dim3A_208 = vector.broadcast %jit3A_207 : f32 to vector<512x1xf32>
    %select_n3A_209 = arith.select %gt3A_206, %div3A_204, %broadcast_in_dim3A_208 : vector<512x1xf32>
    %sub3A_210 = vector.broadcast %div3A_186 : vector<512x1xf32> to vector<512x256xf32>
    %sub3A_211 = arith.subf %add3A_178, %sub3A_210 : vector<512x256xf32>
    %add3A_212 = arith.constant 9.99999974E-6 : f32
    %add3A_213 = vector.broadcast %add3A_212 : f32 to vector<512x1xf32>
    %add3A_214 = arith.addf %select_n3A_209, %add3A_213 : vector<512x1xf32>
    %rsqrt3A_215 = math.rsqrt %add3A_214 : vector<512x1xf32>
    %mul3A_216 = vector.broadcast %rsqrt3A_215 : vector<512x1xf32> to vector<512x256xf32>
    %mul3A_217 = arith.mulf %sub3A_211, %mul3A_216 : vector<512x256xf32>
    %max3A_218 = arith.constant 0.000000e+00 : f32
    %max3A_219 = vector.broadcast %max3A_218 : f32 to vector<512x256xf32>
    %max3A_220 = arith.maximumf %mul3A_217, %max3A_219 : vector<512x256xf32>
    %swap3A_221 = arith.constant 0 : index
    %swap3A_222 = arith.constant 0 : index
    %swap3A_223 = vector.load %arg9[%swap3A_221, %swap3A_222] : memref<512x256xf32, #tpu.memory_space<vmem>>, vector<512x256xf32>
    tpu.vector_store %arg9[%swap3A_221, %swap3A_222], %max3A_220 {strides = array<i32>} : memref<512x256xf32, #tpu.memory_space<vmem>>, vector<512x256xf32>,
    return
  }
  func.func @transform_0(%arg0: i32) -> (i32, i32) {
    %add3A = arith.constant 0 : i32
    %add3A_0 = arith.addi %arg0, %add3A : i32
    %c0_i32 = arith.constant 0 : i32
    %c0_i32_1 = arith.constant 0 : i32
    return %add3A_0, %c0_i32 : i32, i32
  }
  func.func @transform_1(%arg0: i32) -> (i32, i32) {
    %add3A = arith.constant 8 : i32
    %add3A_0 = arith.addi %arg0, %add3A : i32
    %c0_i32 = arith.constant 0 : i32
    %c0_i32_1 = arith.constant 0 : i32
    return %add3A_0, %c0_i32 : i32, i32
  }
  func.func @transform_2(%arg0: i32) -> (i32, i32) {
    %c0_i32 = arith.constant 0 : i32
    %c0_i32_0 = arith.constant 0 : i32
    %c0_i32_1 = arith.constant 0 : i32
    return %c0_i32, %c0_i32_0 : i32, i32
  }
  func.func @transform_3(%arg0: i32) -> (i32, i32) {
    %c0_i32 = arith.constant 0 : i32
    %c0_i32_0 = arith.constant 0 : i32
    %c0_i32_1 = arith.constant 0 : i32
    return %c0_i32, %c0_i32_0 : i32, i32
  }
  func.func @transform_4(%arg0: i32) -> (i32, i32) {
    %c0_i32 = arith.constant 0 : i32
    %c0_i32_0 = arith.constant 0 : i32
    %c0_i32_1 = arith.constant 0 : i32
    return %c0_i32, %c0_i32_0 : i32, i32
  }
  func.func @transform_5(%arg0: i32) -> (i32, i32) {
    %c0_i32 = arith.constant 0 : i32
    %c0_i32_0 = arith.constant 0 : i32
    %c0_i32_1 = arith.constant 0 : i32
    return %c0_i32, %c0_i32_0 : i32, i32
  }
  func.func @transform_6(%arg0: i32) -> (i32, i32) {
    %c0_i32 = arith.constant 0 : i32
    %c0_i32_0 = arith.constant 0 : i32
    %c0_i32_1 = arith.constant 0 : i32
    return %c0_i32, %c0_i32_0 : i32, i32
  }
  func.func @transform_7(%arg0: i32) -> (i32, i32) {
    %c0_i32 = arith.constant 0 : i32
    %c0_i32_0 = arith.constant 0 : i32
    return %arg0, %c0_i32 : i32, i32
  }
  func.func @transform_8(%arg0: i32) -> (i32, i32) {
    %c0_i32 = arith.constant 0 : i32
    %c0_i32_0 = arith.constant 0 : i32
    return %arg0, %c0_i32 : i32, i32
  }
}

module attributes {stable_mosaic.version = 14 : i64} {
  func.func @body(%arg0: i32, %arg1: memref<512x256xf32, #tpu.memory_space<vmem>>, %arg2: memref<512x256xf32, #tpu.memory_space<vmem>>, %arg3: memref<256x512xf32, #tpu.memory_space<vmem>>, %arg4: memref<512x512xf32, #tpu.memory_space<vmem>>, %arg5: memref<512x512xf32, #tpu.memory_space<vmem>>, %arg6: memref<512x512xf32, #tpu.memory_space<vmem>>, %arg7: memref<512x512xf32, #tpu.memory_space<vmem>>, %arg8: memref<512x256xf32, #tpu.memory_space<vmem>>, %arg9: memref<512x256xf32, #tpu.memory_space<vmem>>) attributes {dimension_semantics = [#tpu.dimension_semantics<arbitrary>], iteration_bounds = array<i64: 3>, scalar_prefetch = 0 : i64, scratch_operands = 0 : i64, tpu.core_type = #tpu.core_type<tc>, window_params = [{transform_indices = @transform_0, window_bounds = array<i64: 512, 256>}, {transform_indices = @transform_1, window_bounds = array<i64: 512, 256>}, {pipeline_mode = #tpu.pipeline_mode<synchronous>, transform_indices = @transform_2, window_bounds = array<i64: 256, 512>}, {pipeline_mode = #tpu.pipeline_mode<synchronous>, transform_indices = @transform_3, window_bounds = array<i64: 512, 512>}, {pipeline_mode = #tpu.pipeline_mode<synchronous>, transform_indices = @transform_4, window_bounds = array<i64: 512, 512>}, {pipeline_mode = #tpu.pipeline_mode<synchronous>, transform_indices = @transform_5, window_bounds = array<i64: 512, 512>}, {pipeline_mode = #tpu.pipeline_mode<synchronous>, transform_indices = @transform_6, window_bounds = array<i64: 512, 512>}, {pipeline_mode = #tpu.pipeline_mode<synchronous>, transform_indices = @transform_7, window_bounds = array<i64: 512, 256>}, {transform_indices = @transform_8, window_bounds = array<i64: 512, 256>}]} {
    %get3A = arith.constant 0 : index
    %get3A_0 = arith.constant 0 : index
    %get3A_1 = vector.load %arg1[%get3A, %get3A_0] : memref<512x256xf32, #tpu.memory_space<vmem>>, vector<512x256xf32>
    %get3A_2 = arith.constant 0 : index
    %get3A_3 = arith.constant 0 : index
    %get3A_4 = vector.load %arg2[%get3A_2, %get3A_3] : memref<512x256xf32, #tpu.memory_space<vmem>>, vector<512x256xf32>
    %add3A = arith.addf %get3A_1, %get3A_4 : vector<512x256xf32>
    %get3A_5 = arith.constant 0 : index
    %get3A_6 = arith.constant 0 : index
    %get3A_7 = vector.load %arg3[%get3A_5, %get3A_6] : memref<256x512xf32, #tpu.memory_space<vmem>>, vector<256x512xf32>
    %dot_general3A = arith.constant dense<0.000000e+00> : vector<512x512xf32>
    %dot_general3A_8 = tpu.matmul %add3A, %get3A_7, %dot_general3A {dimension_numbers = #tpu.dot_dimension_numbers<[1], [0], [0], [1], [0, 0, 1, 1], [], []>, transpose_lhs_hint = false} : vector<512x256xf32>, vector<256x512xf32>, vector<512x512xf32> -> vector<512x512xf32>
    %get3A_9 = arith.constant 0 : index
    %get3A_10 = arith.constant 0 : index
    %get3A_11 = vector.load %arg4[%get3A_9, %get3A_10] : memref<512x512xf32, #tpu.memory_space<vmem>>, vector<512x512xf32>
    %get3A_12 = arith.constant 0 : index
    %get3A_13 = arith.constant 0 : index
    %get3A_14 = vector.load %arg5[%get3A_12, %get3A_13] : memref<512x512xf32, #tpu.memory_space<vmem>>, vector<512x512xf32>
    %reduce_sum3A = arith.constant dense<0.000000e+00> : vector<512xf32>
    %reduce_sum3A_15 = vector.multi_reduction <add>, %dot_general3A_8, %reduce_sum3A [1] : vector<512x512xf32> to vector<512xf32>
    %broadcast_in_dim3A = vector.shape_cast %reduce_sum3A_15 : vector<512xf32> to vector<512x1xf32>
    %div3A = arith.constant 5.120000e+02 : f32
    %div3A_16 = vector.broadcast %div3A : f32 to vector<512x1xf32>
    %div3A_17 = arith.divf %broadcast_in_dim3A, %div3A_16 : vector<512x1xf32>
    %jit3A = arith.constant 0 : i32
    %reduce_sum3A_18 = arith.constant dense<0.000000e+00> : vector<512xf32>
    %reduce_sum3A_19 = vector.multi_reduction <add>, %dot_general3A_8, %reduce_sum3A_18 [1] : vector<512x512xf32> to vector<512xf32>
    %broadcast_in_dim3A_20 = vector.shape_cast %reduce_sum3A_19 : vector<512xf32> to vector<512x1xf32>
    %div3A_21 = arith.constant 5.120000e+02 : f32
    %div3A_22 = vector.broadcast %div3A_21 : f32 to vector<512x1xf32>
    %div3A_23 = arith.divf %broadcast_in_dim3A_20, %div3A_22 : vector<512x1xf32>
    %sub3A = vector.broadcast %div3A_23 : vector<512x1xf32> to vector<512x512xf32>
    %sub3A_24 = arith.subf %dot_general3A_8, %sub3A : vector<512x512xf32>
    %square3A = arith.mulf %sub3A_24, %sub3A_24 : vector<512x512xf32>
    %convert_element_type3A = arith.sitofp %jit3A : i32 to f32
    %sub3A_25 = arith.constant 5.120000e+02 : f32
    %sub3A_26 = arith.subf %sub3A_25, %convert_element_type3A : f32
    %reduce_sum3A_27 = arith.constant dense<0.000000e+00> : vector<512xf32>
    %reduce_sum3A_28 = vector.multi_reduction <add>, %square3A, %reduce_sum3A_27 [1] : vector<512x512xf32> to vector<512xf32>
    %broadcast_in_dim3A_29 = vector.shape_cast %reduce_sum3A_28 : vector<512xf32> to vector<512x1xf32>
    %div3A_30 = vector.broadcast %sub3A_26 : f32 to vector<512x1xf32>
    %div3A_31 = arith.divf %broadcast_in_dim3A_29, %div3A_30 : vector<512x1xf32>
    %gt3A = arith.constant 0.000000e+00 : f32
    %gt3A_32 = arith.cmpf ogt, %sub3A_26, %gt3A : f32
    %jit3A_33 = arith.constant 0x7FC00000 : f32
    %broadcast_in_dim3A_34 = vector.broadcast %jit3A_33 : f32 to vector<512x1xf32>
    %select_n3A = arith.select %gt3A_32, %div3A_31, %broadcast_in_dim3A_34 : vector<512x1xf32>
    %sub3A_35 = vector.broadcast %div3A_17 : vector<512x1xf32> to vector<512x512xf32>
    %sub3A_36 = arith.subf %dot_general3A_8, %sub3A_35 : vector<512x512xf32>
    %add3A_37 = arith.constant 9.99999974E-6 : f32
    %add3A_38 = vector.broadcast %add3A_37 : f32 to vector<512x1xf32>
    %add3A_39 = arith.addf %select_n3A, %add3A_38 : vector<512x1xf32>
    %rsqrt3A = math.rsqrt %add3A_39 : vector<512x1xf32>
    %mul3A = vector.broadcast %rsqrt3A : vector<512x1xf32> to vector<512x512xf32>
    %mul3A_40 = arith.mulf %sub3A_36, %mul3A : vector<512x512xf32>
    %max3A = arith.constant 0.000000e+00 : f32
    %max3A_41 = vector.broadcast %max3A : f32 to vector<512x512xf32>
    %max3A_42 = arith.maximumf %mul3A_40, %max3A_41 : vector<512x512xf32>
    %dot_general3A_43 = arith.constant dense<0.000000e+00> : vector<512x512xf32>
    %dot_general3A_44 = tpu.matmul %max3A_42, %get3A_11, %dot_general3A_43 {dimension_numbers = #tpu.dot_dimension_numbers<[1], [0], [0], [1], [0, 0, 1, 1], [], []>, transpose_lhs_hint = false} : vector<512x512xf32>, vector<512x512xf32>, vector<512x512xf32> -> vector<512x512xf32>
    %reduce_sum3A_45 = arith.constant dense<0.000000e+00> : vector<512xf32>
    %reduce_sum3A_46 = vector.multi_reduction <add>, %dot_general3A_44, %reduce_sum3A_45 [1] : vector<512x512xf32> to vector<512xf32>
    %broadcast_in_dim3A_47 = vector.shape_cast %reduce_sum3A_46 : vector<512xf32> to vector<512x1xf32>
    %div3A_48 = arith.constant 5.120000e+02 : f32
    %div3A_49 = vector.broadcast %div3A_48 : f32 to vector<512x1xf32>
    %div3A_50 = arith.divf %broadcast_in_dim3A_47, %div3A_49 : vector<512x1xf32>
    %jit3A_51 = arith.constant 0 : i32
    %reduce_sum3A_52 = arith.constant dense<0.000000e+00> : vector<512xf32>
    %reduce_sum3A_53 = vector.multi_reduction <add>, %dot_general3A_44, %reduce_sum3A_52 [1] : vector<512x512xf32> to vector<512xf32>
    %broadcast_in_dim3A_54 = vector.shape_cast %reduce_sum3A_53 : vector<512xf32> to vector<512x1xf32>
    %div3A_55 = arith.constant 5.120000e+02 : f32
    %div3A_56 = vector.broadcast %div3A_55 : f32 to vector<512x1xf32>
    %div3A_57 = arith.divf %broadcast_in_dim3A_54, %div3A_56 : vector<512x1xf32>
    %sub3A_58 = vector.broadcast %div3A_57 : vector<512x1xf32> to vector<512x512xf32>
    %sub3A_59 = arith.subf %dot_general3A_44, %sub3A_58 : vector<512x512xf32>
    %square3A_60 = arith.mulf %sub3A_59, %sub3A_59 : vector<512x512xf32>
    %convert_element_type3A_61 = arith.sitofp %jit3A_51 : i32 to f32
    %sub3A_62 = arith.constant 5.120000e+02 : f32
    %sub3A_63 = arith.subf %sub3A_62, %convert_element_type3A_61 : f32
    %reduce_sum3A_64 = arith.constant dense<0.000000e+00> : vector<512xf32>
    %reduce_sum3A_65 = vector.multi_reduction <add>, %square3A_60, %reduce_sum3A_64 [1] : vector<512x512xf32> to vector<512xf32>
    %broadcast_in_dim3A_66 = vector.shape_cast %reduce_sum3A_65 : vector<512xf32> to vector<512x1xf32>
    %div3A_67 = vector.broadcast %sub3A_63 : f32 to vector<512x1xf32>
    %div3A_68 = arith.divf %broadcast_in_dim3A_66, %div3A_67 : vector<512x1xf32>
    %gt3A_69 = arith.constant 0.000000e+00 : f32
    %gt3A_70 = arith.cmpf ogt, %sub3A_63, %gt3A_69 : f32
    %jit3A_71 = arith.constant 0x7FC00000 : f32
    %broadcast_in_dim3A_72 = vector.broadcast %jit3A_71 : f32 to vector<512x1xf32>
    %select_n3A_73 = arith.select %gt3A_70, %div3A_68, %broadcast_in_dim3A_72 : vector<512x1xf32>
    %sub3A_74 = vector.broadcast %div3A_50 : vector<512x1xf32> to vector<512x512xf32>
    %sub3A_75 = arith.subf %dot_general3A_44, %sub3A_74 : vector<512x512xf32>
    %add3A_76 = arith.constant 9.99999974E-6 : f32
    %add3A_77 = vector.broadcast %add3A_76 : f32 to vector<512x1xf32>
    %add3A_78 = arith.addf %select_n3A_73, %add3A_77 : vector<512x1xf32>
    %rsqrt3A_79 = math.rsqrt %add3A_78 : vector<512x1xf32>
    %mul3A_80 = vector.broadcast %rsqrt3A_79 : vector<512x1xf32> to vector<512x512xf32>
    %mul3A_81 = arith.mulf %sub3A_75, %mul3A_80 : vector<512x512xf32>
    %max3A_82 = arith.constant 0.000000e+00 : f32
    %max3A_83 = vector.broadcast %max3A_82 : f32 to vector<512x512xf32>
    %max3A_84 = arith.maximumf %mul3A_81, %max3A_83 : vector<512x512xf32>
    %dot_general3A_85 = arith.constant dense<0.000000e+00> : vector<512x512xf32>
    %dot_general3A_86 = tpu.matmul %max3A_84, %get3A_14, %dot_general3A_85 {dimension_numbers = #tpu.dot_dimension_numbers<[1], [0], [0], [1], [0, 0, 1, 1], [], []>, transpose_lhs_hint = false} : vector<512x512xf32>, vector<512x512xf32>, vector<512x512xf32> -> vector<512x512xf32>
    %add3A_87 = arith.addf %dot_general3A_8, %dot_general3A_86 : vector<512x512xf32>
    %get3A_88 = arith.constant 0 : index
    %get3A_89 = arith.constant 0 : index
    %get3A_90 = vector.load %arg6[%get3A_88, %get3A_89] : memref<512x512xf32, #tpu.memory_space<vmem>>, vector<512x512xf32>
    %get3A_91 = arith.constant 0 : index
    %get3A_92 = arith.constant 0 : index
    %get3A_93 = vector.load %arg7[%get3A_91, %get3A_92] : memref<512x512xf32, #tpu.memory_space<vmem>>, vector<512x512xf32>
    %reduce_sum3A_94 = arith.constant dense<0.000000e+00> : vector<512xf32>
    %reduce_sum3A_95 = vector.multi_reduction <add>, %add3A_87, %reduce_sum3A_94 [1] : vector<512x512xf32> to vector<512xf32>
    %broadcast_in_dim3A_96 = vector.shape_cast %reduce_sum3A_95 : vector<512xf32> to vector<512x1xf32>
    %div3A_97 = arith.constant 5.120000e+02 : f32
    %div3A_98 = vector.broadcast %div3A_97 : f32 to vector<512x1xf32>
    %div3A_99 = arith.divf %broadcast_in_dim3A_96, %div3A_98 : vector<512x1xf32>
    %jit3A_100 = arith.constant 0 : i32
    %reduce_sum3A_101 = arith.constant dense<0.000000e+00> : vector<512xf32>
    %reduce_sum3A_102 = vector.multi_reduction <add>, %add3A_87, %reduce_sum3A_101 [1] : vector<512x512xf32> to vector<512xf32>
    %broadcast_in_dim3A_103 = vector.shape_cast %reduce_sum3A_102 : vector<512xf32> to vector<512x1xf32>
    %div3A_104 = arith.constant 5.120000e+02 : f32
    %div3A_105 = vector.broadcast %div3A_104 : f32 to vector<512x1xf32>
    %div3A_106 = arith.divf %broadcast_in_dim3A_103, %div3A_105 : vector<512x1xf32>
    %sub3A_107 = vector.broadcast %div3A_106 : vector<512x1xf32> to vector<512x512xf32>
    %sub3A_108 = arith.subf %add3A_87, %sub3A_107 : vector<512x512xf32>
    %square3A_109 = arith.mulf %sub3A_108, %sub3A_108 : vector<512x512xf32>
    %convert_element_type3A_110 = arith.sitofp %jit3A_100 : i32 to f32
    %sub3A_111 = arith.constant 5.120000e+02 : f32
    %sub3A_112 = arith.subf %sub3A_111, %convert_element_type3A_110 : f32
    %reduce_sum3A_113 = arith.constant dense<0.000000e+00> : vector<512xf32>
    %reduce_sum3A_114 = vector.multi_reduction <add>, %square3A_109, %reduce_sum3A_113 [1] : vector<512x512xf32> to vector<512xf32>
    %broadcast_in_dim3A_115 = vector.shape_cast %reduce_sum3A_114 : vector<512xf32> to vector<512x1xf32>
    %div3A_116 = vector.broadcast %sub3A_112 : f32 to vector<512x1xf32>
    %div3A_117 = arith.divf %broadcast_in_dim3A_115, %div3A_116 : vector<512x1xf32>
    %gt3A_118 = arith.constant 0.000000e+00 : f32
    %gt3A_119 = arith.cmpf ogt, %sub3A_112, %gt3A_118 : f32
    %jit3A_120 = arith.constant 0x7FC00000 : f32
    %broadcast_in_dim3A_121 = vector.broadcast %jit3A_120 : f32 to vector<512x1xf32>
    %select_n3A_122 = arith.select %gt3A_119, %div3A_117, %broadcast_in_dim3A_121 : vector<512x1xf32>
    %sub3A_123 = vector.broadcast %div3A_99 : vector<512x1xf32> to vector<512x512xf32>
    %sub3A_124 = arith.subf %add3A_87, %sub3A_123 : vector<512x512xf32>
    %add3A_125 = arith.constant 9.99999974E-6 : f32
    %add3A_126 = vector.broadcast %add3A_125 : f32 to vector<512x1xf32>
    %add3A_127 = arith.addf %select_n3A_122, %add3A_126 : vector<512x1xf32>
    %rsqrt3A_128 = math.rsqrt %add3A_127 : vector<512x1xf32>
    %mul3A_129 = vector.broadcast %rsqrt3A_128 : vector<512x1xf32> to vector<512x512xf32>
    %mul3A_130 = arith.mulf %sub3A_124, %mul3A_129 : vector<512x512xf32>
    %max3A_131 = arith.constant 0.000000e+00 : f32
    %max3A_132 = vector.broadcast %max3A_131 : f32 to vector<512x512xf32>
    %max3A_133 = arith.maximumf %mul3A_130, %max3A_132 : vector<512x512xf32>
    %dot_general3A_134 = arith.constant dense<0.000000e+00> : vector<512x512xf32>
    %dot_general3A_135 = tpu.matmul %max3A_133, %get3A_90, %dot_general3A_134 {dimension_numbers = #tpu.dot_dimension_numbers<[1], [0], [0], [1], [0, 0, 1, 1], [], []>, transpose_lhs_hint = false} : vector<512x512xf32>, vector<512x512xf32>, vector<512x512xf32> -> vector<512x512xf32>
    %reduce_sum3A_136 = arith.constant dense<0.000000e+00> : vector<512xf32>
    %reduce_sum3A_137 = vector.multi_reduction <add>, %dot_general3A_135, %reduce_sum3A_136 [1] : vector<512x512xf32> to vector<512xf32>
    %broadcast_in_dim3A_138 = vector.shape_cast %reduce_sum3A_137 : vector<512xf32> to vector<512x1xf32>
    %div3A_139 = arith.constant 5.120000e+02 : f32
    %div3A_140 = vector.broadcast %div3A_139 : f32 to vector<512x1xf32>
    %div3A_141 = arith.divf %broadcast_in_dim3A_138, %div3A_140 : vector<512x1xf32>
    %jit3A_142 = arith.constant 0 : i32
    %reduce_sum3A_143 = arith.constant dense<0.000000e+00> : vector<512xf32>
    %reduce_sum3A_144 = vector.multi_reduction <add>, %dot_general3A_135, %reduce_sum3A_143 [1] : vector<512x512xf32> to vector<512xf32>
    %broadcast_in_dim3A_145 = vector.shape_cast %reduce_sum3A_144 : vector<512xf32> to vector<512x1xf32>
    %div3A_146 = arith.constant 5.120000e+02 : f32
    %div3A_147 = vector.broadcast %div3A_146 : f32 to vector<512x1xf32>
    %div3A_148 = arith.divf %broadcast_in_dim3A_145, %div3A_147 : vector<512x1xf32>
    %sub3A_149 = vector.broadcast %div3A_148 : vector<512x1xf32> to vector<512x512xf32>
    %sub3A_150 = arith.subf %dot_general3A_135, %sub3A_149 : vector<512x512xf32>
    %square3A_151 = arith.mulf %sub3A_150, %sub3A_150 : vector<512x512xf32>
    %convert_element_type3A_152 = arith.sitofp %jit3A_142 : i32 to f32
    %sub3A_153 = arith.constant 5.120000e+02 : f32
    %sub3A_154 = arith.subf %sub3A_153, %convert_element_type3A_152 : f32
    %reduce_sum3A_155 = arith.constant dense<0.000000e+00> : vector<512xf32>
    %reduce_sum3A_156 = vector.multi_reduction <add>, %square3A_151, %reduce_sum3A_155 [1] : vector<512x512xf32> to vector<512xf32>
    %broadcast_in_dim3A_157 = vector.shape_cast %reduce_sum3A_156 : vector<512xf32> to vector<512x1xf32>
    %div3A_158 = vector.broadcast %sub3A_154 : f32 to vector<512x1xf32>
    %div3A_159 = arith.divf %broadcast_in_dim3A_157, %div3A_158 : vector<512x1xf32>
    %gt3A_160 = arith.constant 0.000000e+00 : f32
    %gt3A_161 = arith.cmpf ogt, %sub3A_154, %gt3A_160 : f32
    %jit3A_162 = arith.constant 0x7FC00000 : f32
    %broadcast_in_dim3A_163 = vector.broadcast %jit3A_162 : f32 to vector<512x1xf32>
    %select_n3A_164 = arith.select %gt3A_161, %div3A_159, %broadcast_in_dim3A_163 : vector<512x1xf32>
    %sub3A_165 = vector.broadcast %div3A_141 : vector<512x1xf32> to vector<512x512xf32>
    %sub3A_166 = arith.subf %dot_general3A_135, %sub3A_165 : vector<512x512xf32>
    %add3A_167 = arith.constant 9.99999974E-6 : f32
    %add3A_168 = vector.broadcast %add3A_167 : f32 to vector<512x1xf32>
    %add3A_169 = arith.addf %select_n3A_164, %add3A_168 : vector<512x1xf32>
    %rsqrt3A_170 = math.rsqrt %add3A_169 : vector<512x1xf32>
    %mul3A_171 = vector.broadcast %rsqrt3A_170 : vector<512x1xf32> to vector<512x512xf32>
    %mul3A_172 = arith.mulf %sub3A_166, %mul3A_171 : vector<512x512xf32>
    %max3A_173 = arith.constant 0.000000e+00 : f32
    %max3A_174 = vector.broadcast %max3A_173 : f32 to vector<512x512xf32>
    %max3A_175 = arith.maximumf %mul3A_172, %max3A_174 : vector<512x512xf32>
    %dot_general3A_176 = arith.constant dense<0.000000e+00> : vector<512x512xf32>
    %dot_general3A_177 = tpu.matmul %max3A_175, %get3A_93, %dot_general3A_176 {dimension_numbers = #tpu.dot_dimension_numbers<[1], [0], [0], [1], [0, 0, 1, 1], [], []>, transpose_lhs_hint = false} : vector<512x512xf32>, vector<512x512xf32>, vector<512x512xf32> -> vector<512x512xf32>
    %add3A_178 = arith.addf %add3A_87, %dot_general3A_177 : vector<512x512xf32>
    %reduce_sum3A_179 = arith.constant dense<0.000000e+00> : vector<512xf32>
    %reduce_sum3A_180 = vector.multi_reduction <add>, %add3A_178, %reduce_sum3A_179 [1] : vector<512x512xf32> to vector<512xf32>
    %broadcast_in_dim3A_181 = vector.shape_cast %reduce_sum3A_180 : vector<512xf32> to vector<512x1xf32>
    %div3A_182 = arith.constant 5.120000e+02 : f32
    %div3A_183 = vector.broadcast %div3A_182 : f32 to vector<512x1xf32>
    %div3A_184 = arith.divf %broadcast_in_dim3A_181, %div3A_183 : vector<512x1xf32>
    %jit3A_185 = arith.constant 0 : i32
    %reduce_sum3A_186 = arith.constant dense<0.000000e+00> : vector<512xf32>
    %reduce_sum3A_187 = vector.multi_reduction <add>, %add3A_178, %reduce_sum3A_186 [1] : vector<512x512xf32> to vector<512xf32>
    %broadcast_in_dim3A_188 = vector.shape_cast %reduce_sum3A_187 : vector<512xf32> to vector<512x1xf32>
    %div3A_189 = arith.constant 5.120000e+02 : f32
    %div3A_190 = vector.broadcast %div3A_189 : f32 to vector<512x1xf32>
    %div3A_191 = arith.divf %broadcast_in_dim3A_188, %div3A_190 : vector<512x1xf32>
    %sub3A_192 = vector.broadcast %div3A_191 : vector<512x1xf32> to vector<512x512xf32>
    %sub3A_193 = arith.subf %add3A_178, %sub3A_192 : vector<512x512xf32>
    %square3A_194 = arith.mulf %sub3A_193, %sub3A_193 : vector<512x512xf32>
    %convert_element_type3A_195 = arith.sitofp %jit3A_185 : i32 to f32
    %sub3A_196 = arith.constant 5.120000e+02 : f32
    %sub3A_197 = arith.subf %sub3A_196, %convert_element_type3A_195 : f32
    %reduce_sum3A_198 = arith.constant dense<0.000000e+00> : vector<512xf32>
    %reduce_sum3A_199 = vector.multi_reduction <add>, %square3A_194, %reduce_sum3A_198 [1] : vector<512x512xf32> to vector<512xf32>
    %broadcast_in_dim3A_200 = vector.shape_cast %reduce_sum3A_199 : vector<512xf32> to vector<512x1xf32>
    %div3A_201 = vector.broadcast %sub3A_197 : f32 to vector<512x1xf32>
    %div3A_202 = arith.divf %broadcast_in_dim3A_200, %div3A_201 : vector<512x1xf32>
    %gt3A_203 = arith.constant 0.000000e+00 : f32
    %gt3A_204 = arith.cmpf ogt, %sub3A_197, %gt3A_203 : f32
    %jit3A_205 = arith.constant 0x7FC00000 : f32
    %broadcast_in_dim3A_206 = vector.broadcast %jit3A_205 : f32 to vector<512x1xf32>
    %select_n3A_207 = arith.select %gt3A_204, %div3A_202, %broadcast_in_dim3A_206 : vector<512x1xf32>
    %sub3A_208 = vector.broadcast %div3A_184 : vector<512x1xf32> to vector<512x512xf32>
    %sub3A_209 = arith.subf %add3A_178, %sub3A_208 : vector<512x512xf32>
    %add3A_210 = arith.constant 9.99999974E-6 : f32
    %add3A_211 = vector.broadcast %add3A_210 : f32 to vector<512x1xf32>
    %add3A_212 = arith.addf %select_n3A_207, %add3A_211 : vector<512x1xf32>
    %rsqrt3A_213 = math.rsqrt %add3A_212 : vector<512x1xf32>
    %mul3A_214 = vector.broadcast %rsqrt3A_213 : vector<512x1xf32> to vector<512x512xf32>
    %mul3A_215 = arith.mulf %sub3A_209, %mul3A_214 : vector<512x512xf32>
    %max3A_216 = arith.constant 0.000000e+00 : f32
    %max3A_217 = vector.broadcast %max3A_216 : f32 to vector<512x512xf32>
    %max3A_218 = arith.maximumf %mul3A_215, %max3A_217 : vector<512x512xf32>
    %get3A_219 = arith.constant 0 : index
    %get3A_220 = arith.constant 0 : index
    %get3A_221 = vector.load %arg8[%get3A_219, %get3A_220] : memref<512x256xf32, #tpu.memory_space<vmem>>, vector<512x256xf32>
    %dot_general3A_222 = arith.constant dense<0.000000e+00> : vector<512x256xf32>
    %dot_general3A_223 = tpu.matmul %max3A_218, %get3A_221, %dot_general3A_222 {dimension_numbers = #tpu.dot_dimension_numbers<[1], [0], [0], [1], [0, 0, 1, 1], [], []>, transpose_lhs_hint = false} : vector<512x512xf32>, vector<512x256xf32>, vector<512x256xf32> -> vector<512x256xf32>
    %swap3A = arith.constant 0 : index
    %swap3A_224 = arith.constant 0 : index
    %swap3A_225 = vector.load %arg9[%swap3A, %swap3A_224] : memref<512x256xf32, #tpu.memory_space<vmem>>, vector<512x256xf32>
    tpu.vector_store %arg9[%swap3A, %swap3A_224], %dot_general3A_223 {strides = array<i32>} : memref<512x256xf32, #tpu.memory_space<vmem>>, vector<512x256xf32>,
    return
  }
  func.func @transform_0(%arg0: i32) -> (i32, i32) {
    %add3A = arith.constant 0 : i32
    %add3A_0 = arith.addi %arg0, %add3A : i32
    %c0_i32 = arith.constant 0 : i32
    %c0_i32_1 = arith.constant 0 : i32
    return %add3A_0, %c0_i32 : i32, i32
  }
  func.func @transform_1(%arg0: i32) -> (i32, i32) {
    %add3A = arith.constant 3 : i32
    %add3A_0 = arith.addi %arg0, %add3A : i32
    %c0_i32 = arith.constant 0 : i32
    %c0_i32_1 = arith.constant 0 : i32
    return %add3A_0, %c0_i32 : i32, i32
  }
  func.func @transform_2(%arg0: i32) -> (i32, i32) {
    %c0_i32 = arith.constant 0 : i32
    %c0_i32_0 = arith.constant 0 : i32
    %c0_i32_1 = arith.constant 0 : i32
    return %c0_i32, %c0_i32_0 : i32, i32
  }
  func.func @transform_3(%arg0: i32) -> (i32, i32) {
    %c0_i32 = arith.constant 0 : i32
    %c0_i32_0 = arith.constant 0 : i32
    %c0_i32_1 = arith.constant 0 : i32
    return %c0_i32, %c0_i32_0 : i32, i32
  }
  func.func @transform_4(%arg0: i32) -> (i32, i32) {
    %c0_i32 = arith.constant 0 : i32
    %c0_i32_0 = arith.constant 0 : i32
    %c0_i32_1 = arith.constant 0 : i32
    return %c0_i32, %c0_i32_0 : i32, i32
  }
  func.func @transform_5(%arg0: i32) -> (i32, i32) {
    %c0_i32 = arith.constant 0 : i32
    %c0_i32_0 = arith.constant 0 : i32
    %c0_i32_1 = arith.constant 0 : i32
    return %c0_i32, %c0_i32_0 : i32, i32
  }
  func.func @transform_6(%arg0: i32) -> (i32, i32) {
    %c0_i32 = arith.constant 0 : i32
    %c0_i32_0 = arith.constant 0 : i32
    %c0_i32_1 = arith.constant 0 : i32
    return %c0_i32, %c0_i32_0 : i32, i32
  }
  func.func @transform_7(%arg0: i32) -> (i32, i32) {
    %c0_i32 = arith.constant 0 : i32
    %c0_i32_0 = arith.constant 0 : i32
    %c0_i32_1 = arith.constant 0 : i32
    return %c0_i32, %c0_i32_0 : i32, i32
  }
  func.func @transform_8(%arg0: i32) -> (i32, i32) {
    %c0_i32 = arith.constant 0 : i32
    %c0_i32_0 = arith.constant 0 : i32
    return %arg0, %c0_i32 : i32, i32
  }
}

module attributes {stable_mosaic.version = 14 : i64} {
  func.func @_up_body(%arg0: i32, %arg1: memref<512x256xf32, #tpu.memory_space<vmem>>, %arg2: memref<512x256xf32, #tpu.memory_space<vmem>>, %arg3: memref<512x512xf32, #tpu.memory_space<vmem>>, %arg4: memref<512x512xf32, #tpu.memory_space<vmem>>, %arg5: memref<512x128xf32, #tpu.memory_space<vmem>>, %arg6: memref<512x128xf32, #tpu.memory_space<vmem>>) attributes {dimension_semantics = [#tpu.dimension_semantics<arbitrary>], iteration_bounds = array<i64: 8>, scalar_prefetch = 0 : i64, scratch_operands = 0 : i64, tpu.core_type = #tpu.core_type<tc>, window_params = [{transform_indices = @transform_0, window_bounds = array<i64: 512, 256>}, {transform_indices = @transform_1, window_bounds = array<i64: 512, 256>}, {pipeline_mode = #tpu.pipeline_mode<synchronous>, transform_indices = @transform_2, window_bounds = array<i64: 512, 512>}, {pipeline_mode = #tpu.pipeline_mode<synchronous>, transform_indices = @transform_3, window_bounds = array<i64: 512, 512>}, {pipeline_mode = #tpu.pipeline_mode<synchronous>, transform_indices = @transform_4, window_bounds = array<i64: 512, 128>}, {transform_indices = @transform_5, window_bounds = array<i64: 512, 128>}]} {
    %get3A = arith.constant 0 : index
    %get3A_0 = arith.constant 0 : index
    %get3A_1 = vector.load %arg1[%get3A, %get3A_0] : memref<512x256xf32, #tpu.memory_space<vmem>>, vector<512x256xf32>
    %get3A_2 = arith.constant 0 : index
    %get3A_3 = arith.constant 0 : index
    %get3A_4 = vector.load %arg2[%get3A_2, %get3A_3] : memref<512x256xf32, #tpu.memory_space<vmem>>, vector<512x256xf32>
    %concatenate3A = tpu.concatenate %get3A_1, %get3A_4 in 1 : vector<512x256xf32>, vector<512x256xf32> -> vector<512x512xf32>
    %get3A_5 = arith.constant 0 : index
    %get3A_6 = arith.constant 0 : index
    %get3A_7 = vector.load %arg3[%get3A_5, %get3A_6] : memref<512x512xf32, #tpu.memory_space<vmem>>, vector<512x512xf32>
    %get3A_8 = arith.constant 0 : index
    %get3A_9 = arith.constant 0 : index
    %get3A_10 = vector.load %arg4[%get3A_8, %get3A_9] : memref<512x512xf32, #tpu.memory_space<vmem>>, vector<512x512xf32>
    %reduce_sum3A = arith.constant dense<0.000000e+00> : vector<512xf32>
    %reduce_sum3A_11 = vector.multi_reduction <add>, %concatenate3A, %reduce_sum3A [1] : vector<512x512xf32> to vector<512xf32>
    %broadcast_in_dim3A = vector.shape_cast %reduce_sum3A_11 : vector<512xf32> to vector<512x1xf32>
    %div3A = arith.constant 5.120000e+02 : f32
    %div3A_12 = vector.broadcast %div3A : f32 to vector<512x1xf32>
    %div3A_13 = arith.divf %broadcast_in_dim3A, %div3A_12 : vector<512x1xf32>
    %jit3A = arith.constant 0 : i32
    %reduce_sum3A_14 = arith.constant dense<0.000000e+00> : vector<512xf32>
    %reduce_sum3A_15 = vector.multi_reduction <add>, %concatenate3A, %reduce_sum3A_14 [1] : vector<512x512xf32> to vector<512xf32>
    %broadcast_in_dim3A_16 = vector.shape_cast %reduce_sum3A_15 : vector<512xf32> to vector<512x1xf32>
    %div3A_17 = arith.constant 5.120000e+02 : f32
    %div3A_18 = vector.broadcast %div3A_17 : f32 to vector<512x1xf32>
    %div3A_19 = arith.divf %broadcast_in_dim3A_16, %div3A_18 : vector<512x1xf32>
    %sub3A = vector.broadcast %div3A_19 : vector<512x1xf32> to vector<512x512xf32>
    %sub3A_20 = arith.subf %concatenate3A, %sub3A : vector<512x512xf32>
    %square3A = arith.mulf %sub3A_20, %sub3A_20 : vector<512x512xf32>
    %convert_element_type3A = arith.sitofp %jit3A : i32 to f32
    %sub3A_21 = arith.constant 5.120000e+02 : f32
    %sub3A_22 = arith.subf %sub3A_21, %convert_element_type3A : f32
    %reduce_sum3A_23 = arith.constant dense<0.000000e+00> : vector<512xf32>
    %reduce_sum3A_24 = vector.multi_reduction <add>, %square3A, %reduce_sum3A_23 [1] : vector<512x512xf32> to vector<512xf32>
    %broadcast_in_dim3A_25 = vector.shape_cast %reduce_sum3A_24 : vector<512xf32> to vector<512x1xf32>
    %div3A_26 = vector.broadcast %sub3A_22 : f32 to vector<512x1xf32>
    %div3A_27 = arith.divf %broadcast_in_dim3A_25, %div3A_26 : vector<512x1xf32>
    %gt3A = arith.constant 0.000000e+00 : f32
    %gt3A_28 = arith.cmpf ogt, %sub3A_22, %gt3A : f32
    %jit3A_29 = arith.constant 0x7FC00000 : f32
    %broadcast_in_dim3A_30 = vector.broadcast %jit3A_29 : f32 to vector<512x1xf32>
    %select_n3A = arith.select %gt3A_28, %div3A_27, %broadcast_in_dim3A_30 : vector<512x1xf32>
    %sub3A_31 = vector.broadcast %div3A_13 : vector<512x1xf32> to vector<512x512xf32>
    %sub3A_32 = arith.subf %concatenate3A, %sub3A_31 : vector<512x512xf32>
    %add3A = arith.constant 9.99999974E-6 : f32
    %add3A_33 = vector.broadcast %add3A : f32 to vector<512x1xf32>
    %add3A_34 = arith.addf %select_n3A, %add3A_33 : vector<512x1xf32>
    %rsqrt3A = math.rsqrt %add3A_34 : vector<512x1xf32>
    %mul3A = vector.broadcast %rsqrt3A : vector<512x1xf32> to vector<512x512xf32>
    %mul3A_35 = arith.mulf %sub3A_32, %mul3A : vector<512x512xf32>
    %max3A = arith.constant 0.000000e+00 : f32
    %max3A_36 = vector.broadcast %max3A : f32 to vector<512x512xf32>
    %max3A_37 = arith.maximumf %mul3A_35, %max3A_36 : vector<512x512xf32>
    %dot_general3A = arith.constant dense<0.000000e+00> : vector<512x512xf32>
    %dot_general3A_38 = tpu.matmul %max3A_37, %get3A_7, %dot_general3A {dimension_numbers = #tpu.dot_dimension_numbers<[1], [0], [0], [1], [0, 0, 1, 1], [], []>, transpose_lhs_hint = false} : vector<512x512xf32>, vector<512x512xf32>, vector<512x512xf32> -> vector<512x512xf32>
    %reduce_sum3A_39 = arith.constant dense<0.000000e+00> : vector<512xf32>
    %reduce_sum3A_40 = vector.multi_reduction <add>, %dot_general3A_38, %reduce_sum3A_39 [1] : vector<512x512xf32> to vector<512xf32>
    %broadcast_in_dim3A_41 = vector.shape_cast %reduce_sum3A_40 : vector<512xf32> to vector<512x1xf32>
    %div3A_42 = arith.constant 5.120000e+02 : f32
    %div3A_43 = vector.broadcast %div3A_42 : f32 to vector<512x1xf32>
    %div3A_44 = arith.divf %broadcast_in_dim3A_41, %div3A_43 : vector<512x1xf32>
    %jit3A_45 = arith.constant 0 : i32
    %reduce_sum3A_46 = arith.constant dense<0.000000e+00> : vector<512xf32>
    %reduce_sum3A_47 = vector.multi_reduction <add>, %dot_general3A_38, %reduce_sum3A_46 [1] : vector<512x512xf32> to vector<512xf32>
    %broadcast_in_dim3A_48 = vector.shape_cast %reduce_sum3A_47 : vector<512xf32> to vector<512x1xf32>
    %div3A_49 = arith.constant 5.120000e+02 : f32
    %div3A_50 = vector.broadcast %div3A_49 : f32 to vector<512x1xf32>
    %div3A_51 = arith.divf %broadcast_in_dim3A_48, %div3A_50 : vector<512x1xf32>
    %sub3A_52 = vector.broadcast %div3A_51 : vector<512x1xf32> to vector<512x512xf32>
    %sub3A_53 = arith.subf %dot_general3A_38, %sub3A_52 : vector<512x512xf32>
    %square3A_54 = arith.mulf %sub3A_53, %sub3A_53 : vector<512x512xf32>
    %convert_element_type3A_55 = arith.sitofp %jit3A_45 : i32 to f32
    %sub3A_56 = arith.constant 5.120000e+02 : f32
    %sub3A_57 = arith.subf %sub3A_56, %convert_element_type3A_55 : f32
    %reduce_sum3A_58 = arith.constant dense<0.000000e+00> : vector<512xf32>
    %reduce_sum3A_59 = vector.multi_reduction <add>, %square3A_54, %reduce_sum3A_58 [1] : vector<512x512xf32> to vector<512xf32>
    %broadcast_in_dim3A_60 = vector.shape_cast %reduce_sum3A_59 : vector<512xf32> to vector<512x1xf32>
    %div3A_61 = vector.broadcast %sub3A_57 : f32 to vector<512x1xf32>
    %div3A_62 = arith.divf %broadcast_in_dim3A_60, %div3A_61 : vector<512x1xf32>
    %gt3A_63 = arith.constant 0.000000e+00 : f32
    %gt3A_64 = arith.cmpf ogt, %sub3A_57, %gt3A_63 : f32
    %jit3A_65 = arith.constant 0x7FC00000 : f32
    %broadcast_in_dim3A_66 = vector.broadcast %jit3A_65 : f32 to vector<512x1xf32>
    %select_n3A_67 = arith.select %gt3A_64, %div3A_62, %broadcast_in_dim3A_66 : vector<512x1xf32>
    %sub3A_68 = vector.broadcast %div3A_44 : vector<512x1xf32> to vector<512x512xf32>
    %sub3A_69 = arith.subf %dot_general3A_38, %sub3A_68 : vector<512x512xf32>
    %add3A_70 = arith.constant 9.99999974E-6 : f32
    %add3A_71 = vector.broadcast %add3A_70 : f32 to vector<512x1xf32>
    %add3A_72 = arith.addf %select_n3A_67, %add3A_71 : vector<512x1xf32>
    %rsqrt3A_73 = math.rsqrt %add3A_72 : vector<512x1xf32>
    %mul3A_74 = vector.broadcast %rsqrt3A_73 : vector<512x1xf32> to vector<512x512xf32>
    %mul3A_75 = arith.mulf %sub3A_69, %mul3A_74 : vector<512x512xf32>
    %max3A_76 = arith.constant 0.000000e+00 : f32
    %max3A_77 = vector.broadcast %max3A_76 : f32 to vector<512x512xf32>
    %max3A_78 = arith.maximumf %mul3A_75, %max3A_77 : vector<512x512xf32>
    %dot_general3A_79 = arith.constant dense<0.000000e+00> : vector<512x512xf32>
    %dot_general3A_80 = tpu.matmul %max3A_78, %get3A_10, %dot_general3A_79 {dimension_numbers = #tpu.dot_dimension_numbers<[1], [0], [0], [1], [0, 0, 1, 1], [], []>, transpose_lhs_hint = false} : vector<512x512xf32>, vector<512x512xf32>, vector<512x512xf32> -> vector<512x512xf32>
    %add3A_81 = arith.addf %concatenate3A, %dot_general3A_80 : vector<512x512xf32>
    %reduce_sum3A_82 = arith.constant dense<0.000000e+00> : vector<512xf32>
    %reduce_sum3A_83 = vector.multi_reduction <add>, %add3A_81, %reduce_sum3A_82 [1] : vector<512x512xf32> to vector<512xf32>
    %broadcast_in_dim3A_84 = vector.shape_cast %reduce_sum3A_83 : vector<512xf32> to vector<512x1xf32>
    %div3A_85 = arith.constant 5.120000e+02 : f32
    %div3A_86 = vector.broadcast %div3A_85 : f32 to vector<512x1xf32>
    %div3A_87 = arith.divf %broadcast_in_dim3A_84, %div3A_86 : vector<512x1xf32>
    %jit3A_88 = arith.constant 0 : i32
    %reduce_sum3A_89 = arith.constant dense<0.000000e+00> : vector<512xf32>
    %reduce_sum3A_90 = vector.multi_reduction <add>, %add3A_81, %reduce_sum3A_89 [1] : vector<512x512xf32> to vector<512xf32>
    %broadcast_in_dim3A_91 = vector.shape_cast %reduce_sum3A_90 : vector<512xf32> to vector<512x1xf32>
    %div3A_92 = arith.constant 5.120000e+02 : f32
    %div3A_93 = vector.broadcast %div3A_92 : f32 to vector<512x1xf32>
    %div3A_94 = arith.divf %broadcast_in_dim3A_91, %div3A_93 : vector<512x1xf32>
    %sub3A_95 = vector.broadcast %div3A_94 : vector<512x1xf32> to vector<512x512xf32>
    %sub3A_96 = arith.subf %add3A_81, %sub3A_95 : vector<512x512xf32>
    %square3A_97 = arith.mulf %sub3A_96, %sub3A_96 : vector<512x512xf32>
    %convert_element_type3A_98 = arith.sitofp %jit3A_88 : i32 to f32
    %sub3A_99 = arith.constant 5.120000e+02 : f32
    %sub3A_100 = arith.subf %sub3A_99, %convert_element_type3A_98 : f32
    %reduce_sum3A_101 = arith.constant dense<0.000000e+00> : vector<512xf32>
    %reduce_sum3A_102 = vector.multi_reduction <add>, %square3A_97, %reduce_sum3A_101 [1] : vector<512x512xf32> to vector<512xf32>
    %broadcast_in_dim3A_103 = vector.shape_cast %reduce_sum3A_102 : vector<512xf32> to vector<512x1xf32>
    %div3A_104 = vector.broadcast %sub3A_100 : f32 to vector<512x1xf32>
    %div3A_105 = arith.divf %broadcast_in_dim3A_103, %div3A_104 : vector<512x1xf32>
    %gt3A_106 = arith.constant 0.000000e+00 : f32
    %gt3A_107 = arith.cmpf ogt, %sub3A_100, %gt3A_106 : f32
    %jit3A_108 = arith.constant 0x7FC00000 : f32
    %broadcast_in_dim3A_109 = vector.broadcast %jit3A_108 : f32 to vector<512x1xf32>
    %select_n3A_110 = arith.select %gt3A_107, %div3A_105, %broadcast_in_dim3A_109 : vector<512x1xf32>
    %sub3A_111 = vector.broadcast %div3A_87 : vector<512x1xf32> to vector<512x512xf32>
    %sub3A_112 = arith.subf %add3A_81, %sub3A_111 : vector<512x512xf32>
    %add3A_113 = arith.constant 9.99999974E-6 : f32
    %add3A_114 = vector.broadcast %add3A_113 : f32 to vector<512x1xf32>
    %add3A_115 = arith.addf %select_n3A_110, %add3A_114 : vector<512x1xf32>
    %rsqrt3A_116 = math.rsqrt %add3A_115 : vector<512x1xf32>
    %mul3A_117 = vector.broadcast %rsqrt3A_116 : vector<512x1xf32> to vector<512x512xf32>
    %mul3A_118 = arith.mulf %sub3A_112, %mul3A_117 : vector<512x512xf32>
    %max3A_119 = arith.constant 0.000000e+00 : f32
    %max3A_120 = vector.broadcast %max3A_119 : f32 to vector<512x512xf32>
    %max3A_121 = arith.maximumf %mul3A_118, %max3A_120 : vector<512x512xf32>
    %get3A_122 = arith.constant 0 : index
    %get3A_123 = arith.constant 0 : index
    %get3A_124 = vector.load %arg5[%get3A_122, %get3A_123] : memref<512x128xf32, #tpu.memory_space<vmem>>, vector<512x128xf32>
    %dot_general3A_125 = arith.constant dense<0.000000e+00> : vector<512x128xf32>
    %dot_general3A_126 = tpu.matmul %max3A_121, %get3A_124, %dot_general3A_125 {dimension_numbers = #tpu.dot_dimension_numbers<[1], [0], [0], [1], [0, 0, 1, 1], [], []>, transpose_lhs_hint = false} : vector<512x512xf32>, vector<512x128xf32>, vector<512x128xf32> -> vector<512x128xf32>
    %swap3A = arith.constant 0 : index
    %swap3A_127 = arith.constant 0 : index
    %swap3A_128 = vector.load %arg6[%swap3A, %swap3A_127] : memref<512x128xf32, #tpu.memory_space<vmem>>, vector<512x128xf32>
    tpu.vector_store %arg6[%swap3A, %swap3A_127], %dot_general3A_126 {strides = array<i32>} : memref<512x128xf32, #tpu.memory_space<vmem>>, vector<512x128xf32>,
    return
  }
  func.func @transform_0(%arg0: i32) -> (i32, i32) {
    %add3A = arith.constant 0 : i32
    %add3A_0 = arith.addi %arg0, %add3A : i32
    %c0_i32 = arith.constant 0 : i32
    %c0_i32_1 = arith.constant 0 : i32
    return %add3A_0, %c0_i32 : i32, i32
  }
  func.func @transform_1(%arg0: i32) -> (i32, i32) {
    %add3A = arith.constant 0 : i32
    %add3A_0 = arith.addi %arg0, %add3A : i32
    %c0_i32 = arith.constant 0 : i32
    %c0_i32_1 = arith.constant 0 : i32
    return %add3A_0, %c0_i32 : i32, i32
  }
  func.func @transform_2(%arg0: i32) -> (i32, i32) {
    %c0_i32 = arith.constant 0 : i32
    %c0_i32_0 = arith.constant 0 : i32
    %c0_i32_1 = arith.constant 0 : i32
    return %c0_i32, %c0_i32_0 : i32, i32
  }
  func.func @transform_3(%arg0: i32) -> (i32, i32) {
    %c0_i32 = arith.constant 0 : i32
    %c0_i32_0 = arith.constant 0 : i32
    %c0_i32_1 = arith.constant 0 : i32
    return %c0_i32, %c0_i32_0 : i32, i32
  }
  func.func @transform_4(%arg0: i32) -> (i32, i32) {
    %c0_i32 = arith.constant 0 : i32
    %c0_i32_0 = arith.constant 0 : i32
    %c0_i32_1 = arith.constant 0 : i32
    return %c0_i32, %c0_i32_0 : i32, i32
  }
  func.func @transform_5(%arg0: i32) -> (i32, i32) {
    %c0_i32 = arith.constant 0 : i32
    %c0_i32_0 = arith.constant 0 : i32
    return %arg0, %c0_i32 : i32, i32
  }
}

module attributes {stable_mosaic.version = 14 : i64} {
  func.func @_up_body(%arg0: i32, %arg1: memref<512x128xf32, #tpu.memory_space<vmem>>, %arg2: memref<512x128xf32, #tpu.memory_space<vmem>>, %arg3: memref<256x256xf32, #tpu.memory_space<vmem>>, %arg4: memref<256x256xf32, #tpu.memory_space<vmem>>, %arg5: memref<256x64xf32, #tpu.memory_space<vmem>>, %arg6: memref<512x64xf32, #tpu.memory_space<vmem>>) attributes {dimension_semantics = [#tpu.dimension_semantics<arbitrary>], iteration_bounds = array<i64: 20>, scalar_prefetch = 0 : i64, scratch_operands = 0 : i64, tpu.core_type = #tpu.core_type<tc>, window_params = [{transform_indices = @transform_0, window_bounds = array<i64: 512, 128>}, {transform_indices = @transform_1, window_bounds = array<i64: 512, 128>}, {pipeline_mode = #tpu.pipeline_mode<synchronous>, transform_indices = @transform_2, window_bounds = array<i64: 256, 256>}, {pipeline_mode = #tpu.pipeline_mode<synchronous>, transform_indices = @transform_3, window_bounds = array<i64: 256, 256>}, {pipeline_mode = #tpu.pipeline_mode<synchronous>, transform_indices = @transform_4, window_bounds = array<i64: 256, 64>}, {transform_indices = @transform_5, window_bounds = array<i64: 512, 64>}]} {
    %get3A = arith.constant 0 : index
    %get3A_0 = arith.constant 0 : index
    %get3A_1 = vector.load %arg1[%get3A, %get3A_0] : memref<512x128xf32, #tpu.memory_space<vmem>>, vector<512x128xf32>
    %get3A_2 = arith.constant 0 : index
    %get3A_3 = arith.constant 0 : index
    %get3A_4 = vector.load %arg2[%get3A_2, %get3A_3] : memref<512x128xf32, #tpu.memory_space<vmem>>, vector<512x128xf32>
    %concatenate3A = tpu.concatenate %get3A_1, %get3A_4 in 1 : vector<512x128xf32>, vector<512x128xf32> -> vector<512x256xf32>
    %get3A_5 = arith.constant 0 : index
    %get3A_6 = arith.constant 0 : index
    %get3A_7 = vector.load %arg3[%get3A_5, %get3A_6] : memref<256x256xf32, #tpu.memory_space<vmem>>, vector<256x256xf32>
    %get3A_8 = arith.constant 0 : index
    %get3A_9 = arith.constant 0 : index
    %get3A_10 = vector.load %arg4[%get3A_8, %get3A_9] : memref<256x256xf32, #tpu.memory_space<vmem>>, vector<256x256xf32>
    %reduce_sum3A = arith.constant dense<0.000000e+00> : vector<512xf32>
    %reduce_sum3A_11 = vector.multi_reduction <add>, %concatenate3A, %reduce_sum3A [1] : vector<512x256xf32> to vector<512xf32>
    %broadcast_in_dim3A = vector.shape_cast %reduce_sum3A_11 : vector<512xf32> to vector<512x1xf32>
    %div3A = arith.constant 2.560000e+02 : f32
    %div3A_12 = vector.broadcast %div3A : f32 to vector<512x1xf32>
    %div3A_13 = arith.divf %broadcast_in_dim3A, %div3A_12 : vector<512x1xf32>
    %jit3A = arith.constant 0 : i32
    %reduce_sum3A_14 = arith.constant dense<0.000000e+00> : vector<512xf32>
    %reduce_sum3A_15 = vector.multi_reduction <add>, %concatenate3A, %reduce_sum3A_14 [1] : vector<512x256xf32> to vector<512xf32>
    %broadcast_in_dim3A_16 = vector.shape_cast %reduce_sum3A_15 : vector<512xf32> to vector<512x1xf32>
    %div3A_17 = arith.constant 2.560000e+02 : f32
    %div3A_18 = vector.broadcast %div3A_17 : f32 to vector<512x1xf32>
    %div3A_19 = arith.divf %broadcast_in_dim3A_16, %div3A_18 : vector<512x1xf32>
    %sub3A = vector.broadcast %div3A_19 : vector<512x1xf32> to vector<512x256xf32>
    %sub3A_20 = arith.subf %concatenate3A, %sub3A : vector<512x256xf32>
    %square3A = arith.mulf %sub3A_20, %sub3A_20 : vector<512x256xf32>
    %convert_element_type3A = arith.sitofp %jit3A : i32 to f32
    %sub3A_21 = arith.constant 2.560000e+02 : f32
    %sub3A_22 = arith.subf %sub3A_21, %convert_element_type3A : f32
    %reduce_sum3A_23 = arith.constant dense<0.000000e+00> : vector<512xf32>
    %reduce_sum3A_24 = vector.multi_reduction <add>, %square3A, %reduce_sum3A_23 [1] : vector<512x256xf32> to vector<512xf32>
    %broadcast_in_dim3A_25 = vector.shape_cast %reduce_sum3A_24 : vector<512xf32> to vector<512x1xf32>
    %div3A_26 = vector.broadcast %sub3A_22 : f32 to vector<512x1xf32>
    %div3A_27 = arith.divf %broadcast_in_dim3A_25, %div3A_26 : vector<512x1xf32>
    %gt3A = arith.constant 0.000000e+00 : f32
    %gt3A_28 = arith.cmpf ogt, %sub3A_22, %gt3A : f32
    %jit3A_29 = arith.constant 0x7FC00000 : f32
    %broadcast_in_dim3A_30 = vector.broadcast %jit3A_29 : f32 to vector<512x1xf32>
    %select_n3A = arith.select %gt3A_28, %div3A_27, %broadcast_in_dim3A_30 : vector<512x1xf32>
    %sub3A_31 = vector.broadcast %div3A_13 : vector<512x1xf32> to vector<512x256xf32>
    %sub3A_32 = arith.subf %concatenate3A, %sub3A_31 : vector<512x256xf32>
    %add3A = arith.constant 9.99999974E-6 : f32
    %add3A_33 = vector.broadcast %add3A : f32 to vector<512x1xf32>
    %add3A_34 = arith.addf %select_n3A, %add3A_33 : vector<512x1xf32>
    %rsqrt3A = math.rsqrt %add3A_34 : vector<512x1xf32>
    %mul3A = vector.broadcast %rsqrt3A : vector<512x1xf32> to vector<512x256xf32>
    %mul3A_35 = arith.mulf %sub3A_32, %mul3A : vector<512x256xf32>
    %max3A = arith.constant 0.000000e+00 : f32
    %max3A_36 = vector.broadcast %max3A : f32 to vector<512x256xf32>
    %max3A_37 = arith.maximumf %mul3A_35, %max3A_36 : vector<512x256xf32>
    %dot_general3A = arith.constant dense<0.000000e+00> : vector<512x256xf32>
    %dot_general3A_38 = tpu.matmul %max3A_37, %get3A_7, %dot_general3A {dimension_numbers = #tpu.dot_dimension_numbers<[1], [0], [0], [1], [0, 0, 1, 1], [], []>, transpose_lhs_hint = false} : vector<512x256xf32>, vector<256x256xf32>, vector<512x256xf32> -> vector<512x256xf32>
    %reduce_sum3A_39 = arith.constant dense<0.000000e+00> : vector<512xf32>
    %reduce_sum3A_40 = vector.multi_reduction <add>, %dot_general3A_38, %reduce_sum3A_39 [1] : vector<512x256xf32> to vector<512xf32>
    %broadcast_in_dim3A_41 = vector.shape_cast %reduce_sum3A_40 : vector<512xf32> to vector<512x1xf32>
    %div3A_42 = arith.constant 2.560000e+02 : f32
    %div3A_43 = vector.broadcast %div3A_42 : f32 to vector<512x1xf32>
    %div3A_44 = arith.divf %broadcast_in_dim3A_41, %div3A_43 : vector<512x1xf32>
    %jit3A_45 = arith.constant 0 : i32
    %reduce_sum3A_46 = arith.constant dense<0.000000e+00> : vector<512xf32>
    %reduce_sum3A_47 = vector.multi_reduction <add>, %dot_general3A_38, %reduce_sum3A_46 [1] : vector<512x256xf32> to vector<512xf32>
    %broadcast_in_dim3A_48 = vector.shape_cast %reduce_sum3A_47 : vector<512xf32> to vector<512x1xf32>
    %div3A_49 = arith.constant 2.560000e+02 : f32
    %div3A_50 = vector.broadcast %div3A_49 : f32 to vector<512x1xf32>
    %div3A_51 = arith.divf %broadcast_in_dim3A_48, %div3A_50 : vector<512x1xf32>
    %sub3A_52 = vector.broadcast %div3A_51 : vector<512x1xf32> to vector<512x256xf32>
    %sub3A_53 = arith.subf %dot_general3A_38, %sub3A_52 : vector<512x256xf32>
    %square3A_54 = arith.mulf %sub3A_53, %sub3A_53 : vector<512x256xf32>
    %convert_element_type3A_55 = arith.sitofp %jit3A_45 : i32 to f32
    %sub3A_56 = arith.constant 2.560000e+02 : f32
    %sub3A_57 = arith.subf %sub3A_56, %convert_element_type3A_55 : f32
    %reduce_sum3A_58 = arith.constant dense<0.000000e+00> : vector<512xf32>
    %reduce_sum3A_59 = vector.multi_reduction <add>, %square3A_54, %reduce_sum3A_58 [1] : vector<512x256xf32> to vector<512xf32>
    %broadcast_in_dim3A_60 = vector.shape_cast %reduce_sum3A_59 : vector<512xf32> to vector<512x1xf32>
    %div3A_61 = vector.broadcast %sub3A_57 : f32 to vector<512x1xf32>
    %div3A_62 = arith.divf %broadcast_in_dim3A_60, %div3A_61 : vector<512x1xf32>
    %gt3A_63 = arith.constant 0.000000e+00 : f32
    %gt3A_64 = arith.cmpf ogt, %sub3A_57, %gt3A_63 : f32
    %jit3A_65 = arith.constant 0x7FC00000 : f32
    %broadcast_in_dim3A_66 = vector.broadcast %jit3A_65 : f32 to vector<512x1xf32>
    %select_n3A_67 = arith.select %gt3A_64, %div3A_62, %broadcast_in_dim3A_66 : vector<512x1xf32>
    %sub3A_68 = vector.broadcast %div3A_44 : vector<512x1xf32> to vector<512x256xf32>
    %sub3A_69 = arith.subf %dot_general3A_38, %sub3A_68 : vector<512x256xf32>
    %add3A_70 = arith.constant 9.99999974E-6 : f32
    %add3A_71 = vector.broadcast %add3A_70 : f32 to vector<512x1xf32>
    %add3A_72 = arith.addf %select_n3A_67, %add3A_71 : vector<512x1xf32>
    %rsqrt3A_73 = math.rsqrt %add3A_72 : vector<512x1xf32>
    %mul3A_74 = vector.broadcast %rsqrt3A_73 : vector<512x1xf32> to vector<512x256xf32>
    %mul3A_75 = arith.mulf %sub3A_69, %mul3A_74 : vector<512x256xf32>
    %max3A_76 = arith.constant 0.000000e+00 : f32
    %max3A_77 = vector.broadcast %max3A_76 : f32 to vector<512x256xf32>
    %max3A_78 = arith.maximumf %mul3A_75, %max3A_77 : vector<512x256xf32>
    %dot_general3A_79 = arith.constant dense<0.000000e+00> : vector<512x256xf32>
    %dot_general3A_80 = tpu.matmul %max3A_78, %get3A_10, %dot_general3A_79 {dimension_numbers = #tpu.dot_dimension_numbers<[1], [0], [0], [1], [0, 0, 1, 1], [], []>, transpose_lhs_hint = false} : vector<512x256xf32>, vector<256x256xf32>, vector<512x256xf32> -> vector<512x256xf32>
    %add3A_81 = arith.addf %concatenate3A, %dot_general3A_80 : vector<512x256xf32>
    %reduce_sum3A_82 = arith.constant dense<0.000000e+00> : vector<512xf32>
    %reduce_sum3A_83 = vector.multi_reduction <add>, %add3A_81, %reduce_sum3A_82 [1] : vector<512x256xf32> to vector<512xf32>
    %broadcast_in_dim3A_84 = vector.shape_cast %reduce_sum3A_83 : vector<512xf32> to vector<512x1xf32>
    %div3A_85 = arith.constant 2.560000e+02 : f32
    %div3A_86 = vector.broadcast %div3A_85 : f32 to vector<512x1xf32>
    %div3A_87 = arith.divf %broadcast_in_dim3A_84, %div3A_86 : vector<512x1xf32>
    %jit3A_88 = arith.constant 0 : i32
    %reduce_sum3A_89 = arith.constant dense<0.000000e+00> : vector<512xf32>
    %reduce_sum3A_90 = vector.multi_reduction <add>, %add3A_81, %reduce_sum3A_89 [1] : vector<512x256xf32> to vector<512xf32>
    %broadcast_in_dim3A_91 = vector.shape_cast %reduce_sum3A_90 : vector<512xf32> to vector<512x1xf32>
    %div3A_92 = arith.constant 2.560000e+02 : f32
    %div3A_93 = vector.broadcast %div3A_92 : f32 to vector<512x1xf32>
    %div3A_94 = arith.divf %broadcast_in_dim3A_91, %div3A_93 : vector<512x1xf32>
    %sub3A_95 = vector.broadcast %div3A_94 : vector<512x1xf32> to vector<512x256xf32>
    %sub3A_96 = arith.subf %add3A_81, %sub3A_95 : vector<512x256xf32>
    %square3A_97 = arith.mulf %sub3A_96, %sub3A_96 : vector<512x256xf32>
    %convert_element_type3A_98 = arith.sitofp %jit3A_88 : i32 to f32
    %sub3A_99 = arith.constant 2.560000e+02 : f32
    %sub3A_100 = arith.subf %sub3A_99, %convert_element_type3A_98 : f32
    %reduce_sum3A_101 = arith.constant dense<0.000000e+00> : vector<512xf32>
    %reduce_sum3A_102 = vector.multi_reduction <add>, %square3A_97, %reduce_sum3A_101 [1] : vector<512x256xf32> to vector<512xf32>
    %broadcast_in_dim3A_103 = vector.shape_cast %reduce_sum3A_102 : vector<512xf32> to vector<512x1xf32>
    %div3A_104 = vector.broadcast %sub3A_100 : f32 to vector<512x1xf32>
    %div3A_105 = arith.divf %broadcast_in_dim3A_103, %div3A_104 : vector<512x1xf32>
    %gt3A_106 = arith.constant 0.000000e+00 : f32
    %gt3A_107 = arith.cmpf ogt, %sub3A_100, %gt3A_106 : f32
    %jit3A_108 = arith.constant 0x7FC00000 : f32
    %broadcast_in_dim3A_109 = vector.broadcast %jit3A_108 : f32 to vector<512x1xf32>
    %select_n3A_110 = arith.select %gt3A_107, %div3A_105, %broadcast_in_dim3A_109 : vector<512x1xf32>
    %sub3A_111 = vector.broadcast %div3A_87 : vector<512x1xf32> to vector<512x256xf32>
    %sub3A_112 = arith.subf %add3A_81, %sub3A_111 : vector<512x256xf32>
    %add3A_113 = arith.constant 9.99999974E-6 : f32
    %add3A_114 = vector.broadcast %add3A_113 : f32 to vector<512x1xf32>
    %add3A_115 = arith.addf %select_n3A_110, %add3A_114 : vector<512x1xf32>
    %rsqrt3A_116 = math.rsqrt %add3A_115 : vector<512x1xf32>
    %mul3A_117 = vector.broadcast %rsqrt3A_116 : vector<512x1xf32> to vector<512x256xf32>
    %mul3A_118 = arith.mulf %sub3A_112, %mul3A_117 : vector<512x256xf32>
    %max3A_119 = arith.constant 0.000000e+00 : f32
    %max3A_120 = vector.broadcast %max3A_119 : f32 to vector<512x256xf32>
    %max3A_121 = arith.maximumf %mul3A_118, %max3A_120 : vector<512x256xf32>
    %get3A_122 = arith.constant 0 : index
    %get3A_123 = arith.constant 0 : index
    %get3A_124 = vector.load %arg5[%get3A_122, %get3A_123] : memref<256x64xf32, #tpu.memory_space<vmem>>, vector<256x64xf32>
    %dot_general3A_125 = arith.constant dense<0.000000e+00> : vector<512x64xf32>
    %dot_general3A_126 = tpu.matmul %max3A_121, %get3A_124, %dot_general3A_125 {dimension_numbers = #tpu.dot_dimension_numbers<[1], [0], [0], [1], [0, 0, 1, 1], [], []>, transpose_lhs_hint = false} : vector<512x256xf32>, vector<256x64xf32>, vector<512x64xf32> -> vector<512x64xf32>
    %swap3A = arith.constant 0 : index
    %swap3A_127 = arith.constant 0 : index
    %swap3A_128 = vector.load %arg6[%swap3A, %swap3A_127] : memref<512x64xf32, #tpu.memory_space<vmem>>, vector<512x64xf32>
    tpu.vector_store %arg6[%swap3A, %swap3A_127], %dot_general3A_126 {strides = array<i32>} : memref<512x64xf32, #tpu.memory_space<vmem>>, vector<512x64xf32>,
    return
  }
  func.func @transform_0(%arg0: i32) -> (i32, i32) {
    %add3A = arith.constant 0 : i32
    %add3A_0 = arith.addi %arg0, %add3A : i32
    %c0_i32 = arith.constant 0 : i32
    %c0_i32_1 = arith.constant 0 : i32
    return %add3A_0, %c0_i32 : i32, i32
  }
  func.func @transform_1(%arg0: i32) -> (i32, i32) {
    %add3A = arith.constant 0 : i32
    %add3A_0 = arith.addi %arg0, %add3A : i32
    %c0_i32 = arith.constant 0 : i32
    %c0_i32_1 = arith.constant 0 : i32
    return %add3A_0, %c0_i32 : i32, i32
  }
  func.func @transform_2(%arg0: i32) -> (i32, i32) {
    %c0_i32 = arith.constant 0 : i32
    %c0_i32_0 = arith.constant 0 : i32
    %c0_i32_1 = arith.constant 0 : i32
    return %c0_i32, %c0_i32_0 : i32, i32
  }
  func.func @transform_3(%arg0: i32) -> (i32, i32) {
    %c0_i32 = arith.constant 0 : i32
    %c0_i32_0 = arith.constant 0 : i32
    %c0_i32_1 = arith.constant 0 : i32
    return %c0_i32, %c0_i32_0 : i32, i32
  }
  func.func @transform_4(%arg0: i32) -> (i32, i32) {
    %c0_i32 = arith.constant 0 : i32
    %c0_i32_0 = arith.constant 0 : i32
    %c0_i32_1 = arith.constant 0 : i32
    return %c0_i32, %c0_i32_0 : i32, i32
  }
  func.func @transform_5(%arg0: i32) -> (i32, i32) {
    %c0_i32 = arith.constant 0 : i32
    %c0_i32_0 = arith.constant 0 : i32
    return %arg0, %c0_i32 : i32, i32
  }
}

module attributes {stable_mosaic.version = 14 : i64} {
  func.func @_up2_body(%arg0: i32, %arg1: memref<512x64xf32, #tpu.memory_space<vmem>>, %arg2: memref<512x64xf32, #tpu.memory_space<vmem>>, %arg3: memref<128x128xf32, #tpu.memory_space<vmem>>, %arg4: memref<128x128xf32, #tpu.memory_space<vmem>>, %arg5: memref<128x20xf32, #tpu.memory_space<vmem>>, %arg6: memref<512x32xf32, #tpu.memory_space<vmem>>) attributes {dimension_semantics = [#tpu.dimension_semantics<arbitrary>], iteration_bounds = array<i64: 59>, scalar_prefetch = 0 : i64, scratch_operands = 0 : i64, tpu.core_type = #tpu.core_type<tc>, window_params = [{transform_indices = @transform_0, window_bounds = array<i64: 512, 64>}, {transform_indices = @transform_1, window_bounds = array<i64: 512, 64>}, {pipeline_mode = #tpu.pipeline_mode<synchronous>, transform_indices = @transform_2, window_bounds = array<i64: 128, 128>}, {pipeline_mode = #tpu.pipeline_mode<synchronous>, transform_indices = @transform_3, window_bounds = array<i64: 128, 128>}, {pipeline_mode = #tpu.pipeline_mode<synchronous>, transform_indices = @transform_4, window_bounds = array<i64: 128, 20>}, {transform_indices = @transform_5, window_bounds = array<i64: 512, 32>}]} {
    %get3A = arith.constant 0 : index
    %get3A_0 = arith.constant 0 : index
    %get3A_1 = vector.load %arg1[%get3A, %get3A_0] : memref<512x64xf32, #tpu.memory_space<vmem>>, vector<512x64xf32>
    %get3A_2 = arith.constant 0 : index
    %get3A_3 = arith.constant 0 : index
    %get3A_4 = vector.load %arg2[%get3A_2, %get3A_3] : memref<512x64xf32, #tpu.memory_space<vmem>>, vector<512x64xf32>
    %concatenate3A = tpu.concatenate %get3A_1, %get3A_4 in 1 : vector<512x64xf32>, vector<512x64xf32> -> vector<512x128xf32>
    %get3A_5 = arith.constant 0 : index
    %get3A_6 = arith.constant 0 : index
    %get3A_7 = vector.load %arg3[%get3A_5, %get3A_6] : memref<128x128xf32, #tpu.memory_space<vmem>>, vector<128x128xf32>
    %get3A_8 = arith.constant 0 : index
    %get3A_9 = arith.constant 0 : index
    %get3A_10 = vector.load %arg4[%get3A_8, %get3A_9] : memref<128x128xf32, #tpu.memory_space<vmem>>, vector<128x128xf32>
    %reduce_sum3A = arith.constant dense<0.000000e+00> : vector<512xf32>
    %reduce_sum3A_11 = vector.multi_reduction <add>, %concatenate3A, %reduce_sum3A [1] : vector<512x128xf32> to vector<512xf32>
    %broadcast_in_dim3A = vector.shape_cast %reduce_sum3A_11 : vector<512xf32> to vector<512x1xf32>
    %div3A = arith.constant 1.280000e+02 : f32
    %div3A_12 = vector.broadcast %div3A : f32 to vector<512x1xf32>
    %div3A_13 = arith.divf %broadcast_in_dim3A, %div3A_12 : vector<512x1xf32>
    %jit3A = arith.constant 0 : i32
    %reduce_sum3A_14 = arith.constant dense<0.000000e+00> : vector<512xf32>
    %reduce_sum3A_15 = vector.multi_reduction <add>, %concatenate3A, %reduce_sum3A_14 [1] : vector<512x128xf32> to vector<512xf32>
    %broadcast_in_dim3A_16 = vector.shape_cast %reduce_sum3A_15 : vector<512xf32> to vector<512x1xf32>
    %div3A_17 = arith.constant 1.280000e+02 : f32
    %div3A_18 = vector.broadcast %div3A_17 : f32 to vector<512x1xf32>
    %div3A_19 = arith.divf %broadcast_in_dim3A_16, %div3A_18 : vector<512x1xf32>
    %sub3A = vector.broadcast %div3A_19 : vector<512x1xf32> to vector<512x128xf32>
    %sub3A_20 = arith.subf %concatenate3A, %sub3A : vector<512x128xf32>
    %square3A = arith.mulf %sub3A_20, %sub3A_20 : vector<512x128xf32>
    %convert_element_type3A = arith.sitofp %jit3A : i32 to f32
    %sub3A_21 = arith.constant 1.280000e+02 : f32
    %sub3A_22 = arith.subf %sub3A_21, %convert_element_type3A : f32
    %reduce_sum3A_23 = arith.constant dense<0.000000e+00> : vector<512xf32>
    %reduce_sum3A_24 = vector.multi_reduction <add>, %square3A, %reduce_sum3A_23 [1] : vector<512x128xf32> to vector<512xf32>
    %broadcast_in_dim3A_25 = vector.shape_cast %reduce_sum3A_24 : vector<512xf32> to vector<512x1xf32>
    %div3A_26 = vector.broadcast %sub3A_22 : f32 to vector<512x1xf32>
    %div3A_27 = arith.divf %broadcast_in_dim3A_25, %div3A_26 : vector<512x1xf32>
    %gt3A = arith.constant 0.000000e+00 : f32
    %gt3A_28 = arith.cmpf ogt, %sub3A_22, %gt3A : f32
    %jit3A_29 = arith.constant 0x7FC00000 : f32
    %broadcast_in_dim3A_30 = vector.broadcast %jit3A_29 : f32 to vector<512x1xf32>
    %select_n3A = arith.select %gt3A_28, %div3A_27, %broadcast_in_dim3A_30 : vector<512x1xf32>
    %sub3A_31 = vector.broadcast %div3A_13 : vector<512x1xf32> to vector<512x128xf32>
    %sub3A_32 = arith.subf %concatenate3A, %sub3A_31 : vector<512x128xf32>
    %add3A = arith.constant 9.99999974E-6 : f32
    %add3A_33 = vector.broadcast %add3A : f32 to vector<512x1xf32>
    %add3A_34 = arith.addf %select_n3A, %add3A_33 : vector<512x1xf32>
    %rsqrt3A = math.rsqrt %add3A_34 : vector<512x1xf32>
    %mul3A = vector.broadcast %rsqrt3A : vector<512x1xf32> to vector<512x128xf32>
    %mul3A_35 = arith.mulf %sub3A_32, %mul3A : vector<512x128xf32>
    %max3A = arith.constant 0.000000e+00 : f32
    %max3A_36 = vector.broadcast %max3A : f32 to vector<512x128xf32>
    %max3A_37 = arith.maximumf %mul3A_35, %max3A_36 : vector<512x128xf32>
    %dot_general3A = arith.constant dense<0.000000e+00> : vector<512x128xf32>
    %dot_general3A_38 = tpu.matmul %max3A_37, %get3A_7, %dot_general3A {dimension_numbers = #tpu.dot_dimension_numbers<[1], [0], [0], [1], [0, 0, 1, 1], [], []>, transpose_lhs_hint = false} : vector<512x128xf32>, vector<128x128xf32>, vector<512x128xf32> -> vector<512x128xf32>
    %reduce_sum3A_39 = arith.constant dense<0.000000e+00> : vector<512xf32>
    %reduce_sum3A_40 = vector.multi_reduction <add>, %dot_general3A_38, %reduce_sum3A_39 [1] : vector<512x128xf32> to vector<512xf32>
    %broadcast_in_dim3A_41 = vector.shape_cast %reduce_sum3A_40 : vector<512xf32> to vector<512x1xf32>
    %div3A_42 = arith.constant 1.280000e+02 : f32
    %div3A_43 = vector.broadcast %div3A_42 : f32 to vector<512x1xf32>
    %div3A_44 = arith.divf %broadcast_in_dim3A_41, %div3A_43 : vector<512x1xf32>
    %jit3A_45 = arith.constant 0 : i32
    %reduce_sum3A_46 = arith.constant dense<0.000000e+00> : vector<512xf32>
    %reduce_sum3A_47 = vector.multi_reduction <add>, %dot_general3A_38, %reduce_sum3A_46 [1] : vector<512x128xf32> to vector<512xf32>
    %broadcast_in_dim3A_48 = vector.shape_cast %reduce_sum3A_47 : vector<512xf32> to vector<512x1xf32>
    %div3A_49 = arith.constant 1.280000e+02 : f32
    %div3A_50 = vector.broadcast %div3A_49 : f32 to vector<512x1xf32>
    %div3A_51 = arith.divf %broadcast_in_dim3A_48, %div3A_50 : vector<512x1xf32>
    %sub3A_52 = vector.broadcast %div3A_51 : vector<512x1xf32> to vector<512x128xf32>
    %sub3A_53 = arith.subf %dot_general3A_38, %sub3A_52 : vector<512x128xf32>
    %square3A_54 = arith.mulf %sub3A_53, %sub3A_53 : vector<512x128xf32>
    %convert_element_type3A_55 = arith.sitofp %jit3A_45 : i32 to f32
    %sub3A_56 = arith.constant 1.280000e+02 : f32
    %sub3A_57 = arith.subf %sub3A_56, %convert_element_type3A_55 : f32
    %reduce_sum3A_58 = arith.constant dense<0.000000e+00> : vector<512xf32>
    %reduce_sum3A_59 = vector.multi_reduction <add>, %square3A_54, %reduce_sum3A_58 [1] : vector<512x128xf32> to vector<512xf32>
    %broadcast_in_dim3A_60 = vector.shape_cast %reduce_sum3A_59 : vector<512xf32> to vector<512x1xf32>
    %div3A_61 = vector.broadcast %sub3A_57 : f32 to vector<512x1xf32>
    %div3A_62 = arith.divf %broadcast_in_dim3A_60, %div3A_61 : vector<512x1xf32>
    %gt3A_63 = arith.constant 0.000000e+00 : f32
    %gt3A_64 = arith.cmpf ogt, %sub3A_57, %gt3A_63 : f32
    %jit3A_65 = arith.constant 0x7FC00000 : f32
    %broadcast_in_dim3A_66 = vector.broadcast %jit3A_65 : f32 to vector<512x1xf32>
    %select_n3A_67 = arith.select %gt3A_64, %div3A_62, %broadcast_in_dim3A_66 : vector<512x1xf32>
    %sub3A_68 = vector.broadcast %div3A_44 : vector<512x1xf32> to vector<512x128xf32>
    %sub3A_69 = arith.subf %dot_general3A_38, %sub3A_68 : vector<512x128xf32>
    %add3A_70 = arith.constant 9.99999974E-6 : f32
    %add3A_71 = vector.broadcast %add3A_70 : f32 to vector<512x1xf32>
    %add3A_72 = arith.addf %select_n3A_67, %add3A_71 : vector<512x1xf32>
    %rsqrt3A_73 = math.rsqrt %add3A_72 : vector<512x1xf32>
    %mul3A_74 = vector.broadcast %rsqrt3A_73 : vector<512x1xf32> to vector<512x128xf32>
    %mul3A_75 = arith.mulf %sub3A_69, %mul3A_74 : vector<512x128xf32>
    %max3A_76 = arith.constant 0.000000e+00 : f32
    %max3A_77 = vector.broadcast %max3A_76 : f32 to vector<512x128xf32>
    %max3A_78 = arith.maximumf %mul3A_75, %max3A_77 : vector<512x128xf32>
    %dot_general3A_79 = arith.constant dense<0.000000e+00> : vector<512x128xf32>
    %dot_general3A_80 = tpu.matmul %max3A_78, %get3A_10, %dot_general3A_79 {dimension_numbers = #tpu.dot_dimension_numbers<[1], [0], [0], [1], [0, 0, 1, 1], [], []>, transpose_lhs_hint = false} : vector<512x128xf32>, vector<128x128xf32>, vector<512x128xf32> -> vector<512x128xf32>
    %add3A_81 = arith.addf %concatenate3A, %dot_general3A_80 : vector<512x128xf32>
    %get3A_82 = arith.constant 0 : index
    %get3A_83 = arith.constant 0 : index
    %get3A_84 = vector.load %arg5[%get3A_82, %get3A_83] : memref<128x20xf32, #tpu.memory_space<vmem>>, vector<128x20xf32>
    %dot_general3A_85 = arith.constant dense<0.000000e+00> : vector<512x20xf32>
    %dot_general3A_86 = tpu.matmul %add3A_81, %get3A_84, %dot_general3A_85 {dimension_numbers = #tpu.dot_dimension_numbers<[1], [0], [0], [1], [0, 0, 1, 1], [], []>, transpose_lhs_hint = false} : vector<512x128xf32>, vector<128x20xf32>, vector<512x20xf32> -> vector<512x20xf32>
    %reduce_max3A = arith.constant dense<0xFF800000> : vector<512xf32>
    %reduce_max3A_87 = vector.multi_reduction <maximumf>, %dot_general3A_86, %reduce_max3A [1] : vector<512x20xf32> to vector<512xf32>
    %broadcast_in_dim3A_88 = vector.shape_cast %reduce_max3A_87 : vector<512xf32> to vector<512x1xf32>
    %sub3A_89 = vector.broadcast %broadcast_in_dim3A_88 : vector<512x1xf32> to vector<512x20xf32>
    %sub3A_90 = arith.subf %dot_general3A_86, %sub3A_89 : vector<512x20xf32>
    %exp3A = math.exp %sub3A_90 : vector<512x20xf32>
    %reduce_sum3A_91 = arith.constant dense<0.000000e+00> : vector<512xf32>
    %reduce_sum3A_92 = vector.multi_reduction <add>, %exp3A, %reduce_sum3A_91 [1] : vector<512x20xf32> to vector<512xf32>
    %broadcast_in_dim3A_93 = vector.shape_cast %reduce_sum3A_92 : vector<512xf32> to vector<512x1xf32>
    %log3A = math.log %broadcast_in_dim3A_93 : vector<512x1xf32>
    %add3A_94 = arith.addf %log3A, %broadcast_in_dim3A_88 : vector<512x1xf32>
    %sub3A_95 = vector.broadcast %add3A_94 : vector<512x1xf32> to vector<512x20xf32>
    %sub3A_96 = arith.subf %dot_general3A_86, %sub3A_95 : vector<512x20xf32>
    %jit3A_97 = arith.constant 0 : i32
    %convert_element_type3A_98 = arith.sitofp %jit3A_97 : i32 to f32
    %pad3A = vector.broadcast %convert_element_type3A_98 : f32 to vector<512x12xf32>
    %pad3A_99 = tpu.concatenate %sub3A_96, %pad3A in 1 : vector<512x20xf32>, vector<512x12xf32> -> vector<512x32xf32>
    %swap3A = arith.constant 0 : index
    %swap3A_100 = arith.constant 0 : index
    %swap3A_101 = vector.load %arg6[%swap3A, %swap3A_100] : memref<512x32xf32, #tpu.memory_space<vmem>>, vector<512x32xf32>
    tpu.vector_store %arg6[%swap3A, %swap3A_100], %pad3A_99 {strides = array<i32>} : memref<512x32xf32, #tpu.memory_space<vmem>>, vector<512x32xf32>,
    return
  }
  func.func @transform_0(%arg0: i32) -> (i32, i32) {
    %add3A = arith.constant 0 : i32
    %add3A_0 = arith.addi %arg0, %add3A : i32
    %c0_i32 = arith.constant 0 : i32
    %c0_i32_1 = arith.constant 0 : i32
    return %add3A_0, %c0_i32 : i32, i32
  }
  func.func @transform_1(%arg0: i32) -> (i32, i32) {
    %add3A = arith.constant 0 : i32
    %add3A_0 = arith.addi %arg0, %add3A : i32
    %c0_i32 = arith.constant 0 : i32
    %c0_i32_1 = arith.constant 0 : i32
    return %add3A_0, %c0_i32 : i32, i32
  }
  func.func @transform_2(%arg0: i32) -> (i32, i32) {
    %c0_i32 = arith.constant 0 : i32
    %c0_i32_0 = arith.constant 0 : i32
    %c0_i32_1 = arith.constant 0 : i32
    return %c0_i32, %c0_i32_0 : i32, i32
  }
  func.func @transform_3(%arg0: i32) -> (i32, i32) {
    %c0_i32 = arith.constant 0 : i32
    %c0_i32_0 = arith.constant 0 : i32
    %c0_i32_1 = arith.constant 0 : i32
    return %c0_i32, %c0_i32_0 : i32, i32
  }
  func.func @transform_4(%arg0: i32) -> (i32, i32) {
    %c0_i32 = arith.constant 0 : i32
    %c0_i32_0 = arith.constant 0 : i32
    %c0_i32_1 = arith.constant 0 : i32
    return %c0_i32, %c0_i32_0 : i32, i32
  }
  func.func @transform_5(%arg0: i32) -> (i32, i32) {
    %c0_i32 = arith.constant 0 : i32
    %c0_i32_0 = arith.constant 0 : i32
    return %arg0, %c0_i32 : i32, i32
  }
}

</mosaic_0001>

<sc_bundles>
// kernel: kernel.18.cloned.1.call-start
scs
__scs_entry_jumppad:
0x0: {  	(pc) =	sbr.rel $0x88, $3  }
0x1: {  	(tag) =	ssettag $0x0;
	lr =	simm.s32 $0x1  }
0x2: {  	[smem:$0x3F7A] =	sst lr;
	_ =	strace $0xD0000000  }
0x3: {  	_ = 	snop  }
0x4: {  	_ = 	snop  }
0x5: {  	_ = 	snop  }
0x6: {  	_ = 	snop  }
0x7: {  	_ = 	snop  }
__scs_overlays_trampoline_lowered:
0x8: {  	[smem:$0x3F89] =	sst s0  }
0x9: {  	[smem:$0x3F8A] =	sst s1  }
0xa: {  	[smem:$0x3F8B] =	sst s2  }
0xb: {  	[smem:$0x3F8C] =	sst s3  }
0xc: {  	[smem:$0x3F8D] =	sst s4  }
0xd: {  	[smem:$0x3F8E] =	sst s5  }
0xe: {  	[smem:$0x3F8F] =	sst s6  }
0xf: {  	[smem:$0x3F90] =	sst s7  }
0x10: {  	[smem:$0x3F91] =	sst s8  }
0x11: {  	[smem:$0x3F92] =	sst s9;
	s0 =	simm.s32 @!p0 $0x0  }
0x12: {  	s1 =	sld [smem:$0x3F78];
	s0 =	simm.s32 @p0 $0x1  }
0x13: {  	[smem:$0x3F93] =	sst s0;
	s0 =	simm.s32 @!p1 $0x0  }
0x14: {  	s2 =	sld [smem:$0x3F77];
	s0 =	simm.s32 @p1 $0x1  }
0x15: {  	[smem:$0x3F94] =	sst s0;
	s0 =	simm.s32 @!p2 $0x0  }
0x16: {  	s3 =	sld [smem:$0x3FDB];
	s0 =	simm.s32 @p2 $0x1  }
0x17: {  	s4 =	simm.s32 $0x1BF5;
	[smem:$0x3F96] =	sst s0  }
0x18: {  	s0 =	sld [smem:$0x3F79];
	_ =	swait.ge [sflag:s4], $0x0  }
0x19: {  	s7 =	sld [smem:$0x3F7A]  }
0x1a: {  	s8 =	sadd.s32 $0xFFFFE003, lr  }
0x1b: {  	s9 =	sadd.s32 $0xFFFFFEF7, lr;
	s5 =	simm.s32 $0xFFFFFFFF;
	p2 =	slt.u32 s8, $0xFFFFF086  }
0x1c: {  	p1 =	slt.u32 s9, $0xF7A;
	s5 =	simm.s32 @!p2 $0x0  }
0x1d: {  	s5 =	simm.s32 @p1 $0x1;
	p0 =	seq.s32 s7, s2  }
0x1e: {  	s7 =	smul.u32 @!p0 $0xF7A, s2;
	p2 =	seq.s32 @!p0 s5, $0x0  }
0x1f: {  	s9 =	smul.u32 $0xF7A, s1;
	s8 =	simm.s32 @!p0 $0x1BF5;
	p2 =	por !p2, p0  }
0x20: {  	[sflag:s8] =	ssyncset.s32 @!p0 $0xFFFFF086;
	s6 =	sadd.s32 @!p0 s3, s7;
	s7 =	simm.s32 @!p0 $0x108  }
0x21: {  	s3 =	sadd.s32 s3, s9;
	s6 =	sadd.s32 @!p0 $0x88, s6;
	s7 =	simm.s32 @p2 $0x1082  }
0x22: {  	[simem:s7], [sflag:s8] =	dma.local @!p0 [hbm:s6], $0xF7A  }
0x23: {  	s9 =	sor.u32 $0xD0000000, s2;
	s6 =	simm.s32 $0x108;
	_ =	swait.ge @!p0 [sflag:s8], $0x0  }
0x24: {  	s3 =	sadd.s32 $0x88, s3;
	s6 =	simm.s32 @!p1 $0x1082;
	[sflag:s4] =	ssyncset.s32 $0xFFFFF086  }
0x25: {  	[simem:s6], [sflag:s4] =	dma.local [hbm:s3], $0xF7A  }
0x26: {  	[smem:$0x3F7A] =	sst s1;
	(tag) =	ssettag s2;
	_ =	strace s9  }
0x27: {  	s1 =	sld [smem:$0x3F8A]  }
0x28: {  	s2 =	sld [smem:$0x3F8B]  }
0x29: {  	s4 =	sld [smem:$0x3F8D]  }
0x2a: {  	p0 =	seq.s32 s5, $0x0;
	s5 =	sld [smem:$0x3F8E]  }
0x2b: {  	s6 =	sld [smem:$0x3F8F]  }
0x2c: {  	s7 =	sld [smem:$0x3F90]  }
0x2d: {  	s3 =	simm.s32 $0x108;
	s8 =	sld [smem:$0x3F91]  }
0x2e: {  	s3 =	simm.s32 @!p0 $0x1082;
	s9 =	sld [smem:$0x3F92]  }
0x2f: {  	lr =	sadd.s32 s0, s3;
	s0 =	sld [smem:$0x3F89]  }
0x30: {  	s3 =	sld [smem:$0x3F8C]  }
0x31: {  	[smem:$0x3F95] =	sst s10  }
0x32: {  	s10 =	sld [smem:$0x3F93];
	_ =	sdelay $0x3  }
0x33: {  	p0 =	seq.s32 s10, $0x1;
	s10 =	sld [smem:$0x3F95];
	_ =	sdelay $0x3  }
0x34: {  	[smem:$0x3F95] =	sst s10  }
0x35: {  	s10 =	sld [smem:$0x3F94];
	_ =	sdelay $0x3  }
0x36: {  	p1 =	seq.s32 s10, $0x1;
	s10 =	sld [smem:$0x3F95];
	_ =	sdelay $0x3  }
0x37: {  	[smem:$0x3F95] =	sst s10  }
0x38: {  	s10 =	sld [smem:$0x3F96]  }
0x39: {  	_ = 	snop;
	(pc) =	sbr.ind lr, $3  }
0x3a: {  	_ = 	snop  }
0x3b: {  	_ = 	snop  }
0x3c: {  	p2 =	seq.s32 s10, $0x1;
	s10 =	sld [smem:$0x3F95]  }
0x3d: {  	_ =	shalt  }
0x3e: {  	_ =	shalt  }
0x3f: {  	_ =	shalt  }
0x40: {  	_ =	shalt  }
0x41: {  	_ =	shalt  }
0x42: {  	_ =	shalt  }
0x43: {  	_ =	shalt  }
0x44: {  	_ =	shalt  }
0x45: {  	_ =	shalt  }
0x46: {  	_ =	shalt  }
0x47: {  	_ =	shalt  }
0x48: {  	_ =	shalt  }
0x49: {  	_ =	shalt  }
0x4a: {  	_ =	shalt  }
0x4b: {  	_ =	shalt  }
0x4c: {  	_ =	shalt  }
0x4d: {  	_ =	shalt  }
0x4e: {  	_ =	shalt  }
0x4f: {  	_ =	shalt  }
0x50: {  	_ =	shalt  }
0x51: {  	_ =	shalt  }
0x52: {  	_ =	shalt  }
0x53: {  	_ =	shalt  }
0x54: {  	_ =	shalt  }
0x55: {  	_ =	shalt  }
0x56: {  	_ =	shalt  }
0x57: {  	_ =	shalt  }
0x58: {  	_ =	shalt  }
0x59: {  	_ =	shalt  }
0x5a: {  	_ =	shalt  }
0x5b: {  	_ =	shalt  }
0x5c: {  	_ =	shalt  }
0x5d: {  	_ =	shalt  }
0x5e: {  	_ =	shalt  }
0x5f: {  	_ =	shalt  }
0x60: {  	_ =	shalt  }
0x61: {  	_ =	shalt  }
0x62: {  	_ =	shalt  }
0x63: {  	_ =	shalt  }
0x64: {  	_ =	shalt  }
0x65: {  	_ =	shalt  }
0x66: {  	_ =	shalt  }
0x67: {  	_ =	shalt  }
0x68: {  	_ =	shalt  }
0x69: {  	_ =	shalt  }
0x6a: {  	_ =	shalt  }
0x6b: {  	_ =	shalt  }
0x6c: {  	_ =	shalt  }
0x6d: {  	_ =	shalt  }
0x6e: {  	_ =	shalt  }
0x6f: {  	_ =	shalt  }
0x70: {  	_ =	shalt  }
0x71: {  	_ =	shalt  }
0x72: {  	_ =	shalt  }
0x73: {  	_ =	shalt  }
0x74: {  	_ =	shalt  }
0x75: {  	_ =	shalt  }
0x76: {  	_ =	shalt  }
0x77: {  	_ =	shalt  }
0x78: {  	_ =	shalt  }
0x79: {  	_ =	shalt  }
0x7a: {  	_ =	shalt  }
0x7b: {  	_ =	shalt  }
0x7c: {  	_ =	shalt  }
0x7d: {  	_ =	shalt  }
0x7e: {  	_ =	shalt  }
0x7f: {  	_ =	shalt  }
0x80: {  	_ =	shalt  }
0x81: {  	_ =	shalt  }
0x82: {  	_ =	shalt  }
0x83: {  	_ =	shalt  }
0x84: {  	_ =	shalt  }
0x85: {  	_ =	shalt  }
0x86: {  	_ =	shalt  }
0x87: {  	_ =	shalt  }
.Lfunc_end0:
.L_simem_size_0:
called_computation_lowered:
.L_overlay_start_0:
0x88: {  	s2 =	sld [smem:$0x3FD9]  }
0x89: {  	s3 =	sld [smem:$0x3FFE];
	_ =	sdelay $0x1  }
0x8a: {  	s1 =	srdreg.scid  }
0x8b: {  	s0 =	sand.u32 $0x1, s1  }
0x8c: {  	s17 =	sshll.u32 s0, $0xA;
	s2 =	sadd.s32 s3, s2  }
0x8d: {  	s2 =	sadd.s32 s2, s17  }
0x8e: {  	[smem:$0x3FA1] =	sst s2  }
0x8f: {  	_ = 	snop  }
0x90: {  	s2 =	sld [smem:$0x3FD0];
	(tm) =	ssettm $0x1  }
0x91: {  	s18 =	sld [smem:$0x3FFB];
	_ =	sdelay $0x3  }
0x92: {  	_ =	strace s18  }
0x93: {  	s3 =	sld [smem:$0x3FFC];
	_ =	sdelay $0x3  }
0x94: {  	_ =	strace s3  }
0x95: {  	s3 =	sld [smem:$0x3FFD];
	_ =	sdelay $0x3  }
0x96: {  	_ =	strace s3  }
0x97: {  	_ =	strace $0x8FFFFFFF  }
0x98: {  	s19 =	sld [smem:$0x3FDB];
	_ =	sdelay $0x1  }
0x99: {  	s4 =	simm.s32 $_scs_section_size  }
0x9a: {  	s5 =	simm.s32 $_size__tile_overlayer_lowered;
	s6 =	simm.s32 $_tile_overlayer_lowered  }
0x9b: {  	s22 =	simm.s32 $0x1BFF;
	s21 =	sshll.u32 s6, $0x1;
	s3 =	sadd.s32 s4, s19  }
0x9c: {  	s7 =	simm.s32 $0x0;
	s20 =	sshll.u32 s5, $0x1;
	s5 =	sadd.s32 s21, s3  }
0x9d: {  	[timem:s7], [sflag:s22] =	dma.local [hbm:s5], s20  }
0x9e: {  	_ =	swait.ge [sflag:s22], s20  }
0x9f: {  	s4 =	ssub.s32 $0x0, s20;
	[sflag:s22] =	ssyncset.done $0x0  }
0xa0: {  	[sflag:s22] =	ssyncadd.s32 s4;
	_ =	sdelay $0x1  }
0xa1: {  	s23 =	simm.s32 $0x1B8B  }
0xa2: {  	_ =	swait.ge [sflag:s23], $0x1  }
0xa3: {  	[sflag:s23] =	ssyncset.done $0x0  }
0xa4: {  	s25 =	simm.s32 $0x1B8E;
	s24 =	sld [smem:$0x3FFE];
	[sflag:s23] =	ssyncadd.s32 $0xFFFFFFFF  }
0xa5: {  	s26 =	simm.s32 $execute0_lowered;
	[smem:$0x3FD2] =	sst s25  }
0xa6: {  	s5 =	sshll.u32 s26, $0x1;
	_ =	strace $0x80000046;
	[dreg:$0x1] =	wrdreg $0xFFFFFFFF  }
0xa7: {  	s28 =	simm.s32 $_size_execute0_lowered;
	s3 =	sadd.s32 s3, s5;
	[dreg:$0x0] =	wrdreg $0x0  }
0xa8: {  	s5 =	sshll.u32 s28, $0x1;
	[dreg:$0x2] =	wrdreg s3  }
0xa9: {  	[dreg:$0x3] =	wrdreg s5  }
0xaa: {  	[dreg:$0x4] =	wrdreg $0xC0  }
0xab: {  	_ =	task [dreg:s7], $0x5FFFF  }
0xac: {  	[dreg:$0x1] =	wrdreg $0xFFFFFFFF  }
0xad: {  	[dreg:$0x0] =	wrdreg $0x60  }
0xae: {  	[dreg:$0x2] =	wrdreg s24  }
0xaf: {  	[dreg:$0x3] =	wrdreg s2  }
0xb0: {  	[dreg:$0x4] =	wrdreg $0x9  }
0xb1: {  	_ =	task.clear_ibuf [dreg:s7], $0x5FFFF;
	_ =	strace $0x90000046  }
0xb2: {  	s29 =	simm.s32 $0x9;
	_ =	strace $0x80000048  }
0xb3: {  	_ =	swait.ge [sflag:s29], $0x1  }
0xb4: {  	[sflag:s29] =	ssyncadd.s32 $0xFFFFFFFF  }
0xb5: {  	_ =	strace $0x90000048  }
0xb6: {  	_ =	sfence  }
0xb7: {  	s30 =	sld [smem:$0x0];
	_ =	sdelay $0x2  }
0xb8: {  	s31 =	sshll.u32 s1, $0xD;
	s1 =	sshrl.u32 s1, $0x2  }
0xb9: {  	s3 =	sand.u32 $0x4000, s31;
	s1 =	sadd.s32 s1, s30  }
0xba: {  	s0 =	sor.u32 s3, s0;
	s1 =	sshll.u32 s1, $0x11  }
0xbb: {  	s0 =	sor.u32 s1, s0  }
0xbc: {  	s0 =	sadd.s32 $0x8F2B, s0  }
0xbd: {  	[sflag:s0] =	ssyncadd.remote.s32 $0x1  }
0xbe: {  	_ =	sfence.sel $0xFFFF  }
0xbf: {  	[dreg:$0x0] =	wrdreg $0xFFFFFFFF;
	(pc) =	sbr.abs _section_cstart, $3  }
0xc0: {  	[dreg:$0x1] =	wrdreg $0xFFFFFFFF  }
0xc1: {  	_ =	task.clear_ibuf [dreg:s7], $0x2FFFF;
	_ =	strace $0x9FFFFFFF  }
0xc2: {  	(tm) =	ssettm $0x7FFFFFFF  }
0xc3: {  	_ =	shalt  }
tec
execute0_lowered:
.L_overlay_start_1:
0x0: {  	(tag) =	ssettag $0x1  }
0x1: {  	s5 =	rddreg [dreg:$0x0]  }
0x2: {  	s7 =	rddreg [dreg:$0x1]  }
0x3: {  	s0 =	rddreg [dreg:$0x2];
	s2 =	simm.s32 $0x0  }
0x4: {  	s3 =	srdreg.scid;
	s1 =	stileid.u32;
	s11 =	simm.s32 $0x1900  }
0x5: {  	s12 =	simm.s32 $0x19000;
	s13 =	simm.s32 $0x17980;
	s14 =	simm.s32 $0xEB00  }
0x6: {  	s15 =	simm.s32 $0x0;
	[smem:$0x7FF] =	sst s2;
	s4 =	sand.u32 $0x1, s3  }
0x7: {  	s6 =	sshll.u32 s1, $0x1;
	s3 =	sadd.s32 $0x194A00, s5;
	_ =	strace $0x80000047  }
0x8: {  	s8 =	ssub.s32 $0x2, s4;
	s6 =	sor.u32 s4, s6;
	s4 =	sadd.s32 $0x7C00, s5  }
0x9: {  	s5 =	sadd.s32 $0xE000, s5;
	s9 =	sshrl.u32 s8, $0x1;
	s10 =	smul.u32 $0x1D60, s6  }
0xa: {  	s6 =	smul.u32 $0x32000, s6;
	s8 =	ssub.s32 s8, s9;
	s9 =	simm.s32 $0x1  }
0xb: {  	vm0 =	vmmov $0xffff;
	v0 =	vlaneseq.u32;
	v1 =	vimm.s32 $0x0;
	s7 =	sadd.s32 s7, s10;
	s8 =	smax.u32 s8, $0x1;
	s10 =	simm.s32 $0x16080  }
.LBB2_1:
0xc: {  	[tilespmem:s2], [sflag:$0x1] =	stream.linear.gather [hbm4b:s5+s2], $0xEB00, $0x38;
	[tilespmem:$0x1AB80] =	vst v63  }
0xd: {  	_ =	swait.ge [sflag:s9], $0xEB00  }
0xe: {  	[sflag:s9] =	ssyncset.done $0x0  }
0xf: {  	s16 =	simm.s32 $0x0;
	[sflag:s9] =	ssyncadd.s32 $0xFFFF1500  }
.LBB2_2:
0x10: {  	s17 =	smul.u32 $0x320, s16;
	_ =	sdelay $0x1  }
0x11: {  	s19 =	smul.u32 $0x1900, s16;
	s18 =	sadd.s32 s4, s17;
	s17 =	simm.s32 $0x0  }
0x12: {  	[tilespmem:s10], [sflag:$0x1] =	stream.linear.gather [hbm4b:s18+s17], $0x1900, $0x38;
	[tilespmem:$0x1AB80] =	vst v63  }
0x13: {  	s31 =	sadd.s32 s6, s19;
	_ =	swait.ge [sflag:s9], $0x1900  }
0x14: {  	s18 =	sshrl.u32 s31, $0x3;
	[sflag:s9] =	ssyncset.done $0x0  }
0x15: {  	s18 =	sadd.s32 s3, s18;
	[sflag:s9] =	ssyncadd.s32 $0xFFFFE700  }
0x16: {  	[tilespmem:s13], [sflag:$0x1] =	stream.strided.gather [hbm4b:s18+s11], $0x3200, s12, s11, $0x38;
	[tilespmem:$0x1AB80] =	vst v63  }
0x17: {  	_ =	swait.ge [sflag:s9], $0x3200  }
0x18: {  	[sflag:s9] =	ssyncset.done $0x0  }
0x19: {  	[sflag:s9] =	ssyncadd.s32 $0xFFFFCE00  }
.LBB2_3:
0x1a: {  	s18 =	sshll.u32 s17, $0x7  }
0x1b: {  	v2 =	vld [tilespmem:s18+$0x16080];
	_ =	sdelay $0x1  }
0x1c: {  	vm1 =	vmmov vm0;
	_ =	sdelay $0x3  }
0x1d: {  	v3 =	vld [tilespmem:s18+$0x17980]  }
0x1e: {  	v4 =	vld [tilespmem:s18+$0x19280];
	v5 =	vadd.s32 $0x7580, v2  }
.LBB2_4:
0x1f: {  	[tilespmem:v2+s14+$0x0] =	vst.idx.msk vm1, v0  }
0x20: {  	v6 =	vld.idx.msk [tilespmem:v2+s14+$0x0], $0xffff;
	_ =	sdelay $0x4  }
0x21: {  	vm2 =	veq.s32 v6, v0  }
0x22: {  	vm2 =	vmand vm1, vm2  }
0x23: {  	vm1 =	vmxor vm1, vm2  }
0x24: {  	v6 =	vsel vm1, $0x1, v1  }
0x25: {  	v6 =	vor.u32 $0x80000000, v6  }
0x26: {  	(xrf0) =	vmax.scan.msk.u32 $0xffff, v6;
	_ =	sdelay $0x5  }
0x27: {  	v6, _, _ =	vpop (xrf0)  }
0x28: {  	(v2sf) =	vpush v6, $0xF;
	_ =	sdelay $0x7  }
0x29: {  	v6 =	vld.idx.msk [tilespmem:v2+s2+$0x0], $0xffff;
	_ =	sdelay $0x4  }
0x2a: {  	v6 =	vmax.f32 v6, v3  }
0x2b: {  	[tilespmem:v2+s2+$0x0] =	vst.idx.msk vm2, v6  }
0x2c: {  	v6 =	vld.idx.msk [tilespmem:v5+s2+$0x0], $0xffff;
	s19 =	spop (v2sf)  }
0x2d: {  	p0 =	sgt.u32 s19, $0x80000000  }
.Ltmp0:
0x2e: {  	_ = 	snop;
	(pc) =	sbr.rel @p0 .LBB2_4-.Ltmp0, $3  }
0x2f: {  	_ =	sdelay $0x1  }
0x30: {  	v6 =	vmax.f32 v6, v4  }
0x31: {  	[tilespmem:v5+s2+$0x0] =	vst.idx.msk vm2, v6  }
0x32: {  	v2 =	vld [tilespmem:s18+$0x16090];
	_ =	sdelay $0x1  }
0x33: {  	vm1 =	vmmov vm0;
	_ =	sdelay $0x3  }
0x34: {  	v3 =	vld [tilespmem:s18+$0x17990]  }
0x35: {  	v4 =	vld [tilespmem:s18+$0x19290];
	v5 =	vadd.s32 $0x7580, v2  }
.LBB2_6:
0x36: {  	[tilespmem:v2+s14+$0x0] =	vst.idx.msk vm1, v0  }
0x37: {  	v6 =	vld.idx.msk [tilespmem:v2+s14+$0x0], $0xffff;
	_ =	sdelay $0x4  }
0x38: {  	vm2 =	veq.s32 v6, v0  }
0x39: {  	vm2 =	vmand vm1, vm2  }
0x3a: {  	vm1 =	vmxor vm1, vm2  }
0x3b: {  	v6 =	vsel vm1, $0x1, v1  }
0x3c: {  	v6 =	vor.u32 $0x80000000, v6  }
0x3d: {  	(xrf0) =	vmax.scan.msk.u32 $0xffff, v6;
	_ =	sdelay $0x5  }
0x3e: {  	v6, _, _ =	vpop (xrf0)  }
0x3f: {  	(v2sf) =	vpush v6, $0xF;
	_ =	sdelay $0x7  }
0x40: {  	v6 =	vld.idx.msk [tilespmem:v2+s2+$0x0], $0xffff;
	_ =	sdelay $0x4  }
0x41: {  	v6 =	vmax.f32 v6, v3  }
0x42: {  	[tilespmem:v2+s2+$0x0] =	vst.idx.msk vm2, v6  }
0x43: {  	v6 =	vld.idx.msk [tilespmem:v5+s2+$0x0], $0xffff;
	s19 =	spop (v2sf)  }
0x44: {  	p0 =	sgt.u32 s19, $0x80000000  }
.Ltmp1:
0x45: {  	_ = 	snop;
	(pc) =	sbr.rel @p0 .LBB2_6-.Ltmp1, $3  }
0x46: {  	_ =	sdelay $0x1  }
0x47: {  	v6 =	vmax.f32 v6, v4  }
0x48: {  	[tilespmem:v5+s2+$0x0] =	vst.idx.msk vm2, v6  }
0x49: {  	v2 =	vld [tilespmem:s18+$0x160A0];
	_ =	sdelay $0x1  }
0x4a: {  	vm1 =	vmmov vm0;
	_ =	sdelay $0x3  }
0x4b: {  	v3 =	vld [tilespmem:s18+$0x179A0]  }
0x4c: {  	v4 =	vld [tilespmem:s18+$0x192A0];
	v5 =	vadd.s32 $0x7580, v2  }
.LBB2_8:
0x4d: {  	[tilespmem:v2+s14+$0x0] =	vst.idx.msk vm1, v0  }
0x4e: {  	v6 =	vld.idx.msk [tilespmem:v2+s14+$0x0], $0xffff;
	_ =	sdelay $0x4  }
0x4f: {  	vm2 =	veq.s32 v6, v0  }
0x50: {  	vm2 =	vmand vm1, vm2  }
0x51: {  	vm1 =	vmxor vm1, vm2  }
0x52: {  	v6 =	vsel vm1, $0x1, v1  }
0x53: {  	v6 =	vor.u32 $0x80000000, v6  }
0x54: {  	(xrf0) =	vmax.scan.msk.u32 $0xffff, v6;
	_ =	sdelay $0x5  }
0x55: {  	v6, _, _ =	vpop (xrf0)  }
0x56: {  	(v2sf) =	vpush v6, $0xF;
	_ =	sdelay $0x7  }
0x57: {  	v6 =	vld.idx.msk [tilespmem:v2+s2+$0x0], $0xffff;
	_ =	sdelay $0x4  }
0x58: {  	v6 =	vmax.f32 v6, v3  }
0x59: {  	[tilespmem:v2+s2+$0x0] =	vst.idx.msk vm2, v6  }
0x5a: {  	v6 =	vld.idx.msk [tilespmem:v5+s2+$0x0], $0xffff;
	s19 =	spop (v2sf)  }
0x5b: {  	p0 =	sgt.u32 s19, $0x80000000  }
.Ltmp2:
0x5c: {  	_ = 	snop;
	(pc) =	sbr.rel @p0 .LBB2_8-.Ltmp2, $3  }
0x5d: {  	_ =	sdelay $0x1  }
0x5e: {  	v6 =	vmax.f32 v6, v4  }
0x5f: {  	[tilespmem:v5+s2+$0x0] =	vst.idx.msk vm2, v6  }
0x60: {  	v2 =	vld [tilespmem:s18+$0x160B0];
	_ =	sdelay $0x1  }
0x61: {  	vm1 =	vmmov vm0;
	_ =	sdelay $0x3  }
0x62: {  	v3 =	vld [tilespmem:s18+$0x179B0]  }
0x63: {  	v4 =	vld [tilespmem:s18+$0x192B0];
	v5 =	vadd.s32 $0x7580, v2  }
.LBB2_10:
0x64: {  	[tilespmem:v2+s14+$0x0] =	vst.idx.msk vm1, v0  }
0x65: {  	v6 =	vld.idx.msk [tilespmem:v2+s14+$0x0], $0xffff;
	_ =	sdelay $0x4  }
0x66: {  	vm2 =	veq.s32 v6, v0  }
0x67: {  	vm2 =	vmand vm1, vm2  }
0x68: {  	vm1 =	vmxor vm1, vm2  }
0x69: {  	v6 =	vsel vm1, $0x1, v1  }
0x6a: {  	v6 =	vor.u32 $0x80000000, v6  }
0x6b: {  	(xrf0) =	vmax.scan.msk.u32 $0xffff, v6;
	_ =	sdelay $0x5  }
0x6c: {  	v6, _, _ =	vpop (xrf0)  }
0x6d: {  	(v2sf) =	vpush v6, $0xF;
	_ =	sdelay $0x7  }
0x6e: {  	v6 =	vld.idx.msk [tilespmem:v2+s2+$0x0], $0xffff;
	_ =	sdelay $0x4  }
0x6f: {  	v6 =	vmax.f32 v6, v3  }
0x70: {  	[tilespmem:v2+s2+$0x0] =	vst.idx.msk vm2, v6  }
0x71: {  	v6 =	vld.idx.msk [tilespmem:v5+s2+$0x0], $0xffff;
	s19 =	spop (v2sf)  }
0x72: {  	p0 =	sgt.u32 s19, $0x80000000  }
.Ltmp3:
0x73: {  	_ = 	snop;
	(pc) =	sbr.rel @p0 .LBB2_10-.Ltmp3, $3  }
0x74: {  	_ =	sdelay $0x1  }
0x75: {  	v6 =	vmax.f32 v6, v4  }
0x76: {  	[tilespmem:v5+s2+$0x0] =	vst.idx.msk vm2, v6  }
0x77: {  	v2 =	vld [tilespmem:s18+$0x160C0];
	_ =	sdelay $0x1  }
0x78: {  	vm1 =	vmmov vm0;
	_ =	sdelay $0x3  }
0x79: {  	v3 =	vld [tilespmem:s18+$0x179C0]  }
0x7a: {  	v4 =	vld [tilespmem:s18+$0x192C0];
	v5 =	vadd.s32 $0x7580, v2  }
.LBB2_12:
0x7b: {  	[tilespmem:v2+s14+$0x0] =	vst.idx.msk vm1, v0  }
0x7c: {  	v6 =	vld.idx.msk [tilespmem:v2+s14+$0x0], $0xffff;
	_ =	sdelay $0x4  }
0x7d: {  	vm2 =	veq.s32 v6, v0  }
0x7e: {  	vm2 =	vmand vm1, vm2  }
0x7f: {  	vm1 =	vmxor vm1, vm2  }
0x80: {  	v6 =	vsel vm1, $0x1, v1  }
0x81: {  	v6 =	vor.u32 $0x80000000, v6  }
0x82: {  	(xrf0) =	vmax.scan.msk.u32 $0xffff, v6;
	_ =	sdelay $0x5  }
0x83: {  	v6, _, _ =	vpop (xrf0)  }
0x84: {  	(v2sf) =	vpush v6, $0xF;
	_ =	sdelay $0x7  }
0x85: {  	v6 =	vld.idx.msk [tilespmem:v2+s2+$0x0], $0xffff;
	_ =	sdelay $0x4  }
0x86: {  	v6 =	vmax.f32 v6, v3  }
0x87: {  	[tilespmem:v2+s2+$0x0] =	vst.idx.msk vm2, v6  }
0x88: {  	v6 =	vld.idx.msk [tilespmem:v5+s2+$0x0], $0xffff;
	s19 =	spop (v2sf)  }
0x89: {  	p0 =	sgt.u32 s19, $0x80000000  }
.Ltmp4:
0x8a: {  	_ = 	snop;
	(pc) =	sbr.rel @p0 .LBB2_12-.Ltmp4, $3  }
0x8b: {  	_ =	sdelay $0x1  }
0x8c: {  	v6 =	vmax.f32 v6, v4  }
0x8d: {  	[tilespmem:v5+s2+$0x0] =	vst.idx.msk vm2, v6  }
0x8e: {  	v2 =	vld [tilespmem:s18+$0x160D0];
	_ =	sdelay $0x1  }
0x8f: {  	vm1 =	vmmov vm0;
	_ =	sdelay $0x3  }
0x90: {  	v3 =	vld [tilespmem:s18+$0x179D0]  }
0x91: {  	v4 =	vld [tilespmem:s18+$0x192D0];
	v5 =	vadd.s32 $0x7580, v2  }
.LBB2_14:
0x92: {  	[tilespmem:v2+s14+$0x0] =	vst.idx.msk vm1, v0  }
0x93: {  	v6 =	vld.idx.msk [tilespmem:v2+s14+$0x0], $0xffff;
	_ =	sdelay $0x4  }
0x94: {  	vm2 =	veq.s32 v6, v0  }
0x95: {  	vm2 =	vmand vm1, vm2  }
0x96: {  	vm1 =	vmxor vm1, vm2  }
0x97: {  	v6 =	vsel vm1, $0x1, v1  }
0x98: {  	v6 =	vor.u32 $0x80000000, v6  }
0x99: {  	(xrf0) =	vmax.scan.msk.u32 $0xffff, v6;
	_ =	sdelay $0x5  }
0x9a: {  	v6, _, _ =	vpop (xrf0)  }
0x9b: {  	(v2sf) =	vpush v6, $0xF;
	_ =	sdelay $0x7  }
0x9c: {  	v6 =	vld.idx.msk [tilespmem:v2+s2+$0x0], $0xffff;
	_ =	sdelay $0x4  }
0x9d: {  	v6 =	vmax.f32 v6, v3  }
0x9e: {  	[tilespmem:v2+s2+$0x0] =	vst.idx.msk vm2, v6  }
0x9f: {  	v6 =	vld.idx.msk [tilespmem:v5+s2+$0x0], $0xffff;
	s19 =	spop (v2sf)  }
0xa0: {  	p0 =	sgt.u32 s19, $0x80000000  }
.Ltmp5:
0xa1: {  	_ = 	snop;
	(pc) =	sbr.rel @p0 .LBB2_14-.Ltmp5, $3  }
0xa2: {  	_ =	sdelay $0x1  }
0xa3: {  	v6 =	vmax.f32 v6, v4  }
0xa4: {  	[tilespmem:v5+s2+$0x0] =	vst.idx.msk vm2, v6  }
0xa5: {  	v2 =	vld [tilespmem:s18+$0x160E0];
	_ =	sdelay $0x1  }
0xa6: {  	vm1 =	vmmov vm0;
	_ =	sdelay $0x3  }
0xa7: {  	v3 =	vld [tilespmem:s18+$0x179E0]  }
0xa8: {  	v4 =	vld [tilespmem:s18+$0x192E0];
	v5 =	vadd.s32 $0x7580, v2  }
.LBB2_16:
0xa9: {  	[tilespmem:v2+s14+$0x0] =	vst.idx.msk vm1, v0  }
0xaa: {  	v6 =	vld.idx.msk [tilespmem:v2+s14+$0x0], $0xffff;
	_ =	sdelay $0x4  }
0xab: {  	vm2 =	veq.s32 v6, v0  }
0xac: {  	vm2 =	vmand vm1, vm2  }
0xad: {  	vm1 =	vmxor vm1, vm2  }
0xae: {  	v6 =	vsel vm1, $0x1, v1  }
0xaf: {  	v6 =	vor.u32 $0x80000000, v6  }
0xb0: {  	(xrf0) =	vmax.scan.msk.u32 $0xffff, v6;
	_ =	sdelay $0x5  }
0xb1: {  	v6, _, _ =	vpop (xrf0)  }
0xb2: {  	(v2sf) =	vpush v6, $0xF;
	_ =	sdelay $0x7  }
0xb3: {  	v6 =	vld.idx.msk [tilespmem:v2+s2+$0x0], $0xffff;
	_ =	sdelay $0x4  }
0xb4: {  	v6 =	vmax.f32 v6, v3  }
0xb5: {  	[tilespmem:v2+s2+$0x0] =	vst.idx.msk vm2, v6  }
0xb6: {  	v6 =	vld.idx.msk [tilespmem:v5+s2+$0x0], $0xffff;
	s19 =	spop (v2sf)  }
0xb7: {  	p0 =	sgt.u32 s19, $0x80000000  }
.Ltmp6:
0xb8: {  	_ = 	snop;
	(pc) =	sbr.rel @p0 .LBB2_16-.Ltmp6, $3  }
0xb9: {  	_ =	sdelay $0x1  }
0xba: {  	v6 =	vmax.f32 v6, v4  }
0xbb: {  	[tilespmem:v5+s2+$0x0] =	vst.idx.msk vm2, v6  }
0xbc: {  	v2 =	vld [tilespmem:s18+$0x160F0];
	_ =	sdelay $0x1  }
0xbd: {  	vm1 =	vmmov vm0;
	_ =	sdelay $0x3  }
0xbe: {  	v3 =	vld [tilespmem:s18+$0x179F0]  }
0xbf: {  	v4 =	vld [tilespmem:s18+$0x192F0];
	v5 =	vadd.s32 $0x7580, v2  }
.LBB2_18:
0xc0: {  	[tilespmem:v2+s14+$0x0] =	vst.idx.msk vm1, v0  }
0xc1: {  	v6 =	vld.idx.msk [tilespmem:v2+s14+$0x0], $0xffff;
	_ =	sdelay $0x4  }
0xc2: {  	vm2 =	veq.s32 v6, v0  }
0xc3: {  	vm2 =	vmand vm1, vm2  }
0xc4: {  	vm1 =	vmxor vm1, vm2  }
0xc5: {  	v6 =	vsel vm1, $0x1, v1  }
0xc6: {  	v6 =	vor.u32 $0x80000000, v6  }
0xc7: {  	(xrf0) =	vmax.scan.msk.u32 $0xffff, v6;
	_ =	sdelay $0x5  }
0xc8: {  	v6, _, _ =	vpop (xrf0)  }
0xc9: {  	(v2sf) =	vpush v6, $0xF;
	_ =	sdelay $0x7  }
0xca: {  	v6 =	vld.idx.msk [tilespmem:v2+s2+$0x0], $0xffff;
	_ =	sdelay $0x4  }
0xcb: {  	v6 =	vmax.f32 v6, v3  }
0xcc: {  	[tilespmem:v2+s2+$0x0] =	vst.idx.msk vm2, v6  }
0xcd: {  	v6 =	vld.idx.msk [tilespmem:v5+s2+$0x0], $0xffff;
	s18 =	spop (v2sf)  }
0xce: {  	p0 =	sgt.u32 s18, $0x80000000  }
.Ltmp7:
0xcf: {  	_ = 	snop;
	(pc) =	sbr.rel @p0 .LBB2_18-.Ltmp7, $3  }
0xd0: {  	_ =	sdelay $0x1  }
0xd1: {  	v6 =	vmax.f32 v6, v4  }
0xd2: {  	[tilespmem:v5+s2+$0x0] =	vst.idx.msk vm2, v6  }
0xd3: {  	s17 =	sadd.s32 $0x1, s17  }
0xd4: {  	p0 =	sne.s32 s17, $0x32  }
.Ltmp8:
0xd5: {  	_ = 	snop;
	(pc) =	sbr.rel @p0 .LBB2_3-.Ltmp8, $1  }
0xd6: {  	_ =	sdelay $0x3  }
0xd7: {  	s16 =	sadd.s32 $0x1, s16  }
0xd8: {  	p0 =	sne.s32 s16, $0x10  }
.Ltmp9:
0xd9: {  	_ = 	snop;
	(pc) =	sbr.rel @p0 .LBB2_2-.Ltmp9, $1  }
0xda: {  	_ =	sdelay $0x3  }
0xdb: {  	s15 =	sadd.s32 $0x1, s15  }
0xdc: {  	p0 =	sne.s32 s15, s8  }
.Ltmp10:
0xdd: {  	_ = 	snop;
	(pc) =	sbr.rel @p0 .LBB2_1-.Ltmp10, $4  }
0xde: {  	[hbm4b:s7+s2] =	stream.linear.scatter [tilespmem:s2], [sflag:$0x1], $0xEB00, $0x38;
	[tilespmem:$0x1AB80] =	vst v63  }
0xdf: {  	_ =	swait.ge [sflag:s9], $0xEB00  }
0xe0: {  	[sflag:s9] =	ssyncset.done $0x0  }
0xe1: {  	[sflag:s9] =	ssyncadd.s32 $0xFFFF1500  }
0xe2: {  	_ =	sfence.sel $0x180000  }
0xe3: {  	[bflag:$0x0] =	sbarrier.arrive $0xFFFF  }
0xe4: {  	p0 =	sne.s32 s1, $0x0;
	_ =	strace $0x90000047  }
0xe5: {  	s0 =	sadd.s32 @!p0 $0x100000, s0;
	[bflag:$0x2] =	sbarrier.arrive $0xFFFF  }
0xe6: {  	[sflag:s0] =	ssyncadd.tile.s32 @!p0 $0x1;
	_ =	shalt  }
.Lfunc_end2:
_tile_overlayer_lowered:
.L_overlay_start_2:
0xe7: {  	(tag) =	ssettag $0x2  }
0xe8: {  	s0 =	rddreg [dreg:$0x0];
	s2 =	stileid.u32  }
0xe9: {  	s1 =	rddreg [dreg:$0x1];
	p0 =	sne.s32 s2, $0x0  }
0xea: {  	s3 =	rddreg [dreg:$0x2];
	[bflag:$0x3] =	sbarrier.arrive $0xFFFF;
	s2 =	simm.s32 @!p0 $0x1C01  }
0xeb: {  	[timem:s3], [sflag:s2] =	dma.local @!p0 [hbm:s0], s1  }
0xec: {  	s0 =	simm.s32 @!p0 $0x1  }
0xed: {  	_ =	swait.ge @!p0 [sflag:s0], s1  }
0xee: {  	s1 =	ssub.s32 @!p0 $0x0, s1;
	[sflag:s0] =	ssyncset.done @!p0 $0x0  }
0xef: {  	[sflag:s0] =	ssyncadd.s32 @!p0 s1  }
0xf0: {  	[bflag:$0x3] =	sbarrier.arrive $0xFFFF  }
0xf1: {  	_ =	shalt  }

// kernel: kernel.21.cloned.1.call-start
scs
__scs_entry_jumppad:
0x0: {  	(pc) =	sbr.rel $0x88, $3  }
0x1: {  	(tag) =	ssettag $0x0;
	lr =	simm.s32 $0x1  }
0x2: {  	[smem:$0x3F7A] =	sst lr;
	_ =	strace $0xD0000000  }
0x3: {  	_ = 	snop  }
0x4: {  	_ = 	snop  }
0x5: {  	_ = 	snop  }
0x6: {  	_ = 	snop  }
0x7: {  	_ = 	snop  }
__scs_overlays_trampoline_lowered:
0x8: {  	[smem:$0x3F89] =	sst s0  }
0x9: {  	[smem:$0x3F8A] =	sst s1  }
0xa: {  	[smem:$0x3F8B] =	sst s2  }
0xb: {  	[smem:$0x3F8C] =	sst s3  }
0xc: {  	[smem:$0x3F8D] =	sst s4  }
0xd: {  	[smem:$0x3F8E] =	sst s5  }
0xe: {  	[smem:$0x3F8F] =	sst s6  }
0xf: {  	[smem:$0x3F90] =	sst s7  }
0x10: {  	[smem:$0x3F91] =	sst s8  }
0x11: {  	[smem:$0x3F92] =	sst s9;
	s0 =	simm.s32 @!p0 $0x0  }
0x12: {  	s1 =	sld [smem:$0x3F78];
	s0 =	simm.s32 @p0 $0x1  }
0x13: {  	[smem:$0x3F93] =	sst s0;
	s0 =	simm.s32 @!p1 $0x0  }
0x14: {  	s2 =	sld [smem:$0x3F77];
	s0 =	simm.s32 @p1 $0x1  }
0x15: {  	[smem:$0x3F94] =	sst s0;
	s0 =	simm.s32 @!p2 $0x0  }
0x16: {  	s3 =	sld [smem:$0x3FDB];
	s0 =	simm.s32 @p2 $0x1  }
0x17: {  	s4 =	simm.s32 $0x1BF5;
	[smem:$0x3F96] =	sst s0  }
0x18: {  	s0 =	sld [smem:$0x3F79];
	_ =	swait.ge [sflag:s4], $0x0  }
0x19: {  	s7 =	sld [smem:$0x3F7A]  }
0x1a: {  	s8 =	sadd.s32 $0xFFFFE003, lr  }
0x1b: {  	s9 =	sadd.s32 $0xFFFFFEF7, lr;
	s5 =	simm.s32 $0xFFFFFFFF;
	p2 =	slt.u32 s8, $0xFFFFF086  }
0x1c: {  	p1 =	slt.u32 s9, $0xF7A;
	s5 =	simm.s32 @!p2 $0x0  }
0x1d: {  	s5 =	simm.s32 @p1 $0x1;
	p0 =	seq.s32 s7, s2  }
0x1e: {  	s7 =	smul.u32 @!p0 $0xF7A, s2;
	p2 =	seq.s32 @!p0 s5, $0x0  }
0x1f: {  	s9 =	smul.u32 $0xF7A, s1;
	s8 =	simm.s32 @!p0 $0x1BF5;
	p2 =	por !p2, p0  }
0x20: {  	[sflag:s8] =	ssyncset.s32 @!p0 $0xFFFFF086;
	s6 =	sadd.s32 @!p0 s3, s7;
	s7 =	simm.s32 @!p0 $0x108  }
0x21: {  	s3 =	sadd.s32 s3, s9;
	s6 =	sadd.s32 @!p0 $0x88, s6;
	s7 =	simm.s32 @p2 $0x1082  }
0x22: {  	[simem:s7], [sflag:s8] =	dma.local @!p0 [hbm:s6], $0xF7A  }
0x23: {  	s9 =	sor.u32 $0xD0000000, s2;
	s6 =	simm.s32 $0x108;
	_ =	swait.ge @!p0 [sflag:s8], $0x0  }
0x24: {  	s3 =	sadd.s32 $0x88, s3;
	s6 =	simm.s32 @!p1 $0x1082;
	[sflag:s4] =	ssyncset.s32 $0xFFFFF086  }
0x25: {  	[simem:s6], [sflag:s4] =	dma.local [hbm:s3], $0xF7A  }
0x26: {  	[smem:$0x3F7A] =	sst s1;
	(tag) =	ssettag s2;
	_ =	strace s9  }
0x27: {  	s1 =	sld [smem:$0x3F8A]  }
0x28: {  	s2 =	sld [smem:$0x3F8B]  }
0x29: {  	s4 =	sld [smem:$0x3F8D]  }
0x2a: {  	p0 =	seq.s32 s5, $0x0;
	s5 =	sld [smem:$0x3F8E]  }
0x2b: {  	s6 =	sld [smem:$0x3F8F]  }
0x2c: {  	s7 =	sld [smem:$0x3F90]  }
0x2d: {  	s3 =	simm.s32 $0x108;
	s8 =	sld [smem:$0x3F91]  }
0x2e: {  	s3 =	simm.s32 @!p0 $0x1082;
	s9 =	sld [smem:$0x3F92]  }
0x2f: {  	lr =	sadd.s32 s0, s3;
	s0 =	sld [smem:$0x3F89]  }
0x30: {  	s3 =	sld [smem:$0x3F8C]  }
0x31: {  	[smem:$0x3F95] =	sst s10  }
0x32: {  	s10 =	sld [smem:$0x3F93];
	_ =	sdelay $0x3  }
0x33: {  	p0 =	seq.s32 s10, $0x1;
	s10 =	sld [smem:$0x3F95];
	_ =	sdelay $0x3  }
0x34: {  	[smem:$0x3F95] =	sst s10  }
0x35: {  	s10 =	sld [smem:$0x3F94];
	_ =	sdelay $0x3  }
0x36: {  	p1 =	seq.s32 s10, $0x1;
	s10 =	sld [smem:$0x3F95];
	_ =	sdelay $0x3  }
0x37: {  	[smem:$0x3F95] =	sst s10  }
0x38: {  	s10 =	sld [smem:$0x3F96]  }
0x39: {  	_ = 	snop;
	(pc) =	sbr.ind lr, $3  }
0x3a: {  	_ = 	snop  }
0x3b: {  	_ = 	snop  }
0x3c: {  	p2 =	seq.s32 s10, $0x1;
	s10 =	sld [smem:$0x3F95]  }
0x3d: {  	_ =	shalt  }
0x3e: {  	_ =	shalt  }
0x3f: {  	_ =	shalt  }
0x40: {  	_ =	shalt  }
0x41: {  	_ =	shalt  }
0x42: {  	_ =	shalt  }
0x43: {  	_ =	shalt  }
0x44: {  	_ =	shalt  }
0x45: {  	_ =	shalt  }
0x46: {  	_ =	shalt  }
0x47: {  	_ =	shalt  }
0x48: {  	_ =	shalt  }
0x49: {  	_ =	shalt  }
0x4a: {  	_ =	shalt  }
0x4b: {  	_ =	shalt  }
0x4c: {  	_ =	shalt  }
0x4d: {  	_ =	shalt  }
0x4e: {  	_ =	shalt  }
0x4f: {  	_ =	shalt  }
0x50: {  	_ =	shalt  }
0x51: {  	_ =	shalt  }
0x52: {  	_ =	shalt  }
0x53: {  	_ =	shalt  }
0x54: {  	_ =	shalt  }
0x55: {  	_ =	shalt  }
0x56: {  	_ =	shalt  }
0x57: {  	_ =	shalt  }
0x58: {  	_ =	shalt  }
0x59: {  	_ =	shalt  }
0x5a: {  	_ =	shalt  }
0x5b: {  	_ =	shalt  }
0x5c: {  	_ =	shalt  }
0x5d: {  	_ =	shalt  }
0x5e: {  	_ =	shalt  }
0x5f: {  	_ =	shalt  }
0x60: {  	_ =	shalt  }
0x61: {  	_ =	shalt  }
0x62: {  	_ =	shalt  }
0x63: {  	_ =	shalt  }
0x64: {  	_ =	shalt  }
0x65: {  	_ =	shalt  }
0x66: {  	_ =	shalt  }
0x67: {  	_ =	shalt  }
0x68: {  	_ =	shalt  }
0x69: {  	_ =	shalt  }
0x6a: {  	_ =	shalt  }
0x6b: {  	_ =	shalt  }
0x6c: {  	_ =	shalt  }
0x6d: {  	_ =	shalt  }
0x6e: {  	_ =	shalt  }
0x6f: {  	_ =	shalt  }
0x70: {  	_ =	shalt  }
0x71: {  	_ =	shalt  }
0x72: {  	_ =	shalt  }
0x73: {  	_ =	shalt  }
0x74: {  	_ =	shalt  }
0x75: {  	_ =	shalt  }
0x76: {  	_ =	shalt  }
0x77: {  	_ =	shalt  }
0x78: {  	_ =	shalt  }
0x79: {  	_ =	shalt  }
0x7a: {  	_ =	shalt  }
0x7b: {  	_ =	shalt  }
0x7c: {  	_ =	shalt  }
0x7d: {  	_ =	shalt  }
0x7e: {  	_ =	shalt  }
0x7f: {  	_ =	shalt  }
0x80: {  	_ =	shalt  }
0x81: {  	_ =	shalt  }
0x82: {  	_ =	shalt  }
0x83: {  	_ =	shalt  }
0x84: {  	_ =	shalt  }
0x85: {  	_ =	shalt  }
0x86: {  	_ =	shalt  }
0x87: {  	_ =	shalt  }
.Lfunc_end0:
.L_simem_size_0:
called_computation.1_lowered:
.L_overlay_start_0:
0x88: {  	s2 =	sld [smem:$0x3FD9]  }
0x89: {  	s3 =	sld [smem:$0x3FFE];
	_ =	sdelay $0x1  }
0x8a: {  	s1 =	srdreg.scid  }
0x8b: {  	s0 =	sand.u32 $0x1, s1  }
0x8c: {  	s17 =	sshll.u32 s0, $0xA;
	s2 =	sadd.s32 s3, s2  }
0x8d: {  	s2 =	sadd.s32 s2, s17  }
0x8e: {  	[smem:$0x3FA1] =	sst s2  }
0x8f: {  	_ = 	snop  }
0x90: {  	s2 =	sld [smem:$0x3FD0];
	(tm) =	ssettm $0x1  }
0x91: {  	s18 =	sld [smem:$0x3FFB];
	_ =	sdelay $0x3  }
0x92: {  	_ =	strace s18  }
0x93: {  	s3 =	sld [smem:$0x3FFC];
	_ =	sdelay $0x3  }
0x94: {  	_ =	strace s3  }
0x95: {  	s3 =	sld [smem:$0x3FFD];
	_ =	sdelay $0x3  }
0x96: {  	_ =	strace s3  }
0x97: {  	_ =	strace $0x8FFFFFFF  }
0x98: {  	s19 =	sld [smem:$0x3FDB];
	_ =	sdelay $0x1  }
0x99: {  	s4 =	simm.s32 $_scs_section_size  }
0x9a: {  	s5 =	simm.s32 $_size__tile_overlayer_lowered;
	s6 =	simm.s32 $_tile_overlayer_lowered  }
0x9b: {  	s22 =	simm.s32 $0x1BFF;
	s21 =	sshll.u32 s6, $0x1;
	s3 =	sadd.s32 s4, s19  }
0x9c: {  	s7 =	simm.s32 $0x0;
	s20 =	sshll.u32 s5, $0x1;
	s5 =	sadd.s32 s21, s3  }
0x9d: {  	[timem:s7], [sflag:s22] =	dma.local [hbm:s5], s20  }
0x9e: {  	_ =	swait.ge [sflag:s22], s20  }
0x9f: {  	s4 =	ssub.s32 $0x0, s20;
	[sflag:s22] =	ssyncset.done $0x0  }
0xa0: {  	[sflag:s22] =	ssyncadd.s32 s4;
	_ =	sdelay $0x1  }
0xa1: {  	s23 =	simm.s32 $0x1B8B  }
0xa2: {  	_ =	swait.ge [sflag:s23], $0x1  }
0xa3: {  	[sflag:s23] =	ssyncset.done $0x0  }
0xa4: {  	s25 =	simm.s32 $0x1B8E;
	s24 =	sld [smem:$0x3FFE];
	[sflag:s23] =	ssyncadd.s32 $0xFFFFFFFF  }
0xa5: {  	s26 =	simm.s32 $execute0_lowered;
	[smem:$0x3FD2] =	sst s25  }
0xa6: {  	s5 =	sshll.u32 s26, $0x1;
	_ =	strace $0x80000049;
	[dreg:$0x1] =	wrdreg $0xFFFFFFFF  }
0xa7: {  	s28 =	simm.s32 $_size_execute0_lowered;
	s3 =	sadd.s32 s3, s5;
	[dreg:$0x0] =	wrdreg $0x0  }
0xa8: {  	s5 =	sshll.u32 s28, $0x1;
	[dreg:$0x2] =	wrdreg s3  }
0xa9: {  	[dreg:$0x3] =	wrdreg s5  }
0xaa: {  	[dreg:$0x4] =	wrdreg $0xC0  }
0xab: {  	_ =	task [dreg:s7], $0x5FFFF  }
0xac: {  	[dreg:$0x1] =	wrdreg $0xFFFFFFFF  }
0xad: {  	[dreg:$0x0] =	wrdreg $0x60  }
0xae: {  	[dreg:$0x2] =	wrdreg s24  }
0xaf: {  	[dreg:$0x3] =	wrdreg s2  }
0xb0: {  	[dreg:$0x4] =	wrdreg $0x104000  }
0xb1: {  	[dreg:$0x5] =	wrdreg $0x9  }
0xb2: {  	_ =	task.clear_ibuf [dreg:s7], $0x6FFFF;
	_ =	strace $0x90000049  }
0xb3: {  	s29 =	simm.s32 $0x9;
	_ =	strace $0x8000004B  }
0xb4: {  	_ =	swait.ge [sflag:s29], $0x1  }
0xb5: {  	[sflag:s29] =	ssyncadd.s32 $0xFFFFFFFF  }
0xb6: {  	_ =	strace $0x9000004B  }
0xb7: {  	_ =	sfence  }
0xb8: {  	s30 =	sld [smem:$0x0];
	_ =	sdelay $0x2  }
0xb9: {  	s31 =	sshll.u32 s1, $0xD;
	s1 =	sshrl.u32 s1, $0x2  }
0xba: {  	s3 =	sand.u32 $0x4000, s31;
	s1 =	sadd.s32 s1, s30  }
0xbb: {  	s0 =	sor.u32 s3, s0;
	s1 =	sshll.u32 s1, $0x11  }
0xbc: {  	s0 =	sor.u32 s1, s0  }
0xbd: {  	s0 =	sadd.s32 $0x8F2B, s0  }
0xbe: {  	[sflag:s0] =	ssyncadd.remote.s32 $0x1  }
0xbf: {  	_ =	sfence.sel $0xFFFF  }
0xc0: {  	[dreg:$0x0] =	wrdreg $0xFFFFFFFF;
	(pc) =	sbr.abs _section_cstart, $3  }
0xc1: {  	[dreg:$0x1] =	wrdreg $0xFFFFFFFF  }
0xc2: {  	_ =	task.clear_ibuf [dreg:s7], $0x2FFFF;
	_ =	strace $0x9FFFFFFF  }
0xc3: {  	(tm) =	ssettm $0x7FFFFFFF  }
tec
execute0_lowered:
.L_overlay_start_1:
0x0: {  	(tag) =	ssettag $0x1  }
0x1: {  	s9 =	rddreg [dreg:$0x0]  }
0x2: {  	s25 =	rddreg [dreg:$0x1]  }
0x3: {  	s2 =	rddreg [dreg:$0x2]  }
0x4: {  	s1 =	stileid.u32;
	s0 =	rddreg [dreg:$0x3]  }
0x5: {  	s3 =	simm.s32 $0x0;
	s5 =	srdreg.scid;
	s4 =	smul.u32 $0xA000, s1  }
0x6: {  	[smem:$0x7FF] =	sst s3;
	s26 =	sand.u32 $0x1, s5;
	s8 =	sshll.u32 s1, $0x1  }
0x7: {  	s31 =	sshll.u32 s1, $0x6;
	_ =	strace $0x8000004A;
	s6 =	sshrl.u32 s4, $0x3  }
0x8: {  	s5 =	sor.u32 $0x1C01, s31;
	s30 =	sadd.s32 s4, s2;
	s29 =	sadd.s32 s6, s9  }
0x9: {  	s7 =	sshrl.u32 s30, $0x3;
	s6 =	simm.s32 $0x1;
	s4 =	sadd.s32 $0x11E00, s29  }
0xa: {  	[spmem:s7], [sflag:s5] =	dma.local [hbm:s4], $0x1400  }
0xb: {  	s10 =	sor.u32 s26, s8;
	_ =	swait.ge [sflag:s6], $0x1400  }
0xc: {  	s8 =	sshll.u32 s10, $0x7;
	[sflag:s6] =	ssyncset.done $0x0  }
0xd: {  	s8 =	sadd.s32 s8, s9;
	[sflag:s6] =	ssyncadd.s32 $0xFFFFEC00  }
0xe: {  	s8 =	sadd.s32 $0xFE00, s8;
	[bflag:$0x0] =	sbarrier.arrive $0xFFFF  }
0xf: {  	[tilespmem:s3], [sflag:$0x1] =	stream.linear.gather [hbm4b:s8+s3], $0x400, $0x38;
	[tilespmem:$0x1A400] =	vst v63  }
0x10: {  	s10 =	sshll.u32 s10, $0xD;
	_ =	swait.ge [sflag:s6], $0x400  }
0x11: {  	s9 =	sadd.s32 s10, s9;
	[sflag:s6] =	ssyncset.done $0x0  }
0x12: {  	s10 =	simm.s32 $0x400;
	s9 =	sadd.s32 $0x111E00, s9;
	[sflag:s6] =	ssyncadd.s32 $0xFFFFFC00  }
0x13: {  	[tilespmem:s10], [sflag:$0x1] =	stream.linear.gather [hbm4b:s9+s3], $0x10000, $0x38;
	[tilespmem:$0x1A400] =	vst v63  }
0x14: {  	_ =	swait.ge [sflag:s6], $0x10000  }
0x15: {  	[sflag:s6] =	ssyncset.done $0x0  }
0x16: {  	s11 =	simm.s32 $0x80;
	[sflag:s6] =	ssyncadd.s32 $0xFFFF0000  }
0x17: {  	[spmem:s2] =	stream.indirect.scatter.add.f32 [tilespmem:s10], [sflag:$0x1], $0x40, s3, s11, $0xb8;
	[tilespmem:$0x1A400] =	vst v63  }
0x18: {  	_ =	swait.ge [sflag:s6], $0x2000  }
0x19: {  	[sflag:s6] =	ssyncset.done $0x0  }
0x1a: {  	s12 =	simm.s32 $0x2400;
	[sflag:s6] =	ssyncadd.s32 $0xFFFFE000  }
0x1b: {  	[spmem:s2] =	stream.indirect.scatter.add.f32 [tilespmem:s12], [sflag:$0x1], $0x40, s11, s11, $0xb8;
	[tilespmem:$0x1A400] =	vst v63  }
0x1c: {  	_ =	swait.ge [sflag:s6], $0x2000  }
0x1d: {  	[sflag:s6] =	ssyncset.done $0x0  }
0x1e: {  	s13 =	simm.s32 $0x100;
	s14 =	simm.s32 $0x4400;
	[sflag:s6] =	ssyncadd.s32 $0xFFFFE000  }
0x1f: {  	[spmem:s2] =	stream.indirect.scatter.add.f32 [tilespmem:s14], [sflag:$0x1], $0x40, s13, s11, $0xb8;
	[tilespmem:$0x1A400] =	vst v63  }
0x20: {  	_ =	swait.ge [sflag:s6], $0x2000  }
0x21: {  	[sflag:s6] =	ssyncset.done $0x0  }
0x22: {  	s15 =	simm.s32 $0x180;
	s16 =	simm.s32 $0x6400;
	[sflag:s6] =	ssyncadd.s32 $0xFFFFE000  }
0x23: {  	[spmem:s2] =	stream.indirect.scatter.add.f32 [tilespmem:s16], [sflag:$0x1], $0x40, s15, s11, $0xb8;
	[tilespmem:$0x1A400] =	vst v63  }
0x24: {  	_ =	swait.ge [sflag:s6], $0x2000  }
0x25: {  	[sflag:s6] =	ssyncset.done $0x0  }
0x26: {  	s17 =	simm.s32 $0x200;
	s18 =	simm.s32 $0x8400;
	[sflag:s6] =	ssyncadd.s32 $0xFFFFE000  }
0x27: {  	[spmem:s2] =	stream.indirect.scatter.add.f32 [tilespmem:s18], [sflag:$0x1], $0x40, s17, s11, $0xb8;
	[tilespmem:$0x1A400] =	vst v63  }
0x28: {  	_ =	swait.ge [sflag:s6], $0x2000  }
0x29: {  	[sflag:s6] =	ssyncset.done $0x0  }
0x2a: {  	s19 =	simm.s32 $0x280;
	s20 =	simm.s32 $0xA400;
	[sflag:s6] =	ssyncadd.s32 $0xFFFFE000  }
0x2b: {  	[spmem:s2] =	stream.indirect.scatter.add.f32 [tilespmem:s20], [sflag:$0x1], $0x40, s19, s11, $0xb8;
	[tilespmem:$0x1A400] =	vst v63  }
0x2c: {  	_ =	swait.ge [sflag:s6], $0x2000  }
0x2d: {  	[sflag:s6] =	ssyncset.done $0x0  }
0x2e: {  	s21 =	simm.s32 $0x300;
	s22 =	simm.s32 $0xC400;
	[sflag:s6] =	ssyncadd.s32 $0xFFFFE000  }
0x2f: {  	[spmem:s2] =	stream.indirect.scatter.add.f32 [tilespmem:s22], [sflag:$0x1], $0x40, s21, s11, $0xb8;
	[tilespmem:$0x1A400] =	vst v63  }
0x30: {  	s28 =	smul.u32 $0x14000, s26;
	s26 =	ssub.s32 $0x2, s26;
	_ =	swait.ge [sflag:s6], $0x2000  }
0x31: {  	s23 =	simm.s32 $0x380;
	s30 =	sshrl.u32 s26, $0x1;
	[sflag:s6] =	ssyncset.done $0x0  }
0x32: {  	s24 =	simm.s32 $0xE400;
	s26 =	ssub.s32 s26, s30;
	[sflag:s6] =	ssyncadd.s32 $0xFFFFE000  }
0x33: {  	[spmem:s2] =	stream.indirect.scatter.add.f32 [tilespmem:s24], [sflag:$0x1], $0x40, s23, s11, $0xb8;
	[tilespmem:$0x1A400] =	vst v63  }
0x34: {  	s29 =	smul.u32 $0x1400, s1;
	s26 =	smax.u32 s26, $0x1;
	_ =	swait.ge [sflag:s6], $0x2000  }
0x35: {  	p0 =	sne.s32 s26, $0x1;
	[sflag:s6] =	ssyncset.done $0x0  }
.Ltmp0:
0x36: {  	s28 =	sadd.s32 s29, s28;
	[sflag:s6] =	ssyncadd.s32 $0xFFFFE000;
	(pc) =	sbr.rel @!p0 .LBB2_2-.Ltmp0, $4  }
0x37: {  	s25 =	sadd.s32 s25, s28;
	[bflag:$0x0] =	sbarrier.arrive $0xFFFF  }
0x38: {  	[hbm:s25], [sflag:s5] =	dma.local [spmem:s7], $0x1400  }
0x39: {  	_ =	swait.ge [sflag:s6], $0x1400  }
0x3a: {  	s26 =	sadd.s32 $0xFFFFFFFF, s26;
	[sflag:s6] =	ssyncset.done $0x0  }
.LBB2_1:
0x3b: {  	p0 =	sne.s32 s26, $0x1;
	s26 =	sadd.s32 $0xFFFFFFFF, s26;
	[sflag:s6] =	ssyncadd.s32 $0xFFFFEC00  }
0x3c: {  	[spmem:s7], [sflag:s5] =	dma.local [hbm:s4], $0x1400  }
0x3d: {  	_ =	swait.ge [sflag:s6], $0x1400  }
0x3e: {  	[sflag:s6] =	ssyncset.done $0x0  }
0x3f: {  	[sflag:s6] =	ssyncadd.s32 $0xFFFFEC00  }
0x40: {  	[bflag:$0x0] =	sbarrier.arrive $0xFFFF  }
0x41: {  	[tilespmem:s3], [sflag:$0x1] =	stream.linear.gather [hbm4b:s8+s3], $0x400, $0x38;
	[tilespmem:$0x1A400] =	vst v63  }
0x42: {  	_ =	swait.ge [sflag:s6], $0x400  }
0x43: {  	[sflag:s6] =	ssyncset.done $0x0  }
0x44: {  	[sflag:s6] =	ssyncadd.s32 $0xFFFFFC00  }
0x45: {  	[tilespmem:s10], [sflag:$0x1] =	stream.linear.gather [hbm4b:s9+s3], $0x10000, $0x38;
	[tilespmem:$0x1A400] =	vst v63  }
0x46: {  	_ =	swait.ge [sflag:s6], $0x10000  }
0x47: {  	[sflag:s6] =	ssyncset.done $0x0  }
0x48: {  	[sflag:s6] =	ssyncadd.s32 $0xFFFF0000  }
0x49: {  	[spmem:s2] =	stream.indirect.scatter.add.f32 [tilespmem:s10], [sflag:$0x1], $0x40, s3, s11, $0xb8;
	[tilespmem:$0x1A400] =	vst v63  }
0x4a: {  	_ =	swait.ge [sflag:s6], $0x2000  }
0x4b: {  	[sflag:s6] =	ssyncset.done $0x0  }
0x4c: {  	[sflag:s6] =	ssyncadd.s32 $0xFFFFE000  }
0x4d: {  	[spmem:s2] =	stream.indirect.scatter.add.f32 [tilespmem:s12], [sflag:$0x1], $0x40, s11, s11, $0xb8;
	[tilespmem:$0x1A400] =	vst v63  }
0x4e: {  	_ =	swait.ge [sflag:s6], $0x2000  }
0x4f: {  	[sflag:s6] =	ssyncset.done $0x0  }
0x50: {  	[sflag:s6] =	ssyncadd.s32 $0xFFFFE000  }
0x51: {  	[spmem:s2] =	stream.indirect.scatter.add.f32 [tilespmem:s14], [sflag:$0x1], $0x40, s13, s11, $0xb8;
	[tilespmem:$0x1A400] =	vst v63  }
0x52: {  	_ =	swait.ge [sflag:s6], $0x2000  }
0x53: {  	[sflag:s6] =	ssyncset.done $0x0  }
0x54: {  	[sflag:s6] =	ssyncadd.s32 $0xFFFFE000  }
0x55: {  	[spmem:s2] =	stream.indirect.scatter.add.f32 [tilespmem:s16], [sflag:$0x1], $0x40, s15, s11, $0xb8;
	[tilespmem:$0x1A400] =	vst v63  }
0x56: {  	_ =	swait.ge [sflag:s6], $0x2000  }
0x57: {  	[sflag:s6] =	ssyncset.done $0x0  }
0x58: {  	[sflag:s6] =	ssyncadd.s32 $0xFFFFE000  }
0x59: {  	[spmem:s2] =	stream.indirect.scatter.add.f32 [tilespmem:s18], [sflag:$0x1], $0x40, s17, s11, $0xb8;
	[tilespmem:$0x1A400] =	vst v63  }
0x5a: {  	_ =	swait.ge [sflag:s6], $0x2000  }
0x5b: {  	[sflag:s6] =	ssyncset.done $0x0  }
0x5c: {  	[sflag:s6] =	ssyncadd.s32 $0xFFFFE000  }
0x5d: {  	[spmem:s2] =	stream.indirect.scatter.add.f32 [tilespmem:s20], [sflag:$0x1], $0x40, s19, s11, $0xb8;
	[tilespmem:$0x1A400] =	vst v63  }
0x5e: {  	_ =	swait.ge [sflag:s6], $0x2000  }
0x5f: {  	[sflag:s6] =	ssyncset.done $0x0  }
0x60: {  	[sflag:s6] =	ssyncadd.s32 $0xFFFFE000  }
0x61: {  	[spmem:s2] =	stream.indirect.scatter.add.f32 [tilespmem:s22], [sflag:$0x1], $0x40, s21, s11, $0xb8;
	[tilespmem:$0x1A400] =	vst v63  }
0x62: {  	_ =	swait.ge [sflag:s6], $0x2000  }
0x63: {  	[sflag:s6] =	ssyncset.done $0x0  }
0x64: {  	[sflag:s6] =	ssyncadd.s32 $0xFFFFE000  }
0x65: {  	[spmem:s2] =	stream.indirect.scatter.add.f32 [tilespmem:s24], [sflag:$0x1], $0x40, s23, s11, $0xb8;
	[tilespmem:$0x1A400] =	vst v63  }
0x66: {  	_ =	swait.ge [sflag:s6], $0x2000  }
0x67: {  	[sflag:s6] =	ssyncset.done $0x0  }
.Ltmp1:
0x68: {  	[sflag:s6] =	ssyncadd.s32 $0xFFFFE000;
	(pc) =	sbr.rel @p0 .LBB2_1-.Ltmp1, $4  }
0x69: {  	[bflag:$0x0] =	sbarrier.arrive $0xFFFF  }
0x6a: {  	[hbm:s25], [sflag:s5] =	dma.local [spmem:s7], $0x1400  }
0x6b: {  	_ =	swait.ge [sflag:s6], $0x1400  }
0x6c: {  	[sflag:s6] =	ssyncset.done $0x0  }
.LBB2_2:
0x6d: {  	[sflag:s6] =	ssyncadd.s32 $0xFFFFEC00  }
0x6e: {  	_ =	sfence.sel $0x180000  }
0x6f: {  	[bflag:$0x0] =	sbarrier.arrive $0xFFFF  }
0x70: {  	p0 =	sne.s32 s1, $0x0;
	_ =	strace $0x9000004A  }
0x71: {  	s0 =	sadd.s32 @!p0 $0x100000, s0;
	[bflag:$0x2] =	sbarrier.arrive $0xFFFF  }
0x72: {  	[sflag:s0] =	ssyncadd.tile.s32 @!p0 $0x1;
	_ =	shalt  }
.Lfunc_end2:
_tile_overlayer_lowered:
.L_overlay_start_2:
0x73: {  	(tag) =	ssettag $0x2  }
0x74: {  	s0 =	rddreg [dreg:$0x0];
	s2 =	stileid.u32  }
0x75: {  	s1 =	rddreg [dreg:$0x1];
	p0 =	sne.s32 s2, $0x0  }
0x76: {  	s3 =	rddreg [dreg:$0x2];
	[bflag:$0x3] =	sbarrier.arrive $0xFFFF;
	s2 =	simm.s32 @!p0 $0x1C01  }
0x77: {  	[timem:s3], [sflag:s2] =	dma.local @!p0 [hbm:s0], s1  }
0x78: {  	s0 =	simm.s32 @!p0 $0x1  }
0x79: {  	_ =	swait.ge @!p0 [sflag:s0], s1  }
0x7a: {  	s1 =	ssub.s32 @!p0 $0x0, s1;
	[sflag:s0] =	ssyncset.done @!p0 $0x0  }
0x7b: {  	[sflag:s0] =	ssyncadd.s32 @!p0 s1  }
0x7c: {  	[bflag:$0x3] =	sbarrier.arrive $0xFFFF  }
0x7d: {  	_ =	shalt  }

// kernel: kernel.24.cloned.1.call-start
scs
__scs_entry_jumppad:
0x0: {  	(pc) =	sbr.rel $0x88, $3  }
0x1: {  	(tag) =	ssettag $0x0;
	lr =	simm.s32 $0x1  }
0x2: {  	[smem:$0x3F7A] =	sst lr;
	_ =	strace $0xD0000000  }
0x3: {  	_ = 	snop  }
0x4: {  	_ = 	snop  }
0x5: {  	_ = 	snop  }
0x6: {  	_ = 	snop  }
0x7: {  	_ = 	snop  }
__scs_overlays_trampoline_lowered:
0x8: {  	[smem:$0x3F89] =	sst s0  }
0x9: {  	[smem:$0x3F8A] =	sst s1  }
0xa: {  	[smem:$0x3F8B] =	sst s2  }
0xb: {  	[smem:$0x3F8C] =	sst s3  }
0xc: {  	[smem:$0x3F8D] =	sst s4  }
0xd: {  	[smem:$0x3F8E] =	sst s5  }
0xe: {  	[smem:$0x3F8F] =	sst s6  }
0xf: {  	[smem:$0x3F90] =	sst s7  }
0x10: {  	[smem:$0x3F91] =	sst s8  }
0x11: {  	[smem:$0x3F92] =	sst s9;
	s0 =	simm.s32 @!p0 $0x0  }
0x12: {  	s1 =	sld [smem:$0x3F78];
	s0 =	simm.s32 @p0 $0x1  }
0x13: {  	[smem:$0x3F93] =	sst s0;
	s0 =	simm.s32 @!p1 $0x0  }
0x14: {  	s2 =	sld [smem:$0x3F77];
	s0 =	simm.s32 @p1 $0x1  }
0x15: {  	[smem:$0x3F94] =	sst s0;
	s0 =	simm.s32 @!p2 $0x0  }
0x16: {  	s3 =	sld [smem:$0x3FDB];
	s0 =	simm.s32 @p2 $0x1  }
0x17: {  	s4 =	simm.s32 $0x1BF5;
	[smem:$0x3F96] =	sst s0  }
0x18: {  	s0 =	sld [smem:$0x3F79];
	_ =	swait.ge [sflag:s4], $0x0  }
0x19: {  	s7 =	sld [smem:$0x3F7A]  }
0x1a: {  	s8 =	sadd.s32 $0xFFFFE003, lr  }
0x1b: {  	s9 =	sadd.s32 $0xFFFFFEF7, lr;
	s5 =	simm.s32 $0xFFFFFFFF;
	p2 =	slt.u32 s8, $0xFFFFF086  }
0x1c: {  	p1 =	slt.u32 s9, $0xF7A;
	s5 =	simm.s32 @!p2 $0x0  }
0x1d: {  	s5 =	simm.s32 @p1 $0x1;
	p0 =	seq.s32 s7, s2  }
0x1e: {  	s7 =	smul.u32 @!p0 $0xF7A, s2;
	p2 =	seq.s32 @!p0 s5, $0x0  }
0x1f: {  	s9 =	smul.u32 $0xF7A, s1;
	s8 =	simm.s32 @!p0 $0x1BF5;
	p2 =	por !p2, p0  }
0x20: {  	[sflag:s8] =	ssyncset.s32 @!p0 $0xFFFFF086;
	s6 =	sadd.s32 @!p0 s3, s7;
	s7 =	simm.s32 @!p0 $0x108  }
0x21: {  	s3 =	sadd.s32 s3, s9;
	s6 =	sadd.s32 @!p0 $0x88, s6;
	s7 =	simm.s32 @p2 $0x1082  }
0x22: {  	[simem:s7], [sflag:s8] =	dma.local @!p0 [hbm:s6], $0xF7A  }
0x23: {  	s9 =	sor.u32 $0xD0000000, s2;
	s6 =	simm.s32 $0x108;
	_ =	swait.ge @!p0 [sflag:s8], $0x0  }
0x24: {  	s3 =	sadd.s32 $0x88, s3;
	s6 =	simm.s32 @!p1 $0x1082;
	[sflag:s4] =	ssyncset.s32 $0xFFFFF086  }
0x25: {  	[simem:s6], [sflag:s4] =	dma.local [hbm:s3], $0xF7A  }
0x26: {  	[smem:$0x3F7A] =	sst s1;
	(tag) =	ssettag s2;
	_ =	strace s9  }
0x27: {  	s1 =	sld [smem:$0x3F8A]  }
0x28: {  	s2 =	sld [smem:$0x3F8B]  }
0x29: {  	s4 =	sld [smem:$0x3F8D]  }
0x2a: {  	p0 =	seq.s32 s5, $0x0;
	s5 =	sld [smem:$0x3F8E]  }
0x2b: {  	s6 =	sld [smem:$0x3F8F]  }
0x2c: {  	s7 =	sld [smem:$0x3F90]  }
0x2d: {  	s3 =	simm.s32 $0x108;
	s8 =	sld [smem:$0x3F91]  }
0x2e: {  	s3 =	simm.s32 @!p0 $0x1082;
	s9 =	sld [smem:$0x3F92]  }
0x2f: {  	lr =	sadd.s32 s0, s3;
	s0 =	sld [smem:$0x3F89]  }
0x30: {  	s3 =	sld [smem:$0x3F8C]  }
0x31: {  	[smem:$0x3F95] =	sst s10  }
0x32: {  	s10 =	sld [smem:$0x3F93];
	_ =	sdelay $0x3  }
0x33: {  	p0 =	seq.s32 s10, $0x1;
	s10 =	sld [smem:$0x3F95];
	_ =	sdelay $0x3  }
0x34: {  	[smem:$0x3F95] =	sst s10  }
0x35: {  	s10 =	sld [smem:$0x3F94];
	_ =	sdelay $0x3  }
0x36: {  	p1 =	seq.s32 s10, $0x1;
	s10 =	sld [smem:$0x3F95];
	_ =	sdelay $0x3  }
0x37: {  	[smem:$0x3F95] =	sst s10  }
0x38: {  	s10 =	sld [smem:$0x3F96]  }
0x39: {  	_ = 	snop;
	(pc) =	sbr.ind lr, $3  }
0x3a: {  	_ = 	snop  }
0x3b: {  	_ = 	snop  }
0x3c: {  	p2 =	seq.s32 s10, $0x1;
	s10 =	sld [smem:$0x3F95]  }
0x3d: {  	_ =	shalt  }
0x3e: {  	_ =	shalt  }
0x3f: {  	_ =	shalt  }
0x40: {  	_ =	shalt  }
0x41: {  	_ =	shalt  }
0x42: {  	_ =	shalt  }
0x43: {  	_ =	shalt  }
0x44: {  	_ =	shalt  }
0x45: {  	_ =	shalt  }
0x46: {  	_ =	shalt  }
0x47: {  	_ =	shalt  }
0x48: {  	_ =	shalt  }
0x49: {  	_ =	shalt  }
0x4a: {  	_ =	shalt  }
0x4b: {  	_ =	shalt  }
0x4c: {  	_ =	shalt  }
0x4d: {  	_ =	shalt  }
0x4e: {  	_ =	shalt  }
0x4f: {  	_ =	shalt  }
0x50: {  	_ =	shalt  }
0x51: {  	_ =	shalt  }
0x52: {  	_ =	shalt  }
0x53: {  	_ =	shalt  }
0x54: {  	_ =	shalt  }
0x55: {  	_ =	shalt  }
0x56: {  	_ =	shalt  }
0x57: {  	_ =	shalt  }
0x58: {  	_ =	shalt  }
0x59: {  	_ =	shalt  }
0x5a: {  	_ =	shalt  }
0x5b: {  	_ =	shalt  }
0x5c: {  	_ =	shalt  }
0x5d: {  	_ =	shalt  }
0x5e: {  	_ =	shalt  }
0x5f: {  	_ =	shalt  }
0x60: {  	_ =	shalt  }
0x61: {  	_ =	shalt  }
0x62: {  	_ =	shalt  }
0x63: {  	_ =	shalt  }
0x64: {  	_ =	shalt  }
0x65: {  	_ =	shalt  }
0x66: {  	_ =	shalt  }
0x67: {  	_ =	shalt  }
0x68: {  	_ =	shalt  }
0x69: {  	_ =	shalt  }
0x6a: {  	_ =	shalt  }
0x6b: {  	_ =	shalt  }
0x6c: {  	_ =	shalt  }
0x6d: {  	_ =	shalt  }
0x6e: {  	_ =	shalt  }
0x6f: {  	_ =	shalt  }
0x70: {  	_ =	shalt  }
0x71: {  	_ =	shalt  }
0x72: {  	_ =	shalt  }
0x73: {  	_ =	shalt  }
0x74: {  	_ =	shalt  }
0x75: {  	_ =	shalt  }
0x76: {  	_ =	shalt  }
0x77: {  	_ =	shalt  }
0x78: {  	_ =	shalt  }
0x79: {  	_ =	shalt  }
0x7a: {  	_ =	shalt  }
0x7b: {  	_ =	shalt  }
0x7c: {  	_ =	shalt  }
0x7d: {  	_ =	shalt  }
0x7e: {  	_ =	shalt  }
0x7f: {  	_ =	shalt  }
0x80: {  	_ =	shalt  }
0x81: {  	_ =	shalt  }
0x82: {  	_ =	shalt  }
0x83: {  	_ =	shalt  }
0x84: {  	_ =	shalt  }
0x85: {  	_ =	shalt  }
0x86: {  	_ =	shalt  }
0x87: {  	_ =	shalt  }
.Lfunc_end0:
.L_simem_size_0:
called_computation.2_lowered:
.L_overlay_start_0:
0x88: {  	s2 =	sld [smem:$0x3FD9]  }
0x89: {  	s3 =	sld [smem:$0x3FFE];
	_ =	sdelay $0x1  }
0x8a: {  	s1 =	srdreg.scid  }
0x8b: {  	s0 =	sand.u32 $0x1, s1  }
0x8c: {  	s17 =	sshll.u32 s0, $0xA;
	s2 =	sadd.s32 s3, s2  }
0x8d: {  	s2 =	sadd.s32 s2, s17  }
0x8e: {  	[smem:$0x3FA1] =	sst s2  }
0x8f: {  	_ = 	snop  }
0x90: {  	s2 =	sld [smem:$0x3FD0];
	(tm) =	ssettm $0x1  }
0x91: {  	s18 =	sld [smem:$0x3FFB];
	_ =	sdelay $0x3  }
0x92: {  	_ =	strace s18  }
0x93: {  	s3 =	sld [smem:$0x3FFC];
	_ =	sdelay $0x3  }
0x94: {  	_ =	strace s3  }
0x95: {  	s3 =	sld [smem:$0x3FFD];
	_ =	sdelay $0x3  }
0x96: {  	_ =	strace s3  }
0x97: {  	_ =	strace $0x8FFFFFFF  }
0x98: {  	s19 =	sld [smem:$0x3FDB];
	_ =	sdelay $0x1  }
0x99: {  	s4 =	simm.s32 $_scs_section_size  }
0x9a: {  	s5 =	simm.s32 $_size__tile_overlayer_lowered;
	s6 =	simm.s32 $_tile_overlayer_lowered  }
0x9b: {  	s22 =	simm.s32 $0x1BFF;
	s21 =	sshll.u32 s6, $0x1;
	s3 =	sadd.s32 s4, s19  }
0x9c: {  	s7 =	simm.s32 $0x0;
	s20 =	sshll.u32 s5, $0x1;
	s5 =	sadd.s32 s21, s3  }
0x9d: {  	[timem:s7], [sflag:s22] =	dma.local [hbm:s5], s20  }
0x9e: {  	_ =	swait.ge [sflag:s22], s20  }
0x9f: {  	s4 =	ssub.s32 $0x0, s20;
	[sflag:s22] =	ssyncset.done $0x0  }
0xa0: {  	[sflag:s22] =	ssyncadd.s32 s4;
	_ =	sdelay $0x1  }
0xa1: {  	s23 =	simm.s32 $0x1B8B  }
0xa2: {  	_ =	swait.ge [sflag:s23], $0x1  }
0xa3: {  	[sflag:s23] =	ssyncset.done $0x0  }
0xa4: {  	s25 =	simm.s32 $0x1B8E;
	s24 =	sld [smem:$0x3FFE];
	[sflag:s23] =	ssyncadd.s32 $0xFFFFFFFF  }
0xa5: {  	s26 =	simm.s32 $execute0_lowered;
	[smem:$0x3FD2] =	sst s25  }
0xa6: {  	s5 =	sshll.u32 s26, $0x1;
	_ =	strace $0x8000004C;
	[dreg:$0x1] =	wrdreg $0xFFFFFFFF  }
0xa7: {  	s28 =	simm.s32 $_size_execute0_lowered;
	s3 =	sadd.s32 s3, s5;
	[dreg:$0x0] =	wrdreg $0x0  }
0xa8: {  	s5 =	sshll.u32 s28, $0x1;
	[dreg:$0x2] =	wrdreg s3  }
0xa9: {  	[dreg:$0x3] =	wrdreg s5  }
0xaa: {  	[dreg:$0x4] =	wrdreg $0xC0  }
0xab: {  	_ =	task [dreg:s7], $0x5FFFF  }
0xac: {  	[dreg:$0x1] =	wrdreg $0xFFFFFFFF  }
0xad: {  	[dreg:$0x0] =	wrdreg $0x60  }
0xae: {  	[dreg:$0x2] =	wrdreg s2  }
0xaf: {  	[dreg:$0x3] =	wrdreg s24  }
0xb0: {  	[dreg:$0x4] =	wrdreg $0xC1800  }
0xb1: {  	[dreg:$0x5] =	wrdreg $0x9  }
0xb2: {  	_ =	task.clear_ibuf [dreg:s7], $0x6FFFF;
	_ =	strace $0x9000004C  }
0xb3: {  	s29 =	simm.s32 $0x9;
	_ =	strace $0x8000004E  }
0xb4: {  	_ =	swait.ge [sflag:s29], $0x1  }
0xb5: {  	[sflag:s29] =	ssyncadd.s32 $0xFFFFFFFF  }
0xb6: {  	_ =	strace $0x9000004E  }
0xb7: {  	_ =	sfence  }
0xb8: {  	s30 =	sld [smem:$0x0];
	_ =	sdelay $0x2  }
0xb9: {  	s31 =	sshll.u32 s1, $0xD;
	s1 =	sshrl.u32 s1, $0x2  }
0xba: {  	s3 =	sand.u32 $0x4000, s31;
	s1 =	sadd.s32 s1, s30  }
0xbb: {  	s0 =	sor.u32 s3, s0;
	s1 =	sshll.u32 s1, $0x11  }
0xbc: {  	s0 =	sor.u32 s1, s0  }
0xbd: {  	s0 =	sadd.s32 $0x8F2B, s0  }
0xbe: {  	[sflag:s0] =	ssyncadd.remote.s32 $0x1  }
0xbf: {  	_ =	sfence.sel $0xFFFF  }
0xc0: {  	[dreg:$0x0] =	wrdreg $0xFFFFFFFF;
	(pc) =	sbr.abs _section_cstart, $3  }
0xc1: {  	[dreg:$0x1] =	wrdreg $0xFFFFFFFF  }
0xc2: {  	_ =	task.clear_ibuf [dreg:s7], $0x2FFFF;
	_ =	strace $0x9FFFFFFF  }
0xc3: {  	(tm) =	ssettm $0x7FFFFFFF  }
tec
execute0_lowered:
.L_overlay_start_1:
0x0: {  	(tag) =	ssettag $0x1  }
0x1: {  	s9 =	rddreg [dreg:$0x0]  }
0x2: {  	s8 =	rddreg [dreg:$0x1]  }
0x3: {  	s1 =	rddreg [dreg:$0x2]  }
0x4: {  	s0 =	rddreg [dreg:$0x3];
	s3 =	simm.s32 $0x0;
	s4 =	srdreg.scid  }
0x5: {  	s2 =	stileid.u32;
	[smem:$0x7FF] =	sst s3;
	s15 =	sand.u32 $0x1, s4  }
0x6: {  	s28 =	sshll.u32 s2, $0x1;
	s5 =	sshll.u32 s2, $0xC;
	s29 =	sshll.u32 s2, $0xF  }
0x7: {  	s30 =	sshll.u32 s2, $0x6;
	_ =	strace $0x8000004D;
	s10 =	sor.u32 s15, s28  }
0x8: {  	s16 =	sadd.s32 s5, s8;
	s6 =	sadd.s32 s29, s1;
	s5 =	sor.u32 $0x1C01, s30  }
0x9: {  	s4 =	sadd.s32 $0x11E00, s16;
	s7 =	sshrl.u32 s6, $0x3;
	s6 =	simm.s32 $0x1  }
0xa: {  	[spmem:s7], [sflag:s5] =	dma.local [hbm:s4], $0x1000  }
0xb: {  	s11 =	smul.u32 $0x30, s10;
	_ =	swait.ge [sflag:s6], $0x1000  }
0xc: {  	[sflag:s6] =	ssyncset.done $0x0  }
0xd: {  	s8 =	sadd.s32 s11, s8;
	[sflag:s6] =	ssyncadd.s32 $0xFFFFF000  }
0xe: {  	s8 =	sadd.s32 $0xE000, s8;
	[bflag:$0x0] =	sbarrier.arrive $0xFFFF  }
0xf: {  	[tilespmem:s3], [sflag:$0x1] =	stream.linear.gather [hbm4b:s8+s3], $0x180, $0x38;
	[tilespmem:$0x14180] =	vst v63  }
0x10: {  	s10 =	smul.u32 $0x1800, s10;
	_ =	swait.ge [sflag:s6], $0x180  }
0x11: {  	[sflag:s6] =	ssyncset.done $0x0  }
0x12: {  	s9 =	sadd.s32 s9, s10;
	s10 =	simm.s32 $0x180;
	[sflag:s6] =	ssyncadd.s32 $0xFFFFFE80  }
0x13: {  	[tilespmem:s10], [sflag:$0x1] =	stream.linear.gather [hbm4b:s9+s3], $0xC000, $0x38;
	[tilespmem:$0x14180] =	vst v63  }
0x14: {  	_ =	swait.ge [sflag:s6], $0xC000  }
0x15: {  	[sflag:s6] =	ssyncset.done $0x0  }
0x16: {  	s11 =	simm.s32 $0x80;
	[sflag:s6] =	ssyncadd.s32 $0xFFFF4000  }
0x17: {  	[spmem:s1] =	stream.indirect.scatter.add.f32 [tilespmem:s10], [sflag:$0x1], $0x80, s3, s11, $0xb8;
	[tilespmem:$0x14180] =	vst v63  }
0x18: {  	_ =	swait.ge [sflag:s6], $0x4000  }
0x19: {  	[sflag:s6] =	ssyncset.done $0x0  }
0x1a: {  	s12 =	simm.s32 $0x4180;
	[sflag:s6] =	ssyncadd.s32 $0xFFFFC000  }
0x1b: {  	[spmem:s1] =	stream.indirect.scatter.add.f32 [tilespmem:s12], [sflag:$0x1], $0x80, s11, s11, $0xb8;
	[tilespmem:$0x14180] =	vst v63  }
0x1c: {  	s17 =	ssub.s32 $0x2, s15;
	_ =	swait.ge [sflag:s6], $0x4000  }
0x1d: {  	s13 =	simm.s32 $0x100;
	s18 =	sshrl.u32 s17, $0x1;
	[sflag:s6] =	ssyncset.done $0x0  }
0x1e: {  	s14 =	simm.s32 $0x8180;
	s17 =	ssub.s32 s17, s18;
	[sflag:s6] =	ssyncadd.s32 $0xFFFFC000  }
0x1f: {  	[spmem:s1] =	stream.indirect.scatter.add.f32 [tilespmem:s14], [sflag:$0x1], $0x80, s13, s11, $0xb8;
	[tilespmem:$0x14180] =	vst v63  }
0x20: {  	s31 =	smax.u32 s17, $0x1;
	_ =	swait.ge [sflag:s6], $0x4000  }
0x21: {  	s15 =	sshll.u32 s15, $0x10;
	p0 =	sne.s32 s31, $0x1;
	[sflag:s6] =	ssyncset.done $0x0  }
.Ltmp0:
0x22: {  	s15 =	sadd.s32 s15, s16;
	[sflag:s6] =	ssyncadd.s32 $0xFFFFC000;
	(pc) =	sbr.rel @!p0 .LBB2_2-.Ltmp0, $4  }
0x23: {  	s15 =	sadd.s32 $0x21E00, s15;
	[bflag:$0x0] =	sbarrier.arrive $0xFFFF  }
0x24: {  	[hbm:s15], [sflag:s5] =	dma.local [spmem:s7], $0x1000  }
0x25: {  	_ =	swait.ge [sflag:s6], $0x1000  }
0x26: {  	s16 =	sadd.s32 $0xFFFFFFFF, s31;
	[sflag:s6] =	ssyncset.done $0x0  }
.LBB2_1:
0x27: {  	p0 =	sne.s32 s16, $0x1;
	s16 =	sadd.s32 $0xFFFFFFFF, s16;
	[sflag:s6] =	ssyncadd.s32 $0xFFFFF000  }
0x28: {  	[spmem:s7], [sflag:s5] =	dma.local [hbm:s4], $0x1000  }
0x29: {  	_ =	swait.ge [sflag:s6], $0x1000  }
0x2a: {  	[sflag:s6] =	ssyncset.done $0x0  }
0x2b: {  	[sflag:s6] =	ssyncadd.s32 $0xFFFFF000  }
0x2c: {  	[bflag:$0x0] =	sbarrier.arrive $0xFFFF  }
0x2d: {  	[tilespmem:s3], [sflag:$0x1] =	stream.linear.gather [hbm4b:s8+s3], $0x180, $0x38;
	[tilespmem:$0x14180] =	vst v63  }
0x2e: {  	_ =	swait.ge [sflag:s6], $0x180  }
0x2f: {  	[sflag:s6] =	ssyncset.done $0x0  }
0x30: {  	[sflag:s6] =	ssyncadd.s32 $0xFFFFFE80  }
0x31: {  	[tilespmem:s10], [sflag:$0x1] =	stream.linear.gather [hbm4b:s9+s3], $0xC000, $0x38;
	[tilespmem:$0x14180] =	vst v63  }
0x32: {  	_ =	swait.ge [sflag:s6], $0xC000  }
0x33: {  	[sflag:s6] =	ssyncset.done $0x0  }
0x34: {  	[sflag:s6] =	ssyncadd.s32 $0xFFFF4000  }
0x35: {  	[spmem:s1] =	stream.indirect.scatter.add.f32 [tilespmem:s10], [sflag:$0x1], $0x80, s3, s11, $0xb8;
	[tilespmem:$0x14180] =	vst v63  }
0x36: {  	_ =	swait.ge [sflag:s6], $0x4000  }
0x37: {  	[sflag:s6] =	ssyncset.done $0x0  }
0x38: {  	[sflag:s6] =	ssyncadd.s32 $0xFFFFC000  }
0x39: {  	[spmem:s1] =	stream.indirect.scatter.add.f32 [tilespmem:s12], [sflag:$0x1], $0x80, s11, s11, $0xb8;
	[tilespmem:$0x14180] =	vst v63  }
0x3a: {  	_ =	swait.ge [sflag:s6], $0x4000  }
0x3b: {  	[sflag:s6] =	ssyncset.done $0x0  }
0x3c: {  	[sflag:s6] =	ssyncadd.s32 $0xFFFFC000  }
0x3d: {  	[spmem:s1] =	stream.indirect.scatter.add.f32 [tilespmem:s14], [sflag:$0x1], $0x80, s13, s11, $0xb8;
	[tilespmem:$0x14180] =	vst v63  }
0x3e: {  	_ =	swait.ge [sflag:s6], $0x4000  }
0x3f: {  	[sflag:s6] =	ssyncset.done $0x0  }
.Ltmp1:
0x40: {  	[sflag:s6] =	ssyncadd.s32 $0xFFFFC000;
	(pc) =	sbr.rel @p0 .LBB2_1-.Ltmp1, $4  }
0x41: {  	[bflag:$0x0] =	sbarrier.arrive $0xFFFF  }
0x42: {  	[hbm:s15], [sflag:s5] =	dma.local [spmem:s7], $0x1000  }
0x43: {  	_ =	swait.ge [sflag:s6], $0x1000  }
0x44: {  	[sflag:s6] =	ssyncset.done $0x0  }
.LBB2_2:
0x45: {  	[sflag:s6] =	ssyncadd.s32 $0xFFFFF000  }
0x46: {  	_ =	sfence.sel $0x180000  }
0x47: {  	[bflag:$0x0] =	sbarrier.arrive $0xFFFF  }
0x48: {  	p0 =	sne.s32 s2, $0x0;
	_ =	strace $0x9000004D  }
0x49: {  	s0 =	sadd.s32 @!p0 $0x100000, s0;
	[bflag:$0x2] =	sbarrier.arrive $0xFFFF  }
0x4a: {  	[sflag:s0] =	ssyncadd.tile.s32 @!p0 $0x1;
	_ =	shalt  }
.Lfunc_end2:
_tile_overlayer_lowered:
.L_overlay_start_2:
0x4b: {  	(tag) =	ssettag $0x2  }
0x4c: {  	s0 =	rddreg [dreg:$0x0];
	s2 =	stileid.u32  }
0x4d: {  	s1 =	rddreg [dreg:$0x1];
	p0 =	sne.s32 s2, $0x0  }
0x4e: {  	s3 =	rddreg [dreg:$0x2];
	[bflag:$0x3] =	sbarrier.arrive $0xFFFF;
	s2 =	simm.s32 @!p0 $0x1C01  }
0x4f: {  	[timem:s3], [sflag:s2] =	dma.local @!p0 [hbm:s0], s1  }
0x50: {  	s0 =	simm.s32 @!p0 $0x1  }
0x51: {  	_ =	swait.ge @!p0 [sflag:s0], s1  }
0x52: {  	s1 =	ssub.s32 @!p0 $0x0, s1;
	[sflag:s0] =	ssyncset.done @!p0 $0x0  }
0x53: {  	[sflag:s0] =	ssyncadd.s32 @!p0 s1  }
0x54: {  	[bflag:$0x3] =	sbarrier.arrive $0xFFFF  }
0x55: {  	_ =	shalt  }

// kernel: kernel.27.cloned.1.call-start
scs
__scs_entry_jumppad:
0x0: {  	(pc) =	sbr.rel $0x88, $3  }
0x1: {  	(tag) =	ssettag $0x0;
	lr =	simm.s32 $0x1  }
0x2: {  	[smem:$0x3F7A] =	sst lr;
	_ =	strace $0xD0000000  }
0x3: {  	_ = 	snop  }
0x4: {  	_ = 	snop  }
0x5: {  	_ = 	snop  }
0x6: {  	_ = 	snop  }
0x7: {  	_ = 	snop  }
__scs_overlays_trampoline_lowered:
0x8: {  	[smem:$0x3F89] =	sst s0  }
0x9: {  	[smem:$0x3F8A] =	sst s1  }
0xa: {  	[smem:$0x3F8B] =	sst s2  }
0xb: {  	[smem:$0x3F8C] =	sst s3  }
0xc: {  	[smem:$0x3F8D] =	sst s4  }
0xd: {  	[smem:$0x3F8E] =	sst s5  }
0xe: {  	[smem:$0x3F8F] =	sst s6  }
0xf: {  	[smem:$0x3F90] =	sst s7  }
0x10: {  	[smem:$0x3F91] =	sst s8  }
0x11: {  	[smem:$0x3F92] =	sst s9;
	s0 =	simm.s32 @!p0 $0x0  }
0x12: {  	s1 =	sld [smem:$0x3F78];
	s0 =	simm.s32 @p0 $0x1  }
0x13: {  	[smem:$0x3F93] =	sst s0;
	s0 =	simm.s32 @!p1 $0x0  }
0x14: {  	s2 =	sld [smem:$0x3F77];
	s0 =	simm.s32 @p1 $0x1  }
0x15: {  	[smem:$0x3F94] =	sst s0;
	s0 =	simm.s32 @!p2 $0x0  }
0x16: {  	s3 =	sld [smem:$0x3FDB];
	s0 =	simm.s32 @p2 $0x1  }
0x17: {  	s4 =	simm.s32 $0x1BF5;
	[smem:$0x3F96] =	sst s0  }
0x18: {  	s0 =	sld [smem:$0x3F79];
	_ =	swait.ge [sflag:s4], $0x0  }
0x19: {  	s7 =	sld [smem:$0x3F7A]  }
0x1a: {  	s8 =	sadd.s32 $0xFFFFE003, lr  }
0x1b: {  	s9 =	sadd.s32 $0xFFFFFEF7, lr;
	s5 =	simm.s32 $0xFFFFFFFF;
	p2 =	slt.u32 s8, $0xFFFFF086  }
0x1c: {  	p1 =	slt.u32 s9, $0xF7A;
	s5 =	simm.s32 @!p2 $0x0  }
0x1d: {  	s5 =	simm.s32 @p1 $0x1;
	p0 =	seq.s32 s7, s2  }
0x1e: {  	s7 =	smul.u32 @!p0 $0xF7A, s2;
	p2 =	seq.s32 @!p0 s5, $0x0  }
0x1f: {  	s9 =	smul.u32 $0xF7A, s1;
	s8 =	simm.s32 @!p0 $0x1BF5;
	p2 =	por !p2, p0  }
0x20: {  	[sflag:s8] =	ssyncset.s32 @!p0 $0xFFFFF086;
	s6 =	sadd.s32 @!p0 s3, s7;
	s7 =	simm.s32 @!p0 $0x108  }
0x21: {  	s3 =	sadd.s32 s3, s9;
	s6 =	sadd.s32 @!p0 $0x88, s6;
	s7 =	simm.s32 @p2 $0x1082  }
0x22: {  	[simem:s7], [sflag:s8] =	dma.local @!p0 [hbm:s6], $0xF7A  }
0x23: {  	s9 =	sor.u32 $0xD0000000, s2;
	s6 =	simm.s32 $0x108;
	_ =	swait.ge @!p0 [sflag:s8], $0x0  }
0x24: {  	s3 =	sadd.s32 $0x88, s3;
	s6 =	simm.s32 @!p1 $0x1082;
	[sflag:s4] =	ssyncset.s32 $0xFFFFF086  }
0x25: {  	[simem:s6], [sflag:s4] =	dma.local [hbm:s3], $0xF7A  }
0x26: {  	[smem:$0x3F7A] =	sst s1;
	(tag) =	ssettag s2;
	_ =	strace s9  }
0x27: {  	s1 =	sld [smem:$0x3F8A]  }
0x28: {  	s2 =	sld [smem:$0x3F8B]  }
0x29: {  	s4 =	sld [smem:$0x3F8D]  }
0x2a: {  	p0 =	seq.s32 s5, $0x0;
	s5 =	sld [smem:$0x3F8E]  }
0x2b: {  	s6 =	sld [smem:$0x3F8F]  }
0x2c: {  	s7 =	sld [smem:$0x3F90]  }
0x2d: {  	s3 =	simm.s32 $0x108;
	s8 =	sld [smem:$0x3F91]  }
0x2e: {  	s3 =	simm.s32 @!p0 $0x1082;
	s9 =	sld [smem:$0x3F92]  }
0x2f: {  	lr =	sadd.s32 s0, s3;
	s0 =	sld [smem:$0x3F89]  }
0x30: {  	s3 =	sld [smem:$0x3F8C]  }
0x31: {  	[smem:$0x3F95] =	sst s10  }
0x32: {  	s10 =	sld [smem:$0x3F93];
	_ =	sdelay $0x3  }
0x33: {  	p0 =	seq.s32 s10, $0x1;
	s10 =	sld [smem:$0x3F95];
	_ =	sdelay $0x3  }
0x34: {  	[smem:$0x3F95] =	sst s10  }
0x35: {  	s10 =	sld [smem:$0x3F94];
	_ =	sdelay $0x3  }
0x36: {  	p1 =	seq.s32 s10, $0x1;
	s10 =	sld [smem:$0x3F95];
	_ =	sdelay $0x3  }
0x37: {  	[smem:$0x3F95] =	sst s10  }
0x38: {  	s10 =	sld [smem:$0x3F96]  }
0x39: {  	_ = 	snop;
	(pc) =	sbr.ind lr, $3  }
0x3a: {  	_ = 	snop  }
0x3b: {  	_ = 	snop  }
0x3c: {  	p2 =	seq.s32 s10, $0x1;
	s10 =	sld [smem:$0x3F95]  }
0x3d: {  	_ =	shalt  }
0x3e: {  	_ =	shalt  }
0x3f: {  	_ =	shalt  }
0x40: {  	_ =	shalt  }
0x41: {  	_ =	shalt  }
0x42: {  	_ =	shalt  }
0x43: {  	_ =	shalt  }
0x44: {  	_ =	shalt  }
0x45: {  	_ =	shalt  }
0x46: {  	_ =	shalt  }
0x47: {  	_ =	shalt  }
0x48: {  	_ =	shalt  }
0x49: {  	_ =	shalt  }
0x4a: {  	_ =	shalt  }
0x4b: {  	_ =	shalt  }
0x4c: {  	_ =	shalt  }
0x4d: {  	_ =	shalt  }
0x4e: {  	_ =	shalt  }
0x4f: {  	_ =	shalt  }
0x50: {  	_ =	shalt  }
0x51: {  	_ =	shalt  }
0x52: {  	_ =	shalt  }
0x53: {  	_ =	shalt  }
0x54: {  	_ =	shalt  }
0x55: {  	_ =	shalt  }
0x56: {  	_ =	shalt  }
0x57: {  	_ =	shalt  }
0x58: {  	_ =	shalt  }
0x59: {  	_ =	shalt  }
0x5a: {  	_ =	shalt  }
0x5b: {  	_ =	shalt  }
0x5c: {  	_ =	shalt  }
0x5d: {  	_ =	shalt  }
0x5e: {  	_ =	shalt  }
0x5f: {  	_ =	shalt  }
0x60: {  	_ =	shalt  }
0x61: {  	_ =	shalt  }
0x62: {  	_ =	shalt  }
0x63: {  	_ =	shalt  }
0x64: {  	_ =	shalt  }
0x65: {  	_ =	shalt  }
0x66: {  	_ =	shalt  }
0x67: {  	_ =	shalt  }
0x68: {  	_ =	shalt  }
0x69: {  	_ =	shalt  }
0x6a: {  	_ =	shalt  }
0x6b: {  	_ =	shalt  }
0x6c: {  	_ =	shalt  }
0x6d: {  	_ =	shalt  }
0x6e: {  	_ =	shalt  }
0x6f: {  	_ =	shalt  }
0x70: {  	_ =	shalt  }
0x71: {  	_ =	shalt  }
0x72: {  	_ =	shalt  }
0x73: {  	_ =	shalt  }
0x74: {  	_ =	shalt  }
0x75: {  	_ =	shalt  }
0x76: {  	_ =	shalt  }
0x77: {  	_ =	shalt  }
0x78: {  	_ =	shalt  }
0x79: {  	_ =	shalt  }
0x7a: {  	_ =	shalt  }
0x7b: {  	_ =	shalt  }
0x7c: {  	_ =	shalt  }
0x7d: {  	_ =	shalt  }
0x7e: {  	_ =	shalt  }
0x7f: {  	_ =	shalt  }
0x80: {  	_ =	shalt  }
0x81: {  	_ =	shalt  }
0x82: {  	_ =	shalt  }
0x83: {  	_ =	shalt  }
0x84: {  	_ =	shalt  }
0x85: {  	_ =	shalt  }
0x86: {  	_ =	shalt  }
0x87: {  	_ =	shalt  }
.Lfunc_end0:
.L_simem_size_0:
called_computation.3_lowered:
.L_overlay_start_0:
0x88: {  	s2 =	sld [smem:$0x3FD9]  }
0x89: {  	s3 =	sld [smem:$0x3FFE];
	_ =	sdelay $0x1  }
0x8a: {  	s1 =	srdreg.scid  }
0x8b: {  	s0 =	sand.u32 $0x1, s1  }
0x8c: {  	s17 =	sshll.u32 s0, $0xA;
	s2 =	sadd.s32 s3, s2  }
0x8d: {  	s2 =	sadd.s32 s2, s17  }
0x8e: {  	[smem:$0x3FA1] =	sst s2  }
0x8f: {  	_ = 	snop  }
0x90: {  	s2 =	sld [smem:$0x3FD0];
	(tm) =	ssettm $0x1  }
0x91: {  	s18 =	sld [smem:$0x3FFB];
	_ =	sdelay $0x3  }
0x92: {  	_ =	strace s18  }
0x93: {  	s3 =	sld [smem:$0x3FFC];
	_ =	sdelay $0x3  }
0x94: {  	_ =	strace s3  }
0x95: {  	s3 =	sld [smem:$0x3FFD];
	_ =	sdelay $0x3  }
0x96: {  	_ =	strace s3  }
0x97: {  	_ =	strace $0x8FFFFFFF  }
0x98: {  	s19 =	sld [smem:$0x3FDB];
	_ =	sdelay $0x1  }
0x99: {  	s4 =	simm.s32 $_scs_section_size  }
0x9a: {  	s5 =	simm.s32 $_size__tile_overlayer_lowered;
	s6 =	simm.s32 $_tile_overlayer_lowered  }
0x9b: {  	s22 =	simm.s32 $0x1BFF;
	s21 =	sshll.u32 s6, $0x1;
	s3 =	sadd.s32 s4, s19  }
0x9c: {  	s7 =	simm.s32 $0x0;
	s20 =	sshll.u32 s5, $0x1;
	s5 =	sadd.s32 s21, s3  }
0x9d: {  	[timem:s7], [sflag:s22] =	dma.local [hbm:s5], s20  }
0x9e: {  	_ =	swait.ge [sflag:s22], s20  }
0x9f: {  	s4 =	ssub.s32 $0x0, s20;
	[sflag:s22] =	ssyncset.done $0x0  }
0xa0: {  	[sflag:s22] =	ssyncadd.s32 s4;
	_ =	sdelay $0x1  }
0xa1: {  	s23 =	simm.s32 $0x1B8B  }
0xa2: {  	_ =	swait.ge [sflag:s23], $0x1  }
0xa3: {  	[sflag:s23] =	ssyncset.done $0x0  }
0xa4: {  	s25 =	simm.s32 $0x1B8E;
	s24 =	sld [smem:$0x3FFE];
	[sflag:s23] =	ssyncadd.s32 $0xFFFFFFFF  }
0xa5: {  	s26 =	simm.s32 $execute0_lowered;
	[smem:$0x3FD2] =	sst s25  }
0xa6: {  	s5 =	sshll.u32 s26, $0x1;
	_ =	strace $0x8000004F;
	[dreg:$0x1] =	wrdreg $0xFFFFFFFF  }
0xa7: {  	s28 =	simm.s32 $_size_execute0_lowered;
	s3 =	sadd.s32 s3, s5;
	[dreg:$0x0] =	wrdreg $0x0  }
0xa8: {  	s5 =	sshll.u32 s28, $0x1;
	[dreg:$0x2] =	wrdreg s3  }
0xa9: {  	[dreg:$0x3] =	wrdreg s5  }
0xaa: {  	[dreg:$0x4] =	wrdreg $0xC0  }
0xab: {  	_ =	task [dreg:s7], $0x5FFFF  }
0xac: {  	[dreg:$0x1] =	wrdreg $0xFFFFFFFF  }
0xad: {  	[dreg:$0x0] =	wrdreg $0x60  }
0xae: {  	[dreg:$0x2] =	wrdreg s2  }
0xaf: {  	[dreg:$0x3] =	wrdreg s24  }
0xb0: {  	[dreg:$0x4] =	wrdreg $0x80800  }
0xb1: {  	[dreg:$0x5] =	wrdreg $0x9  }
0xb2: {  	_ =	task.clear_ibuf [dreg:s7], $0x6FFFF;
	_ =	strace $0x9000004F  }
0xb3: {  	s29 =	simm.s32 $0x9;
	_ =	strace $0x80000051  }
0xb4: {  	_ =	swait.ge [sflag:s29], $0x1  }
0xb5: {  	[sflag:s29] =	ssyncadd.s32 $0xFFFFFFFF  }
0xb6: {  	_ =	strace $0x90000051  }
0xb7: {  	_ =	sfence  }
0xb8: {  	s30 =	sld [smem:$0x0];
	_ =	sdelay $0x2  }
0xb9: {  	s31 =	sshll.u32 s1, $0xD;
	s1 =	sshrl.u32 s1, $0x2  }
0xba: {  	s3 =	sand.u32 $0x4000, s31;
	s1 =	sadd.s32 s1, s30  }
0xbb: {  	s0 =	sor.u32 s3, s0;
	s1 =	sshll.u32 s1, $0x11  }
0xbc: {  	s0 =	sor.u32 s1, s0  }
0xbd: {  	s0 =	sadd.s32 $0x8F2B, s0  }
0xbe: {  	[sflag:s0] =	ssyncadd.remote.s32 $0x1  }
0xbf: {  	_ =	sfence.sel $0xFFFF  }
0xc0: {  	[dreg:$0x0] =	wrdreg $0xFFFFFFFF;
	(pc) =	sbr.abs _section_cstart, $3  }
0xc1: {  	[dreg:$0x1] =	wrdreg $0xFFFFFFFF  }
0xc2: {  	_ =	task.clear_ibuf [dreg:s7], $0x2FFFF;
	_ =	strace $0x9FFFFFFF  }
0xc3: {  	(tm) =	ssettm $0x7FFFFFFF  }
tec
execute0_lowered:
.L_overlay_start_1:
0x0: {  	(tag) =	ssettag $0x1  }
0x1: {  	s9 =	rddreg [dreg:$0x0]  }
0x2: {  	s11 =	rddreg [dreg:$0x1]  }
0x3: {  	s2 =	rddreg [dreg:$0x2];
	s1 =	stileid.u32  }
0x4: {  	s0 =	rddreg [dreg:$0x3];
	s3 =	simm.s32 $0x0;
	s5 =	srdreg.scid  }
0x5: {  	s4 =	smul.u32 $0x6000, s1;
	[smem:$0x7FF] =	sst s3  }
0x6: {  	s12 =	sand.u32 $0x1, s5;
	s8 =	sshll.u32 s1, $0x8;
	s30 =	sshll.u32 s1, $0x6  }
0x7: {  	_ =	strace $0x80000050;
	s29 =	sshrl.u32 s4, $0x3;
	s6 =	sadd.s32 s4, s2  }
0x8: {  	s10 =	sshll.u32 s12, $0x7;
	s5 =	sadd.s32 s29, s11;
	s7 =	sshrl.u32 s6, $0x3  }
0x9: {  	s6 =	simm.s32 $0x1;
	s4 =	sadd.s32 $0x11E00, s5;
	s5 =	sor.u32 $0x1C01, s30  }
0xa: {  	[spmem:s7], [sflag:s5] =	dma.local [hbm:s4], $0xC00  }
0xb: {  	s10 =	sor.u32 s10, s8;
	_ =	swait.ge [sflag:s6], $0xC00  }
0xc: {  	s8 =	sshrl.u32 s10, $0x3;
	[sflag:s6] =	ssyncset.done $0x0  }
0xd: {  	s8 =	sadd.s32 s8, s11;
	[sflag:s6] =	ssyncadd.s32 $0xFFFFF400  }
0xe: {  	s8 =	sadd.s32 $0xEC00, s8;
	[bflag:$0x0] =	sbarrier.arrive $0xFFFF  }
0xf: {  	[tilespmem:s3], [sflag:$0x1] =	stream.linear.gather [hbm4b:s8+s3], $0x80, $0x38;
	[tilespmem:$0xE080] =	vst v63  }
0x10: {  	_ =	swait.ge [sflag:s6], $0x80  }
0x11: {  	s10 =	sshll.u32 s10, $0x5;
	[sflag:s6] =	ssyncset.done $0x0  }
0x12: {  	s9 =	sadd.s32 s9, s10;
	s10 =	simm.s32 $0x80;
	[sflag:s6] =	ssyncadd.s32 $0xFFFFFF80  }
0x13: {  	[tilespmem:s10], [sflag:$0x1] =	stream.linear.gather [hbm4b:s9+s3], $0x8000, $0x38;
	[tilespmem:$0xE080] =	vst v63  }
0x14: {  	s14 =	smul.u32 $0xC000, s12;
	s12 =	ssub.s32 $0x2, s12;
	_ =	swait.ge [sflag:s6], $0x8000  }
0x15: {  	s31 =	sshrl.u32 s12, $0x1;
	[sflag:s6] =	ssyncset.done $0x0  }
0x16: {  	s13 =	smul.u32 $0xC00, s1;
	s12 =	ssub.s32 s12, s31;
	[sflag:s6] =	ssyncadd.s32 $0xFFFF8000  }
0x17: {  	[spmem:s2] =	stream.indirect.scatter.add.f32 [tilespmem:s10], [sflag:$0x1], $0x100, s3, s10, $0xb8;
	[tilespmem:$0xE080] =	vst v63  }
0x18: {  	s12 =	smax.u32 s12, $0x1;
	_ =	swait.ge [sflag:s6], $0x8000  }
0x19: {  	s13 =	sadd.s32 s13, s14;
	p0 =	sne.s32 s12, $0x1;
	[sflag:s6] =	ssyncset.done $0x0  }
.Ltmp0:
0x1a: {  	s11 =	sadd.s32 s13, s11;
	[sflag:s6] =	ssyncadd.s32 $0xFFFF8000;
	(pc) =	sbr.rel @!p0 .LBB2_2-.Ltmp0, $4  }
0x1b: {  	s11 =	sadd.s32 $0x1DE00, s11;
	[bflag:$0x0] =	sbarrier.arrive $0xFFFF  }
0x1c: {  	[hbm:s11], [sflag:s5] =	dma.local [spmem:s7], $0xC00  }
0x1d: {  	_ =	swait.ge [sflag:s6], $0xC00  }
0x1e: {  	s12 =	sadd.s32 $0xFFFFFFFF, s12;
	[sflag:s6] =	ssyncset.done $0x0  }
.LBB2_1:
0x1f: {  	p0 =	sne.s32 s12, $0x1;
	s12 =	sadd.s32 $0xFFFFFFFF, s12;
	[sflag:s6] =	ssyncadd.s32 $0xFFFFF400  }
0x20: {  	[spmem:s7], [sflag:s5] =	dma.local [hbm:s4], $0xC00  }
0x21: {  	_ =	swait.ge [sflag:s6], $0xC00  }
0x22: {  	[sflag:s6] =	ssyncset.done $0x0  }
0x23: {  	[sflag:s6] =	ssyncadd.s32 $0xFFFFF400  }
0x24: {  	[bflag:$0x0] =	sbarrier.arrive $0xFFFF  }
0x25: {  	[tilespmem:s3], [sflag:$0x1] =	stream.linear.gather [hbm4b:s8+s3], $0x80, $0x38;
	[tilespmem:$0xE080] =	vst v63  }
0x26: {  	_ =	swait.ge [sflag:s6], $0x80  }
0x27: {  	[sflag:s6] =	ssyncset.done $0x0  }
0x28: {  	[sflag:s6] =	ssyncadd.s32 $0xFFFFFF80  }
0x29: {  	[tilespmem:s10], [sflag:$0x1] =	stream.linear.gather [hbm4b:s9+s3], $0x8000, $0x38;
	[tilespmem:$0xE080] =	vst v63  }
0x2a: {  	_ =	swait.ge [sflag:s6], $0x8000  }
0x2b: {  	[sflag:s6] =	ssyncset.done $0x0  }
0x2c: {  	[sflag:s6] =	ssyncadd.s32 $0xFFFF8000  }
0x2d: {  	[spmem:s2] =	stream.indirect.scatter.add.f32 [tilespmem:s10], [sflag:$0x1], $0x100, s3, s10, $0xb8;
	[tilespmem:$0xE080] =	vst v63  }
0x2e: {  	_ =	swait.ge [sflag:s6], $0x8000  }
0x2f: {  	[sflag:s6] =	ssyncset.done $0x0  }
.Ltmp1:
0x30: {  	[sflag:s6] =	ssyncadd.s32 $0xFFFF8000;
	(pc) =	sbr.rel @p0 .LBB2_1-.Ltmp1, $4  }
0x31: {  	[bflag:$0x0] =	sbarrier.arrive $0xFFFF  }
0x32: {  	[hbm:s11], [sflag:s5] =	dma.local [spmem:s7], $0xC00  }
0x33: {  	_ =	swait.ge [sflag:s6], $0xC00  }
0x34: {  	[sflag:s6] =	ssyncset.done $0x0  }
.LBB2_2:
0x35: {  	[sflag:s6] =	ssyncadd.s32 $0xFFFFF400  }
0x36: {  	_ =	sfence.sel $0x180000  }
0x37: {  	[bflag:$0x0] =	sbarrier.arrive $0xFFFF  }
0x38: {  	p0 =	sne.s32 s1, $0x0;
	_ =	strace $0x90000050  }
0x39: {  	s0 =	sadd.s32 @!p0 $0x100000, s0;
	[bflag:$0x2] =	sbarrier.arrive $0xFFFF  }
0x3a: {  	[sflag:s0] =	ssyncadd.tile.s32 @!p0 $0x1;
	_ =	shalt  }
.Lfunc_end2:
_tile_overlayer_lowered:
.L_overlay_start_2:
0x3b: {  	(tag) =	ssettag $0x2  }
0x3c: {  	s0 =	rddreg [dreg:$0x0];
	s2 =	stileid.u32  }
0x3d: {  	s1 =	rddreg [dreg:$0x1];
	p0 =	sne.s32 s2, $0x0  }
0x3e: {  	s3 =	rddreg [dreg:$0x2];
	[bflag:$0x3] =	sbarrier.arrive $0xFFFF;
	s2 =	simm.s32 @!p0 $0x1C01  }
0x3f: {  	[timem:s3], [sflag:s2] =	dma.local @!p0 [hbm:s0], s1  }
0x40: {  	s0 =	simm.s32 @!p0 $0x1  }
0x41: {  	_ =	swait.ge @!p0 [sflag:s0], s1  }
0x42: {  	s1 =	ssub.s32 @!p0 $0x0, s1;
	[sflag:s0] =	ssyncset.done @!p0 $0x0  }
0x43: {  	[sflag:s0] =	ssyncadd.s32 @!p0 s1  }
0x44: {  	[bflag:$0x3] =	sbarrier.arrive $0xFFFF  }
0x45: {  	_ =	shalt  }

// kernel: kernel.30.cloned.1.call-start
scs
__scs_entry_jumppad:
0x0: {  	(pc) =	sbr.rel $0x88, $3  }
0x1: {  	(tag) =	ssettag $0x0;
	lr =	simm.s32 $0x1  }
0x2: {  	[smem:$0x3F7A] =	sst lr;
	_ =	strace $0xD0000000  }
0x3: {  	_ = 	snop  }
0x4: {  	_ = 	snop  }
0x5: {  	_ = 	snop  }
0x6: {  	_ = 	snop  }
0x7: {  	_ = 	snop  }
__scs_overlays_trampoline_lowered:
0x8: {  	[smem:$0x3F89] =	sst s0  }
0x9: {  	[smem:$0x3F8A] =	sst s1  }
0xa: {  	[smem:$0x3F8B] =	sst s2  }
0xb: {  	[smem:$0x3F8C] =	sst s3  }
0xc: {  	[smem:$0x3F8D] =	sst s4  }
0xd: {  	[smem:$0x3F8E] =	sst s5  }
0xe: {  	[smem:$0x3F8F] =	sst s6  }
0xf: {  	[smem:$0x3F90] =	sst s7  }
0x10: {  	[smem:$0x3F91] =	sst s8  }
0x11: {  	[smem:$0x3F92] =	sst s9;
	s0 =	simm.s32 @!p0 $0x0  }
0x12: {  	s1 =	sld [smem:$0x3F78];
	s0 =	simm.s32 @p0 $0x1  }
0x13: {  	[smem:$0x3F93] =	sst s0;
	s0 =	simm.s32 @!p1 $0x0  }
0x14: {  	s2 =	sld [smem:$0x3F77];
	s0 =	simm.s32 @p1 $0x1  }
0x15: {  	[smem:$0x3F94] =	sst s0;
	s0 =	simm.s32 @!p2 $0x0  }
0x16: {  	s3 =	sld [smem:$0x3FDB];
	s0 =	simm.s32 @p2 $0x1  }
0x17: {  	s4 =	simm.s32 $0x1BF5;
	[smem:$0x3F96] =	sst s0  }
0x18: {  	s0 =	sld [smem:$0x3F79];
	_ =	swait.ge [sflag:s4], $0x0  }
0x19: {  	s7 =	sld [smem:$0x3F7A]  }
0x1a: {  	s8 =	sadd.s32 $0xFFFFE003, lr  }
0x1b: {  	s9 =	sadd.s32 $0xFFFFFEF7, lr;
	s5 =	simm.s32 $0xFFFFFFFF;
	p2 =	slt.u32 s8, $0xFFFFF086  }
0x1c: {  	p1 =	slt.u32 s9, $0xF7A;
	s5 =	simm.s32 @!p2 $0x0  }
0x1d: {  	s5 =	simm.s32 @p1 $0x1;
	p0 =	seq.s32 s7, s2  }
0x1e: {  	s7 =	smul.u32 @!p0 $0xF7A, s2;
	p2 =	seq.s32 @!p0 s5, $0x0  }
0x1f: {  	s9 =	smul.u32 $0xF7A, s1;
	s8 =	simm.s32 @!p0 $0x1BF5;
	p2 =	por !p2, p0  }
0x20: {  	[sflag:s8] =	ssyncset.s32 @!p0 $0xFFFFF086;
	s6 =	sadd.s32 @!p0 s3, s7;
	s7 =	simm.s32 @!p0 $0x108  }
0x21: {  	s3 =	sadd.s32 s3, s9;
	s6 =	sadd.s32 @!p0 $0x88, s6;
	s7 =	simm.s32 @p2 $0x1082  }
0x22: {  	[simem:s7], [sflag:s8] =	dma.local @!p0 [hbm:s6], $0xF7A  }
0x23: {  	s9 =	sor.u32 $0xD0000000, s2;
	s6 =	simm.s32 $0x108;
	_ =	swait.ge @!p0 [sflag:s8], $0x0  }
0x24: {  	s3 =	sadd.s32 $0x88, s3;
	s6 =	simm.s32 @!p1 $0x1082;
	[sflag:s4] =	ssyncset.s32 $0xFFFFF086  }
0x25: {  	[simem:s6], [sflag:s4] =	dma.local [hbm:s3], $0xF7A  }
0x26: {  	[smem:$0x3F7A] =	sst s1;
	(tag) =	ssettag s2;
	_ =	strace s9  }
0x27: {  	s1 =	sld [smem:$0x3F8A]  }
0x28: {  	s2 =	sld [smem:$0x3F8B]  }
0x29: {  	s4 =	sld [smem:$0x3F8D]  }
0x2a: {  	p0 =	seq.s32 s5, $0x0;
	s5 =	sld [smem:$0x3F8E]  }
0x2b: {  	s6 =	sld [smem:$0x3F8F]  }
0x2c: {  	s7 =	sld [smem:$0x3F90]  }
0x2d: {  	s3 =	simm.s32 $0x108;
	s8 =	sld [smem:$0x3F91]  }
0x2e: {  	s3 =	simm.s32 @!p0 $0x1082;
	s9 =	sld [smem:$0x3F92]  }
0x2f: {  	lr =	sadd.s32 s0, s3;
	s0 =	sld [smem:$0x3F89]  }
0x30: {  	s3 =	sld [smem:$0x3F8C]  }
0x31: {  	[smem:$0x3F95] =	sst s10  }
0x32: {  	s10 =	sld [smem:$0x3F93];
	_ =	sdelay $0x3  }
0x33: {  	p0 =	seq.s32 s10, $0x1;
	s10 =	sld [smem:$0x3F95];
	_ =	sdelay $0x3  }
0x34: {  	[smem:$0x3F95] =	sst s10  }
0x35: {  	s10 =	sld [smem:$0x3F94];
	_ =	sdelay $0x3  }
0x36: {  	p1 =	seq.s32 s10, $0x1;
	s10 =	sld [smem:$0x3F95];
	_ =	sdelay $0x3  }
0x37: {  	[smem:$0x3F95] =	sst s10  }
0x38: {  	s10 =	sld [smem:$0x3F96]  }
0x39: {  	_ = 	snop;
	(pc) =	sbr.ind lr, $3  }
0x3a: {  	_ = 	snop  }
0x3b: {  	_ = 	snop  }
0x3c: {  	p2 =	seq.s32 s10, $0x1;
	s10 =	sld [smem:$0x3F95]  }
0x3d: {  	_ =	shalt  }
0x3e: {  	_ =	shalt  }
0x3f: {  	_ =	shalt  }
0x40: {  	_ =	shalt  }
0x41: {  	_ =	shalt  }
0x42: {  	_ =	shalt  }
0x43: {  	_ =	shalt  }
0x44: {  	_ =	shalt  }
0x45: {  	_ =	shalt  }
0x46: {  	_ =	shalt  }
0x47: {  	_ =	shalt  }
0x48: {  	_ =	shalt  }
0x49: {  	_ =	shalt  }
0x4a: {  	_ =	shalt  }
0x4b: {  	_ =	shalt  }
0x4c: {  	_ =	shalt  }
0x4d: {  	_ =	shalt  }
0x4e: {  	_ =	shalt  }
0x4f: {  	_ =	shalt  }
0x50: {  	_ =	shalt  }
0x51: {  	_ =	shalt  }
0x52: {  	_ =	shalt  }
0x53: {  	_ =	shalt  }
0x54: {  	_ =	shalt  }
0x55: {  	_ =	shalt  }
0x56: {  	_ =	shalt  }
0x57: {  	_ =	shalt  }
0x58: {  	_ =	shalt  }
0x59: {  	_ =	shalt  }
0x5a: {  	_ =	shalt  }
0x5b: {  	_ =	shalt  }
0x5c: {  	_ =	shalt  }
0x5d: {  	_ =	shalt  }
0x5e: {  	_ =	shalt  }
0x5f: {  	_ =	shalt  }
0x60: {  	_ =	shalt  }
0x61: {  	_ =	shalt  }
0x62: {  	_ =	shalt  }
0x63: {  	_ =	shalt  }
0x64: {  	_ =	shalt  }
0x65: {  	_ =	shalt  }
0x66: {  	_ =	shalt  }
0x67: {  	_ =	shalt  }
0x68: {  	_ =	shalt  }
0x69: {  	_ =	shalt  }
0x6a: {  	_ =	shalt  }
0x6b: {  	_ =	shalt  }
0x6c: {  	_ =	shalt  }
0x6d: {  	_ =	shalt  }
0x6e: {  	_ =	shalt  }
0x6f: {  	_ =	shalt  }
0x70: {  	_ =	shalt  }
0x71: {  	_ =	shalt  }
0x72: {  	_ =	shalt  }
0x73: {  	_ =	shalt  }
0x74: {  	_ =	shalt  }
0x75: {  	_ =	shalt  }
0x76: {  	_ =	shalt  }
0x77: {  	_ =	shalt  }
0x78: {  	_ =	shalt  }
0x79: {  	_ =	shalt  }
0x7a: {  	_ =	shalt  }
0x7b: {  	_ =	shalt  }
0x7c: {  	_ =	shalt  }
0x7d: {  	_ =	shalt  }
0x7e: {  	_ =	shalt  }
0x7f: {  	_ =	shalt  }
0x80: {  	_ =	shalt  }
0x81: {  	_ =	shalt  }
0x82: {  	_ =	shalt  }
0x83: {  	_ =	shalt  }
0x84: {  	_ =	shalt  }
0x85: {  	_ =	shalt  }
0x86: {  	_ =	shalt  }
0x87: {  	_ =	shalt  }
.Lfunc_end0:
.L_simem_size_0:
called_computation.4_lowered:
.L_overlay_start_0:
0x88: {  	s2 =	sld [smem:$0x3FD9]  }
0x89: {  	s3 =	sld [smem:$0x3FFE];
	_ =	sdelay $0x1  }
0x8a: {  	s1 =	srdreg.scid  }
0x8b: {  	s0 =	sand.u32 $0x1, s1  }
0x8c: {  	s17 =	sshll.u32 s0, $0xA;
	s2 =	sadd.s32 s3, s2  }
0x8d: {  	s2 =	sadd.s32 s2, s17  }
0x8e: {  	[smem:$0x3FA1] =	sst s2  }
0x8f: {  	_ = 	snop  }
0x90: {  	s2 =	sld [smem:$0x3FD0];
	(tm) =	ssettm $0x1  }
0x91: {  	s18 =	sld [smem:$0x3FFB];
	_ =	sdelay $0x3  }
0x92: {  	_ =	strace s18  }
0x93: {  	s3 =	sld [smem:$0x3FFC];
	_ =	sdelay $0x3  }
0x94: {  	_ =	strace s3  }
0x95: {  	s3 =	sld [smem:$0x3FFD];
	_ =	sdelay $0x3  }
0x96: {  	_ =	strace s3  }
0x97: {  	_ =	strace $0x8FFFFFFF  }
0x98: {  	s19 =	sld [smem:$0x3FDB];
	_ =	sdelay $0x1  }
0x99: {  	s4 =	simm.s32 $_scs_section_size  }
0x9a: {  	s5 =	simm.s32 $_size__tile_overlayer_lowered;
	s6 =	simm.s32 $_tile_overlayer_lowered  }
0x9b: {  	s22 =	simm.s32 $0x1BFF;
	s21 =	sshll.u32 s6, $0x1;
	s3 =	sadd.s32 s4, s19  }
0x9c: {  	s7 =	simm.s32 $0x0;
	s20 =	sshll.u32 s5, $0x1;
	s5 =	sadd.s32 s21, s3  }
0x9d: {  	[timem:s7], [sflag:s22] =	dma.local [hbm:s5], s20  }
0x9e: {  	_ =	swait.ge [sflag:s22], s20  }
0x9f: {  	s4 =	ssub.s32 $0x0, s20;
	[sflag:s22] =	ssyncset.done $0x0  }
0xa0: {  	[sflag:s22] =	ssyncadd.s32 s4;
	_ =	sdelay $0x1  }
0xa1: {  	s23 =	simm.s32 $0x1B8B  }
0xa2: {  	_ =	swait.ge [sflag:s23], $0x1  }
0xa3: {  	[sflag:s23] =	ssyncset.done $0x0  }
0xa4: {  	s25 =	simm.s32 $0x1B8E;
	s24 =	sld [smem:$0x3FFE];
	[sflag:s23] =	ssyncadd.s32 $0xFFFFFFFF  }
0xa5: {  	s26 =	simm.s32 $execute0_lowered;
	[smem:$0x3FD2] =	sst s25  }
0xa6: {  	s5 =	sshll.u32 s26, $0x1;
	_ =	strace $0x80000052;
	[dreg:$0x1] =	wrdreg $0xFFFFFFFF  }
0xa7: {  	s28 =	simm.s32 $_size_execute0_lowered;
	s3 =	sadd.s32 s3, s5;
	[dreg:$0x0] =	wrdreg $0x0  }
0xa8: {  	s5 =	sshll.u32 s28, $0x1;
	[dreg:$0x2] =	wrdreg s3  }
0xa9: {  	[dreg:$0x3] =	wrdreg s5  }
0xaa: {  	[dreg:$0x4] =	wrdreg $0xC0  }
0xab: {  	_ =	task [dreg:s7], $0x5FFFF  }
0xac: {  	[dreg:$0x1] =	wrdreg $0xFFFFFFFF  }
0xad: {  	[dreg:$0x0] =	wrdreg $0x60  }
0xae: {  	[dreg:$0x2] =	wrdreg s24  }
0xaf: {  	[dreg:$0x3] =	wrdreg s2  }
0xb0: {  	[dreg:$0x4] =	wrdreg $0x9  }
0xb1: {  	_ =	task.clear_ibuf [dreg:s7], $0x5FFFF;
	_ =	strace $0x90000052  }
0xb2: {  	s29 =	simm.s32 $0x9;
	_ =	strace $0x80000054  }
0xb3: {  	_ =	swait.ge [sflag:s29], $0x1  }
0xb4: {  	[sflag:s29] =	ssyncadd.s32 $0xFFFFFFFF  }
0xb5: {  	_ =	strace $0x90000054  }
0xb6: {  	_ =	sfence  }
0xb7: {  	s30 =	sld [smem:$0x0];
	_ =	sdelay $0x2  }
0xb8: {  	s31 =	sshll.u32 s1, $0xD;
	s1 =	sshrl.u32 s1, $0x2  }
0xb9: {  	s3 =	sand.u32 $0x4000, s31;
	s1 =	sadd.s32 s1, s30  }
0xba: {  	s0 =	sor.u32 s3, s0;
	s1 =	sshll.u32 s1, $0x11  }
0xbb: {  	s0 =	sor.u32 s1, s0  }
0xbc: {  	s0 =	sadd.s32 $0x8F2B, s0  }
0xbd: {  	[sflag:s0] =	ssyncadd.remote.s32 $0x1  }
0xbe: {  	_ =	sfence.sel $0xFFFF  }
0xbf: {  	[dreg:$0x0] =	wrdreg $0xFFFFFFFF;
	(pc) =	sbr.abs _section_cstart, $3  }
0xc0: {  	[dreg:$0x1] =	wrdreg $0xFFFFFFFF  }
0xc1: {  	_ =	task.clear_ibuf [dreg:s7], $0x2FFFF;
	_ =	strace $0x9FFFFFFF  }
0xc2: {  	(tm) =	ssettm $0x7FFFFFFF  }
0xc3: {  	_ =	shalt  }
tec
execute0_lowered:
.L_overlay_start_1:
0x0: {  	(tag) =	ssettag $0x1  }
0x1: {  	s5 =	rddreg [dreg:$0x0]  }
0x2: {  	s1 =	srdreg.scid;
	s0 =	stileid.u32  }
0x3: {  	s12 =	rddreg [dreg:$0x1];
	s3 =	sand.u32 $0x1, s1;
	s4 =	sshll.u32 s0, $0x1  }
0x4: {  	s2 =	simm.s32 $0x0;
	s1 =	rddreg [dreg:$0x2];
	s8 =	sor.u32 s3, s4  }
0x5: {  	[smem:$0x7FF] =	sst s2;
	s4 =	sshll.u32 s8, $0x4  }
0x6: {  	_ =	strace $0x80000053;
	s6 =	ssub.s32 $0x2, s3;
	s4 =	sadd.s32 s4, s5  }
0x7: {  	s7 =	sshrl.u32 s6, $0x1;
	s3 =	sadd.s32 $0xEE00, s4;
	s4 =	simm.s32 $0x2  }
0x8: {  	[tilespmem:s2], [sflag:$0x2] =	stream.linear.gather [hbm4b:s3+s2], $0x80, $0x38;
	[tilespmem:$0x8080] =	vst v63  }
0x9: {  	s9 =	sshll.u32 s8, $0xC;
	p0 =	sne.s32 s8, $0x1F;
	_ =	swait.ge [sflag:s4], $0x80  }
0xa: {  	s5 =	sadd.s32 $0x11E00, s5;
	s13 =	ssub.s32 s6, s7;
	[sflag:s4] =	ssyncset.done $0x0  }
0xb: {  	s6 =	simm.s32 $0x80;
	s7 =	simm.s32 $0x1;
	[sflag:s4] =	ssyncadd.s32 $0xFFFFFF80  }
0xc: {  	[tilespmem:s6], [sflag:$0x1] =	stream.indirect.gather [hbm4b:s5+s6], $0x100, s2, s6, $0xb8;
	[tilespmem:$0x8080] =	vst v63  }
0xd: {  	s8 =	sadd.s32 s12, s9;
	s9 =	simm.s32 @p0 $0x2;
	_ =	swait.ge [sflag:s7], $0x8000  }
0xe: {  	s10 =	simm.s32 @p0 $0x0;
	s13 =	smax.u32 s13, $0x1;
	[sflag:s7] =	ssyncset.done $0x0  }
0xf: {  	s11 =	simm.s32 @p0 $0x80;
	s14 =	sadd.s32 $0xFFFFFFFF, s13;
	[sflag:s7] =	ssyncadd.s32 $0xFFFF8000  }
0x10: {  	[hbm4b:s8+s10] =	stream.linear.scatter @p0 [tilespmem:s11], [sflag:$0x2], $0x8000, $0x38;
	[tilespmem:$0x8080] =	vst v63  }
0x11: {  	s12 =	sadd.s32 $0x1F000, s12;
	p1 =	sne.s32 s14, $0x0;
	_ =	swait.ge @p0 [sflag:s9], $0x8000  }
.Ltmp0:
0x12: {  	s15 =	simm.s32 @!p0 $0x0;
	[sflag:s9] =	ssyncset.done @p0 $0x0;
	(pc) =	sbr.rel @!p1 .LBB2_2-.Ltmp0, $4  }
0x13: {  	s16 =	simm.s32 @!p0 $0x80;
	s13 =	simm.s32 @!p0 $0x2;
	[sflag:s9] =	ssyncadd.s32 @p0 $0xFFFF8000  }
0x14: {  	[hbm4b:s12+s15] =	stream.linear.scatter @!p0 [tilespmem:s16], [sflag:$0x2], $0x2000, $0x38;
	[tilespmem:$0x8080] =	vst v63  }
0x15: {  	_ =	swait.ge @!p0 [sflag:s13], $0x2000  }
0x16: {  	[sflag:s13] =	ssyncset.done @!p0 $0x0  }
.LBB2_1:
0x17: {  	s14 =	sadd.s32 $0xFFFFFFFF, s14;
	[sflag:s13] =	ssyncadd.s32 @!p0 $0xFFFFE000  }
0x18: {  	[tilespmem:s2], [sflag:$0x2] =	stream.linear.gather [hbm4b:s3+s2], $0x80, $0x38;
	[tilespmem:$0x8080] =	vst v63  }
0x19: {  	p1 =	sne.s32 s14, $0x0;
	_ =	swait.ge [sflag:s4], $0x80  }
0x1a: {  	[sflag:s4] =	ssyncset.done $0x0  }
0x1b: {  	[sflag:s4] =	ssyncadd.s32 $0xFFFFFF80  }
0x1c: {  	[tilespmem:s6], [sflag:$0x1] =	stream.indirect.gather [hbm4b:s5+s6], $0x100, s2, s6, $0xb8;
	[tilespmem:$0x8080] =	vst v63  }
0x1d: {  	_ =	swait.ge [sflag:s7], $0x8000  }
0x1e: {  	[sflag:s7] =	ssyncset.done $0x0  }
0x1f: {  	[sflag:s7] =	ssyncadd.s32 $0xFFFF8000  }
0x20: {  	[hbm4b:s8+s10] =	stream.linear.scatter @p0 [tilespmem:s11], [sflag:$0x2], $0x8000, $0x38;
	[tilespmem:$0x8080] =	vst v63  }
0x21: {  	_ =	swait.ge @p0 [sflag:s9], $0x8000  }
.Ltmp1:
0x22: {  	[sflag:s9] =	ssyncset.done @p0 $0x0;
	(pc) =	sbr.rel @p1 .LBB2_1-.Ltmp1, $4  }
0x23: {  	[sflag:s9] =	ssyncadd.s32 @p0 $0xFFFF8000  }
0x24: {  	[hbm4b:s12+s15] =	stream.linear.scatter @!p0 [tilespmem:s16], [sflag:$0x2], $0x2000, $0x38;
	[tilespmem:$0x8080] =	vst v63  }
0x25: {  	_ =	swait.ge @!p0 [sflag:s13], $0x2000  }
0x26: {  	[sflag:s13] =	ssyncset.done @!p0 $0x0  }
.LBB2_2:
0x27: {  	[sflag:s13] =	ssyncadd.s32 @!p0 $0xFFFFE000  }
0x28: {  	_ =	sfence.sel $0x180000  }
0x29: {  	[bflag:$0x0] =	sbarrier.arrive $0xFFFF  }
0x2a: {  	p0 =	sne.s32 s0, $0x0;
	_ =	strace $0x90000053  }
0x2b: {  	s0 =	sadd.s32 @!p0 $0x100000, s1;
	[bflag:$0x2] =	sbarrier.arrive $0xFFFF  }
0x2c: {  	[sflag:s0] =	ssyncadd.tile.s32 @!p0 $0x1;
	_ =	shalt  }
.Lfunc_end2:
_tile_overlayer_lowered:
.L_overlay_start_2:
0x2d: {  	(tag) =	ssettag $0x2  }
0x2e: {  	s0 =	rddreg [dreg:$0x0];
	s2 =	stileid.u32  }
0x2f: {  	s1 =	rddreg [dreg:$0x1];
	p0 =	sne.s32 s2, $0x0  }
0x30: {  	s3 =	rddreg [dreg:$0x2];
	[bflag:$0x3] =	sbarrier.arrive $0xFFFF;
	s2 =	simm.s32 @!p0 $0x1C02  }
0x31: {  	[timem:s3], [sflag:s2] =	dma.local @!p0 [hbm:s0], s1  }
0x32: {  	s0 =	simm.s32 @!p0 $0x2  }
0x33: {  	_ =	swait.ge @!p0 [sflag:s0], s1  }
0x34: {  	s1 =	ssub.s32 @!p0 $0x0, s1;
	[sflag:s0] =	ssyncset.done @!p0 $0x0  }
0x35: {  	[sflag:s0] =	ssyncadd.s32 @!p0 s1  }
0x36: {  	[bflag:$0x3] =	sbarrier.arrive $0xFFFF  }
0x37: {  	_ =	shalt  }

// kernel: kernel.33.cloned.1.call-start
scs
__scs_entry_jumppad:
0x0: {  	(pc) =	sbr.rel $0x88, $3  }
0x1: {  	(tag) =	ssettag $0x0;
	lr =	simm.s32 $0x1  }
0x2: {  	[smem:$0x3F7A] =	sst lr;
	_ =	strace $0xD0000000  }
0x3: {  	_ = 	snop  }
0x4: {  	_ = 	snop  }
0x5: {  	_ = 	snop  }
0x6: {  	_ = 	snop  }
0x7: {  	_ = 	snop  }
__scs_overlays_trampoline_lowered:
0x8: {  	[smem:$0x3F89] =	sst s0  }
0x9: {  	[smem:$0x3F8A] =	sst s1  }
0xa: {  	[smem:$0x3F8B] =	sst s2  }
0xb: {  	[smem:$0x3F8C] =	sst s3  }
0xc: {  	[smem:$0x3F8D] =	sst s4  }
0xd: {  	[smem:$0x3F8E] =	sst s5  }
0xe: {  	[smem:$0x3F8F] =	sst s6  }
0xf: {  	[smem:$0x3F90] =	sst s7  }
0x10: {  	[smem:$0x3F91] =	sst s8  }
0x11: {  	[smem:$0x3F92] =	sst s9;
	s0 =	simm.s32 @!p0 $0x0  }
0x12: {  	s1 =	sld [smem:$0x3F78];
	s0 =	simm.s32 @p0 $0x1  }
0x13: {  	[smem:$0x3F93] =	sst s0;
	s0 =	simm.s32 @!p1 $0x0  }
0x14: {  	s2 =	sld [smem:$0x3F77];
	s0 =	simm.s32 @p1 $0x1  }
0x15: {  	[smem:$0x3F94] =	sst s0;
	s0 =	simm.s32 @!p2 $0x0  }
0x16: {  	s3 =	sld [smem:$0x3FDB];
	s0 =	simm.s32 @p2 $0x1  }
0x17: {  	s4 =	simm.s32 $0x1BF5;
	[smem:$0x3F96] =	sst s0  }
0x18: {  	s0 =	sld [smem:$0x3F79];
	_ =	swait.ge [sflag:s4], $0x0  }
0x19: {  	s7 =	sld [smem:$0x3F7A]  }
0x1a: {  	s8 =	sadd.s32 $0xFFFFE003, lr  }
0x1b: {  	s9 =	sadd.s32 $0xFFFFFEF7, lr;
	s5 =	simm.s32 $0xFFFFFFFF;
	p2 =	slt.u32 s8, $0xFFFFF086  }
0x1c: {  	p1 =	slt.u32 s9, $0xF7A;
	s5 =	simm.s32 @!p2 $0x0  }
0x1d: {  	s5 =	simm.s32 @p1 $0x1;
	p0 =	seq.s32 s7, s2  }
0x1e: {  	s7 =	smul.u32 @!p0 $0xF7A, s2;
	p2 =	seq.s32 @!p0 s5, $0x0  }
0x1f: {  	s9 =	smul.u32 $0xF7A, s1;
	s8 =	simm.s32 @!p0 $0x1BF5;
	p2 =	por !p2, p0  }
0x20: {  	[sflag:s8] =	ssyncset.s32 @!p0 $0xFFFFF086;
	s6 =	sadd.s32 @!p0 s3, s7;
	s7 =	simm.s32 @!p0 $0x108  }
0x21: {  	s3 =	sadd.s32 s3, s9;
	s6 =	sadd.s32 @!p0 $0x88, s6;
	s7 =	simm.s32 @p2 $0x1082  }
0x22: {  	[simem:s7], [sflag:s8] =	dma.local @!p0 [hbm:s6], $0xF7A  }
0x23: {  	s9 =	sor.u32 $0xD0000000, s2;
	s6 =	simm.s32 $0x108;
	_ =	swait.ge @!p0 [sflag:s8], $0x0  }
0x24: {  	s3 =	sadd.s32 $0x88, s3;
	s6 =	simm.s32 @!p1 $0x1082;
	[sflag:s4] =	ssyncset.s32 $0xFFFFF086  }
0x25: {  	[simem:s6], [sflag:s4] =	dma.local [hbm:s3], $0xF7A  }
0x26: {  	[smem:$0x3F7A] =	sst s1;
	(tag) =	ssettag s2;
	_ =	strace s9  }
0x27: {  	s1 =	sld [smem:$0x3F8A]  }
0x28: {  	s2 =	sld [smem:$0x3F8B]  }
0x29: {  	s4 =	sld [smem:$0x3F8D]  }
0x2a: {  	p0 =	seq.s32 s5, $0x0;
	s5 =	sld [smem:$0x3F8E]  }
0x2b: {  	s6 =	sld [smem:$0x3F8F]  }
0x2c: {  	s7 =	sld [smem:$0x3F90]  }
0x2d: {  	s3 =	simm.s32 $0x108;
	s8 =	sld [smem:$0x3F91]  }
0x2e: {  	s3 =	simm.s32 @!p0 $0x1082;
	s9 =	sld [smem:$0x3F92]  }
0x2f: {  	lr =	sadd.s32 s0, s3;
	s0 =	sld [smem:$0x3F89]  }
0x30: {  	s3 =	sld [smem:$0x3F8C]  }
0x31: {  	[smem:$0x3F95] =	sst s10  }
0x32: {  	s10 =	sld [smem:$0x3F93];
	_ =	sdelay $0x3  }
0x33: {  	p0 =	seq.s32 s10, $0x1;
	s10 =	sld [smem:$0x3F95];
	_ =	sdelay $0x3  }
0x34: {  	[smem:$0x3F95] =	sst s10  }
0x35: {  	s10 =	sld [smem:$0x3F94];
	_ =	sdelay $0x3  }
0x36: {  	p1 =	seq.s32 s10, $0x1;
	s10 =	sld [smem:$0x3F95];
	_ =	sdelay $0x3  }
0x37: {  	[smem:$0x3F95] =	sst s10  }
0x38: {  	s10 =	sld [smem:$0x3F96]  }
0x39: {  	_ = 	snop;
	(pc) =	sbr.ind lr, $3  }
0x3a: {  	_ = 	snop  }
0x3b: {  	_ = 	snop  }
0x3c: {  	p2 =	seq.s32 s10, $0x1;
	s10 =	sld [smem:$0x3F95]  }
0x3d: {  	_ =	shalt  }
0x3e: {  	_ =	shalt  }
0x3f: {  	_ =	shalt  }
0x40: {  	_ =	shalt  }
0x41: {  	_ =	shalt  }
0x42: {  	_ =	shalt  }
0x43: {  	_ =	shalt  }
0x44: {  	_ =	shalt  }
0x45: {  	_ =	shalt  }
0x46: {  	_ =	shalt  }
0x47: {  	_ =	shalt  }
0x48: {  	_ =	shalt  }
0x49: {  	_ =	shalt  }
0x4a: {  	_ =	shalt  }
0x4b: {  	_ =	shalt  }
0x4c: {  	_ =	shalt  }
0x4d: {  	_ =	shalt  }
0x4e: {  	_ =	shalt  }
0x4f: {  	_ =	shalt  }
0x50: {  	_ =	shalt  }
0x51: {  	_ =	shalt  }
0x52: {  	_ =	shalt  }
0x53: {  	_ =	shalt  }
0x54: {  	_ =	shalt  }
0x55: {  	_ =	shalt  }
0x56: {  	_ =	shalt  }
0x57: {  	_ =	shalt  }
0x58: {  	_ =	shalt  }
0x59: {  	_ =	shalt  }
0x5a: {  	_ =	shalt  }
0x5b: {  	_ =	shalt  }
0x5c: {  	_ =	shalt  }
0x5d: {  	_ =	shalt  }
0x5e: {  	_ =	shalt  }
0x5f: {  	_ =	shalt  }
0x60: {  	_ =	shalt  }
0x61: {  	_ =	shalt  }
0x62: {  	_ =	shalt  }
0x63: {  	_ =	shalt  }
0x64: {  	_ =	shalt  }
0x65: {  	_ =	shalt  }
0x66: {  	_ =	shalt  }
0x67: {  	_ =	shalt  }
0x68: {  	_ =	shalt  }
0x69: {  	_ =	shalt  }
0x6a: {  	_ =	shalt  }
0x6b: {  	_ =	shalt  }
0x6c: {  	_ =	shalt  }
0x6d: {  	_ =	shalt  }
0x6e: {  	_ =	shalt  }
0x6f: {  	_ =	shalt  }
0x70: {  	_ =	shalt  }
0x71: {  	_ =	shalt  }
0x72: {  	_ =	shalt  }
0x73: {  	_ =	shalt  }
0x74: {  	_ =	shalt  }
0x75: {  	_ =	shalt  }
0x76: {  	_ =	shalt  }
0x77: {  	_ =	shalt  }
0x78: {  	_ =	shalt  }
0x79: {  	_ =	shalt  }
0x7a: {  	_ =	shalt  }
0x7b: {  	_ =	shalt  }
0x7c: {  	_ =	shalt  }
0x7d: {  	_ =	shalt  }
0x7e: {  	_ =	shalt  }
0x7f: {  	_ =	shalt  }
0x80: {  	_ =	shalt  }
0x81: {  	_ =	shalt  }
0x82: {  	_ =	shalt  }
0x83: {  	_ =	shalt  }
0x84: {  	_ =	shalt  }
0x85: {  	_ =	shalt  }
0x86: {  	_ =	shalt  }
0x87: {  	_ =	shalt  }
.Lfunc_end0:
.L_simem_size_0:
called_computation.5_lowered:
.L_overlay_start_0:
0x88: {  	s2 =	sld [smem:$0x3FD9]  }
0x89: {  	s3 =	sld [smem:$0x3FFE];
	_ =	sdelay $0x1  }
0x8a: {  	s1 =	srdreg.scid  }
0x8b: {  	s0 =	sand.u32 $0x1, s1  }
0x8c: {  	s17 =	sshll.u32 s0, $0xA;
	s2 =	sadd.s32 s3, s2  }
0x8d: {  	s2 =	sadd.s32 s2, s17  }
0x8e: {  	[smem:$0x3FA1] =	sst s2  }
0x8f: {  	_ = 	snop  }
0x90: {  	s2 =	sld [smem:$0x3FD0];
	(tm) =	ssettm $0x1  }
0x91: {  	s18 =	sld [smem:$0x3FFB];
	_ =	sdelay $0x3  }
0x92: {  	_ =	strace s18  }
0x93: {  	s3 =	sld [smem:$0x3FFC];
	_ =	sdelay $0x3  }
0x94: {  	_ =	strace s3  }
0x95: {  	s3 =	sld [smem:$0x3FFD];
	_ =	sdelay $0x3  }
0x96: {  	_ =	strace s3  }
0x97: {  	_ =	strace $0x8FFFFFFF  }
0x98: {  	s19 =	sld [smem:$0x3FDB];
	_ =	sdelay $0x1  }
0x99: {  	s4 =	simm.s32 $_scs_section_size  }
0x9a: {  	s5 =	simm.s32 $_size__tile_overlayer_lowered;
	s6 =	simm.s32 $_tile_overlayer_lowered  }
0x9b: {  	s22 =	simm.s32 $0x1BFF;
	s21 =	sshll.u32 s6, $0x1;
	s3 =	sadd.s32 s4, s19  }
0x9c: {  	s7 =	simm.s32 $0x0;
	s20 =	sshll.u32 s5, $0x1;
	s5 =	sadd.s32 s21, s3  }
0x9d: {  	[timem:s7], [sflag:s22] =	dma.local [hbm:s5], s20  }
0x9e: {  	_ =	swait.ge [sflag:s22], s20  }
0x9f: {  	s4 =	ssub.s32 $0x0, s20;
	[sflag:s22] =	ssyncset.done $0x0  }
0xa0: {  	[sflag:s22] =	ssyncadd.s32 s4;
	_ =	sdelay $0x1  }
0xa1: {  	s23 =	simm.s32 $0x1B8B  }
0xa2: {  	_ =	swait.ge [sflag:s23], $0x1  }
0xa3: {  	[sflag:s23] =	ssyncset.done $0x0  }
0xa4: {  	s25 =	simm.s32 $0x1B8E;
	s24 =	sld [smem:$0x3FFE];
	[sflag:s23] =	ssyncadd.s32 $0xFFFFFFFF  }
0xa5: {  	s26 =	simm.s32 $execute0_lowered;
	[smem:$0x3FD2] =	sst s25  }
0xa6: {  	s5 =	sshll.u32 s26, $0x1;
	_ =	strace $0x80000055;
	[dreg:$0x1] =	wrdreg $0xFFFFFFFF  }
0xa7: {  	s28 =	simm.s32 $_size_execute0_lowered;
	s3 =	sadd.s32 s3, s5;
	[dreg:$0x0] =	wrdreg $0x0  }
0xa8: {  	s5 =	sshll.u32 s28, $0x1;
	[dreg:$0x2] =	wrdreg s3  }
0xa9: {  	[dreg:$0x3] =	wrdreg s5  }
0xaa: {  	[dreg:$0x4] =	wrdreg $0xC0  }
0xab: {  	_ =	task [dreg:s7], $0x5FFFF  }
0xac: {  	[dreg:$0x1] =	wrdreg $0xFFFFFFFF  }
0xad: {  	[dreg:$0x0] =	wrdreg $0x60  }
0xae: {  	[dreg:$0x2] =	wrdreg s24  }
0xaf: {  	[dreg:$0x3] =	wrdreg s2  }
0xb0: {  	[dreg:$0x4] =	wrdreg $0x9  }
0xb1: {  	_ =	task.clear_ibuf [dreg:s7], $0x5FFFF;
	_ =	strace $0x90000055  }
0xb2: {  	s29 =	simm.s32 $0x9;
	_ =	strace $0x80000057  }
0xb3: {  	_ =	swait.ge [sflag:s29], $0x1  }
0xb4: {  	[sflag:s29] =	ssyncadd.s32 $0xFFFFFFFF  }
0xb5: {  	_ =	strace $0x90000057  }
0xb6: {  	_ =	sfence  }
0xb7: {  	s30 =	sld [smem:$0x0];
	_ =	sdelay $0x2  }
0xb8: {  	s31 =	sshll.u32 s1, $0xD;
	s1 =	sshrl.u32 s1, $0x2  }
0xb9: {  	s3 =	sand.u32 $0x4000, s31;
	s1 =	sadd.s32 s1, s30  }
0xba: {  	s0 =	sor.u32 s3, s0;
	s1 =	sshll.u32 s1, $0x11  }
0xbb: {  	s0 =	sor.u32 s1, s0  }
0xbc: {  	s0 =	sadd.s32 $0x8F2B, s0  }
0xbd: {  	[sflag:s0] =	ssyncadd.remote.s32 $0x1  }
0xbe: {  	_ =	sfence.sel $0xFFFF  }
0xbf: {  	[dreg:$0x0] =	wrdreg $0xFFFFFFFF;
	(pc) =	sbr.abs _section_cstart, $3  }
0xc0: {  	[dreg:$0x1] =	wrdreg $0xFFFFFFFF  }
0xc1: {  	_ =	task.clear_ibuf [dreg:s7], $0x2FFFF;
	_ =	strace $0x9FFFFFFF  }
0xc2: {  	(tm) =	ssettm $0x7FFFFFFF  }
0xc3: {  	_ =	shalt  }
tec
execute0_lowered:
.L_overlay_start_1:
0x0: {  	(tag) =	ssettag $0x1  }
0x1: {  	s1 =	srdreg.scid;
	s0 =	stileid.u32  }
0x2: {  	s12 =	sand.u32 $0x1, s1;
	s30 =	sshll.u32 s0, $0x1  }
0x3: {  	s13 =	sor.u32 s12, s30  }
0x4: {  	s5 =	rddreg [dreg:$0x0];
	s3 =	smul.u32 $0x30, s13  }
0x5: {  	s14 =	rddreg [dreg:$0x1];
	s2 =	simm.s32 $0x0  }
0x6: {  	s4 =	simm.s32 $0x2;
	[smem:$0x7FF] =	sst s2;
	s3 =	sadd.s32 s3, s5  }
0x7: {  	s1 =	rddreg [dreg:$0x2];
	_ =	strace $0x80000056;
	s3 =	sadd.s32 $0xE600, s3  }
0x8: {  	[tilespmem:s2], [sflag:$0x2] =	stream.linear.gather [hbm4b:s3+s2], $0x180, $0x38;
	[tilespmem:$0xC180] =	vst v63  }
0x9: {  	_ =	swait.ge [sflag:s4], $0x180  }
0xa: {  	s6 =	simm.s32 $0x80;
	[sflag:s4] =	ssyncset.done $0x0  }
0xb: {  	s7 =	simm.s32 $0x180;
	s5 =	sadd.s32 $0x11E00, s5;
	[sflag:s4] =	ssyncadd.s32 $0xFFFFFE80  }
0xc: {  	[tilespmem:s7], [sflag:$0x1] =	stream.indirect.gather [hbm4b:s5+s6], $0x80, s2, s6, $0xb8;
	[tilespmem:$0xC180] =	vst v63  }
0xd: {  	s8 =	simm.s32 $0x4180  }
0xe: {  	[tilespmem:s8], [sflag:$0x1] =	stream.indirect.gather [hbm4b:s5+s6], $0x80, s6, s6, $0xb8;
	[tilespmem:$0xC180] =	vst v63  }
0xf: {  	s9 =	simm.s32 $0x100;
	s10 =	simm.s32 $0x8180;
	s11 =	simm.s32 $0x1  }
0x10: {  	[tilespmem:s10], [sflag:$0x1] =	stream.indirect.gather [hbm4b:s5+s6], $0x80, s9, s6, $0xb8;
	[tilespmem:$0xC180] =	vst v63  }
0x11: {  	_ =	swait.ge [sflag:s11], $0x4000  }
0x12: {  	[sflag:s11] =	ssyncset.done $0x0  }
0x13: {  	s12 =	ssub.s32 $0x2, s12;
	[sflag:s11] =	ssyncadd.s32 $0xFFFFC000  }
0x14: {  	s15 =	sshrl.u32 s12, $0x1;
	_ =	swait.ge [sflag:s11], $0x4000  }
0x15: {  	s31 =	smul.u32 $0x1800, s13;
	p0 =	sne.s32 s13, $0x1A;
	[sflag:s11] =	ssyncset.done $0x0  }
0x16: {  	s17 =	ssub.s32 s12, s15;
	s12 =	sadd.s32 $0x27000, s14;
	[sflag:s11] =	ssyncadd.s32 $0xFFFFC000  }
0x17: {  	s15 =	simm.s32 @!p0 $0x0;
	s16 =	simm.s32 @!p0 $0x180;
	_ =	swait.ge [sflag:s11], $0x4000  }
0x18: {  	s13 =	sadd.s32 s14, s31;
	s17 =	smax.u32 s17, $0x1;
	[sflag:s11] =	ssyncset.done $0x0  }
0x19: {  	s14 =	simm.s32 @!p0 $0x2;
	s18 =	sadd.s32 $0xFFFFFFFF, s17;
	[sflag:s11] =	ssyncadd.s32 $0xFFFFC000  }
0x1a: {  	[hbm4b:s12+s15] =	stream.linear.scatter @!p0 [tilespmem:s16], [sflag:$0x2], $0x800, $0x38;
	[tilespmem:$0xC180] =	vst v63  }
0x1b: {  	p1 =	sgt.u32 s0, $0xC;
	p2 =	sne.s32 s18, $0x0;
	_ =	swait.ge @!p0 [sflag:s14], $0x800  }
.Ltmp0:
0x1c: {  	s19 =	simm.s32 @!p1 $0x0;
	[sflag:s14] =	ssyncset.done @!p0 $0x0;
	(pc) =	sbr.rel @!p2 .LBB2_2-.Ltmp0, $4  }
0x1d: {  	s20 =	simm.s32 @!p1 $0x180;
	s17 =	simm.s32 @!p1 $0x2;
	[sflag:s14] =	ssyncadd.s32 @!p0 $0xFFFFF800  }
0x1e: {  	[hbm4b:s13+s19] =	stream.linear.scatter @!p1 [tilespmem:s20], [sflag:$0x2], $0xC000, $0x38;
	[tilespmem:$0xC180] =	vst v63  }
0x1f: {  	_ =	swait.ge @!p1 [sflag:s17], $0xC000  }
0x20: {  	[sflag:s17] =	ssyncset.done @!p1 $0x0  }
.LBB2_1:
0x21: {  	s18 =	sadd.s32 $0xFFFFFFFF, s18;
	[sflag:s17] =	ssyncadd.s32 @!p1 $0xFFFF4000  }
0x22: {  	[tilespmem:s2], [sflag:$0x2] =	stream.linear.gather [hbm4b:s3+s2], $0x180, $0x38;
	[tilespmem:$0xC180] =	vst v63  }
0x23: {  	p2 =	sne.s32 s18, $0x0;
	_ =	swait.ge [sflag:s4], $0x180  }
0x24: {  	[sflag:s4] =	ssyncset.done $0x0  }
0x25: {  	[sflag:s4] =	ssyncadd.s32 $0xFFFFFE80  }
0x26: {  	[tilespmem:s7], [sflag:$0x1] =	stream.indirect.gather [hbm4b:s5+s6], $0x80, s2, s6, $0xb8;
	[tilespmem:$0xC180] =	vst v63  }
0x27: {  	_ = 	snop  }
0x28: {  	[tilespmem:s8], [sflag:$0x1] =	stream.indirect.gather [hbm4b:s5+s6], $0x80, s6, s6, $0xb8;
	[tilespmem:$0xC180] =	vst v63  }
0x29: {  	_ = 	snop  }
0x2a: {  	[tilespmem:s10], [sflag:$0x1] =	stream.indirect.gather [hbm4b:s5+s6], $0x80, s9, s6, $0xb8;
	[tilespmem:$0xC180] =	vst v63  }
0x2b: {  	_ =	swait.ge [sflag:s11], $0x4000  }
0x2c: {  	[sflag:s11] =	ssyncset.done $0x0  }
0x2d: {  	[sflag:s11] =	ssyncadd.s32 $0xFFFFC000  }
0x2e: {  	_ =	swait.ge [sflag:s11], $0x4000  }
0x2f: {  	[sflag:s11] =	ssyncset.done $0x0  }
0x30: {  	[sflag:s11] =	ssyncadd.s32 $0xFFFFC000  }
0x31: {  	_ =	swait.ge [sflag:s11], $0x4000  }
0x32: {  	[sflag:s11] =	ssyncset.done $0x0  }
0x33: {  	[sflag:s11] =	ssyncadd.s32 $0xFFFFC000  }
0x34: {  	[hbm4b:s12+s15] =	stream.linear.scatter @!p0 [tilespmem:s16], [sflag:$0x2], $0x800, $0x38;
	[tilespmem:$0xC180] =	vst v63  }
0x35: {  	_ =	swait.ge @!p0 [sflag:s14], $0x800  }
.Ltmp1:
0x36: {  	[sflag:s14] =	ssyncset.done @!p0 $0x0;
	(pc) =	sbr.rel @p2 .LBB2_1-.Ltmp1, $4  }
0x37: {  	[sflag:s14] =	ssyncadd.s32 @!p0 $0xFFFFF800  }
0x38: {  	[hbm4b:s13+s19] =	stream.linear.scatter @!p1 [tilespmem:s20], [sflag:$0x2], $0xC000, $0x38;
	[tilespmem:$0xC180] =	vst v63  }
0x39: {  	_ =	swait.ge @!p1 [sflag:s17], $0xC000  }
0x3a: {  	[sflag:s17] =	ssyncset.done @!p1 $0x0  }
.LBB2_2:
0x3b: {  	[sflag:s17] =	ssyncadd.s32 @!p1 $0xFFFF4000  }
0x3c: {  	_ =	sfence.sel $0x180000  }
0x3d: {  	[bflag:$0x0] =	sbarrier.arrive $0xFFFF  }
0x3e: {  	p0 =	sne.s32 s0, $0x0;
	_ =	strace $0x90000056  }
0x3f: {  	s0 =	sadd.s32 @!p0 $0x100000, s1;
	[bflag:$0x2] =	sbarrier.arrive $0xFFFF  }
0x40: {  	[sflag:s0] =	ssyncadd.tile.s32 @!p0 $0x1;
	_ =	shalt  }
.Lfunc_end2:
_tile_overlayer_lowered:
.L_overlay_start_2:
0x41: {  	(tag) =	ssettag $0x2  }
0x42: {  	s0 =	rddreg [dreg:$0x0];
	s2 =	stileid.u32  }
0x43: {  	s1 =	rddreg [dreg:$0x1];
	p0 =	sne.s32 s2, $0x0  }
0x44: {  	s3 =	rddreg [dreg:$0x2];
	[bflag:$0x3] =	sbarrier.arrive $0xFFFF;
	s2 =	simm.s32 @!p0 $0x1C02  }
0x45: {  	[timem:s3], [sflag:s2] =	dma.local @!p0 [hbm:s0], s1  }
0x46: {  	s0 =	simm.s32 @!p0 $0x2  }
0x47: {  	_ =	swait.ge @!p0 [sflag:s0], s1  }
0x48: {  	s1 =	ssub.s32 @!p0 $0x0, s1;
	[sflag:s0] =	ssyncset.done @!p0 $0x0  }
0x49: {  	[sflag:s0] =	ssyncadd.s32 @!p0 s1  }
0x4a: {  	[bflag:$0x3] =	sbarrier.arrive $0xFFFF  }
0x4b: {  	_ =	shalt  }

// kernel: kernel.36.cloned.1.call-start
scs
__scs_entry_jumppad:
0x0: {  	(pc) =	sbr.rel $0x88, $3  }
0x1: {  	(tag) =	ssettag $0x0;
	lr =	simm.s32 $0x1  }
0x2: {  	[smem:$0x3F7A] =	sst lr;
	_ =	strace $0xD0000000  }
0x3: {  	_ = 	snop  }
0x4: {  	_ = 	snop  }
0x5: {  	_ = 	snop  }
0x6: {  	_ = 	snop  }
0x7: {  	_ = 	snop  }
__scs_overlays_trampoline_lowered:
0x8: {  	[smem:$0x3F89] =	sst s0  }
0x9: {  	[smem:$0x3F8A] =	sst s1  }
0xa: {  	[smem:$0x3F8B] =	sst s2  }
0xb: {  	[smem:$0x3F8C] =	sst s3  }
0xc: {  	[smem:$0x3F8D] =	sst s4  }
0xd: {  	[smem:$0x3F8E] =	sst s5  }
0xe: {  	[smem:$0x3F8F] =	sst s6  }
0xf: {  	[smem:$0x3F90] =	sst s7  }
0x10: {  	[smem:$0x3F91] =	sst s8  }
0x11: {  	[smem:$0x3F92] =	sst s9;
	s0 =	simm.s32 @!p0 $0x0  }
0x12: {  	s1 =	sld [smem:$0x3F78];
	s0 =	simm.s32 @p0 $0x1  }
0x13: {  	[smem:$0x3F93] =	sst s0;
	s0 =	simm.s32 @!p1 $0x0  }
0x14: {  	s2 =	sld [smem:$0x3F77];
	s0 =	simm.s32 @p1 $0x1  }
0x15: {  	[smem:$0x3F94] =	sst s0;
	s0 =	simm.s32 @!p2 $0x0  }
0x16: {  	s3 =	sld [smem:$0x3FDB];
	s0 =	simm.s32 @p2 $0x1  }
0x17: {  	s4 =	simm.s32 $0x1BF5;
	[smem:$0x3F96] =	sst s0  }
0x18: {  	s0 =	sld [smem:$0x3F79];
	_ =	swait.ge [sflag:s4], $0x0  }
0x19: {  	s7 =	sld [smem:$0x3F7A]  }
0x1a: {  	s8 =	sadd.s32 $0xFFFFE003, lr  }
0x1b: {  	s9 =	sadd.s32 $0xFFFFFEF7, lr;
	s5 =	simm.s32 $0xFFFFFFFF;
	p2 =	slt.u32 s8, $0xFFFFF086  }
0x1c: {  	p1 =	slt.u32 s9, $0xF7A;
	s5 =	simm.s32 @!p2 $0x0  }
0x1d: {  	s5 =	simm.s32 @p1 $0x1;
	p0 =	seq.s32 s7, s2  }
0x1e: {  	s7 =	smul.u32 @!p0 $0xF7A, s2;
	p2 =	seq.s32 @!p0 s5, $0x0  }
0x1f: {  	s9 =	smul.u32 $0xF7A, s1;
	s8 =	simm.s32 @!p0 $0x1BF5;
	p2 =	por !p2, p0  }
0x20: {  	[sflag:s8] =	ssyncset.s32 @!p0 $0xFFFFF086;
	s6 =	sadd.s32 @!p0 s3, s7;
	s7 =	simm.s32 @!p0 $0x108  }
0x21: {  	s3 =	sadd.s32 s3, s9;
	s6 =	sadd.s32 @!p0 $0x88, s6;
	s7 =	simm.s32 @p2 $0x1082  }
0x22: {  	[simem:s7], [sflag:s8] =	dma.local @!p0 [hbm:s6], $0xF7A  }
0x23: {  	s9 =	sor.u32 $0xD0000000, s2;
	s6 =	simm.s32 $0x108;
	_ =	swait.ge @!p0 [sflag:s8], $0x0  }
0x24: {  	s3 =	sadd.s32 $0x88, s3;
	s6 =	simm.s32 @!p1 $0x1082;
	[sflag:s4] =	ssyncset.s32 $0xFFFFF086  }
0x25: {  	[simem:s6], [sflag:s4] =	dma.local [hbm:s3], $0xF7A  }
0x26: {  	[smem:$0x3F7A] =	sst s1;
	(tag) =	ssettag s2;
	_ =	strace s9  }
0x27: {  	s1 =	sld [smem:$0x3F8A]  }
0x28: {  	s2 =	sld [smem:$0x3F8B]  }
0x29: {  	s4 =	sld [smem:$0x3F8D]  }
0x2a: {  	p0 =	seq.s32 s5, $0x0;
	s5 =	sld [smem:$0x3F8E]  }
0x2b: {  	s6 =	sld [smem:$0x3F8F]  }
0x2c: {  	s7 =	sld [smem:$0x3F90]  }
0x2d: {  	s3 =	simm.s32 $0x108;
	s8 =	sld [smem:$0x3F91]  }
0x2e: {  	s3 =	simm.s32 @!p0 $0x1082;
	s9 =	sld [smem:$0x3F92]  }
0x2f: {  	lr =	sadd.s32 s0, s3;
	s0 =	sld [smem:$0x3F89]  }
0x30: {  	s3 =	sld [smem:$0x3F8C]  }
0x31: {  	[smem:$0x3F95] =	sst s10  }
0x32: {  	s10 =	sld [smem:$0x3F93];
	_ =	sdelay $0x3  }
0x33: {  	p0 =	seq.s32 s10, $0x1;
	s10 =	sld [smem:$0x3F95];
	_ =	sdelay $0x3  }
0x34: {  	[smem:$0x3F95] =	sst s10  }
0x35: {  	s10 =	sld [smem:$0x3F94];
	_ =	sdelay $0x3  }
0x36: {  	p1 =	seq.s32 s10, $0x1;
	s10 =	sld [smem:$0x3F95];
	_ =	sdelay $0x3  }
0x37: {  	[smem:$0x3F95] =	sst s10  }
0x38: {  	s10 =	sld [smem:$0x3F96]  }
0x39: {  	_ = 	snop;
	(pc) =	sbr.ind lr, $3  }
0x3a: {  	_ = 	snop  }
0x3b: {  	_ = 	snop  }
0x3c: {  	p2 =	seq.s32 s10, $0x1;
	s10 =	sld [smem:$0x3F95]  }
0x3d: {  	_ =	shalt  }
0x3e: {  	_ =	shalt  }
0x3f: {  	_ =	shalt  }
0x40: {  	_ =	shalt  }
0x41: {  	_ =	shalt  }
0x42: {  	_ =	shalt  }
0x43: {  	_ =	shalt  }
0x44: {  	_ =	shalt  }
0x45: {  	_ =	shalt  }
0x46: {  	_ =	shalt  }
0x47: {  	_ =	shalt  }
0x48: {  	_ =	shalt  }
0x49: {  	_ =	shalt  }
0x4a: {  	_ =	shalt  }
0x4b: {  	_ =	shalt  }
0x4c: {  	_ =	shalt  }
0x4d: {  	_ =	shalt  }
0x4e: {  	_ =	shalt  }
0x4f: {  	_ =	shalt  }
0x50: {  	_ =	shalt  }
0x51: {  	_ =	shalt  }
0x52: {  	_ =	shalt  }
0x53: {  	_ =	shalt  }
0x54: {  	_ =	shalt  }
0x55: {  	_ =	shalt  }
0x56: {  	_ =	shalt  }
0x57: {  	_ =	shalt  }
0x58: {  	_ =	shalt  }
0x59: {  	_ =	shalt  }
0x5a: {  	_ =	shalt  }
0x5b: {  	_ =	shalt  }
0x5c: {  	_ =	shalt  }
0x5d: {  	_ =	shalt  }
0x5e: {  	_ =	shalt  }
0x5f: {  	_ =	shalt  }
0x60: {  	_ =	shalt  }
0x61: {  	_ =	shalt  }
0x62: {  	_ =	shalt  }
0x63: {  	_ =	shalt  }
0x64: {  	_ =	shalt  }
0x65: {  	_ =	shalt  }
0x66: {  	_ =	shalt  }
0x67: {  	_ =	shalt  }
0x68: {  	_ =	shalt  }
0x69: {  	_ =	shalt  }
0x6a: {  	_ =	shalt  }
0x6b: {  	_ =	shalt  }
0x6c: {  	_ =	shalt  }
0x6d: {  	_ =	shalt  }
0x6e: {  	_ =	shalt  }
0x6f: {  	_ =	shalt  }
0x70: {  	_ =	shalt  }
0x71: {  	_ =	shalt  }
0x72: {  	_ =	shalt  }
0x73: {  	_ =	shalt  }
0x74: {  	_ =	shalt  }
0x75: {  	_ =	shalt  }
0x76: {  	_ =	shalt  }
0x77: {  	_ =	shalt  }
0x78: {  	_ =	shalt  }
0x79: {  	_ =	shalt  }
0x7a: {  	_ =	shalt  }
0x7b: {  	_ =	shalt  }
0x7c: {  	_ =	shalt  }
0x7d: {  	_ =	shalt  }
0x7e: {  	_ =	shalt  }
0x7f: {  	_ =	shalt  }
0x80: {  	_ =	shalt  }
0x81: {  	_ =	shalt  }
0x82: {  	_ =	shalt  }
0x83: {  	_ =	shalt  }
0x84: {  	_ =	shalt  }
0x85: {  	_ =	shalt  }
0x86: {  	_ =	shalt  }
0x87: {  	_ =	shalt  }
.Lfunc_end0:
.L_simem_size_0:
called_computation.6_lowered:
.L_overlay_start_0:
0x88: {  	s2 =	sld [smem:$0x3FD9]  }
0x89: {  	s3 =	sld [smem:$0x3FFE];
	_ =	sdelay $0x1  }
0x8a: {  	s1 =	srdreg.scid  }
0x8b: {  	s0 =	sand.u32 $0x1, s1  }
0x8c: {  	s17 =	sshll.u32 s0, $0xA;
	s2 =	sadd.s32 s3, s2  }
0x8d: {  	s2 =	sadd.s32 s2, s17  }
0x8e: {  	[smem:$0x3FA1] =	sst s2  }
0x8f: {  	_ = 	snop  }
0x90: {  	s2 =	sld [smem:$0x3FD0];
	(tm) =	ssettm $0x1  }
0x91: {  	s18 =	sld [smem:$0x3FFB];
	_ =	sdelay $0x3  }
0x92: {  	_ =	strace s18  }
0x93: {  	s3 =	sld [smem:$0x3FFC];
	_ =	sdelay $0x3  }
0x94: {  	_ =	strace s3  }
0x95: {  	s3 =	sld [smem:$0x3FFD];
	_ =	sdelay $0x3  }
0x96: {  	_ =	strace s3  }
0x97: {  	_ =	strace $0x8FFFFFFF  }
0x98: {  	s19 =	sld [smem:$0x3FDB];
	_ =	sdelay $0x1  }
0x99: {  	s4 =	simm.s32 $_scs_section_size  }
0x9a: {  	s5 =	simm.s32 $_size__tile_overlayer_lowered;
	s6 =	simm.s32 $_tile_overlayer_lowered  }
0x9b: {  	s22 =	simm.s32 $0x1BFF;
	s21 =	sshll.u32 s6, $0x1;
	s3 =	sadd.s32 s4, s19  }
0x9c: {  	s7 =	simm.s32 $0x0;
	s20 =	sshll.u32 s5, $0x1;
	s5 =	sadd.s32 s21, s3  }
0x9d: {  	[timem:s7], [sflag:s22] =	dma.local [hbm:s5], s20  }
0x9e: {  	_ =	swait.ge [sflag:s22], s20  }
0x9f: {  	s4 =	ssub.s32 $0x0, s20;
	[sflag:s22] =	ssyncset.done $0x0  }
0xa0: {  	[sflag:s22] =	ssyncadd.s32 s4;
	_ =	sdelay $0x1  }
0xa1: {  	s23 =	simm.s32 $0x1B8B  }
0xa2: {  	_ =	swait.ge [sflag:s23], $0x1  }
0xa3: {  	[sflag:s23] =	ssyncset.done $0x0  }
0xa4: {  	s25 =	simm.s32 $0x1B8E;
	s24 =	sld [smem:$0x3FFE];
	[sflag:s23] =	ssyncadd.s32 $0xFFFFFFFF  }
0xa5: {  	s26 =	simm.s32 $execute0_lowered;
	[smem:$0x3FD2] =	sst s25  }
0xa6: {  	s5 =	sshll.u32 s26, $0x1;
	_ =	strace $0x80000058;
	[dreg:$0x1] =	wrdreg $0xFFFFFFFF  }
0xa7: {  	s28 =	simm.s32 $_size_execute0_lowered;
	s3 =	sadd.s32 s3, s5;
	[dreg:$0x0] =	wrdreg $0x0  }
0xa8: {  	s5 =	sshll.u32 s28, $0x1;
	[dreg:$0x2] =	wrdreg s3  }
0xa9: {  	[dreg:$0x3] =	wrdreg s5  }
0xaa: {  	[dreg:$0x4] =	wrdreg $0xC0  }
0xab: {  	_ =	task [dreg:s7], $0x5FFFF  }
0xac: {  	[dreg:$0x1] =	wrdreg $0xFFFFFFFF  }
0xad: {  	[dreg:$0x0] =	wrdreg $0x60  }
0xae: {  	[dreg:$0x2] =	wrdreg s24  }
0xaf: {  	[dreg:$0x3] =	wrdreg s2  }
0xb0: {  	[dreg:$0x4] =	wrdreg $0x9  }
0xb1: {  	_ =	task.clear_ibuf [dreg:s7], $0x5FFFF;
	_ =	strace $0x90000058  }
0xb2: {  	s29 =	simm.s32 $0x9;
	_ =	strace $0x8000005A  }
0xb3: {  	_ =	swait.ge [sflag:s29], $0x1  }
0xb4: {  	[sflag:s29] =	ssyncadd.s32 $0xFFFFFFFF  }
0xb5: {  	_ =	strace $0x9000005A  }
0xb6: {  	_ =	sfence  }
0xb7: {  	s30 =	sld [smem:$0x0];
	_ =	sdelay $0x2  }
0xb8: {  	s31 =	sshll.u32 s1, $0xD;
	s1 =	sshrl.u32 s1, $0x2  }
0xb9: {  	s3 =	sand.u32 $0x4000, s31;
	s1 =	sadd.s32 s1, s30  }
0xba: {  	s0 =	sor.u32 s3, s0;
	s1 =	sshll.u32 s1, $0x11  }
0xbb: {  	s0 =	sor.u32 s1, s0  }
0xbc: {  	s0 =	sadd.s32 $0x8F2B, s0  }
0xbd: {  	[sflag:s0] =	ssyncadd.remote.s32 $0x1  }
0xbe: {  	_ =	sfence.sel $0xFFFF  }
0xbf: {  	[dreg:$0x0] =	wrdreg $0xFFFFFFFF;
	(pc) =	sbr.abs _section_cstart, $3  }
0xc0: {  	[dreg:$0x1] =	wrdreg $0xFFFFFFFF  }
0xc1: {  	_ =	task.clear_ibuf [dreg:s7], $0x2FFFF;
	_ =	strace $0x9FFFFFFF  }
0xc2: {  	(tm) =	ssettm $0x7FFFFFFF  }
0xc3: {  	_ =	shalt  }
tec
execute0_lowered:
.L_overlay_start_1:
0x0: {  	(tag) =	ssettag $0x1  }
0x1: {  	s1 =	srdreg.scid;
	s0 =	stileid.u32  }
0x2: {  	s22 =	sand.u32 $0x1, s1;
	s24 =	sshll.u32 s0, $0x1  }
0x3: {  	s5 =	rddreg [dreg:$0x0];
	s23 =	sor.u32 s22, s24  }
0x4: {  	s26 =	rddreg [dreg:$0x1];
	s2 =	simm.s32 $0x0;
	s3 =	sshll.u32 s23, $0x7  }
0x5: {  	s4 =	simm.s32 $0x2;
	[smem:$0x7FF] =	sst s2;
	s3 =	sadd.s32 s3, s5  }
0x6: {  	s1 =	rddreg [dreg:$0x2];
	_ =	strace $0x80000059;
	s3 =	sadd.s32 $0x10E00, s3  }
0x7: {  	[tilespmem:s2], [sflag:$0x2] =	stream.linear.gather [hbm4b:s3+s2], $0x400, $0x38;
	[tilespmem:$0x10400] =	vst v63  }
0x8: {  	_ =	swait.ge [sflag:s4], $0x400  }
0x9: {  	s6 =	simm.s32 $0x80;
	[sflag:s4] =	ssyncset.done $0x0  }
0xa: {  	s7 =	simm.s32 $0x400;
	s5 =	sadd.s32 $0x11E00, s5;
	[sflag:s4] =	ssyncadd.s32 $0xFFFFFC00  }
0xb: {  	[tilespmem:s7], [sflag:$0x1] =	stream.indirect.gather [hbm4b:s5+s6], $0x40, s2, s6, $0xb8;
	[tilespmem:$0x10400] =	vst v63  }
0xc: {  	s8 =	simm.s32 $0x2400  }
0xd: {  	[tilespmem:s8], [sflag:$0x1] =	stream.indirect.gather [hbm4b:s5+s6], $0x40, s6, s6, $0xb8;
	[tilespmem:$0x10400] =	vst v63  }
0xe: {  	s9 =	simm.s32 $0x100;
	s10 =	simm.s32 $0x4400  }
0xf: {  	[tilespmem:s10], [sflag:$0x1] =	stream.indirect.gather [hbm4b:s5+s6], $0x40, s9, s6, $0xb8;
	[tilespmem:$0x10400] =	vst v63  }
0x10: {  	s11 =	simm.s32 $0x180;
	s12 =	simm.s32 $0x6400  }
0x11: {  	[tilespmem:s12], [sflag:$0x1] =	stream.indirect.gather [hbm4b:s5+s6], $0x40, s11, s6, $0xb8;
	[tilespmem:$0x10400] =	vst v63  }
0x12: {  	s13 =	simm.s32 $0x200;
	s14 =	simm.s32 $0x8400  }
0x13: {  	[tilespmem:s14], [sflag:$0x1] =	stream.indirect.gather [hbm4b:s5+s6], $0x40, s13, s6, $0xb8;
	[tilespmem:$0x10400] =	vst v63  }
0x14: {  	s15 =	simm.s32 $0x280;
	s16 =	simm.s32 $0xA400  }
0x15: {  	[tilespmem:s16], [sflag:$0x1] =	stream.indirect.gather [hbm4b:s5+s6], $0x40, s15, s6, $0xb8;
	[tilespmem:$0x10400] =	vst v63  }
0x16: {  	s17 =	simm.s32 $0x300;
	s18 =	simm.s32 $0xC400  }
0x17: {  	[tilespmem:s18], [sflag:$0x1] =	stream.indirect.gather [hbm4b:s5+s6], $0x40, s17, s6, $0xb8;
	[tilespmem:$0x10400] =	vst v63  }
0x18: {  	s19 =	simm.s32 $0x380;
	s20 =	simm.s32 $0xE400;
	s21 =	simm.s32 $0x1  }
0x19: {  	[tilespmem:s20], [sflag:$0x1] =	stream.indirect.gather [hbm4b:s5+s6], $0x40, s19, s6, $0xb8;
	[tilespmem:$0x10400] =	vst v63  }
0x1a: {  	_ =	swait.ge [sflag:s21], $0x2000  }
0x1b: {  	[sflag:s21] =	ssyncset.done $0x0  }
0x1c: {  	[sflag:s21] =	ssyncadd.s32 $0xFFFFE000  }
0x1d: {  	_ =	swait.ge [sflag:s21], $0x2000  }
0x1e: {  	[sflag:s21] =	ssyncset.done $0x0  }
0x1f: {  	[sflag:s21] =	ssyncadd.s32 $0xFFFFE000  }
0x20: {  	_ =	swait.ge [sflag:s21], $0x2000  }
0x21: {  	[sflag:s21] =	ssyncset.done $0x0  }
0x22: {  	[sflag:s21] =	ssyncadd.s32 $0xFFFFE000  }
0x23: {  	_ =	swait.ge [sflag:s21], $0x2000  }
0x24: {  	[sflag:s21] =	ssyncset.done $0x0  }
0x25: {  	[sflag:s21] =	ssyncadd.s32 $0xFFFFE000  }
0x26: {  	_ =	swait.ge [sflag:s21], $0x2000  }
0x27: {  	[sflag:s21] =	ssyncset.done $0x0  }
0x28: {  	[sflag:s21] =	ssyncadd.s32 $0xFFFFE000  }
0x29: {  	_ =	swait.ge [sflag:s21], $0x2000  }
0x2a: {  	[sflag:s21] =	ssyncset.done $0x0  }
0x2b: {  	s28 =	ssub.s32 $0x2, s22;
	[sflag:s21] =	ssyncadd.s32 $0xFFFFE000  }
0x2c: {  	p0 =	sne.s32 s23, $0x1D;
	s25 =	sshll.u32 s23, $0xD;
	_ =	swait.ge [sflag:s21], $0x2000  }
0x2d: {  	s29 =	sshrl.u32 s28, $0x1;
	p1 =	sgt.u32 @p0 s23, $0x1C;
	[sflag:s21] =	ssyncset.done $0x0  }
0x2e: {  	s22 =	sadd.s32 s26, s25;
	s28 =	ssub.s32 s28, s29;
	[sflag:s21] =	ssyncadd.s32 $0xFFFFE000  }
0x2f: {  	p1 =	por p1, !p0;
	s28 =	smax.u32 s28, $0x1;
	_ =	swait.ge [sflag:s21], $0x2000  }
0x30: {  	s23 =	simm.s32 @!p1 $0x0;
	s24 =	simm.s32 @!p1 $0x400;
	[sflag:s21] =	ssyncset.done $0x0  }
0x31: {  	s25 =	simm.s32 @!p1 $0x2;
	s31 =	sadd.s32 $0xFFFFFFFF, s28;
	[sflag:s21] =	ssyncadd.s32 $0xFFFFE000  }
0x32: {  	[hbm4b:s22+s23] =	stream.linear.scatter @!p1 [tilespmem:s24], [sflag:$0x2], $0x10000, $0x38;
	[tilespmem:$0x10400] =	vst v63  }
0x33: {  	s26 =	sadd.s32 $0x3A000, s26;
	p2 =	sne.s32 s31, $0x0;
	_ =	swait.ge @!p1 [sflag:s25], $0x10000  }
.Ltmp0:
0x34: {  	s29 =	simm.s32 @!p0 $0x0;
	[sflag:s25] =	ssyncset.done @!p1 $0x0;
	(pc) =	sbr.rel @!p2 .LBB2_2-.Ltmp0, $4  }
0x35: {  	s30 =	simm.s32 @!p0 $0x400;
	s28 =	simm.s32 @!p0 $0x2;
	[sflag:s25] =	ssyncadd.s32 @!p1 $0xFFFF0000  }
0x36: {  	[hbm4b:s26+s29] =	stream.linear.scatter @!p0 [tilespmem:s30], [sflag:$0x2], $0x4C00, $0x38;
	[tilespmem:$0x10400] =	vst v63  }
0x37: {  	_ =	swait.ge @!p0 [sflag:s28], $0x4C00  }
0x38: {  	[sflag:s28] =	ssyncset.done @!p0 $0x0  }
.LBB2_1:
0x39: {  	s31 =	sadd.s32 $0xFFFFFFFF, s31;
	[sflag:s28] =	ssyncadd.s32 @!p0 $0xFFFFB400  }
0x3a: {  	[tilespmem:s2], [sflag:$0x2] =	stream.linear.gather [hbm4b:s3+s2], $0x400, $0x38;
	[tilespmem:$0x10400] =	vst v63  }
0x3b: {  	p2 =	sne.s32 s31, $0x0;
	_ =	swait.ge [sflag:s4], $0x400  }
0x3c: {  	[sflag:s4] =	ssyncset.done $0x0  }
0x3d: {  	[sflag:s4] =	ssyncadd.s32 $0xFFFFFC00  }
0x3e: {  	[tilespmem:s7], [sflag:$0x1] =	stream.indirect.gather [hbm4b:s5+s6], $0x40, s2, s6, $0xb8;
	[tilespmem:$0x10400] =	vst v63  }
0x3f: {  	_ = 	snop  }
0x40: {  	[tilespmem:s8], [sflag:$0x1] =	stream.indirect.gather [hbm4b:s5+s6], $0x40, s6, s6, $0xb8;
	[tilespmem:$0x10400] =	vst v63  }
0x41: {  	_ = 	snop  }
0x42: {  	[tilespmem:s10], [sflag:$0x1] =	stream.indirect.gather [hbm4b:s5+s6], $0x40, s9, s6, $0xb8;
	[tilespmem:$0x10400] =	vst v63  }
0x43: {  	_ = 	snop  }
0x44: {  	[tilespmem:s12], [sflag:$0x1] =	stream.indirect.gather [hbm4b:s5+s6], $0x40, s11, s6, $0xb8;
	[tilespmem:$0x10400] =	vst v63  }
0x45: {  	_ = 	snop  }
0x46: {  	[tilespmem:s14], [sflag:$0x1] =	stream.indirect.gather [hbm4b:s5+s6], $0x40, s13, s6, $0xb8;
	[tilespmem:$0x10400] =	vst v63  }
0x47: {  	_ = 	snop  }
0x48: {  	[tilespmem:s16], [sflag:$0x1] =	stream.indirect.gather [hbm4b:s5+s6], $0x40, s15, s6, $0xb8;
	[tilespmem:$0x10400] =	vst v63  }
0x49: {  	_ = 	snop  }
0x4a: {  	[tilespmem:s18], [sflag:$0x1] =	stream.indirect.gather [hbm4b:s5+s6], $0x40, s17, s6, $0xb8;
	[tilespmem:$0x10400] =	vst v63  }
0x4b: {  	_ = 	snop  }
0x4c: {  	[tilespmem:s20], [sflag:$0x1] =	stream.indirect.gather [hbm4b:s5+s6], $0x40, s19, s6, $0xb8;
	[tilespmem:$0x10400] =	vst v63  }
0x4d: {  	_ =	swait.ge [sflag:s21], $0x2000  }
0x4e: {  	[sflag:s21] =	ssyncset.done $0x0  }
0x4f: {  	[sflag:s21] =	ssyncadd.s32 $0xFFFFE000  }
0x50: {  	_ =	swait.ge [sflag:s21], $0x2000  }
0x51: {  	[sflag:s21] =	ssyncset.done $0x0  }
0x52: {  	[sflag:s21] =	ssyncadd.s32 $0xFFFFE000  }
0x53: {  	_ =	swait.ge [sflag:s21], $0x2000  }
0x54: {  	[sflag:s21] =	ssyncset.done $0x0  }
0x55: {  	[sflag:s21] =	ssyncadd.s32 $0xFFFFE000  }
0x56: {  	_ =	swait.ge [sflag:s21], $0x2000  }
0x57: {  	[sflag:s21] =	ssyncset.done $0x0  }
0x58: {  	[sflag:s21] =	ssyncadd.s32 $0xFFFFE000  }
0x59: {  	_ =	swait.ge [sflag:s21], $0x2000  }
0x5a: {  	[sflag:s21] =	ssyncset.done $0x0  }
0x5b: {  	[sflag:s21] =	ssyncadd.s32 $0xFFFFE000  }
0x5c: {  	_ =	swait.ge [sflag:s21], $0x2000  }
0x5d: {  	[sflag:s21] =	ssyncset.done $0x0  }
0x5e: {  	[sflag:s21] =	ssyncadd.s32 $0xFFFFE000  }
0x5f: {  	_ =	swait.ge [sflag:s21], $0x2000  }
0x60: {  	[sflag:s21] =	ssyncset.done $0x0  }
0x61: {  	[sflag:s21] =	ssyncadd.s32 $0xFFFFE000  }
0x62: {  	_ =	swait.ge [sflag:s21], $0x2000  }
0x63: {  	[sflag:s21] =	ssyncset.done $0x0  }
0x64: {  	[sflag:s21] =	ssyncadd.s32 $0xFFFFE000  }
0x65: {  	[hbm4b:s22+s23] =	stream.linear.scatter @!p1 [tilespmem:s24], [sflag:$0x2], $0x10000, $0x38;
	[tilespmem:$0x10400] =	vst v63  }
0x66: {  	_ =	swait.ge @!p1 [sflag:s25], $0x10000  }
.Ltmp1:
0x67: {  	[sflag:s25] =	ssyncset.done @!p1 $0x0;
	(pc) =	sbr.rel @p2 .LBB2_1-.Ltmp1, $4  }
0x68: {  	[sflag:s25] =	ssyncadd.s32 @!p1 $0xFFFF0000  }
0x69: {  	[hbm4b:s26+s29] =	stream.linear.scatter @!p0 [tilespmem:s30], [sflag:$0x2], $0x4C00, $0x38;
	[tilespmem:$0x10400] =	vst v63  }
0x6a: {  	_ =	swait.ge @!p0 [sflag:s28], $0x4C00  }
0x6b: {  	[sflag:s28] =	ssyncset.done @!p0 $0x0  }
.LBB2_2:
0x6c: {  	[sflag:s28] =	ssyncadd.s32 @!p0 $0xFFFFB400  }
0x6d: {  	_ =	sfence.sel $0x180000  }
0x6e: {  	[bflag:$0x0] =	sbarrier.arrive $0xFFFF  }
0x6f: {  	p0 =	sne.s32 s0, $0x0;
	_ =	strace $0x90000059  }
0x70: {  	s0 =	sadd.s32 @!p0 $0x100000, s1;
	[bflag:$0x2] =	sbarrier.arrive $0xFFFF  }
0x71: {  	[sflag:s0] =	ssyncadd.tile.s32 @!p0 $0x1;
	_ =	shalt  }
.Lfunc_end2:
_tile_overlayer_lowered:
.L_overlay_start_2:
0x72: {  	(tag) =	ssettag $0x2  }
0x73: {  	s0 =	rddreg [dreg:$0x0];
	s2 =	stileid.u32  }
0x74: {  	s1 =	rddreg [dreg:$0x1];
	p0 =	sne.s32 s2, $0x0  }
0x75: {  	s3 =	rddreg [dreg:$0x2];
	[bflag:$0x3] =	sbarrier.arrive $0xFFFF;
	s2 =	simm.s32 @!p0 $0x1C02  }
0x76: {  	[timem:s3], [sflag:s2] =	dma.local @!p0 [hbm:s0], s1  }
0x77: {  	s0 =	simm.s32 @!p0 $0x2  }
0x78: {  	_ =	swait.ge @!p0 [sflag:s0], s1  }
0x79: {  	s1 =	ssub.s32 @!p0 $0x0, s1;
	[sflag:s0] =	ssyncset.done @!p0 $0x0  }
0x7a: {  	[sflag:s0] =	ssyncadd.s32 @!p0 s1  }
0x7b: {  	[bflag:$0x3] =	sbarrier.arrive $0xFFFF  }
0x7c: {  	_ =	shalt  }

// kernel: kernel.39.cloned.1.call-start
scs
__scs_entry_jumppad:
0x0: {  	(pc) =	sbr.rel $0x88, $3  }
0x1: {  	(tag) =	ssettag $0x0;
	lr =	simm.s32 $0x1  }
0x2: {  	[smem:$0x3F7A] =	sst lr;
	_ =	strace $0xD0000000  }
0x3: {  	_ = 	snop  }
0x4: {  	_ = 	snop  }
0x5: {  	_ = 	snop  }
0x6: {  	_ = 	snop  }
0x7: {  	_ = 	snop  }
__scs_overlays_trampoline_lowered:
0x8: {  	[smem:$0x3F89] =	sst s0  }
0x9: {  	[smem:$0x3F8A] =	sst s1  }
0xa: {  	[smem:$0x3F8B] =	sst s2  }
0xb: {  	[smem:$0x3F8C] =	sst s3  }
0xc: {  	[smem:$0x3F8D] =	sst s4  }
0xd: {  	[smem:$0x3F8E] =	sst s5  }
0xe: {  	[smem:$0x3F8F] =	sst s6  }
0xf: {  	[smem:$0x3F90] =	sst s7  }
0x10: {  	[smem:$0x3F91] =	sst s8  }
0x11: {  	[smem:$0x3F92] =	sst s9;
	s0 =	simm.s32 @!p0 $0x0  }
0x12: {  	s1 =	sld [smem:$0x3F78];
	s0 =	simm.s32 @p0 $0x1  }
0x13: {  	[smem:$0x3F93] =	sst s0;
	s0 =	simm.s32 @!p1 $0x0  }
0x14: {  	s2 =	sld [smem:$0x3F77];
	s0 =	simm.s32 @p1 $0x1  }
0x15: {  	[smem:$0x3F94] =	sst s0;
	s0 =	simm.s32 @!p2 $0x0  }
0x16: {  	s3 =	sld [smem:$0x3FDB];
	s0 =	simm.s32 @p2 $0x1  }
0x17: {  	s4 =	simm.s32 $0x1BF5;
	[smem:$0x3F96] =	sst s0  }
0x18: {  	s0 =	sld [smem:$0x3F79];
	_ =	swait.ge [sflag:s4], $0x0  }
0x19: {  	s7 =	sld [smem:$0x3F7A]  }
0x1a: {  	s8 =	sadd.s32 $0xFFFFE003, lr  }
0x1b: {  	s9 =	sadd.s32 $0xFFFFFEF7, lr;
	s5 =	simm.s32 $0xFFFFFFFF;
	p2 =	slt.u32 s8, $0xFFFFF086  }
0x1c: {  	p1 =	slt.u32 s9, $0xF7A;
	s5 =	simm.s32 @!p2 $0x0  }
0x1d: {  	s5 =	simm.s32 @p1 $0x1;
	p0 =	seq.s32 s7, s2  }
0x1e: {  	s7 =	smul.u32 @!p0 $0xF7A, s2;
	p2 =	seq.s32 @!p0 s5, $0x0  }
0x1f: {  	s9 =	smul.u32 $0xF7A, s1;
	s8 =	simm.s32 @!p0 $0x1BF5;
	p2 =	por !p2, p0  }
0x20: {  	[sflag:s8] =	ssyncset.s32 @!p0 $0xFFFFF086;
	s6 =	sadd.s32 @!p0 s3, s7;
	s7 =	simm.s32 @!p0 $0x108  }
0x21: {  	s3 =	sadd.s32 s3, s9;
	s6 =	sadd.s32 @!p0 $0x88, s6;
	s7 =	simm.s32 @p2 $0x1082  }
0x22: {  	[simem:s7], [sflag:s8] =	dma.local @!p0 [hbm:s6], $0xF7A  }
0x23: {  	s9 =	sor.u32 $0xD0000000, s2;
	s6 =	simm.s32 $0x108;
	_ =	swait.ge @!p0 [sflag:s8], $0x0  }
0x24: {  	s3 =	sadd.s32 $0x88, s3;
	s6 =	simm.s32 @!p1 $0x1082;
	[sflag:s4] =	ssyncset.s32 $0xFFFFF086  }
0x25: {  	[simem:s6], [sflag:s4] =	dma.local [hbm:s3], $0xF7A  }
0x26: {  	[smem:$0x3F7A] =	sst s1;
	(tag) =	ssettag s2;
	_ =	strace s9  }
0x27: {  	s1 =	sld [smem:$0x3F8A]  }
0x28: {  	s2 =	sld [smem:$0x3F8B]  }
0x29: {  	s4 =	sld [smem:$0x3F8D]  }
0x2a: {  	p0 =	seq.s32 s5, $0x0;
	s5 =	sld [smem:$0x3F8E]  }
0x2b: {  	s6 =	sld [smem:$0x3F8F]  }
0x2c: {  	s7 =	sld [smem:$0x3F90]  }
0x2d: {  	s3 =	simm.s32 $0x108;
	s8 =	sld [smem:$0x3F91]  }
0x2e: {  	s3 =	simm.s32 @!p0 $0x1082;
	s9 =	sld [smem:$0x3F92]  }
0x2f: {  	lr =	sadd.s32 s0, s3;
	s0 =	sld [smem:$0x3F89]  }
0x30: {  	s3 =	sld [smem:$0x3F8C]  }
0x31: {  	[smem:$0x3F95] =	sst s10  }
0x32: {  	s10 =	sld [smem:$0x3F93];
	_ =	sdelay $0x3  }
0x33: {  	p0 =	seq.s32 s10, $0x1;
	s10 =	sld [smem:$0x3F95];
	_ =	sdelay $0x3  }
0x34: {  	[smem:$0x3F95] =	sst s10  }
0x35: {  	s10 =	sld [smem:$0x3F94];
	_ =	sdelay $0x3  }
0x36: {  	p1 =	seq.s32 s10, $0x1;
	s10 =	sld [smem:$0x3F95];
	_ =	sdelay $0x3  }
0x37: {  	[smem:$0x3F95] =	sst s10  }
0x38: {  	s10 =	sld [smem:$0x3F96]  }
0x39: {  	_ = 	snop;
	(pc) =	sbr.ind lr, $3  }
0x3a: {  	_ = 	snop  }
0x3b: {  	_ = 	snop  }
0x3c: {  	p2 =	seq.s32 s10, $0x1;
	s10 =	sld [smem:$0x3F95]  }
0x3d: {  	_ =	shalt  }
0x3e: {  	_ =	shalt  }
0x3f: {  	_ =	shalt  }
0x40: {  	_ =	shalt  }
0x41: {  	_ =	shalt  }
0x42: {  	_ =	shalt  }
0x43: {  	_ =	shalt  }
0x44: {  	_ =	shalt  }
0x45: {  	_ =	shalt  }
0x46: {  	_ =	shalt  }
0x47: {  	_ =	shalt  }
0x48: {  	_ =	shalt  }
0x49: {  	_ =	shalt  }
0x4a: {  	_ =	shalt  }
0x4b: {  	_ =	shalt  }
0x4c: {  	_ =	shalt  }
0x4d: {  	_ =	shalt  }
0x4e: {  	_ =	shalt  }
0x4f: {  	_ =	shalt  }
0x50: {  	_ =	shalt  }
0x51: {  	_ =	shalt  }
0x52: {  	_ =	shalt  }
0x53: {  	_ =	shalt  }
0x54: {  	_ =	shalt  }
0x55: {  	_ =	shalt  }
0x56: {  	_ =	shalt  }
0x57: {  	_ =	shalt  }
0x58: {  	_ =	shalt  }
0x59: {  	_ =	shalt  }
0x5a: {  	_ =	shalt  }
0x5b: {  	_ =	shalt  }
0x5c: {  	_ =	shalt  }
0x5d: {  	_ =	shalt  }
0x5e: {  	_ =	shalt  }
0x5f: {  	_ =	shalt  }
0x60: {  	_ =	shalt  }
0x61: {  	_ =	shalt  }
0x62: {  	_ =	shalt  }
0x63: {  	_ =	shalt  }
0x64: {  	_ =	shalt  }
0x65: {  	_ =	shalt  }
0x66: {  	_ =	shalt  }
0x67: {  	_ =	shalt  }
0x68: {  	_ =	shalt  }
0x69: {  	_ =	shalt  }
0x6a: {  	_ =	shalt  }
0x6b: {  	_ =	shalt  }
0x6c: {  	_ =	shalt  }
0x6d: {  	_ =	shalt  }
0x6e: {  	_ =	shalt  }
0x6f: {  	_ =	shalt  }
0x70: {  	_ =	shalt  }
0x71: {  	_ =	shalt  }
0x72: {  	_ =	shalt  }
0x73: {  	_ =	shalt  }
0x74: {  	_ =	shalt  }
0x75: {  	_ =	shalt  }
0x76: {  	_ =	shalt  }
0x77: {  	_ =	shalt  }
0x78: {  	_ =	shalt  }
0x79: {  	_ =	shalt  }
0x7a: {  	_ =	shalt  }
0x7b: {  	_ =	shalt  }
0x7c: {  	_ =	shalt  }
0x7d: {  	_ =	shalt  }
0x7e: {  	_ =	shalt  }
0x7f: {  	_ =	shalt  }
0x80: {  	_ =	shalt  }
0x81: {  	_ =	shalt  }
0x82: {  	_ =	shalt  }
0x83: {  	_ =	shalt  }
0x84: {  	_ =	shalt  }
0x85: {  	_ =	shalt  }
0x86: {  	_ =	shalt  }
0x87: {  	_ =	shalt  }
.Lfunc_end0:
.L_simem_size_0:
called_computation.7_lowered:
.L_overlay_start_0:
0x88: {  	s2 =	sld [smem:$0x3FD9]  }
0x89: {  	s3 =	sld [smem:$0x3FFE];
	_ =	sdelay $0x1  }
0x8a: {  	s1 =	srdreg.scid  }
0x8b: {  	s0 =	sand.u32 $0x1, s1  }
0x8c: {  	s17 =	sshll.u32 s0, $0xA;
	s2 =	sadd.s32 s3, s2  }
0x8d: {  	s2 =	sadd.s32 s2, s17  }
0x8e: {  	[smem:$0x3FA1] =	sst s2  }
0x8f: {  	_ = 	snop  }
0x90: {  	s2 =	sld [smem:$0x3FD0];
	(tm) =	ssettm $0x1  }
0x91: {  	s18 =	sld [smem:$0x3FFB];
	_ =	sdelay $0x3  }
0x92: {  	_ =	strace s18  }
0x93: {  	s3 =	sld [smem:$0x3FFC];
	_ =	sdelay $0x3  }
0x94: {  	_ =	strace s3  }
0x95: {  	s3 =	sld [smem:$0x3FFD];
	_ =	sdelay $0x3  }
0x96: {  	_ =	strace s3  }
0x97: {  	_ =	strace $0x8FFFFFFF  }
0x98: {  	s19 =	sld [smem:$0x3FDB];
	_ =	sdelay $0x1  }
0x99: {  	s4 =	simm.s32 $_scs_section_size  }
0x9a: {  	s5 =	simm.s32 $_size__tile_overlayer_lowered;
	s6 =	simm.s32 $_tile_overlayer_lowered  }
0x9b: {  	s22 =	simm.s32 $0x1BFF;
	s21 =	sshll.u32 s6, $0x1;
	s3 =	sadd.s32 s4, s19  }
0x9c: {  	s7 =	simm.s32 $0x0;
	s20 =	sshll.u32 s5, $0x1;
	s5 =	sadd.s32 s21, s3  }
0x9d: {  	[timem:s7], [sflag:s22] =	dma.local [hbm:s5], s20  }
0x9e: {  	_ =	swait.ge [sflag:s22], s20  }
0x9f: {  	s4 =	ssub.s32 $0x0, s20;
	[sflag:s22] =	ssyncset.done $0x0  }
0xa0: {  	[sflag:s22] =	ssyncadd.s32 s4;
	_ =	sdelay $0x1  }
0xa1: {  	s23 =	simm.s32 $0x1B8B  }
0xa2: {  	_ =	swait.ge [sflag:s23], $0x1  }
0xa3: {  	[sflag:s23] =	ssyncset.done $0x0  }
0xa4: {  	s25 =	simm.s32 $0x1B8E;
	s24 =	sld [smem:$0x3FFE];
	[sflag:s23] =	ssyncadd.s32 $0xFFFFFFFF  }
0xa5: {  	s26 =	simm.s32 $execute0_lowered;
	[smem:$0x3FD2] =	sst s25  }
0xa6: {  	s5 =	sshll.u32 s26, $0x1;
	_ =	strace $0x8000005B;
	[dreg:$0x1] =	wrdreg $0xFFFFFFFF  }
0xa7: {  	s28 =	simm.s32 $_size_execute0_lowered;
	s3 =	sadd.s32 s3, s5;
	[dreg:$0x0] =	wrdreg $0x0  }
0xa8: {  	s5 =	sshll.u32 s28, $0x1;
	[dreg:$0x2] =	wrdreg s3  }
0xa9: {  	[dreg:$0x3] =	wrdreg s5  }
0xaa: {  	[dreg:$0x4] =	wrdreg $0xC0  }
0xab: {  	_ =	task [dreg:s7], $0x5FFFF  }
0xac: {  	[dreg:$0x1] =	wrdreg $0xFFFFFFFF  }
0xad: {  	[dreg:$0x0] =	wrdreg $0x60  }
0xae: {  	[dreg:$0x2] =	wrdreg s2  }
0xaf: {  	[dreg:$0x3] =	wrdreg s24  }
0xb0: {  	[dreg:$0x4] =	wrdreg $0x9  }
0xb1: {  	_ =	task.clear_ibuf [dreg:s7], $0x5FFFF;
	_ =	strace $0x9000005B  }
0xb2: {  	s29 =	simm.s32 $0x9;
	_ =	strace $0x8000005D  }
0xb3: {  	_ =	swait.ge [sflag:s29], $0x1  }
0xb4: {  	[sflag:s29] =	ssyncadd.s32 $0xFFFFFFFF  }
0xb5: {  	_ =	strace $0x9000005D  }
0xb6: {  	_ =	sfence  }
0xb7: {  	s30 =	sld [smem:$0x0];
	_ =	sdelay $0x2  }
0xb8: {  	s31 =	sshll.u32 s1, $0xD;
	s1 =	sshrl.u32 s1, $0x2  }
0xb9: {  	s3 =	sand.u32 $0x4000, s31;
	s1 =	sadd.s32 s1, s30  }
0xba: {  	s0 =	sor.u32 s3, s0;
	s1 =	sshll.u32 s1, $0x11  }
0xbb: {  	s0 =	sor.u32 s1, s0  }
0xbc: {  	s0 =	sadd.s32 $0x8F2B, s0  }
0xbd: {  	[sflag:s0] =	ssyncadd.remote.s32 $0x1  }
0xbe: {  	_ =	sfence.sel $0xFFFF  }
0xbf: {  	[dreg:$0x0] =	wrdreg $0xFFFFFFFF;
	(pc) =	sbr.abs _section_cstart, $3  }
0xc0: {  	[dreg:$0x1] =	wrdreg $0xFFFFFFFF  }
0xc1: {  	_ =	task.clear_ibuf [dreg:s7], $0x2FFFF;
	_ =	strace $0x9FFFFFFF  }
0xc2: {  	(tm) =	ssettm $0x7FFFFFFF  }
0xc3: {  	_ =	shalt  }
tec
execute0_lowered:
.L_overlay_start_1:
0x0: {  	(tag) =	ssettag $0x1  }
0x1: {  	s2 =	rddreg [dreg:$0x0]  }
0x2: {  	s4 =	rddreg [dreg:$0x1];
	s3 =	simm.s32 $0x0  }
0x3: {  	s18 =	simm.s32 $0xC80;
	[smem:$0x7FF] =	sst s3  }
0x4: {  	s19 =	simm.s32 $0x1C80;
	_ =	strace $0x8000005C;
	[dreg:$0x6] =	wrdreg s18  }
0x5: {  	s20 =	simm.s32 $0x100;
	[dreg:$0x7] =	wrdreg s19  }
0x6: {  	s21 =	simm.s32 $0x2C80;
	[dreg:$0x8] =	wrdreg s20  }
0x7: {  	s22 =	simm.s32 $0x180;
	[dreg:$0x9] =	wrdreg s21  }
0x8: {  	s23 =	simm.s32 $0x3C80;
	[dreg:$0xa] =	wrdreg s22  }
0x9: {  	s24 =	simm.s32 $0x200;
	[dreg:$0xb] =	wrdreg s23  }
0xa: {  	s25 =	simm.s32 $0x4C80;
	[dreg:$0xc] =	wrdreg s24  }
0xb: {  	s29 =	simm.s32 $0x280;
	[dreg:$0xd] =	wrdreg s25  }
0xc: {  	s1 =	srdreg.scid;
	s30 =	simm.s32 $0x5C80;
	[dreg:$0xe] =	wrdreg s29  }
0xd: {  	s0 =	stileid.u32;
	s31 =	simm.s32 $0x300;
	[dreg:$0xf] =	wrdreg s30  }
0xe: {  	s16 =	sshll.u32 s0, $0x1;
	s0 =	simm.s32 $0x6C80;
	[dreg:$0x10] =	wrdreg s31  }
0xf: {  	s26 =	sand.u32 $0x1, s1;
	s1 =	simm.s32 $0x380;
	[dreg:$0x11] =	wrdreg s0  }
0x10: {  	s7 =	simm.s32 $0x8C80;
	[dreg:$0x12] =	wrdreg s1  }
0x11: {  	s8 =	simm.s32 $0x480;
	[dreg:$0x15] =	wrdreg s7  }
0x12: {  	s9 =	simm.s32 $0x9C80;
	[dreg:$0x16] =	wrdreg s8  }
0x13: {  	s10 =	simm.s32 $0x500;
	[dreg:$0x17] =	wrdreg s9  }
0x14: {  	s11 =	simm.s32 $0xAC80;
	[dreg:$0x18] =	wrdreg s10  }
0x15: {  	s12 =	simm.s32 $0x580;
	[dreg:$0x19] =	wrdreg s11  }
0x16: {  	s13 =	simm.s32 $0xBC80;
	[dreg:$0x1a] =	wrdreg s12  }
0x17: {  	s14 =	simm.s32 $0x600;
	[dreg:$0x1b] =	wrdreg s13  }
0x18: {  	s15 =	simm.s32 $0xCC80;
	[dreg:$0x1c] =	wrdreg s14  }
0x19: {  	s28 =	sor.u32 s26, s16;
	[dreg:$0x1d] =	wrdreg s15;
	s16 =	simm.s32 $0x680  }
0x1a: {  	s18 =	simm.s32 $0x700;
	[dreg:$0x1e] =	wrdreg s16  }
0x1b: {  	s19 =	simm.s32 $0xEC80;
	s5 =	smul.u32 $0x190, s28;
	[smem:$0x7FC] =	sst s18  }
0x1c: {  	s21 =	simm.s32 $0x780;
	s6 =	smul.u32 $0x3200, s28;
	[smem:$0x7FB] =	sst s19  }
0x1d: {  	[smem:$0x7FD] =	sst s21  }
0x1e: {  	s5 =	sadd.s32 s5, s4;
	s6 =	sadd.s32 s6, s4;
	s4 =	sadd.s32 $0x6EE00, s4  }
0x1f: {  	s5 =	sadd.s32 $0xAE00, s5;
	[dreg:$0x5] =	wrdreg s4  }
0x20: {  	s17 =	sadd.s32 $0xE000, s6;
	[dreg:$0x3] =	wrdreg s5  }
0x21: {  	s6 =	simm.s32 $0x400;
	[dreg:$0x4] =	wrdreg s17  }
0x22: {  	s5 =	simm.s32 $0x7C80;
	[dreg:$0x14] =	wrdreg s6  }
0x23: {  	s17 =	simm.s32 $0xDC80;
	[dreg:$0x13] =	wrdreg s5  }
0x24: {  	[dreg:$0x1f] =	wrdreg s17  }
0x25: {  	s4 =	simm.s32 $0x2;
	s20 =	rddreg [dreg:$0x3]  }
0x26: {  	[tilespmem:s3], [sflag:$0x2] =	stream.linear.gather [hbm4b:s20+s3], $0xC80, $0x38;
	[tilespmem:$0x19C80] =	vst v63  }
0x27: {  	_ =	swait.ge [sflag:s4], $0xC80  }
0x28: {  	s22 =	sld [smem:$0x7FB]  }
0x29: {  	s7 =	rddreg [dreg:$0x1f]  }
0x2a: {  	s8 =	rddreg [dreg:$0x1d]  }
0x2b: {  	s9 =	rddreg [dreg:$0x1b]  }
0x2c: {  	s10 =	rddreg [dreg:$0x19]  }
0x2d: {  	s11 =	rddreg [dreg:$0x17]  }
0x2e: {  	s12 =	rddreg [dreg:$0x15]  }
0x2f: {  	s13 =	rddreg [dreg:$0x13]  }
0x30: {  	s14 =	rddreg [dreg:$0x11]  }
0x31: {  	s15 =	rddreg [dreg:$0xf]  }
0x32: {  	s16 =	rddreg [dreg:$0x7]  }
0x33: {  	s17 =	rddreg [dreg:$0x9]  }
0x34: {  	s18 =	rddreg [dreg:$0x6]  }
0x35: {  	[sflag:s4] =	ssyncset.done $0x0;
	s19 =	rddreg [dreg:$0xd]  }
0x36: {  	s5 =	simm.s32 $0x80;
	s20 =	rddreg [dreg:$0xb];
	[sflag:s4] =	ssyncadd.s32 $0xFFFFF380  }
0x37: {  	[tilespmem:s18], [sflag:$0x1] =	stream.indirect.gather [hbm4b:s2+s5], $0x20, s3, s5, $0xb8;
	[tilespmem:$0x19C80] =	vst v63  }
0x38: {  	s23 =	rddreg [dreg:$0x8]  }
0x39: {  	[tilespmem:s16], [sflag:$0x1] =	stream.indirect.gather [hbm4b:s2+s5], $0x20, s5, s5, $0xb8;
	[tilespmem:$0x19C80] =	vst v63  }
0x3a: {  	s24 =	rddreg [dreg:$0xa]  }
0x3b: {  	[tilespmem:s17], [sflag:$0x1] =	stream.indirect.gather [hbm4b:s2+s5], $0x20, s23, s5, $0xb8;
	[tilespmem:$0x19C80] =	vst v63  }
0x3c: {  	s25 =	rddreg [dreg:$0xc]  }
0x3d: {  	[tilespmem:s20], [sflag:$0x1] =	stream.indirect.gather [hbm4b:s2+s5], $0x20, s24, s5, $0xb8;
	[tilespmem:$0x19C80] =	vst v63  }
0x3e: {  	s29 =	rddreg [dreg:$0xe]  }
0x3f: {  	[tilespmem:s19], [sflag:$0x1] =	stream.indirect.gather [hbm4b:s2+s5], $0x20, s25, s5, $0xb8;
	[tilespmem:$0x19C80] =	vst v63  }
0x40: {  	s30 =	rddreg [dreg:$0x10]  }
0x41: {  	[tilespmem:s15], [sflag:$0x1] =	stream.indirect.gather [hbm4b:s2+s5], $0x20, s29, s5, $0xb8;
	[tilespmem:$0x19C80] =	vst v63  }
0x42: {  	s31 =	rddreg [dreg:$0x12]  }
0x43: {  	[tilespmem:s14], [sflag:$0x1] =	stream.indirect.gather [hbm4b:s2+s5], $0x20, s30, s5, $0xb8;
	[tilespmem:$0x19C80] =	vst v63  }
0x44: {  	s0 =	rddreg [dreg:$0x14]  }
0x45: {  	[tilespmem:s13], [sflag:$0x1] =	stream.indirect.gather [hbm4b:s2+s5], $0x20, s31, s5, $0xb8;
	[tilespmem:$0x19C80] =	vst v63  }
0x46: {  	s1 =	rddreg [dreg:$0x16]  }
0x47: {  	[tilespmem:s12], [sflag:$0x1] =	stream.indirect.gather [hbm4b:s2+s5], $0x20, s0, s5, $0xb8;
	[tilespmem:$0x19C80] =	vst v63  }
0x48: {  	s18 =	sld [smem:$0x7FC]  }
0x49: {  	[tilespmem:s11], [sflag:$0x1] =	stream.indirect.gather [hbm4b:s2+s5], $0x20, s1, s5, $0xb8;
	[tilespmem:$0x19C80] =	vst v63  }
0x4a: {  	s14 =	rddreg [dreg:$0x18]  }
0x4b: {  	[tilespmem:s10], [sflag:$0x1] =	stream.indirect.gather [hbm4b:s2+s5], $0x20, s14, s5, $0xb8;
	[tilespmem:$0x19C80] =	vst v63  }
0x4c: {  	s15 =	rddreg [dreg:$0x1a]  }
0x4d: {  	[tilespmem:s9], [sflag:$0x1] =	stream.indirect.gather [hbm4b:s2+s5], $0x20, s15, s5, $0xb8;
	[tilespmem:$0x19C80] =	vst v63  }
0x4e: {  	s16 =	rddreg [dreg:$0x1c]  }
0x4f: {  	[tilespmem:s8], [sflag:$0x1] =	stream.indirect.gather [hbm4b:s2+s5], $0x20, s16, s5, $0xb8;
	[tilespmem:$0x19C80] =	vst v63  }
0x50: {  	s17 =	rddreg [dreg:$0x1e]  }
0x51: {  	[tilespmem:s7], [sflag:$0x1] =	stream.indirect.gather [hbm4b:s2+s5], $0x20, s17, s5, $0xb8;
	[tilespmem:$0x19C80] =	vst v63  }
0x52: {  	s19 =	sld [smem:$0x7FD]  }
0x53: {  	[tilespmem:s22], [sflag:$0x1] =	stream.indirect.gather [hbm4b:s2+s5], $0x20, s18, s5, $0xb8;
	[tilespmem:$0x19C80] =	vst v63  }
0x54: {  	s20 =	simm.s32 $0xFC80  }
0x55: {  	[tilespmem:s20], [sflag:$0x1] =	stream.indirect.gather [hbm4b:s2+s5], $0x20, s19, s5, $0xb8;
	[tilespmem:$0x19C80] =	vst v63  }
0x56: {  	s21 =	simm.s32 $0x800;
	s22 =	simm.s32 $0x10C80  }
0x57: {  	[tilespmem:s22], [sflag:$0x1] =	stream.indirect.gather [hbm4b:s2+s5], $0x20, s21, s5, $0xb8;
	[tilespmem:$0x19C80] =	vst v63  }
0x58: {  	s23 =	simm.s32 $0x880;
	s24 =	simm.s32 $0x11C80  }
0x59: {  	[tilespmem:s24], [sflag:$0x1] =	stream.indirect.gather [hbm4b:s2+s5], $0x20, s23, s5, $0xb8;
	[tilespmem:$0x19C80] =	vst v63  }
0x5a: {  	s25 =	simm.s32 $0x900;
	s29 =	simm.s32 $0x12C80  }
0x5b: {  	[tilespmem:s29], [sflag:$0x1] =	stream.indirect.gather [hbm4b:s2+s5], $0x20, s25, s5, $0xb8;
	[tilespmem:$0x19C80] =	vst v63  }
0x5c: {  	s30 =	simm.s32 $0x980;
	s31 =	simm.s32 $0x13C80  }
0x5d: {  	[tilespmem:s31], [sflag:$0x1] =	stream.indirect.gather [hbm4b:s2+s5], $0x20, s30, s5, $0xb8;
	[tilespmem:$0x19C80] =	vst v63  }
0x5e: {  	s15 =	simm.s32 $0xA00;
	s16 =	simm.s32 $0x14C80  }
0x5f: {  	[tilespmem:s16], [sflag:$0x1] =	stream.indirect.gather [hbm4b:s2+s5], $0x20, s15, s5, $0xb8;
	[tilespmem:$0x19C80] =	vst v63  }
0x60: {  	s17 =	simm.s32 $0xA80;
	s18 =	simm.s32 $0x15C80  }
0x61: {  	[tilespmem:s18], [sflag:$0x1] =	stream.indirect.gather [hbm4b:s2+s5], $0x20, s17, s5, $0xb8;
	[tilespmem:$0x19C80] =	vst v63  }
0x62: {  	s19 =	simm.s32 $0xB00;
	s20 =	simm.s32 $0x16C80  }
0x63: {  	[tilespmem:s20], [sflag:$0x1] =	stream.indirect.gather [hbm4b:s2+s5], $0x20, s19, s5, $0xb8;
	[tilespmem:$0x19C80] =	vst v63  }
0x64: {  	s21 =	simm.s32 $0xB80;
	s23 =	simm.s32 $0x17C80  }
0x65: {  	[tilespmem:s23], [sflag:$0x1] =	stream.indirect.gather [hbm4b:s2+s5], $0x20, s21, s5, $0xb8;
	[tilespmem:$0x19C80] =	vst v63  }
0x66: {  	s22 =	simm.s32 $0x1;
	s24 =	simm.s32 $0xC00;
	s25 =	simm.s32 $0x18C80  }
0x67: {  	[tilespmem:s25], [sflag:$0x1] =	stream.indirect.gather [hbm4b:s2+s5], $0x20, s24, s5, $0xb8;
	[tilespmem:$0x19C80] =	vst v63  }
0x68: {  	_ =	swait.ge [sflag:s22], $0x1000  }
0x69: {  	[sflag:s22] =	ssyncset.done $0x0  }
0x6a: {  	[sflag:s22] =	ssyncadd.s32 $0xFFFFF000  }
0x6b: {  	_ =	swait.ge [sflag:s22], $0x1000  }
0x6c: {  	[sflag:s22] =	ssyncset.done $0x0  }
0x6d: {  	[sflag:s22] =	ssyncadd.s32 $0xFFFFF000  }
0x6e: {  	_ =	swait.ge [sflag:s22], $0x1000  }
0x6f: {  	[sflag:s22] =	ssyncset.done $0x0  }
0x70: {  	[sflag:s22] =	ssyncadd.s32 $0xFFFFF000  }
0x71: {  	_ =	swait.ge [sflag:s22], $0x1000  }
0x72: {  	[sflag:s22] =	ssyncset.done $0x0  }
0x73: {  	[sflag:s22] =	ssyncadd.s32 $0xFFFFF000  }
0x74: {  	_ =	swait.ge [sflag:s22], $0x1000  }
0x75: {  	[sflag:s22] =	ssyncset.done $0x0  }
0x76: {  	[sflag:s22] =	ssyncadd.s32 $0xFFFFF000  }
0x77: {  	_ =	swait.ge [sflag:s22], $0x1000  }
0x78: {  	[sflag:s22] =	ssyncset.done $0x0  }
0x79: {  	[sflag:s22] =	ssyncadd.s32 $0xFFFFF000  }
0x7a: {  	_ =	swait.ge [sflag:s22], $0x1000  }
0x7b: {  	[sflag:s22] =	ssyncset.done $0x0  }
0x7c: {  	[sflag:s22] =	ssyncadd.s32 $0xFFFFF000  }
0x7d: {  	_ =	swait.ge [sflag:s22], $0x1000  }
0x7e: {  	[sflag:s22] =	ssyncset.done $0x0  }
0x7f: {  	[sflag:s22] =	ssyncadd.s32 $0xFFFFF000  }
0x80: {  	_ =	swait.ge [sflag:s22], $0x1000  }
0x81: {  	[sflag:s22] =	ssyncset.done $0x0  }
0x82: {  	[sflag:s22] =	ssyncadd.s32 $0xFFFFF000  }
0x83: {  	_ =	swait.ge [sflag:s22], $0x1000  }
0x84: {  	[sflag:s22] =	ssyncset.done $0x0  }
0x85: {  	[sflag:s22] =	ssyncadd.s32 $0xFFFFF000  }
0x86: {  	_ =	swait.ge [sflag:s22], $0x1000  }
0x87: {  	[sflag:s22] =	ssyncset.done $0x0  }
0x88: {  	[sflag:s22] =	ssyncadd.s32 $0xFFFFF000  }
0x89: {  	_ =	swait.ge [sflag:s22], $0x1000  }
0x8a: {  	[sflag:s22] =	ssyncset.done $0x0  }
0x8b: {  	[sflag:s22] =	ssyncadd.s32 $0xFFFFF000  }
0x8c: {  	_ =	swait.ge [sflag:s22], $0x1000  }
0x8d: {  	[sflag:s22] =	ssyncset.done $0x0  }
0x8e: {  	[sflag:s22] =	ssyncadd.s32 $0xFFFFF000  }
0x8f: {  	_ =	swait.ge [sflag:s22], $0x1000  }
0x90: {  	[sflag:s22] =	ssyncset.done $0x0  }
0x91: {  	[sflag:s22] =	ssyncadd.s32 $0xFFFFF000  }
0x92: {  	_ =	swait.ge [sflag:s22], $0x1000  }
0x93: {  	[sflag:s22] =	ssyncset.done $0x0  }
0x94: {  	[sflag:s22] =	ssyncadd.s32 $0xFFFFF000  }
0x95: {  	_ =	swait.ge [sflag:s22], $0x1000  }
0x96: {  	[sflag:s22] =	ssyncset.done $0x0  }
0x97: {  	[sflag:s22] =	ssyncadd.s32 $0xFFFFF000  }
0x98: {  	_ =	swait.ge [sflag:s22], $0x1000  }
0x99: {  	[sflag:s22] =	ssyncset.done $0x0  }
0x9a: {  	[sflag:s22] =	ssyncadd.s32 $0xFFFFF000  }
0x9b: {  	_ =	swait.ge [sflag:s22], $0x1000  }
0x9c: {  	[sflag:s22] =	ssyncset.done $0x0  }
0x9d: {  	[sflag:s22] =	ssyncadd.s32 $0xFFFFF000  }
0x9e: {  	_ =	swait.ge [sflag:s22], $0x1000  }
0x9f: {  	[sflag:s22] =	ssyncset.done $0x0  }
0xa0: {  	[sflag:s22] =	ssyncadd.s32 $0xFFFFF000  }
0xa1: {  	_ =	swait.ge [sflag:s22], $0x1000  }
0xa2: {  	[sflag:s22] =	ssyncset.done $0x0  }
0xa3: {  	[sflag:s22] =	ssyncadd.s32 $0xFFFFF000  }
0xa4: {  	s26 =	ssub.s32 $0x2, s26;
	_ =	swait.ge [sflag:s22], $0x1000  }
0xa5: {  	s29 =	sshrl.u32 s26, $0x1;
	[sflag:s22] =	ssyncset.done $0x0  }
0xa6: {  	s26 =	ssub.s32 s26, s29;
	[sflag:s22] =	ssyncadd.s32 $0xFFFFF000  }
0xa7: {  	s26 =	smax.u32 s26, $0x1;
	_ =	swait.ge [sflag:s22], $0x1000  }
0xa8: {  	s26 =	sadd.s32 $0xFFFFFFFF, s26;
	[sflag:s22] =	ssyncset.done $0x0  }
0xa9: {  	p1 =	sne.s32 s26, $0x0;
	[sflag:s22] =	ssyncadd.s32 $0xFFFFF000  }
.Ltmp0:
0xaa: {  	_ =	swait.ge [sflag:s22], $0x1000;
	(pc) =	sbr.rel @!p1 .LBB2_2-.Ltmp0, $4  }
0xab: {  	[sflag:s22] =	ssyncset.done $0x0  }
0xac: {  	[sflag:s22] =	ssyncadd.s32 $0xFFFFF000  }
0xad: {  	_ =	swait.ge [sflag:s22], $0x1000  }
0xae: {  	p0 =	sne.s32 s28, $0x1F;
	[sflag:s22] =	ssyncset.done $0x0  }
.LBB2_1:
0xaf: {  	[sflag:s22] =	ssyncadd.s32 $0xFFFFF000  }
0xb0: {  	_ =	swait.ge [sflag:s22], $0x1000  }
0xb1: {  	s29 =	simm.s32 @p0 $0x0;
	s30 =	simm.s32 @p0 $0xC80;
	[sflag:s22] =	ssyncset.done $0x0  }
0xb2: {  	s31 =	simm.s32 @p0 $0x2;
	s28 =	rddreg [dreg:$0x4];
	[sflag:s22] =	ssyncadd.s32 $0xFFFFF000  }
0xb3: {  	[hbm4b:s28+s29] =	stream.linear.scatter @p0 [tilespmem:s30], [sflag:$0x2], $0x19000, $0x38;
	[tilespmem:$0x19C80] =	vst v63  }
0xb4: {  	_ =	swait.ge @p0 [sflag:s31], $0x19000  }
0xb5: {  	s29 =	simm.s32 @!p0 $0x0;
	s30 =	simm.s32 @!p0 $0xC80;
	[sflag:s31] =	ssyncset.done @p0 $0x0  }
0xb6: {  	s28 =	rddreg [dreg:$0x5];
	[sflag:s31] =	ssyncadd.s32 @p0 $0xFFFE7000;
	s31 =	simm.s32 @!p0 $0x2  }
0xb7: {  	[hbm4b:s28+s29] =	stream.linear.scatter @!p0 [tilespmem:s30], [sflag:$0x2], $0x6400, $0x38;
	[tilespmem:$0x19C80] =	vst v63  }
0xb8: {  	_ =	swait.ge @!p0 [sflag:s31], $0x6400  }
0xb9: {  	[sflag:s31] =	ssyncset.done @!p0 $0x0  }
0xba: {  	s11 =	rddreg [dreg:$0x3];
	[sflag:s31] =	ssyncadd.s32 @!p0 $0xFFFF9C00  }
0xbb: {  	[tilespmem:s3], [sflag:$0x2] =	stream.linear.gather [hbm4b:s11+s3], $0xC80, $0x38;
	[tilespmem:$0x19C80] =	vst v63  }
0xbc: {  	_ =	swait.ge [sflag:s4], $0xC80  }
0xbd: {  	s28 =	sld [smem:$0x7FB]  }
0xbe: {  	s29 =	rddreg [dreg:$0x1f]  }
0xbf: {  	s30 =	rddreg [dreg:$0x1d]  }
0xc0: {  	s31 =	rddreg [dreg:$0x1b]  }
0xc1: {  	s1 =	rddreg [dreg:$0x19]  }
0xc2: {  	s0 =	rddreg [dreg:$0x17]  }
0xc3: {  	s6 =	rddreg [dreg:$0x15]  }
0xc4: {  	s7 =	rddreg [dreg:$0x13]  }
0xc5: {  	s8 =	rddreg [dreg:$0x11]  }
0xc6: {  	s9 =	rddreg [dreg:$0xf]  }
0xc7: {  	s10 =	rddreg [dreg:$0x7]  }
0xc8: {  	s11 =	rddreg [dreg:$0x9]  }
0xc9: {  	s12 =	rddreg [dreg:$0x6]  }
0xca: {  	[sflag:s4] =	ssyncset.done $0x0;
	s13 =	rddreg [dreg:$0xd]  }
0xcb: {  	s14 =	rddreg [dreg:$0xb];
	[sflag:s4] =	ssyncadd.s32 $0xFFFFF380  }
0xcc: {  	[tilespmem:s12], [sflag:$0x1] =	stream.indirect.gather [hbm4b:s2+s5], $0x20, s3, s5, $0xb8;
	[tilespmem:$0x19C80] =	vst v63  }
0xcd: {  	s12 =	rddreg [dreg:$0x8]  }
0xce: {  	[tilespmem:s10], [sflag:$0x1] =	stream.indirect.gather [hbm4b:s2+s5], $0x20, s5, s5, $0xb8;
	[tilespmem:$0x19C80] =	vst v63  }
0xcf: {  	s10 =	rddreg [dreg:$0xa]  }
0xd0: {  	[tilespmem:s11], [sflag:$0x1] =	stream.indirect.gather [hbm4b:s2+s5], $0x20, s12, s5, $0xb8;
	[tilespmem:$0x19C80] =	vst v63  }
0xd1: {  	s11 =	rddreg [dreg:$0xc]  }
0xd2: {  	[tilespmem:s14], [sflag:$0x1] =	stream.indirect.gather [hbm4b:s2+s5], $0x20, s10, s5, $0xb8;
	[tilespmem:$0x19C80] =	vst v63  }
0xd3: {  	s12 =	rddreg [dreg:$0xe]  }
0xd4: {  	[tilespmem:s13], [sflag:$0x1] =	stream.indirect.gather [hbm4b:s2+s5], $0x20, s11, s5, $0xb8;
	[tilespmem:$0x19C80] =	vst v63  }
0xd5: {  	s14 =	rddreg [dreg:$0x10]  }
0xd6: {  	[tilespmem:s9], [sflag:$0x1] =	stream.indirect.gather [hbm4b:s2+s5], $0x20, s12, s5, $0xb8;
	[tilespmem:$0x19C80] =	vst v63  }
0xd7: {  	s10 =	rddreg [dreg:$0x12]  }
0xd8: {  	[tilespmem:s8], [sflag:$0x1] =	stream.indirect.gather [hbm4b:s2+s5], $0x20, s14, s5, $0xb8;
	[tilespmem:$0x19C80] =	vst v63  }
0xd9: {  	s11 =	rddreg [dreg:$0x14]  }
0xda: {  	[tilespmem:s7], [sflag:$0x1] =	stream.indirect.gather [hbm4b:s2+s5], $0x20, s10, s5, $0xb8;
	[tilespmem:$0x19C80] =	vst v63  }
0xdb: {  	s13 =	rddreg [dreg:$0x18]  }
0xdc: {  	[tilespmem:s6], [sflag:$0x1] =	stream.indirect.gather [hbm4b:s2+s5], $0x20, s11, s5, $0xb8;
	[tilespmem:$0x19C80] =	vst v63  }
0xdd: {  	s12 =	rddreg [dreg:$0x16]  }
0xde: {  	[tilespmem:s0], [sflag:$0x1] =	stream.indirect.gather [hbm4b:s2+s5], $0x20, s12, s5, $0xb8;
	[tilespmem:$0x19C80] =	vst v63  }
0xdf: {  	s14 =	rddreg [dreg:$0x1a]  }
0xe0: {  	[tilespmem:s1], [sflag:$0x1] =	stream.indirect.gather [hbm4b:s2+s5], $0x20, s13, s5, $0xb8;
	[tilespmem:$0x19C80] =	vst v63  }
0xe1: {  	s8 =	sld [smem:$0x7FC]  }
0xe2: {  	[tilespmem:s31], [sflag:$0x1] =	stream.indirect.gather [hbm4b:s2+s5], $0x20, s14, s5, $0xb8;
	[tilespmem:$0x19C80] =	vst v63  }
0xe3: {  	s6 =	rddreg [dreg:$0x1c]  }
0xe4: {  	[tilespmem:s30], [sflag:$0x1] =	stream.indirect.gather [hbm4b:s2+s5], $0x20, s6, s5, $0xb8;
	[tilespmem:$0x19C80] =	vst v63  }
0xe5: {  	s7 =	rddreg [dreg:$0x1e]  }
0xe6: {  	[tilespmem:s29], [sflag:$0x1] =	stream.indirect.gather [hbm4b:s2+s5], $0x20, s7, s5, $0xb8;
	[tilespmem:$0x19C80] =	vst v63  }
0xe7: {  	s9 =	sld [smem:$0x7FD]  }
0xe8: {  	[tilespmem:s28], [sflag:$0x1] =	stream.indirect.gather [hbm4b:s2+s5], $0x20, s8, s5, $0xb8;
	[tilespmem:$0x19C80] =	vst v63  }
0xe9: {  	s10 =	simm.s32 $0xFC80  }
0xea: {  	[tilespmem:s10], [sflag:$0x1] =	stream.indirect.gather [hbm4b:s2+s5], $0x20, s9, s5, $0xb8;
	[tilespmem:$0x19C80] =	vst v63  }
0xeb: {  	s11 =	simm.s32 $0x800;
	s12 =	simm.s32 $0x10C80  }
0xec: {  	[tilespmem:s12], [sflag:$0x1] =	stream.indirect.gather [hbm4b:s2+s5], $0x20, s11, s5, $0xb8;
	[tilespmem:$0x19C80] =	vst v63  }
0xed: {  	s13 =	simm.s32 $0x880;
	s14 =	simm.s32 $0x11C80  }
0xee: {  	[tilespmem:s14], [sflag:$0x1] =	stream.indirect.gather [hbm4b:s2+s5], $0x20, s13, s5, $0xb8;
	[tilespmem:$0x19C80] =	vst v63  }
0xef: {  	s29 =	simm.s32 $0x12C80;
	s28 =	simm.s32 $0x900  }
0xf0: {  	[tilespmem:s29], [sflag:$0x1] =	stream.indirect.gather [hbm4b:s2+s5], $0x20, s28, s5, $0xb8;
	[tilespmem:$0x19C80] =	vst v63  }
0xf1: {  	s31 =	simm.s32 $0x13C80;
	s30 =	simm.s32 $0x980  }
0xf2: {  	[tilespmem:s31], [sflag:$0x1] =	stream.indirect.gather [hbm4b:s2+s5], $0x20, s30, s5, $0xb8;
	[tilespmem:$0x19C80] =	vst v63  }
0xf3: {  	_ = 	snop  }
0xf4: {  	[tilespmem:s16], [sflag:$0x1] =	stream.indirect.gather [hbm4b:s2+s5], $0x20, s15, s5, $0xb8;
	[tilespmem:$0x19C80] =	vst v63  }
0xf5: {  	_ = 	snop  }
0xf6: {  	[tilespmem:s18], [sflag:$0x1] =	stream.indirect.gather [hbm4b:s2+s5], $0x20, s17, s5, $0xb8;
	[tilespmem:$0x19C80] =	vst v63  }
0xf7: {  	_ = 	snop  }
0xf8: {  	[tilespmem:s20], [sflag:$0x1] =	stream.indirect.gather [hbm4b:s2+s5], $0x20, s19, s5, $0xb8;
	[tilespmem:$0x19C80] =	vst v63  }
0xf9: {  	_ = 	snop  }
0xfa: {  	[tilespmem:s23], [sflag:$0x1] =	stream.indirect.gather [hbm4b:s2+s5], $0x20, s21, s5, $0xb8;
	[tilespmem:$0x19C80] =	vst v63  }
0xfb: {  	_ = 	snop  }
0xfc: {  	[tilespmem:s25], [sflag:$0x1] =	stream.indirect.gather [hbm4b:s2+s5], $0x20, s24, s5, $0xb8;
	[tilespmem:$0x19C80] =	vst v63  }
0xfd: {  	_ =	swait.ge [sflag:s22], $0x1000  }
0xfe: {  	[sflag:s22] =	ssyncset.done $0x0  }
0xff: {  	[sflag:s22] =	ssyncadd.s32 $0xFFFFF000  }
0x100: {  	_ =	swait.ge [sflag:s22], $0x1000  }
0x101: {  	[sflag:s22] =	ssyncset.done $0x0  }
0x102: {  	[sflag:s22] =	ssyncadd.s32 $0xFFFFF000  }
0x103: {  	_ =	swait.ge [sflag:s22], $0x1000  }
0x104: {  	[sflag:s22] =	ssyncset.done $0x0  }
0x105: {  	[sflag:s22] =	ssyncadd.s32 $0xFFFFF000  }
0x106: {  	_ =	swait.ge [sflag:s22], $0x1000  }
0x107: {  	[sflag:s22] =	ssyncset.done $0x0  }
0x108: {  	[sflag:s22] =	ssyncadd.s32 $0xFFFFF000  }
0x109: {  	_ =	swait.ge [sflag:s22], $0x1000  }
0x10a: {  	[sflag:s22] =	ssyncset.done $0x0  }
0x10b: {  	[sflag:s22] =	ssyncadd.s32 $0xFFFFF000  }
0x10c: {  	_ =	swait.ge [sflag:s22], $0x1000  }
0x10d: {  	[sflag:s22] =	ssyncset.done $0x0  }
0x10e: {  	[sflag:s22] =	ssyncadd.s32 $0xFFFFF000  }
0x10f: {  	_ =	swait.ge [sflag:s22], $0x1000  }
0x110: {  	[sflag:s22] =	ssyncset.done $0x0  }
0x111: {  	[sflag:s22] =	ssyncadd.s32 $0xFFFFF000  }
0x112: {  	_ =	swait.ge [sflag:s22], $0x1000  }
0x113: {  	[sflag:s22] =	ssyncset.done $0x0  }
0x114: {  	[sflag:s22] =	ssyncadd.s32 $0xFFFFF000  }
0x115: {  	_ =	swait.ge [sflag:s22], $0x1000  }
0x116: {  	[sflag:s22] =	ssyncset.done $0x0  }
0x117: {  	[sflag:s22] =	ssyncadd.s32 $0xFFFFF000  }
0x118: {  	_ =	swait.ge [sflag:s22], $0x1000  }
0x119: {  	[sflag:s22] =	ssyncset.done $0x0  }
0x11a: {  	[sflag:s22] =	ssyncadd.s32 $0xFFFFF000  }
0x11b: {  	_ =	swait.ge [sflag:s22], $0x1000  }
0x11c: {  	[sflag:s22] =	ssyncset.done $0x0  }
0x11d: {  	[sflag:s22] =	ssyncadd.s32 $0xFFFFF000  }
0x11e: {  	_ =	swait.ge [sflag:s22], $0x1000  }
0x11f: {  	[sflag:s22] =	ssyncset.done $0x0  }
0x120: {  	[sflag:s22] =	ssyncadd.s32 $0xFFFFF000  }
0x121: {  	_ =	swait.ge [sflag:s22], $0x1000  }
0x122: {  	[sflag:s22] =	ssyncset.done $0x0  }
0x123: {  	[sflag:s22] =	ssyncadd.s32 $0xFFFFF000  }
0x124: {  	_ =	swait.ge [sflag:s22], $0x1000  }
0x125: {  	[sflag:s22] =	ssyncset.done $0x0  }
0x126: {  	[sflag:s22] =	ssyncadd.s32 $0xFFFFF000  }
0x127: {  	_ =	swait.ge [sflag:s22], $0x1000  }
0x128: {  	[sflag:s22] =	ssyncset.done $0x0  }
0x129: {  	[sflag:s22] =	ssyncadd.s32 $0xFFFFF000  }
0x12a: {  	_ =	swait.ge [sflag:s22], $0x1000  }
0x12b: {  	[sflag:s22] =	ssyncset.done $0x0  }
0x12c: {  	[sflag:s22] =	ssyncadd.s32 $0xFFFFF000  }
0x12d: {  	_ =	swait.ge [sflag:s22], $0x1000  }
0x12e: {  	[sflag:s22] =	ssyncset.done $0x0  }
0x12f: {  	[sflag:s22] =	ssyncadd.s32 $0xFFFFF000  }
0x130: {  	_ =	swait.ge [sflag:s22], $0x1000  }
0x131: {  	[sflag:s22] =	ssyncset.done $0x0  }
0x132: {  	[sflag:s22] =	ssyncadd.s32 $0xFFFFF000  }
0x133: {  	_ =	swait.ge [sflag:s22], $0x1000  }
0x134: {  	[sflag:s22] =	ssyncset.done $0x0  }
0x135: {  	[sflag:s22] =	ssyncadd.s32 $0xFFFFF000  }
0x136: {  	_ =	swait.ge [sflag:s22], $0x1000  }
0x137: {  	[sflag:s22] =	ssyncset.done $0x0  }
0x138: {  	[sflag:s22] =	ssyncadd.s32 $0xFFFFF000  }
0x139: {  	_ =	swait.ge [sflag:s22], $0x1000  }
0x13a: {  	[sflag:s22] =	ssyncset.done $0x0  }
0x13b: {  	[sflag:s22] =	ssyncadd.s32 $0xFFFFF000  }
0x13c: {  	_ =	swait.ge [sflag:s22], $0x1000  }
0x13d: {  	s26 =	sadd.s32 $0xFFFFFFFF, s26;
	[sflag:s22] =	ssyncset.done $0x0  }
0x13e: {  	p1 =	sne.s32 s26, $0x0;
	[sflag:s22] =	ssyncadd.s32 $0xFFFFF000  }
.Ltmp1:
0x13f: {  	_ =	swait.ge [sflag:s22], $0x1000;
	(pc) =	sbr.rel @p1 .LBB2_1-.Ltmp1, $4  }
0x140: {  	[sflag:s22] =	ssyncset.done $0x0  }
0x141: {  	[sflag:s22] =	ssyncadd.s32 $0xFFFFF000  }
0x142: {  	_ =	swait.ge [sflag:s22], $0x1000  }
0x143: {  	[sflag:s22] =	ssyncset.done $0x0  }
.LBB2_2:
0x144: {  	[sflag:s22] =	ssyncadd.s32 $0xFFFFF000  }
0x145: {  	_ =	swait.ge [sflag:s22], $0x1000  }
0x146: {  	s1 =	simm.s32 @p0 $0x0;
	s2 =	simm.s32 @p0 $0xC80;
	[sflag:s22] =	ssyncset.done $0x0  }
0x147: {  	s3 =	simm.s32 @p0 $0x2;
	s0 =	rddreg [dreg:$0x4];
	[sflag:s22] =	ssyncadd.s32 $0xFFFFF000  }
0x148: {  	[hbm4b:s0+s1] =	stream.linear.scatter @p0 [tilespmem:s2], [sflag:$0x2], $0x19000, $0x38;
	[tilespmem:$0x19C80] =	vst v63  }
0x149: {  	_ =	swait.ge @p0 [sflag:s3], $0x19000  }
0x14a: {  	s1 =	simm.s32 @!p0 $0x0;
	s2 =	simm.s32 @!p0 $0xC80;
	[sflag:s3] =	ssyncset.done @p0 $0x0  }
0x14b: {  	s0 =	rddreg [dreg:$0x5];
	[sflag:s3] =	ssyncadd.s32 @p0 $0xFFFE7000;
	s3 =	simm.s32 @!p0 $0x2  }
0x14c: {  	[hbm4b:s0+s1] =	stream.linear.scatter @!p0 [tilespmem:s2], [sflag:$0x2], $0x6400, $0x38;
	[tilespmem:$0x19C80] =	vst v63  }
0x14d: {  	_ =	swait.ge @!p0 [sflag:s3], $0x6400  }
0x14e: {  	[sflag:s3] =	ssyncset.done @!p0 $0x0  }
0x14f: {  	[sflag:s3] =	ssyncadd.s32 @!p0 $0xFFFF9C00  }
0x150: {  	_ =	sfence.sel $0x180000  }
0x151: {  	[bflag:$0x0] =	sbarrier.arrive $0xFFFF  }
0x152: {  	_ =	strace $0x9000005C  }
0x153: {  	s31 =	stileid.u32;
	[bflag:$0x2] =	sbarrier.arrive $0xFFFF  }
0x154: {  	p0 =	sne.s32 s31, $0x0;
	s0 =	rddreg [dreg:$0x2]  }
0x155: {  	s0 =	sadd.s32 @!p0 $0x100000, s0  }
0x156: {  	[sflag:s0] =	ssyncadd.tile.s32 @!p0 $0x1;
	_ =	shalt  }
.Lfunc_end2:
_tile_overlayer_lowered:
.L_overlay_start_2:
0x157: {  	(tag) =	ssettag $0x2  }
0x158: {  	s0 =	rddreg [dreg:$0x0];
	s2 =	stileid.u32  }
0x159: {  	s1 =	rddreg [dreg:$0x1];
	p0 =	sne.s32 s2, $0x0  }
0x15a: {  	s3 =	rddreg [dreg:$0x2];
	[bflag:$0x3] =	sbarrier.arrive $0xFFFF;
	s2 =	simm.s32 @!p0 $0x1C02  }
0x15b: {  	[timem:s3], [sflag:s2] =	dma.local @!p0 [hbm:s0], s1  }
0x15c: {  	s0 =	simm.s32 @!p0 $0x2  }
0x15d: {  	_ =	swait.ge @!p0 [sflag:s0], s1  }
0x15e: {  	s1 =	ssub.s32 @!p0 $0x0, s1;
	[sflag:s0] =	ssyncset.done @!p0 $0x0  }
0x15f: {  	[sflag:s0] =	ssyncadd.s32 @!p0 s1  }
0x160: {  	[bflag:$0x3] =	sbarrier.arrive $0xFFFF  }
0x161: {  	_ =	shalt  }

</sc_bundles>
